<compile_context>
chip_gen: v7x
topology: tpu7x:2x2x1
jax: 0.10.2.dev20260603
libtpu: 0.0.44.dev20260713+nightly
codegen_flags: <defaults>
</compile_context>

<pallas_src>
import functools

import jax
import jax.numpy as jnp
from jax import lax
from jax.experimental import pallas as pl
from jax.experimental.pallas import tpu as pltpu
from jax.experimental.pallas import tpu_sc as plsc

N = 224 * 224
F = 128
C = 21
CP = 32
E = 2 * 224 * 224 - 2 * 224
PK = N // 4
ROWS_BLK = 1792
PBLK = ROWS_BLK // 4
GPW = 7
SROW = 56
BWIN = 120
BBUF = 184
BCLAMP = PK - BWIN


def _mm_body(x_ref, wp_ref, bp_ref, wa_ref, ba_ref, wb_ref,
             p_ref, a_ref, b_ref):
    x = x_ref[...]
    p_ref[...] = jnp.dot(x, wp_ref[...],
                         preferred_element_type=jnp.float32) + bp_ref[...]
    xq = x.reshape(PBLK, 4, F)
    for k in range(4):
        xk = xq[:, k, :]
        a_ref[:, CP * k:CP * (k + 1)] = jnp.dot(
            xk, wa_ref[...], preferred_element_type=jnp.float32) + ba_ref[...]
        b_ref[:, CP * k:CP * (k + 1)] = jnp.dot(
            xk, wb_ref[...], preferred_element_type=jnp.float32)


def _tc_matmuls(x, wp, bp, wa, ba, wb):
    grid = (N // ROWS_BLK,)
    return pl.pallas_call(
        _mm_body,
        grid=grid,
        in_specs=[
            pl.BlockSpec((ROWS_BLK, F), lambda i: (i, 0)),
            pl.BlockSpec((F, C), lambda i: (0, 0)),
            pl.BlockSpec((1, C), lambda i: (0, 0)),
            pl.BlockSpec((F, CP), lambda i: (0, 0)),
            pl.BlockSpec((1, CP), lambda i: (0, 0)),
            pl.BlockSpec((F, CP), lambda i: (0, 0)),
        ],
        out_specs=[
            pl.BlockSpec((ROWS_BLK, C), lambda i: (i, 0)),
            pl.BlockSpec((PBLK, 128), lambda i: (i, 0)),
            pl.BlockSpec((PBLK, 128), lambda i: (i, 0)),
        ],
        out_shape=[
            jax.ShapeDtypeStruct((N, C), jnp.float32),
            jax.ShapeDtypeStruct((PK, 128), jnp.float32),
            jax.ShapeDtypeStruct((PK, 128), jnp.float32),
        ],
    )(x, wp, bp, wa, ba, wb)


def _sc_body(a_hbm, b_hbm, out_hbm, a_v, b_v, o_v, o2_v,
             sem_a0, sem_a1, sem_b0, sem_b1):
    wid = lax.axis_index("s") * 2 + lax.axis_index("c")
    sems = ((sem_a0, sem_b0), (sem_a1, sem_b1))

    def start_loads(si, p):
        i = wid * GPW + si
        row0 = pl.multiple_of(i * SROW, 8)
        base_b = pl.multiple_of(jnp.minimum(row0, BCLAMP), 8)
        da = pltpu.async_copy(a_hbm.at[pl.ds(row0, SROW)], a_v.at[p],
                              sems[p][0])
        db = pltpu.async_copy(b_hbm.at[pl.ds(base_b, BWIN)],
                              b_v.at[p, pl.ds(0, BWIN)], sems[p][1])
        return da, db

    pend = start_loads(0, 0)
    for si in range(GPW):
        p = si % 2
        i = wid * GPW + si
        boff = i * SROW - jnp.minimum(i * SROW, BCLAMP)
        pend[0].wait()
        pend[1].wait()
        if si + 1 < GPW:
            pend = start_loads(si + 1, 1 - p)

        def rows(r, carry, p=p, boff=boff):
            rv = r + boff + SROW
            rh = r + boff
            for q in range(8):
                lane = q * 16
                half = 16 * (q & 1)
                orow = 8 * r + 2 * (q // 2)
                av = a_v[p, r, pl.ds(lane, 16)]
                bv = b_v[p, rv, pl.ds(lane, 16)]
                o_v[0, orow, pl.ds(half, 16)] = av + bv
                hl = (lane + 32) % 128
                bh = b_v[p, rh + (1 if q >= 6 else 0), pl.ds(hl, 16)]
                o_v[0, orow + 1, pl.ds(half, 16)] = av + bh
            return carry

        lax.fori_loop(0, SROW, rows, 0)

        @pl.when(i < 223)
        def _write_body():
            pltpu.sync_copy(o_v.at[0, pl.ds(0, 447)],
                            out_hbm.at[pl.ds(i * 447, 447)])

        @pl.when(i == 223)
        def _write_tail():
            def deint(t, carry):
                o2_v[t, pl.ds(0, 16)] = o_v[0, 2 * t + 1, pl.ds(0, 16)]
                o2_v[t, pl.ds(16, 16)] = o_v[0, 2 * t + 1, pl.ds(16, 16)]
                return carry
            lax.fori_loop(0, 223, deint, 0)
            pltpu.sync_copy(o2_v.at[pl.ds(0, 223)],
                            out_hbm.at[pl.ds(223 * 447, 223)])


def _sc_edge_pots(a_pk, b_pk):
    mesh = plsc.VectorSubcoreMesh(core_axis_name="c", subcore_axis_name="s")
    fn = functools.partial(
        pl.kernel,
        out_type=jax.ShapeDtypeStruct((E, CP), jnp.float32),
        mesh=mesh,
        compiler_params=pltpu.CompilerParams(use_tc_tiling_on_sc=False),
        scratch_types=[
            pltpu.VMEM((2, SROW, 128), jnp.float32),
            pltpu.VMEM((2, BBUF, 128), jnp.float32),
            pltpu.VMEM((2, 448, CP), jnp.float32),
            pltpu.VMEM((224, CP), jnp.float32),
            pltpu.SemaphoreType.DMA,
            pltpu.SemaphoreType.DMA,
            pltpu.SemaphoreType.DMA,
            pltpu.SemaphoreType.DMA,
        ],
    )(_sc_body)
    return fn(a_pk, b_pk)


def kernel(image, pixel_W, pixel_b, edge_W, edge_b, edges):
    x = image.reshape(N, F)
    wsrc = edge_W[:F]
    wdst = edge_W[F:]
    pad = jnp.zeros((F, CP - C), jnp.float32)
    wa = jnp.concatenate([wsrc, pad], axis=1)
    wb = jnp.concatenate([wdst, pad], axis=1)
    bp = pixel_b.reshape(1, C)
    ba = jnp.concatenate([edge_b, jnp.zeros((CP - C,), jnp.float32)])
    ba = ba.reshape(1, CP)

    p, a_pk, b_pk = _tc_matmuls(x, pixel_W, bp, wa, ba, wb)
    e32 = _sc_edge_pots(a_pk, b_pk)
    return p, e32[:, :C]

# --- scband reference (transcript-rebuilt; emitter-appended) ---
"""Pipeline reference for scband-struct-svm-32272384262809 (READ-ONLY COPY).

The authoritative reference and input builder live on the scoring server;
editing this copy changes nothing except your own understanding.
"""

import jax, jax.numpy as jnp
import numpy as np

W = 224
H = 224
N_FEAT = 128
N_CLASSES = 21


def _generate_edges(w, h):
    idx = np.arange(w * h).reshape(w, h)
    edges = []
    for i in range(w):
        for j in range(h):
            u = idx[i, j]
            if i + 1 < w:
                edges.append((u, idx[i + 1, j]))
            if j + 1 < h:
                edges.append((u, idx[i, j + 1]))
    return np.asarray(edges, dtype=np.int64)


def setup_inputs(seed: int = 0) -> dict:
    key = jax.random.key(seed)
    k1, k2, k3, k4, k5 = jax.random.split(key, 5)
    image = jax.random.normal(k1, (W * H, N_FEAT), dtype=jnp.float32)
    # nn.Linear(n_feat, n_classes): weight [n_classes, n_feat], stored transposed here
    pixel_W = jax.random.normal(k2, (N_FEAT, N_CLASSES), dtype=jnp.float32) * 0.05
    pixel_b = jax.random.normal(k3, (N_CLASSES,), dtype=jnp.float32) * 0.05
    edge_W = jax.random.normal(k4, (2 * N_FEAT, N_CLASSES), dtype=jnp.float32) * 0.05
    edge_b = jax.random.normal(k5, (N_CLASSES,), dtype=jnp.float32) * 0.05
    edges = jnp.asarray(_generate_edges(W, H))
    return {"image": image, "pixel_W": pixel_W, "pixel_b": pixel_b,
            "edge_W": edge_W, "edge_b": edge_b, "edges": edges}


def reference(image, pixel_W, pixel_b, edge_W, edge_b, edges):
    x = image.reshape(-1, N_FEAT)
    pixel_pots = x @ pixel_W + pixel_b
    src = jnp.take(x, edges[:, 0], axis=0)
    dst = jnp.take(x, edges[:, 1], axis=0)
    edge_feats = jnp.concatenate((src, dst), axis=1)
    edge_pots = edge_feats @ edge_W + edge_b
    return (pixel_pots, edge_pots)

if __name__ == "__main__":
    import jax
    _d = setup_inputs()
    print(jax.jit(kernel)(*tuple(_d.values())))

</pallas_src>

<mosaic_0001>
#map = affine_map<(d0, d1) -> (0, 0)>
module attributes {stable_mosaic.version = 14 : i64} {
  func.func @_sc_body(%arg0: i32, %arg1: i32, %arg2: memref<12544x128xf32, #tpu.memory_space<hbm>>, %arg3: memref<12544x128xf32, #tpu.memory_space<hbm>>, %arg4: memref<99904x32xf32, #tpu.memory_space<hbm>>, %arg5: memref<2x56x128xf32, #tpu.memory_space<vmem>>, %arg6: memref<2x184x128xf32, #tpu.memory_space<vmem>>, %arg7: memref<2x448x32xf32, #tpu.memory_space<vmem>>, %arg8: memref<224x32xf32, #tpu.memory_space<vmem>>, %arg9: memref<!tpu.dma_semaphore, #tpu.memory_space<semaphore_mem>>, %arg10: memref<!tpu.dma_semaphore, #tpu.memory_space<semaphore_mem>>, %arg11: memref<!tpu.dma_semaphore, #tpu.memory_space<semaphore_mem>>, %arg12: memref<!tpu.dma_semaphore, #tpu.memory_space<semaphore_mem>>) attributes {dimension_semantics = [#tpu.dimension_semantics<core_parallel>, #tpu.dimension_semantics<subcore_parallel>], iteration_bounds = array<i64: 2, 16>, scalar_prefetch = 0 : i64, scratch_operands = 8 : i64, tpu.core_type = #tpu.core_type<sc_vector_subcore>, window_params = [{transform_indices = #map}, {transform_indices = #map}, {transform_indices = #map}]} {
    %mul3A = arith.constant 2 : i32
    %mul3A_0 = arith.muli %arg1, %mul3A : i32
    %add3A = arith.addi %mul3A_0, %arg0 : i32
    %mul3A_1 = arith.constant 7 : i32
    %mul3A_2 = arith.muli %add3A, %mul3A_1 : i32
    %add3A_3 = arith.constant 0 : i32
    %add3A_4 = arith.addi %mul3A_2, %add3A_3 : i32
    %mul3A_5 = arith.constant 56 : i32
    %mul3A_6 = arith.muli %add3A_4, %mul3A_5 : i32
    %multiple_of3A = tpu.assume_multiple %mul3A_6, 8 : i32
    %min3A = arith.constant 12424 : i32
    %min3A_7 = arith.minsi %multiple_of3A, %min3A : i32
    %multiple_of3A_8 = tpu.assume_multiple %min3A_7, 8 : i32
    %dma_start3A = arith.constant 0 : i32
    %dma_start3A_9 = arith.constant 0 : i32
    %dma_start3A_10 = arith.constant 0 : i32
    %dma_start3A_11 = tpu.memref_slice %arg5[%dma_start3A, %dma_start3A_9, %dma_start3A_10] : memref<2x56x128xf32, #tpu.memory_space<vmem>> -> memref<1x56x128xf32, #tpu.memory_space<vmem>>
    %dma_start3A_12 = tpu.memref_squeeze %dma_start3A_11 : memref<1x56x128xf32, #tpu.memory_space<vmem>> -> memref<56x128xf32, #tpu.memory_space<vmem>>
    %dma_start3A_13 = arith.constant 0 : i32
    %dma_start3A_14 = tpu.memref_slice %arg2[%multiple_of3A, %dma_start3A_13] : memref<12544x128xf32, #tpu.memory_space<hbm>> -> memref<56x128xf32, #tpu.memory_space<hbm>>
    %dma_start3A_15 = arith.constant 0 : i32
    %dma_start3A_16 = arith.constant 0 : i32
    %dma_start3A_17 = tpu.memref_slice %arg5[%dma_start3A, %dma_start3A_15, %dma_start3A_16] : memref<2x56x128xf32, #tpu.memory_space<vmem>> -> memref<1x56x128xf32, #tpu.memory_space<vmem>>
    %dma_start3A_18 = tpu.memref_squeeze %dma_start3A_17 : memref<1x56x128xf32, #tpu.memory_space<vmem>> -> memref<56x128xf32, #tpu.memory_space<vmem>>
    %dma_start3A_19 = arith.constant 0 : i32
    %dma_start3A_20 = tpu.memref_slice %arg2[%multiple_of3A, %dma_start3A_19] : memref<12544x128xf32, #tpu.memory_space<hbm>> -> memref<56x128xf32, #tpu.memory_space<hbm>>
    tpu.enqueue_dma source(%dma_start3A_20 : memref<56x128xf32, #tpu.memory_space<hbm>>) target(%dma_start3A_18 : memref<56x128xf32, #tpu.memory_space<vmem>>) target_semaphore(%arg9 : memref<!tpu.dma_semaphore, #tpu.memory_space<semaphore_mem>>)
    %dma_start3A_21 = arith.constant 0 : i32
    %dma_start3A_22 = arith.constant 0 : i32
    %dma_start3A_23 = arith.constant 0 : i32
    %dma_start3A_24 = tpu.memref_slice %arg6[%dma_start3A_21, %dma_start3A_22, %dma_start3A_23] : memref<2x184x128xf32, #tpu.memory_space<vmem>> -> memref<1x120x128xf32, #tpu.memory_space<vmem>>
    %dma_start3A_25 = tpu.memref_squeeze %dma_start3A_24 : memref<1x120x128xf32, #tpu.memory_space<vmem>> -> memref<120x128xf32, #tpu.memory_space<vmem>>
    %dma_start3A_26 = arith.constant 0 : i32
    %dma_start3A_27 = tpu.memref_slice %arg3[%multiple_of3A_8, %dma_start3A_26] : memref<12544x128xf32, #tpu.memory_space<hbm>> -> memref<120x128xf32, #tpu.memory_space<hbm>>
    %dma_start3A_28 = arith.constant 0 : i32
    %dma_start3A_29 = arith.constant 0 : i32
    %dma_start3A_30 = tpu.memref_slice %arg6[%dma_start3A_21, %dma_start3A_28, %dma_start3A_29] : memref<2x184x128xf32, #tpu.memory_space<vmem>> -> memref<1x120x128xf32, #tpu.memory_space<vmem>>
    %dma_start3A_31 = tpu.memref_squeeze %dma_start3A_30 : memref<1x120x128xf32, #tpu.memory_space<vmem>> -> memref<120x128xf32, #tpu.memory_space<vmem>>
    %dma_start3A_32 = arith.constant 0 : i32
    %dma_start3A_33 = tpu.memref_slice %arg3[%multiple_of3A_8, %dma_start3A_32] : memref<12544x128xf32, #tpu.memory_space<hbm>> -> memref<120x128xf32, #tpu.memory_space<hbm>>
    tpu.enqueue_dma source(%dma_start3A_33 : memref<120x128xf32, #tpu.memory_space<hbm>>) target(%dma_start3A_31 : memref<120x128xf32, #tpu.memory_space<vmem>>) target_semaphore(%arg11 : memref<!tpu.dma_semaphore, #tpu.memory_space<semaphore_mem>>)
    %mul3A_34 = arith.constant 7 : i32
    %mul3A_35 = arith.muli %add3A, %mul3A_34 : i32
    %add3A_36 = arith.constant 0 : i32
    %add3A_37 = arith.addi %mul3A_35, %add3A_36 : i32
    %mul3A_38 = arith.constant 56 : i32
    %mul3A_39 = arith.muli %add3A_37, %mul3A_38 : i32
    %mul3A_40 = arith.constant 56 : i32
    %mul3A_41 = arith.muli %add3A_37, %mul3A_40 : i32
    %min3A_42 = arith.constant 12424 : i32
    %min3A_43 = arith.minsi %mul3A_41, %min3A_42 : i32
    %sub3A = arith.subi %mul3A_39, %min3A_43 : i32
    %dma_wait3A = arith.constant 0 : i32
    %dma_wait3A_44 = arith.constant 0 : i32
    %dma_wait3A_45 = arith.constant 0 : i32
    %dma_wait3A_46 = tpu.memref_slice %arg5[%dma_wait3A, %dma_wait3A_44, %dma_wait3A_45] : memref<2x56x128xf32, #tpu.memory_space<vmem>> -> memref<1x56x128xf32, #tpu.memory_space<vmem>>
    %dma_wait3A_47 = tpu.memref_squeeze %dma_wait3A_46 : memref<1x56x128xf32, #tpu.memory_space<vmem>> -> memref<56x128xf32, #tpu.memory_space<vmem>>
    %dma_wait3A_48 = arith.constant 0 : i32
    %dma_wait3A_49 = tpu.memref_slice %arg2[%multiple_of3A, %dma_wait3A_48] : memref<12544x128xf32, #tpu.memory_space<hbm>> -> memref<56x128xf32, #tpu.memory_space<hbm>>
    %dma_wait3A_50 = arith.constant 0 : i32
    %dma_wait3A_51 = arith.constant 0 : i32
    %dma_wait3A_52 = tpu.memref_slice %arg5[%dma_wait3A, %dma_wait3A_50, %dma_wait3A_51] : memref<2x56x128xf32, #tpu.memory_space<vmem>> -> memref<1x56x128xf32, #tpu.memory_space<vmem>>
    %dma_wait3A_53 = tpu.memref_squeeze %dma_wait3A_52 : memref<1x56x128xf32, #tpu.memory_space<vmem>> -> memref<56x128xf32, #tpu.memory_space<vmem>>
    %dma_wait3A_54 = arith.constant 0 : i32
    %dma_wait3A_55 = tpu.memref_slice %arg2[%multiple_of3A, %dma_wait3A_54] : memref<12544x128xf32, #tpu.memory_space<hbm>> -> memref<56x128xf32, #tpu.memory_space<hbm>>
    tpu.wait_dma2 semaphore(%arg9 : memref<!tpu.dma_semaphore, #tpu.memory_space<semaphore_mem>>) src(%dma_wait3A_55 : memref<56x128xf32, #tpu.memory_space<hbm>>) dst(%dma_wait3A_53 : memref<56x128xf32, #tpu.memory_space<vmem>>)
    %dma_wait3A_56 = arith.constant 0 : i32
    %dma_wait3A_57 = arith.constant 0 : i32
    %dma_wait3A_58 = arith.constant 0 : i32
    %dma_wait3A_59 = tpu.memref_slice %arg6[%dma_wait3A_56, %dma_wait3A_57, %dma_wait3A_58] : memref<2x184x128xf32, #tpu.memory_space<vmem>> -> memref<1x120x128xf32, #tpu.memory_space<vmem>>
    %dma_wait3A_60 = tpu.memref_squeeze %dma_wait3A_59 : memref<1x120x128xf32, #tpu.memory_space<vmem>> -> memref<120x128xf32, #tpu.memory_space<vmem>>
    %dma_wait3A_61 = arith.constant 0 : i32
    %dma_wait3A_62 = tpu.memref_slice %arg3[%multiple_of3A_8, %dma_wait3A_61] : memref<12544x128xf32, #tpu.memory_space<hbm>> -> memref<120x128xf32, #tpu.memory_space<hbm>>
    %dma_wait3A_63 = arith.constant 0 : i32
    %dma_wait3A_64 = arith.constant 0 : i32
    %dma_wait3A_65 = tpu.memref_slice %arg6[%dma_wait3A_56, %dma_wait3A_63, %dma_wait3A_64] : memref<2x184x128xf32, #tpu.memory_space<vmem>> -> memref<1x120x128xf32, #tpu.memory_space<vmem>>
    %dma_wait3A_66 = tpu.memref_squeeze %dma_wait3A_65 : memref<1x120x128xf32, #tpu.memory_space<vmem>> -> memref<120x128xf32, #tpu.memory_space<vmem>>
    %dma_wait3A_67 = arith.constant 0 : i32
    %dma_wait3A_68 = tpu.memref_slice %arg3[%multiple_of3A_8, %dma_wait3A_67] : memref<12544x128xf32, #tpu.memory_space<hbm>> -> memref<120x128xf32, #tpu.memory_space<hbm>>
    tpu.wait_dma2 semaphore(%arg11 : memref<!tpu.dma_semaphore, #tpu.memory_space<semaphore_mem>>) src(%dma_wait3A_68 : memref<120x128xf32, #tpu.memory_space<hbm>>) dst(%dma_wait3A_66 : memref<120x128xf32, #tpu.memory_space<vmem>>)
    %mul3A_69 = arith.constant 7 : i32
    %mul3A_70 = arith.muli %add3A, %mul3A_69 : i32
    %add3A_71 = arith.constant 1 : i32
    %add3A_72 = arith.addi %mul3A_70, %add3A_71 : i32
    %mul3A_73 = arith.constant 56 : i32
    %mul3A_74 = arith.muli %add3A_72, %mul3A_73 : i32
    %multiple_of3A_75 = tpu.assume_multiple %mul3A_74, 8 : i32
    %min3A_76 = arith.constant 12424 : i32
    %min3A_77 = arith.minsi %multiple_of3A_75, %min3A_76 : i32
    %multiple_of3A_78 = tpu.assume_multiple %min3A_77, 8 : i32
    %dma_start3A_79 = arith.constant 1 : i32
    %dma_start3A_80 = arith.constant 0 : i32
    %dma_start3A_81 = arith.constant 0 : i32
    %dma_start3A_82 = tpu.memref_slice %arg5[%dma_start3A_79, %dma_start3A_80, %dma_start3A_81] : memref<2x56x128xf32, #tpu.memory_space<vmem>> -> memref<1x56x128xf32, #tpu.memory_space<vmem>>
    %dma_start3A_83 = tpu.memref_squeeze %dma_start3A_82 : memref<1x56x128xf32, #tpu.memory_space<vmem>> -> memref<56x128xf32, #tpu.memory_space<vmem>>
    %dma_start3A_84 = arith.constant 0 : i32
    %dma_start3A_85 = tpu.memref_slice %arg2[%multiple_of3A_75, %dma_start3A_84] : memref<12544x128xf32, #tpu.memory_space<hbm>> -> memref<56x128xf32, #tpu.memory_space<hbm>>
    %dma_start3A_86 = arith.constant 0 : i32
    %dma_start3A_87 = arith.constant 0 : i32
    %dma_start3A_88 = tpu.memref_slice %arg5[%dma_start3A_79, %dma_start3A_86, %dma_start3A_87] : memref<2x56x128xf32, #tpu.memory_space<vmem>> -> memref<1x56x128xf32, #tpu.memory_space<vmem>>
    %dma_start3A_89 = tpu.memref_squeeze %dma_start3A_88 : memref<1x56x128xf32, #tpu.memory_space<vmem>> -> memref<56x128xf32, #tpu.memory_space<vmem>>
    %dma_start3A_90 = arith.constant 0 : i32
    %dma_start3A_91 = tpu.memref_slice %arg2[%multiple_of3A_75, %dma_start3A_90] : memref<12544x128xf32, #tpu.memory_space<hbm>> -> memref<56x128xf32, #tpu.memory_space<hbm>>
    tpu.enqueue_dma source(%dma_start3A_91 : memref<56x128xf32, #tpu.memory_space<hbm>>) target(%dma_start3A_89 : memref<56x128xf32, #tpu.memory_space<vmem>>) target_semaphore(%arg10 : memref<!tpu.dma_semaphore, #tpu.memory_space<semaphore_mem>>)
    %dma_start3A_92 = arith.constant 1 : i32
    %dma_start3A_93 = arith.constant 0 : i32
    %dma_start3A_94 = arith.constant 0 : i32
    %dma_start3A_95 = tpu.memref_slice %arg6[%dma_start3A_92, %dma_start3A_93, %dma_start3A_94] : memref<2x184x128xf32, #tpu.memory_space<vmem>> -> memref<1x120x128xf32, #tpu.memory_space<vmem>>
    %dma_start3A_96 = tpu.memref_squeeze %dma_start3A_95 : memref<1x120x128xf32, #tpu.memory_space<vmem>> -> memref<120x128xf32, #tpu.memory_space<vmem>>
    %dma_start3A_97 = arith.constant 0 : i32
    %dma_start3A_98 = tpu.memref_slice %arg3[%multiple_of3A_78, %dma_start3A_97] : memref<12544x128xf32, #tpu.memory_space<hbm>> -> memref<120x128xf32, #tpu.memory_space<hbm>>
    %dma_start3A_99 = arith.constant 0 : i32
    %dma_start3A_100 = arith.constant 0 : i32
    %dma_start3A_101 = tpu.memref_slice %arg6[%dma_start3A_92, %dma_start3A_99, %dma_start3A_100] : memref<2x184x128xf32, #tpu.memory_space<vmem>> -> memref<1x120x128xf32, #tpu.memory_space<vmem>>
    %dma_start3A_102 = tpu.memref_squeeze %dma_start3A_101 : memref<1x120x128xf32, #tpu.memory_space<vmem>> -> memref<120x128xf32, #tpu.memory_space<vmem>>
    %dma_start3A_103 = arith.constant 0 : i32
    %dma_start3A_104 = tpu.memref_slice %arg3[%multiple_of3A_78, %dma_start3A_103] : memref<12544x128xf32, #tpu.memory_space<hbm>> -> memref<120x128xf32, #tpu.memory_space<hbm>>
    tpu.enqueue_dma source(%dma_start3A_104 : memref<120x128xf32, #tpu.memory_space<hbm>>) target(%dma_start3A_102 : memref<120x128xf32, #tpu.memory_space<vmem>>) target_semaphore(%arg12 : memref<!tpu.dma_semaphore, #tpu.memory_space<semaphore_mem>>)
    %scan3A = arith.constant 0 : i32
    %scan3A_105 = arith.constant 0 : i32
    %scan3A_106 = arith.constant 56 : i32
    %scan3A_107 = arith.addi %scan3A_105, %scan3A_106 : i32
    %scan3A_108 = arith.constant 1 : i32
    scf.for %scan3A_614 = %scan3A_105 to %scan3A_107 step %scan3A_108  : i32 {
      %add3A_615 = arith.addi %scan3A_614, %sub3A : i32
      %add3A_616 = arith.constant 56 : i32
      %add3A_617 = arith.addi %add3A_615, %add3A_616 : i32
      %add3A_618 = arith.addi %scan3A_614, %sub3A : i32
      %mul3A_619 = arith.constant 8 : i32
      %mul3A_620 = arith.muli %mul3A_619, %scan3A_614 : i32
      %add3A_621 = arith.constant 0 : i32
      %add3A_622 = arith.addi %mul3A_620, %add3A_621 : i32
      %get3A = arith.constant 0 : i32
      %get3A_623 = arith.index_cast %get3A : i32 to index
      %get3A_624 = arith.index_cast %scan3A_614 : i32 to index
      %get3A_625 = arith.constant 0 : index
      %get3A_626 = tpu.vector_load %arg5[%get3A_623, %get3A_624, %get3A_625] {strides = array<i32>} : memref<2x56x128xf32, #tpu.memory_space<vmem>>, vector<1x1x16xf32>,
      %get3A_627 = vector.shape_cast %get3A_626 : vector<1x1x16xf32> to vector<16xf32>
      %get3A_628 = arith.constant 0 : i32
      %get3A_629 = arith.index_cast %get3A_628 : i32 to index
      %get3A_630 = arith.index_cast %add3A_617 : i32 to index
      %get3A_631 = arith.constant 0 : index
      %get3A_632 = tpu.vector_load %arg6[%get3A_629, %get3A_630, %get3A_631] {strides = array<i32>} : memref<2x184x128xf32, #tpu.memory_space<vmem>>, vector<1x1x16xf32>,
      %get3A_633 = vector.shape_cast %get3A_632 : vector<1x1x16xf32> to vector<16xf32>
      %add3A_634 = arith.addf %get3A_627, %get3A_633 : vector<16xf32>
      %swap3A = arith.constant 0 : i32
      %swap3A_635 = arith.index_cast %swap3A : i32 to index
      %swap3A_636 = arith.index_cast %add3A_622 : i32 to index
      %swap3A_637 = arith.constant 0 : index
      %swap3A_638 = tpu.vector_load %arg7[%swap3A_635, %swap3A_636, %swap3A_637] {strides = array<i32>} : memref<2x448x32xf32, #tpu.memory_space<vmem>>, vector<1x1x16xf32>,
      %swap3A_639 = vector.shape_cast %swap3A_638 : vector<1x1x16xf32> to vector<16xf32>
      %swap3A_640 = vector.shape_cast %add3A_634 : vector<16xf32> to vector<1x1x16xf32>
      tpu.vector_store %arg7[%swap3A_635, %swap3A_636, %swap3A_637], %swap3A_640 {strides = array<i32>} : memref<2x448x32xf32, #tpu.memory_space<vmem>>, vector<1x1x16xf32>,
      %add3A_641 = arith.constant 0 : i32
      %add3A_642 = arith.addi %add3A_618, %add3A_641 : i32
      %get3A_643 = arith.constant 0 : i32
      %get3A_644 = arith.index_cast %get3A_643 : i32 to index
      %get3A_645 = arith.index_cast %add3A_642 : i32 to index
      %get3A_646 = arith.constant 32 : index
      %get3A_647 = tpu.vector_load %arg6[%get3A_644, %get3A_645, %get3A_646] {strides = array<i32>} : memref<2x184x128xf32, #tpu.memory_space<vmem>>, vector<1x1x16xf32>,
      %get3A_648 = vector.shape_cast %get3A_647 : vector<1x1x16xf32> to vector<16xf32>
      %add3A_649 = arith.addf %get3A_627, %get3A_648 : vector<16xf32>
      %add3A_650 = arith.constant 1 : i32
      %add3A_651 = arith.addi %add3A_622, %add3A_650 : i32
      %swap3A_652 = arith.constant 0 : i32
      %swap3A_653 = arith.index_cast %swap3A_652 : i32 to index
      %swap3A_654 = arith.index_cast %add3A_651 : i32 to index
      %swap3A_655 = arith.constant 0 : index
      %swap3A_656 = tpu.vector_load %arg7[%swap3A_653, %swap3A_654, %swap3A_655] {strides = array<i32>} : memref<2x448x32xf32, #tpu.memory_space<vmem>>, vector<1x1x16xf32>,
      %swap3A_657 = vector.shape_cast %swap3A_656 : vector<1x1x16xf32> to vector<16xf32>
      %swap3A_658 = vector.shape_cast %add3A_649 : vector<16xf32> to vector<1x1x16xf32>
      tpu.vector_store %arg7[%swap3A_653, %swap3A_654, %swap3A_655], %swap3A_658 {strides = array<i32>} : memref<2x448x32xf32, #tpu.memory_space<vmem>>, vector<1x1x16xf32>,
      %mul3A_659 = arith.constant 8 : i32
      %mul3A_660 = arith.muli %mul3A_659, %scan3A_614 : i32
      %add3A_661 = arith.constant 0 : i32
      %add3A_662 = arith.addi %mul3A_660, %add3A_661 : i32
      %get3A_663 = arith.constant 0 : i32
      %get3A_664 = arith.index_cast %get3A_663 : i32 to index
      %get3A_665 = arith.index_cast %scan3A_614 : i32 to index
      %get3A_666 = arith.constant 16 : index
      %get3A_667 = tpu.vector_load %arg5[%get3A_664, %get3A_665, %get3A_666] {strides = array<i32>} : memref<2x56x128xf32, #tpu.memory_space<vmem>>, vector<1x1x16xf32>,
      %get3A_668 = vector.shape_cast %get3A_667 : vector<1x1x16xf32> to vector<16xf32>
      %get3A_669 = arith.constant 0 : i32
      %get3A_670 = arith.index_cast %get3A_669 : i32 to index
      %get3A_671 = arith.index_cast %add3A_617 : i32 to index
      %get3A_672 = arith.constant 16 : index
      %get3A_673 = tpu.vector_load %arg6[%get3A_670, %get3A_671, %get3A_672] {strides = array<i32>} : memref<2x184x128xf32, #tpu.memory_space<vmem>>, vector<1x1x16xf32>,
      %get3A_674 = vector.shape_cast %get3A_673 : vector<1x1x16xf32> to vector<16xf32>
      %add3A_675 = arith.addf %get3A_668, %get3A_674 : vector<16xf32>
      %swap3A_676 = arith.constant 0 : i32
      %swap3A_677 = arith.index_cast %swap3A_676 : i32 to index
      %swap3A_678 = arith.index_cast %add3A_662 : i32 to index
      %swap3A_679 = arith.constant 16 : index
      %swap3A_680 = tpu.vector_load %arg7[%swap3A_677, %swap3A_678, %swap3A_679] {strides = array<i32>} : memref<2x448x32xf32, #tpu.memory_space<vmem>>, vector<1x1x16xf32>,
      %swap3A_681 = vector.shape_cast %swap3A_680 : vector<1x1x16xf32> to vector<16xf32>
      %swap3A_682 = vector.shape_cast %add3A_675 : vector<16xf32> to vector<1x1x16xf32>
      tpu.vector_store %arg7[%swap3A_677, %swap3A_678, %swap3A_679], %swap3A_682 {strides = array<i32>} : memref<2x448x32xf32, #tpu.memory_space<vmem>>, vector<1x1x16xf32>,
      %add3A_683 = arith.constant 0 : i32
      %add3A_684 = arith.addi %add3A_618, %add3A_683 : i32
      %get3A_685 = arith.constant 0 : i32
      %get3A_686 = arith.index_cast %get3A_685 : i32 to index
      %get3A_687 = arith.index_cast %add3A_684 : i32 to index
      %get3A_688 = arith.constant 48 : index
      %get3A_689 = tpu.vector_load %arg6[%get3A_686, %get3A_687, %get3A_688] {strides = array<i32>} : memref<2x184x128xf32, #tpu.memory_space<vmem>>, vector<1x1x16xf32>,
      %get3A_690 = vector.shape_cast %get3A_689 : vector<1x1x16xf32> to vector<16xf32>
      %add3A_691 = arith.addf %get3A_668, %get3A_690 : vector<16xf32>
      %add3A_692 = arith.constant 1 : i32
      %add3A_693 = arith.addi %add3A_662, %add3A_692 : i32
      %swap3A_694 = arith.constant 0 : i32
      %swap3A_695 = arith.index_cast %swap3A_694 : i32 to index
      %swap3A_696 = arith.index_cast %add3A_693 : i32 to index
      %swap3A_697 = arith.constant 16 : index
      %swap3A_698 = tpu.vector_load %arg7[%swap3A_695, %swap3A_696, %swap3A_697] {strides = array<i32>} : memref<2x448x32xf32, #tpu.memory_space<vmem>>, vector<1x1x16xf32>,
      %swap3A_699 = vector.shape_cast %swap3A_698 : vector<1x1x16xf32> to vector<16xf32>
      %swap3A_700 = vector.shape_cast %add3A_691 : vector<16xf32> to vector<1x1x16xf32>
      tpu.vector_store %arg7[%swap3A_695, %swap3A_696, %swap3A_697], %swap3A_700 {strides = array<i32>} : memref<2x448x32xf32, #tpu.memory_space<vmem>>, vector<1x1x16xf32>,
      %mul3A_701 = arith.constant 8 : i32
      %mul3A_702 = arith.muli %mul3A_701, %scan3A_614 : i32
      %add3A_703 = arith.constant 2 : i32
      %add3A_704 = arith.addi %mul3A_702, %add3A_703 : i32
      %get3A_705 = arith.constant 0 : i32
      %get3A_706 = arith.index_cast %get3A_705 : i32 to index
      %get3A_707 = arith.index_cast %scan3A_614 : i32 to index
      %get3A_708 = arith.constant 32 : index
      %get3A_709 = tpu.vector_load %arg5[%get3A_706, %get3A_707, %get3A_708] {strides = array<i32>} : memref<2x56x128xf32, #tpu.memory_space<vmem>>, vector<1x1x16xf32>,
      %get3A_710 = vector.shape_cast %get3A_709 : vector<1x1x16xf32> to vector<16xf32>
      %get3A_711 = arith.constant 0 : i32
      %get3A_712 = arith.index_cast %get3A_711 : i32 to index
      %get3A_713 = arith.index_cast %add3A_617 : i32 to index
      %get3A_714 = arith.constant 32 : index
      %get3A_715 = tpu.vector_load %arg6[%get3A_712, %get3A_713, %get3A_714] {strides = array<i32>} : memref<2x184x128xf32, #tpu.memory_space<vmem>>, vector<1x1x16xf32>,
      %get3A_716 = vector.shape_cast %get3A_715 : vector<1x1x16xf32> to vector<16xf32>
      %add3A_717 = arith.addf %get3A_710, %get3A_716 : vector<16xf32>
      %swap3A_718 = arith.constant 0 : i32
      %swap3A_719 = arith.index_cast %swap3A_718 : i32 to index
      %swap3A_720 = arith.index_cast %add3A_704 : i32 to index
      %swap3A_721 = arith.constant 0 : index
      %swap3A_722 = tpu.vector_load %arg7[%swap3A_719, %swap3A_720, %swap3A_721] {strides = array<i32>} : memref<2x448x32xf32, #tpu.memory_space<vmem>>, vector<1x1x16xf32>,
      %swap3A_723 = vector.shape_cast %swap3A_722 : vector<1x1x16xf32> to vector<16xf32>
      %swap3A_724 = vector.shape_cast %add3A_717 : vector<16xf32> to vector<1x1x16xf32>
      tpu.vector_store %arg7[%swap3A_719, %swap3A_720, %swap3A_721], %swap3A_724 {strides = array<i32>} : memref<2x448x32xf32, #tpu.memory_space<vmem>>, vector<1x1x16xf32>,
      %add3A_725 = arith.constant 0 : i32
      %add3A_726 = arith.addi %add3A_618, %add3A_725 : i32
      %get3A_727 = arith.constant 0 : i32
      %get3A_728 = arith.index_cast %get3A_727 : i32 to index
      %get3A_729 = arith.index_cast %add3A_726 : i32 to index
      %get3A_730 = arith.constant 64 : index
      %get3A_731 = tpu.vector_load %arg6[%get3A_728, %get3A_729, %get3A_730] {strides = array<i32>} : memref<2x184x128xf32, #tpu.memory_space<vmem>>, vector<1x1x16xf32>,
      %get3A_732 = vector.shape_cast %get3A_731 : vector<1x1x16xf32> to vector<16xf32>
      %add3A_733 = arith.addf %get3A_710, %get3A_732 : vector<16xf32>
      %add3A_734 = arith.constant 1 : i32
      %add3A_735 = arith.addi %add3A_704, %add3A_734 : i32
      %swap3A_736 = arith.constant 0 : i32
      %swap3A_737 = arith.index_cast %swap3A_736 : i32 to index
      %swap3A_738 = arith.index_cast %add3A_735 : i32 to index
      %swap3A_739 = arith.constant 0 : index
      %swap3A_740 = tpu.vector_load %arg7[%swap3A_737, %swap3A_738, %swap3A_739] {strides = array<i32>} : memref<2x448x32xf32, #tpu.memory_space<vmem>>, vector<1x1x16xf32>,
      %swap3A_741 = vector.shape_cast %swap3A_740 : vector<1x1x16xf32> to vector<16xf32>
      %swap3A_742 = vector.shape_cast %add3A_733 : vector<16xf32> to vector<1x1x16xf32>
      tpu.vector_store %arg7[%swap3A_737, %swap3A_738, %swap3A_739], %swap3A_742 {strides = array<i32>} : memref<2x448x32xf32, #tpu.memory_space<vmem>>, vector<1x1x16xf32>,
      %mul3A_743 = arith.constant 8 : i32
      %mul3A_744 = arith.muli %mul3A_743, %scan3A_614 : i32
      %add3A_745 = arith.constant 2 : i32
      %add3A_746 = arith.addi %mul3A_744, %add3A_745 : i32
      %get3A_747 = arith.constant 0 : i32
      %get3A_748 = arith.index_cast %get3A_747 : i32 to index
      %get3A_749 = arith.index_cast %scan3A_614 : i32 to index
      %get3A_750 = arith.constant 48 : index
      %get3A_751 = tpu.vector_load %arg5[%get3A_748, %get3A_749, %get3A_750] {strides = array<i32>} : memref<2x56x128xf32, #tpu.memory_space<vmem>>, vector<1x1x16xf32>,
      %get3A_752 = vector.shape_cast %get3A_751 : vector<1x1x16xf32> to vector<16xf32>
      %get3A_753 = arith.constant 0 : i32
      %get3A_754 = arith.index_cast %get3A_753 : i32 to index
      %get3A_755 = arith.index_cast %add3A_617 : i32 to index
      %get3A_756 = arith.constant 48 : index
      %get3A_757 = tpu.vector_load %arg6[%get3A_754, %get3A_755, %get3A_756] {strides = array<i32>} : memref<2x184x128xf32, #tpu.memory_space<vmem>>, vector<1x1x16xf32>,
      %get3A_758 = vector.shape_cast %get3A_757 : vector<1x1x16xf32> to vector<16xf32>
      %add3A_759 = arith.addf %get3A_752, %get3A_758 : vector<16xf32>
      %swap3A_760 = arith.constant 0 : i32
      %swap3A_761 = arith.index_cast %swap3A_760 : i32 to index
      %swap3A_762 = arith.index_cast %add3A_746 : i32 to index
      %swap3A_763 = arith.constant 16 : index
      %swap3A_764 = tpu.vector_load %arg7[%swap3A_761, %swap3A_762, %swap3A_763] {strides = array<i32>} : memref<2x448x32xf32, #tpu.memory_space<vmem>>, vector<1x1x16xf32>,
      %swap3A_765 = vector.shape_cast %swap3A_764 : vector<1x1x16xf32> to vector<16xf32>
      %swap3A_766 = vector.shape_cast %add3A_759 : vector<16xf32> to vector<1x1x16xf32>
      tpu.vector_store %arg7[%swap3A_761, %swap3A_762, %swap3A_763], %swap3A_766 {strides = array<i32>} : memref<2x448x32xf32, #tpu.memory_space<vmem>>, vector<1x1x16xf32>,
      %add3A_767 = arith.constant 0 : i32
      %add3A_768 = arith.addi %add3A_618, %add3A_767 : i32
      %get3A_769 = arith.constant 0 : i32
      %get3A_770 = arith.index_cast %get3A_769 : i32 to index
      %get3A_771 = arith.index_cast %add3A_768 : i32 to index
      %get3A_772 = arith.constant 80 : index
      %get3A_773 = tpu.vector_load %arg6[%get3A_770, %get3A_771, %get3A_772] {strides = array<i32>} : memref<2x184x128xf32, #tpu.memory_space<vmem>>, vector<1x1x16xf32>,
      %get3A_774 = vector.shape_cast %get3A_773 : vector<1x1x16xf32> to vector<16xf32>
      %add3A_775 = arith.addf %get3A_752, %get3A_774 : vector<16xf32>
      %add3A_776 = arith.constant 1 : i32
      %add3A_777 = arith.addi %add3A_746, %add3A_776 : i32
      %swap3A_778 = arith.constant 0 : i32
      %swap3A_779 = arith.index_cast %swap3A_778 : i32 to index
      %swap3A_780 = arith.index_cast %add3A_777 : i32 to index
      %swap3A_781 = arith.constant 16 : index
      %swap3A_782 = tpu.vector_load %arg7[%swap3A_779, %swap3A_780, %swap3A_781] {strides = array<i32>} : memref<2x448x32xf32, #tpu.memory_space<vmem>>, vector<1x1x16xf32>,
      %swap3A_783 = vector.shape_cast %swap3A_782 : vector<1x1x16xf32> to vector<16xf32>
      %swap3A_784 = vector.shape_cast %add3A_775 : vector<16xf32> to vector<1x1x16xf32>
      tpu.vector_store %arg7[%swap3A_779, %swap3A_780, %swap3A_781], %swap3A_784 {strides = array<i32>} : memref<2x448x32xf32, #tpu.memory_space<vmem>>, vector<1x1x16xf32>,
      %mul3A_785 = arith.constant 8 : i32
      %mul3A_786 = arith.muli %mul3A_785, %scan3A_614 : i32
      %add3A_787 = arith.constant 4 : i32
      %add3A_788 = arith.addi %mul3A_786, %add3A_787 : i32
      %get3A_789 = arith.constant 0 : i32
      %get3A_790 = arith.index_cast %get3A_789 : i32 to index
      %get3A_791 = arith.index_cast %scan3A_614 : i32 to index
      %get3A_792 = arith.constant 64 : index
      %get3A_793 = tpu.vector_load %arg5[%get3A_790, %get3A_791, %get3A_792] {strides = array<i32>} : memref<2x56x128xf32, #tpu.memory_space<vmem>>, vector<1x1x16xf32>,
      %get3A_794 = vector.shape_cast %get3A_793 : vector<1x1x16xf32> to vector<16xf32>
      %get3A_795 = arith.constant 0 : i32
      %get3A_796 = arith.index_cast %get3A_795 : i32 to index
      %get3A_797 = arith.index_cast %add3A_617 : i32 to index
      %get3A_798 = arith.constant 64 : index
      %get3A_799 = tpu.vector_load %arg6[%get3A_796, %get3A_797, %get3A_798] {strides = array<i32>} : memref<2x184x128xf32, #tpu.memory_space<vmem>>, vector<1x1x16xf32>,
      %get3A_800 = vector.shape_cast %get3A_799 : vector<1x1x16xf32> to vector<16xf32>
      %add3A_801 = arith.addf %get3A_794, %get3A_800 : vector<16xf32>
      %swap3A_802 = arith.constant 0 : i32
      %swap3A_803 = arith.index_cast %swap3A_802 : i32 to index
      %swap3A_804 = arith.index_cast %add3A_788 : i32 to index
      %swap3A_805 = arith.constant 0 : index
      %swap3A_806 = tpu.vector_load %arg7[%swap3A_803, %swap3A_804, %swap3A_805] {strides = array<i32>} : memref<2x448x32xf32, #tpu.memory_space<vmem>>, vector<1x1x16xf32>,
      %swap3A_807 = vector.shape_cast %swap3A_806 : vector<1x1x16xf32> to vector<16xf32>
      %swap3A_808 = vector.shape_cast %add3A_801 : vector<16xf32> to vector<1x1x16xf32>
      tpu.vector_store %arg7[%swap3A_803, %swap3A_804, %swap3A_805], %swap3A_808 {strides = array<i32>} : memref<2x448x32xf32, #tpu.memory_space<vmem>>, vector<1x1x16xf32>,
      %add3A_809 = arith.constant 0 : i32
      %add3A_810 = arith.addi %add3A_618, %add3A_809 : i32
      %get3A_811 = arith.constant 0 : i32
      %get3A_812 = arith.index_cast %get3A_811 : i32 to index
      %get3A_813 = arith.index_cast %add3A_810 : i32 to index
      %get3A_814 = arith.constant 96 : index
      %get3A_815 = tpu.vector_load %arg6[%get3A_812, %get3A_813, %get3A_814] {strides = array<i32>} : memref<2x184x128xf32, #tpu.memory_space<vmem>>, vector<1x1x16xf32>,
      %get3A_816 = vector.shape_cast %get3A_815 : vector<1x1x16xf32> to vector<16xf32>
      %add3A_817 = arith.addf %get3A_794, %get3A_816 : vector<16xf32>
      %add3A_818 = arith.constant 1 : i32
      %add3A_819 = arith.addi %add3A_788, %add3A_818 : i32
      %swap3A_820 = arith.constant 0 : i32
      %swap3A_821 = arith.index_cast %swap3A_820 : i32 to index
      %swap3A_822 = arith.index_cast %add3A_819 : i32 to index
      %swap3A_823 = arith.constant 0 : index
      %swap3A_824 = tpu.vector_load %arg7[%swap3A_821, %swap3A_822, %swap3A_823] {strides = array<i32>} : memref<2x448x32xf32, #tpu.memory_space<vmem>>, vector<1x1x16xf32>,
      %swap3A_825 = vector.shape_cast %swap3A_824 : vector<1x1x16xf32> to vector<16xf32>
      %swap3A_826 = vector.shape_cast %add3A_817 : vector<16xf32> to vector<1x1x16xf32>
      tpu.vector_store %arg7[%swap3A_821, %swap3A_822, %swap3A_823], %swap3A_826 {strides = array<i32>} : memref<2x448x32xf32, #tpu.memory_space<vmem>>, vector<1x1x16xf32>,
      %mul3A_827 = arith.constant 8 : i32
      %mul3A_828 = arith.muli %mul3A_827, %scan3A_614 : i32
      %add3A_829 = arith.constant 4 : i32
      %add3A_830 = arith.addi %mul3A_828, %add3A_829 : i32
      %get3A_831 = arith.constant 0 : i32
      %get3A_832 = arith.index_cast %get3A_831 : i32 to index
      %get3A_833 = arith.index_cast %scan3A_614 : i32 to index
      %get3A_834 = arith.constant 80 : index
      %get3A_835 = tpu.vector_load %arg5[%get3A_832, %get3A_833, %get3A_834] {strides = array<i32>} : memref<2x56x128xf32, #tpu.memory_space<vmem>>, vector<1x1x16xf32>,
      %get3A_836 = vector.shape_cast %get3A_835 : vector<1x1x16xf32> to vector<16xf32>
      %get3A_837 = arith.constant 0 : i32
      %get3A_838 = arith.index_cast %get3A_837 : i32 to index
      %get3A_839 = arith.index_cast %add3A_617 : i32 to index
      %get3A_840 = arith.constant 80 : index
      %get3A_841 = tpu.vector_load %arg6[%get3A_838, %get3A_839, %get3A_840] {strides = array<i32>} : memref<2x184x128xf32, #tpu.memory_space<vmem>>, vector<1x1x16xf32>,
      %get3A_842 = vector.shape_cast %get3A_841 : vector<1x1x16xf32> to vector<16xf32>
      %add3A_843 = arith.addf %get3A_836, %get3A_842 : vector<16xf32>
      %swap3A_844 = arith.constant 0 : i32
      %swap3A_845 = arith.index_cast %swap3A_844 : i32 to index
      %swap3A_846 = arith.index_cast %add3A_830 : i32 to index
      %swap3A_847 = arith.constant 16 : index
      %swap3A_848 = tpu.vector_load %arg7[%swap3A_845, %swap3A_846, %swap3A_847] {strides = array<i32>} : memref<2x448x32xf32, #tpu.memory_space<vmem>>, vector<1x1x16xf32>,
      %swap3A_849 = vector.shape_cast %swap3A_848 : vector<1x1x16xf32> to vector<16xf32>
      %swap3A_850 = vector.shape_cast %add3A_843 : vector<16xf32> to vector<1x1x16xf32>
      tpu.vector_store %arg7[%swap3A_845, %swap3A_846, %swap3A_847], %swap3A_850 {strides = array<i32>} : memref<2x448x32xf32, #tpu.memory_space<vmem>>, vector<1x1x16xf32>,
      %add3A_851 = arith.constant 0 : i32
      %add3A_852 = arith.addi %add3A_618, %add3A_851 : i32
      %get3A_853 = arith.constant 0 : i32
      %get3A_854 = arith.index_cast %get3A_853 : i32 to index
      %get3A_855 = arith.index_cast %add3A_852 : i32 to index
      %get3A_856 = arith.constant 112 : index
      %get3A_857 = tpu.vector_load %arg6[%get3A_854, %get3A_855, %get3A_856] {strides = array<i32>} : memref<2x184x128xf32, #tpu.memory_space<vmem>>, vector<1x1x16xf32>,
      %get3A_858 = vector.shape_cast %get3A_857 : vector<1x1x16xf32> to vector<16xf32>
      %add3A_859 = arith.addf %get3A_836, %get3A_858 : vector<16xf32>
      %add3A_860 = arith.constant 1 : i32
      %add3A_861 = arith.addi %add3A_830, %add3A_860 : i32
      %swap3A_862 = arith.constant 0 : i32
      %swap3A_863 = arith.index_cast %swap3A_862 : i32 to index
      %swap3A_864 = arith.index_cast %add3A_861 : i32 to index
      %swap3A_865 = arith.constant 16 : index
      %swap3A_866 = tpu.vector_load %arg7[%swap3A_863, %swap3A_864, %swap3A_865] {strides = array<i32>} : memref<2x448x32xf32, #tpu.memory_space<vmem>>, vector<1x1x16xf32>,
      %swap3A_867 = vector.shape_cast %swap3A_866 : vector<1x1x16xf32> to vector<16xf32>
      %swap3A_868 = vector.shape_cast %add3A_859 : vector<16xf32> to vector<1x1x16xf32>
      tpu.vector_store %arg7[%swap3A_863, %swap3A_864, %swap3A_865], %swap3A_868 {strides = array<i32>} : memref<2x448x32xf32, #tpu.memory_space<vmem>>, vector<1x1x16xf32>,
      %mul3A_869 = arith.constant 8 : i32
      %mul3A_870 = arith.muli %mul3A_869, %scan3A_614 : i32
      %add3A_871 = arith.constant 6 : i32
      %add3A_872 = arith.addi %mul3A_870, %add3A_871 : i32
      %get3A_873 = arith.constant 0 : i32
      %get3A_874 = arith.index_cast %get3A_873 : i32 to index
      %get3A_875 = arith.index_cast %scan3A_614 : i32 to index
      %get3A_876 = arith.constant 96 : index
      %get3A_877 = tpu.vector_load %arg5[%get3A_874, %get3A_875, %get3A_876] {strides = array<i32>} : memref<2x56x128xf32, #tpu.memory_space<vmem>>, vector<1x1x16xf32>,
      %get3A_878 = vector.shape_cast %get3A_877 : vector<1x1x16xf32> to vector<16xf32>
      %get3A_879 = arith.constant 0 : i32
      %get3A_880 = arith.index_cast %get3A_879 : i32 to index
      %get3A_881 = arith.index_cast %add3A_617 : i32 to index
      %get3A_882 = arith.constant 96 : index
      %get3A_883 = tpu.vector_load %arg6[%get3A_880, %get3A_881, %get3A_882] {strides = array<i32>} : memref<2x184x128xf32, #tpu.memory_space<vmem>>, vector<1x1x16xf32>,
      %get3A_884 = vector.shape_cast %get3A_883 : vector<1x1x16xf32> to vector<16xf32>
      %add3A_885 = arith.addf %get3A_878, %get3A_884 : vector<16xf32>
      %swap3A_886 = arith.constant 0 : i32
      %swap3A_887 = arith.index_cast %swap3A_886 : i32 to index
      %swap3A_888 = arith.index_cast %add3A_872 : i32 to index
      %swap3A_889 = arith.constant 0 : index
      %swap3A_890 = tpu.vector_load %arg7[%swap3A_887, %swap3A_888, %swap3A_889] {strides = array<i32>} : memref<2x448x32xf32, #tpu.memory_space<vmem>>, vector<1x1x16xf32>,
      %swap3A_891 = vector.shape_cast %swap3A_890 : vector<1x1x16xf32> to vector<16xf32>
      %swap3A_892 = vector.shape_cast %add3A_885 : vector<16xf32> to vector<1x1x16xf32>
      tpu.vector_store %arg7[%swap3A_887, %swap3A_888, %swap3A_889], %swap3A_892 {strides = array<i32>} : memref<2x448x32xf32, #tpu.memory_space<vmem>>, vector<1x1x16xf32>,
      %add3A_893 = arith.constant 1 : i32
      %add3A_894 = arith.addi %add3A_618, %add3A_893 : i32
      %get3A_895 = arith.constant 0 : i32
      %get3A_896 = arith.index_cast %get3A_895 : i32 to index
      %get3A_897 = arith.index_cast %add3A_894 : i32 to index
      %get3A_898 = arith.constant 0 : index
      %get3A_899 = tpu.vector_load %arg6[%get3A_896, %get3A_897, %get3A_898] {strides = array<i32>} : memref<2x184x128xf32, #tpu.memory_space<vmem>>, vector<1x1x16xf32>,
      %get3A_900 = vector.shape_cast %get3A_899 : vector<1x1x16xf32> to vector<16xf32>
      %add3A_901 = arith.addf %get3A_878, %get3A_900 : vector<16xf32>
      %add3A_902 = arith.constant 1 : i32
      %add3A_903 = arith.addi %add3A_872, %add3A_902 : i32
      %swap3A_904 = arith.constant 0 : i32
      %swap3A_905 = arith.index_cast %swap3A_904 : i32 to index
      %swap3A_906 = arith.index_cast %add3A_903 : i32 to index
      %swap3A_907 = arith.constant 0 : index
      %swap3A_908 = tpu.vector_load %arg7[%swap3A_905, %swap3A_906, %swap3A_907] {strides = array<i32>} : memref<2x448x32xf32, #tpu.memory_space<vmem>>, vector<1x1x16xf32>,
      %swap3A_909 = vector.shape_cast %swap3A_908 : vector<1x1x16xf32> to vector<16xf32>
      %swap3A_910 = vector.shape_cast %add3A_901 : vector<16xf32> to vector<1x1x16xf32>
      tpu.vector_store %arg7[%swap3A_905, %swap3A_906, %swap3A_907], %swap3A_910 {strides = array<i32>} : memref<2x448x32xf32, #tpu.memory_space<vmem>>, vector<1x1x16xf32>,
      %mul3A_911 = arith.constant 8 : i32
      %mul3A_912 = arith.muli %mul3A_911, %scan3A_614 : i32
      %add3A_913 = arith.constant 6 : i32
      %add3A_914 = arith.addi %mul3A_912, %add3A_913 : i32
      %get3A_915 = arith.constant 0 : i32
      %get3A_916 = arith.index_cast %get3A_915 : i32 to index
      %get3A_917 = arith.index_cast %scan3A_614 : i32 to index
      %get3A_918 = arith.constant 112 : index
      %get3A_919 = tpu.vector_load %arg5[%get3A_916, %get3A_917, %get3A_918] {strides = array<i32>} : memref<2x56x128xf32, #tpu.memory_space<vmem>>, vector<1x1x16xf32>,
      %get3A_920 = vector.shape_cast %get3A_919 : vector<1x1x16xf32> to vector<16xf32>
      %get3A_921 = arith.constant 0 : i32
      %get3A_922 = arith.index_cast %get3A_921 : i32 to index
      %get3A_923 = arith.index_cast %add3A_617 : i32 to index
      %get3A_924 = arith.constant 112 : index
      %get3A_925 = tpu.vector_load %arg6[%get3A_922, %get3A_923, %get3A_924] {strides = array<i32>} : memref<2x184x128xf32, #tpu.memory_space<vmem>>, vector<1x1x16xf32>,
      %get3A_926 = vector.shape_cast %get3A_925 : vector<1x1x16xf32> to vector<16xf32>
      %add3A_927 = arith.addf %get3A_920, %get3A_926 : vector<16xf32>
      %swap3A_928 = arith.constant 0 : i32
      %swap3A_929 = arith.index_cast %swap3A_928 : i32 to index
      %swap3A_930 = arith.index_cast %add3A_914 : i32 to index
      %swap3A_931 = arith.constant 16 : index
      %swap3A_932 = tpu.vector_load %arg7[%swap3A_929, %swap3A_930, %swap3A_931] {strides = array<i32>} : memref<2x448x32xf32, #tpu.memory_space<vmem>>, vector<1x1x16xf32>,
      %swap3A_933 = vector.shape_cast %swap3A_932 : vector<1x1x16xf32> to vector<16xf32>
      %swap3A_934 = vector.shape_cast %add3A_927 : vector<16xf32> to vector<1x1x16xf32>
      tpu.vector_store %arg7[%swap3A_929, %swap3A_930, %swap3A_931], %swap3A_934 {strides = array<i32>} : memref<2x448x32xf32, #tpu.memory_space<vmem>>, vector<1x1x16xf32>,
      %add3A_935 = arith.constant 1 : i32
      %add3A_936 = arith.addi %add3A_618, %add3A_935 : i32
      %get3A_937 = arith.constant 0 : i32
      %get3A_938 = arith.index_cast %get3A_937 : i32 to index
      %get3A_939 = arith.index_cast %add3A_936 : i32 to index
      %get3A_940 = arith.constant 16 : index
      %get3A_941 = tpu.vector_load %arg6[%get3A_938, %get3A_939, %get3A_940] {strides = array<i32>} : memref<2x184x128xf32, #tpu.memory_space<vmem>>, vector<1x1x16xf32>,
      %get3A_942 = vector.shape_cast %get3A_941 : vector<1x1x16xf32> to vector<16xf32>
      %add3A_943 = arith.addf %get3A_920, %get3A_942 : vector<16xf32>
      %add3A_944 = arith.constant 1 : i32
      %add3A_945 = arith.addi %add3A_914, %add3A_944 : i32
      %swap3A_946 = arith.constant 0 : i32
      %swap3A_947 = arith.index_cast %swap3A_946 : i32 to index
      %swap3A_948 = arith.index_cast %add3A_945 : i32 to index
      %swap3A_949 = arith.constant 16 : index
      %swap3A_950 = tpu.vector_load %arg7[%swap3A_947, %swap3A_948, %swap3A_949] {strides = array<i32>} : memref<2x448x32xf32, #tpu.memory_space<vmem>>, vector<1x1x16xf32>,
      %swap3A_951 = vector.shape_cast %swap3A_950 : vector<1x1x16xf32> to vector<16xf32>
      %swap3A_952 = vector.shape_cast %add3A_943 : vector<16xf32> to vector<1x1x16xf32>
      tpu.vector_store %arg7[%swap3A_947, %swap3A_948, %swap3A_949], %swap3A_952 {strides = array<i32>} : memref<2x448x32xf32, #tpu.memory_space<vmem>>, vector<1x1x16xf32>,
    }
    %scan3A_109 = arith.constant 56 : i32
    %lt3A = arith.constant 223 : i32
    %lt3A_110 = arith.cmpi slt, %add3A_37, %lt3A : i32
    %convert_element_type3A = arith.extui %lt3A_110 : i1 to i32
    %cond3A = arith.constant 0 : i32
    %cond3A_111 = arith.cmpi ne, %convert_element_type3A, %cond3A : i32
    scf.if %cond3A_111 {
      %mul3A_614 = arith.constant 447 : i32
      %mul3A_615 = arith.muli %add3A_37, %mul3A_614 : i32
      %run_scoped3A = arith.constant 0 : i32
      "tpu.region"() ({
        %run_scoped3A_616 = tpu.sem_alloc : memref<!tpu.dma_semaphore, #tpu.memory_space<semaphore_mem>>
        %dma_start3A_617 = arith.constant 0 : i32
        %dma_start3A_618 = arith.constant 0 : i32
        %dma_start3A_619 = tpu.memref_slice %arg7[%run_scoped3A, %dma_start3A_617, %dma_start3A_618] : memref<2x448x32xf32, #tpu.memory_space<vmem>> -> memref<1x447x32xf32, #tpu.memory_space<vmem>>
        %dma_start3A_620 = tpu.memref_squeeze %dma_start3A_619 : memref<1x447x32xf32, #tpu.memory_space<vmem>> -> memref<447x32xf32, #tpu.memory_space<vmem>>
        %dma_start3A_621 = arith.constant 0 : i32
        %dma_start3A_622 = tpu.memref_slice %arg4[%mul3A_615, %dma_start3A_621] : memref<99904x32xf32, #tpu.memory_space<hbm>> -> memref<447x32xf32, #tpu.memory_space<hbm>>
        %dma_start3A_623 = arith.constant 0 : i32
        %dma_start3A_624 = tpu.memref_slice %arg4[%mul3A_615, %dma_start3A_623] : memref<99904x32xf32, #tpu.memory_space<hbm>> -> memref<447x32xf32, #tpu.memory_space<hbm>>
        %dma_start3A_625 = arith.constant 0 : i32
        %dma_start3A_626 = arith.constant 0 : i32
        %dma_start3A_627 = tpu.memref_slice %arg7[%run_scoped3A, %dma_start3A_625, %dma_start3A_626] : memref<2x448x32xf32, #tpu.memory_space<vmem>> -> memref<1x447x32xf32, #tpu.memory_space<vmem>>
        %dma_start3A_628 = tpu.memref_squeeze %dma_start3A_627 : memref<1x447x32xf32, #tpu.memory_space<vmem>> -> memref<447x32xf32, #tpu.memory_space<vmem>>
        tpu.enqueue_dma source(%dma_start3A_628 : memref<447x32xf32, #tpu.memory_space<vmem>>) target(%dma_start3A_624 : memref<447x32xf32, #tpu.memory_space<hbm>>) target_semaphore(%run_scoped3A_616 : memref<!tpu.dma_semaphore, #tpu.memory_space<semaphore_mem>>)
        %dma_wait3A_629 = arith.constant 0 : i32
        %dma_wait3A_630 = arith.constant 0 : i32
        %dma_wait3A_631 = tpu.memref_slice %arg7[%run_scoped3A, %dma_wait3A_629, %dma_wait3A_630] : memref<2x448x32xf32, #tpu.memory_space<vmem>> -> memref<1x447x32xf32, #tpu.memory_space<vmem>>
        %dma_wait3A_632 = tpu.memref_squeeze %dma_wait3A_631 : memref<1x447x32xf32, #tpu.memory_space<vmem>> -> memref<447x32xf32, #tpu.memory_space<vmem>>
        %dma_wait3A_633 = arith.constant 0 : i32
        %dma_wait3A_634 = tpu.memref_slice %arg4[%mul3A_615, %dma_wait3A_633] : memref<99904x32xf32, #tpu.memory_space<hbm>> -> memref<447x32xf32, #tpu.memory_space<hbm>>
        %dma_wait3A_635 = arith.constant 0 : i32
        %dma_wait3A_636 = tpu.memref_slice %arg4[%mul3A_615, %dma_wait3A_635] : memref<99904x32xf32, #tpu.memory_space<hbm>> -> memref<447x32xf32, #tpu.memory_space<hbm>>
        %dma_wait3A_637 = arith.constant 0 : i32
        %dma_wait3A_638 = arith.constant 0 : i32
        %dma_wait3A_639 = tpu.memref_slice %arg7[%run_scoped3A, %dma_wait3A_637, %dma_wait3A_638] : memref<2x448x32xf32, #tpu.memory_space<vmem>> -> memref<1x447x32xf32, #tpu.memory_space<vmem>>
        %dma_wait3A_640 = tpu.memref_squeeze %dma_wait3A_639 : memref<1x447x32xf32, #tpu.memory_space<vmem>> -> memref<447x32xf32, #tpu.memory_space<vmem>>
        tpu.wait_dma2 semaphore(%run_scoped3A_616 : memref<!tpu.dma_semaphore, #tpu.memory_space<semaphore_mem>>) src(%dma_wait3A_640 : memref<447x32xf32, #tpu.memory_space<vmem>>) dst(%dma_wait3A_636 : memref<447x32xf32, #tpu.memory_space<hbm>>)
        tpu.yield
      }) : () -> ()
    } else {
    }
    %eq3A = arith.constant 223 : i32
    %eq3A_112 = arith.cmpi eq, %add3A_37, %eq3A : i32
    %convert_element_type3A_113 = arith.extui %eq3A_112 : i1 to i32
    %cond3A_114 = arith.constant 0 : i32
    %cond3A_115 = arith.cmpi ne, %convert_element_type3A_113, %cond3A_114 : i32
    scf.if %cond3A_115 {
      %scan3A_614 = arith.constant 0 : i32
      %scan3A_615 = arith.constant 0 : i32
      %scan3A_616 = arith.constant 223 : i32
      %scan3A_617 = arith.addi %scan3A_615, %scan3A_616 : i32
      %scan3A_618 = arith.constant 1 : i32
      scf.for %scan3A_620 = %scan3A_615 to %scan3A_617 step %scan3A_618  : i32 {
        %mul3A_621 = arith.constant 2 : i32
        %mul3A_622 = arith.muli %mul3A_621, %scan3A_620 : i32
        %add3A_623 = arith.constant 1 : i32
        %add3A_624 = arith.addi %mul3A_622, %add3A_623 : i32
        %get3A = arith.constant 0 : i32
        %get3A_625 = arith.index_cast %get3A : i32 to index
        %get3A_626 = arith.index_cast %add3A_624 : i32 to index
        %get3A_627 = arith.constant 0 : index
        %get3A_628 = tpu.vector_load %arg7[%get3A_625, %get3A_626, %get3A_627] {strides = array<i32>} : memref<2x448x32xf32, #tpu.memory_space<vmem>>, vector<1x1x16xf32>,
        %get3A_629 = vector.shape_cast %get3A_628 : vector<1x1x16xf32> to vector<16xf32>
        %swap3A = arith.index_cast %scan3A_620 : i32 to index
        %swap3A_630 = arith.constant 0 : index
        %swap3A_631 = tpu.vector_load %arg8[%swap3A, %swap3A_630] {strides = array<i32>} : memref<224x32xf32, #tpu.memory_space<vmem>>, vector<1x16xf32>,
        %swap3A_632 = vector.shape_cast %swap3A_631 : vector<1x16xf32> to vector<16xf32>
        %swap3A_633 = vector.shape_cast %get3A_629 : vector<16xf32> to vector<1x16xf32>
        tpu.vector_store %arg8[%swap3A, %swap3A_630], %swap3A_633 {strides = array<i32>} : memref<224x32xf32, #tpu.memory_space<vmem>>, vector<1x16xf32>,
        %mul3A_634 = arith.constant 2 : i32
        %mul3A_635 = arith.muli %mul3A_634, %scan3A_620 : i32
        %add3A_636 = arith.constant 1 : i32
        %add3A_637 = arith.addi %mul3A_635, %add3A_636 : i32
        %get3A_638 = arith.constant 0 : i32
        %get3A_639 = arith.index_cast %get3A_638 : i32 to index
        %get3A_640 = arith.index_cast %add3A_637 : i32 to index
        %get3A_641 = arith.constant 16 : index
        %get3A_642 = tpu.vector_load %arg7[%get3A_639, %get3A_640, %get3A_641] {strides = array<i32>} : memref<2x448x32xf32, #tpu.memory_space<vmem>>, vector<1x1x16xf32>,
        %get3A_643 = vector.shape_cast %get3A_642 : vector<1x1x16xf32> to vector<16xf32>
        %swap3A_644 = arith.index_cast %scan3A_620 : i32 to index
        %swap3A_645 = arith.constant 16 : index
        %swap3A_646 = tpu.vector_load %arg8[%swap3A_644, %swap3A_645] {strides = array<i32>} : memref<224x32xf32, #tpu.memory_space<vmem>>, vector<1x16xf32>,
        %swap3A_647 = vector.shape_cast %swap3A_646 : vector<1x16xf32> to vector<16xf32>
        %swap3A_648 = vector.shape_cast %get3A_643 : vector<16xf32> to vector<1x16xf32>
        tpu.vector_store %arg8[%swap3A_644, %swap3A_645], %swap3A_648 {strides = array<i32>} : memref<224x32xf32, #tpu.memory_space<vmem>>, vector<1x16xf32>,
      }
      %scan3A_619 = arith.constant 223 : i32
      "tpu.region"() ({
        %run_scoped3A = tpu.sem_alloc : memref<!tpu.dma_semaphore, #tpu.memory_space<semaphore_mem>>
        %dma_start3A_620 = arith.constant 0 : i32
        %dma_start3A_621 = arith.constant 0 : i32
        %dma_start3A_622 = tpu.memref_slice %arg8[%dma_start3A_620, %dma_start3A_621] : memref<224x32xf32, #tpu.memory_space<vmem>> -> memref<223x32xf32, #tpu.memory_space<vmem>>
        %dma_start3A_623 = arith.constant 99681 : i32
        %dma_start3A_624 = arith.constant 0 : i32
        %dma_start3A_625 = tpu.memref_slice %arg4[%dma_start3A_623, %dma_start3A_624] : memref<99904x32xf32, #tpu.memory_space<hbm>> -> memref<223x32xf32, #tpu.memory_space<hbm>>
        %dma_start3A_626 = arith.constant 99681 : i32
        %dma_start3A_627 = arith.constant 0 : i32
        %dma_start3A_628 = tpu.memref_slice %arg4[%dma_start3A_626, %dma_start3A_627] : memref<99904x32xf32, #tpu.memory_space<hbm>> -> memref<223x32xf32, #tpu.memory_space<hbm>>
        %dma_start3A_629 = arith.constant 0 : i32
        %dma_start3A_630 = arith.constant 0 : i32
        %dma_start3A_631 = tpu.memref_slice %arg8[%dma_start3A_629, %dma_start3A_630] : memref<224x32xf32, #tpu.memory_space<vmem>> -> memref<223x32xf32, #tpu.memory_space<vmem>>
        tpu.enqueue_dma source(%dma_start3A_631 : memref<223x32xf32, #tpu.memory_space<vmem>>) target(%dma_start3A_628 : memref<223x32xf32, #tpu.memory_space<hbm>>) target_semaphore(%run_scoped3A : memref<!tpu.dma_semaphore, #tpu.memory_space<semaphore_mem>>)
        %dma_wait3A_632 = arith.constant 0 : i32
        %dma_wait3A_633 = arith.constant 0 : i32
        %dma_wait3A_634 = tpu.memref_slice %arg8[%dma_wait3A_632, %dma_wait3A_633] : memref<224x32xf32, #tpu.memory_space<vmem>> -> memref<223x32xf32, #tpu.memory_space<vmem>>
        %dma_wait3A_635 = arith.constant 99681 : i32
        %dma_wait3A_636 = arith.constant 0 : i32
        %dma_wait3A_637 = tpu.memref_slice %arg4[%dma_wait3A_635, %dma_wait3A_636] : memref<99904x32xf32, #tpu.memory_space<hbm>> -> memref<223x32xf32, #tpu.memory_space<hbm>>
        %dma_wait3A_638 = arith.constant 99681 : i32
        %dma_wait3A_639 = arith.constant 0 : i32
        %dma_wait3A_640 = tpu.memref_slice %arg4[%dma_wait3A_638, %dma_wait3A_639] : memref<99904x32xf32, #tpu.memory_space<hbm>> -> memref<223x32xf32, #tpu.memory_space<hbm>>
        %dma_wait3A_641 = arith.constant 0 : i32
        %dma_wait3A_642 = arith.constant 0 : i32
        %dma_wait3A_643 = tpu.memref_slice %arg8[%dma_wait3A_641, %dma_wait3A_642] : memref<224x32xf32, #tpu.memory_space<vmem>> -> memref<223x32xf32, #tpu.memory_space<vmem>>
        tpu.wait_dma2 semaphore(%run_scoped3A : memref<!tpu.dma_semaphore, #tpu.memory_space<semaphore_mem>>) src(%dma_wait3A_643 : memref<223x32xf32, #tpu.memory_space<vmem>>) dst(%dma_wait3A_640 : memref<223x32xf32, #tpu.memory_space<hbm>>)
        tpu.yield
      }) : () -> ()
    } else {
    }
    %mul3A_116 = arith.constant 7 : i32
    %mul3A_117 = arith.muli %add3A, %mul3A_116 : i32
    %add3A_118 = arith.constant 1 : i32
    %add3A_119 = arith.addi %mul3A_117, %add3A_118 : i32
    %mul3A_120 = arith.constant 56 : i32
    %mul3A_121 = arith.muli %add3A_119, %mul3A_120 : i32
    %mul3A_122 = arith.constant 56 : i32
    %mul3A_123 = arith.muli %add3A_119, %mul3A_122 : i32
    %min3A_124 = arith.constant 12424 : i32
    %min3A_125 = arith.minsi %mul3A_123, %min3A_124 : i32
    %sub3A_126 = arith.subi %mul3A_121, %min3A_125 : i32
    %dma_wait3A_127 = arith.constant 1 : i32
    %dma_wait3A_128 = arith.constant 0 : i32
    %dma_wait3A_129 = arith.constant 0 : i32
    %dma_wait3A_130 = tpu.memref_slice %arg5[%dma_wait3A_127, %dma_wait3A_128, %dma_wait3A_129] : memref<2x56x128xf32, #tpu.memory_space<vmem>> -> memref<1x56x128xf32, #tpu.memory_space<vmem>>
    %dma_wait3A_131 = tpu.memref_squeeze %dma_wait3A_130 : memref<1x56x128xf32, #tpu.memory_space<vmem>> -> memref<56x128xf32, #tpu.memory_space<vmem>>
    %dma_wait3A_132 = arith.constant 0 : i32
    %dma_wait3A_133 = tpu.memref_slice %arg2[%multiple_of3A_75, %dma_wait3A_132] : memref<12544x128xf32, #tpu.memory_space<hbm>> -> memref<56x128xf32, #tpu.memory_space<hbm>>
    %dma_wait3A_134 = arith.constant 0 : i32
    %dma_wait3A_135 = arith.constant 0 : i32
    %dma_wait3A_136 = tpu.memref_slice %arg5[%dma_wait3A_127, %dma_wait3A_134, %dma_wait3A_135] : memref<2x56x128xf32, #tpu.memory_space<vmem>> -> memref<1x56x128xf32, #tpu.memory_space<vmem>>
    %dma_wait3A_137 = tpu.memref_squeeze %dma_wait3A_136 : memref<1x56x128xf32, #tpu.memory_space<vmem>> -> memref<56x128xf32, #tpu.memory_space<vmem>>
    %dma_wait3A_138 = arith.constant 0 : i32
    %dma_wait3A_139 = tpu.memref_slice %arg2[%multiple_of3A_75, %dma_wait3A_138] : memref<12544x128xf32, #tpu.memory_space<hbm>> -> memref<56x128xf32, #tpu.memory_space<hbm>>
    tpu.wait_dma2 semaphore(%arg10 : memref<!tpu.dma_semaphore, #tpu.memory_space<semaphore_mem>>) src(%dma_wait3A_139 : memref<56x128xf32, #tpu.memory_space<hbm>>) dst(%dma_wait3A_137 : memref<56x128xf32, #tpu.memory_space<vmem>>)
    %dma_wait3A_140 = arith.constant 1 : i32
    %dma_wait3A_141 = arith.constant 0 : i32
    %dma_wait3A_142 = arith.constant 0 : i32
    %dma_wait3A_143 = tpu.memref_slice %arg6[%dma_wait3A_140, %dma_wait3A_141, %dma_wait3A_142] : memref<2x184x128xf32, #tpu.memory_space<vmem>> -> memref<1x120x128xf32, #tpu.memory_space<vmem>>
    %dma_wait3A_144 = tpu.memref_squeeze %dma_wait3A_143 : memref<1x120x128xf32, #tpu.memory_space<vmem>> -> memref<120x128xf32, #tpu.memory_space<vmem>>
    %dma_wait3A_145 = arith.constant 0 : i32
    %dma_wait3A_146 = tpu.memref_slice %arg3[%multiple_of3A_78, %dma_wait3A_145] : memref<12544x128xf32, #tpu.memory_space<hbm>> -> memref<120x128xf32, #tpu.memory_space<hbm>>
    %dma_wait3A_147 = arith.constant 0 : i32
    %dma_wait3A_148 = arith.constant 0 : i32
    %dma_wait3A_149 = tpu.memref_slice %arg6[%dma_wait3A_140, %dma_wait3A_147, %dma_wait3A_148] : memref<2x184x128xf32, #tpu.memory_space<vmem>> -> memref<1x120x128xf32, #tpu.memory_space<vmem>>
    %dma_wait3A_150 = tpu.memref_squeeze %dma_wait3A_149 : memref<1x120x128xf32, #tpu.memory_space<vmem>> -> memref<120x128xf32, #tpu.memory_space<vmem>>
    %dma_wait3A_151 = arith.constant 0 : i32
    %dma_wait3A_152 = tpu.memref_slice %arg3[%multiple_of3A_78, %dma_wait3A_151] : memref<12544x128xf32, #tpu.memory_space<hbm>> -> memref<120x128xf32, #tpu.memory_space<hbm>>
    tpu.wait_dma2 semaphore(%arg12 : memref<!tpu.dma_semaphore, #tpu.memory_space<semaphore_mem>>) src(%dma_wait3A_152 : memref<120x128xf32, #tpu.memory_space<hbm>>) dst(%dma_wait3A_150 : memref<120x128xf32, #tpu.memory_space<vmem>>)
    %mul3A_153 = arith.constant 7 : i32
    %mul3A_154 = arith.muli %add3A, %mul3A_153 : i32
    %add3A_155 = arith.constant 2 : i32
    %add3A_156 = arith.addi %mul3A_154, %add3A_155 : i32
    %mul3A_157 = arith.constant 56 : i32
    %mul3A_158 = arith.muli %add3A_156, %mul3A_157 : i32
    %multiple_of3A_159 = tpu.assume_multiple %mul3A_158, 8 : i32
    %min3A_160 = arith.constant 12424 : i32
    %min3A_161 = arith.minsi %multiple_of3A_159, %min3A_160 : i32
    %multiple_of3A_162 = tpu.assume_multiple %min3A_161, 8 : i32
    %dma_start3A_163 = arith.constant 0 : i32
    %dma_start3A_164 = arith.constant 0 : i32
    %dma_start3A_165 = arith.constant 0 : i32
    %dma_start3A_166 = tpu.memref_slice %arg5[%dma_start3A_163, %dma_start3A_164, %dma_start3A_165] : memref<2x56x128xf32, #tpu.memory_space<vmem>> -> memref<1x56x128xf32, #tpu.memory_space<vmem>>
    %dma_start3A_167 = tpu.memref_squeeze %dma_start3A_166 : memref<1x56x128xf32, #tpu.memory_space<vmem>> -> memref<56x128xf32, #tpu.memory_space<vmem>>
    %dma_start3A_168 = arith.constant 0 : i32
    %dma_start3A_169 = tpu.memref_slice %arg2[%multiple_of3A_159, %dma_start3A_168] : memref<12544x128xf32, #tpu.memory_space<hbm>> -> memref<56x128xf32, #tpu.memory_space<hbm>>
    %dma_start3A_170 = arith.constant 0 : i32
    %dma_start3A_171 = arith.constant 0 : i32
    %dma_start3A_172 = tpu.memref_slice %arg5[%dma_start3A_163, %dma_start3A_170, %dma_start3A_171] : memref<2x56x128xf32, #tpu.memory_space<vmem>> -> memref<1x56x128xf32, #tpu.memory_space<vmem>>
    %dma_start3A_173 = tpu.memref_squeeze %dma_start3A_172 : memref<1x56x128xf32, #tpu.memory_space<vmem>> -> memref<56x128xf32, #tpu.memory_space<vmem>>
    %dma_start3A_174 = arith.constant 0 : i32
    %dma_start3A_175 = tpu.memref_slice %arg2[%multiple_of3A_159, %dma_start3A_174] : memref<12544x128xf32, #tpu.memory_space<hbm>> -> memref<56x128xf32, #tpu.memory_space<hbm>>
    tpu.enqueue_dma source(%dma_start3A_175 : memref<56x128xf32, #tpu.memory_space<hbm>>) target(%dma_start3A_173 : memref<56x128xf32, #tpu.memory_space<vmem>>) target_semaphore(%arg9 : memref<!tpu.dma_semaphore, #tpu.memory_space<semaphore_mem>>)
    %dma_start3A_176 = arith.constant 0 : i32
    %dma_start3A_177 = arith.constant 0 : i32
    %dma_start3A_178 = arith.constant 0 : i32
    %dma_start3A_179 = tpu.memref_slice %arg6[%dma_start3A_176, %dma_start3A_177, %dma_start3A_178] : memref<2x184x128xf32, #tpu.memory_space<vmem>> -> memref<1x120x128xf32, #tpu.memory_space<vmem>>
    %dma_start3A_180 = tpu.memref_squeeze %dma_start3A_179 : memref<1x120x128xf32, #tpu.memory_space<vmem>> -> memref<120x128xf32, #tpu.memory_space<vmem>>
    %dma_start3A_181 = arith.constant 0 : i32
    %dma_start3A_182 = tpu.memref_slice %arg3[%multiple_of3A_162, %dma_start3A_181] : memref<12544x128xf32, #tpu.memory_space<hbm>> -> memref<120x128xf32, #tpu.memory_space<hbm>>
    %dma_start3A_183 = arith.constant 0 : i32
    %dma_start3A_184 = arith.constant 0 : i32
    %dma_start3A_185 = tpu.memref_slice %arg6[%dma_start3A_176, %dma_start3A_183, %dma_start3A_184] : memref<2x184x128xf32, #tpu.memory_space<vmem>> -> memref<1x120x128xf32, #tpu.memory_space<vmem>>
    %dma_start3A_186 = tpu.memref_squeeze %dma_start3A_185 : memref<1x120x128xf32, #tpu.memory_space<vmem>> -> memref<120x128xf32, #tpu.memory_space<vmem>>
    %dma_start3A_187 = arith.constant 0 : i32
    %dma_start3A_188 = tpu.memref_slice %arg3[%multiple_of3A_162, %dma_start3A_187] : memref<12544x128xf32, #tpu.memory_space<hbm>> -> memref<120x128xf32, #tpu.memory_space<hbm>>
    tpu.enqueue_dma source(%dma_start3A_188 : memref<120x128xf32, #tpu.memory_space<hbm>>) target(%dma_start3A_186 : memref<120x128xf32, #tpu.memory_space<vmem>>) target_semaphore(%arg11 : memref<!tpu.dma_semaphore, #tpu.memory_space<semaphore_mem>>)
    %scan3A_189 = arith.constant 0 : i32
    %scan3A_190 = arith.constant 0 : i32
    %scan3A_191 = arith.constant 56 : i32
    %scan3A_192 = arith.addi %scan3A_190, %scan3A_191 : i32
    %scan3A_193 = arith.constant 1 : i32
    scf.for %scan3A_614 = %scan3A_190 to %scan3A_192 step %scan3A_193  : i32 {
      %add3A_615 = arith.addi %scan3A_614, %sub3A_126 : i32
      %add3A_616 = arith.constant 56 : i32
      %add3A_617 = arith.addi %add3A_615, %add3A_616 : i32
      %add3A_618 = arith.addi %scan3A_614, %sub3A_126 : i32
      %mul3A_619 = arith.constant 8 : i32
      %mul3A_620 = arith.muli %mul3A_619, %scan3A_614 : i32
      %add3A_621 = arith.constant 0 : i32
      %add3A_622 = arith.addi %mul3A_620, %add3A_621 : i32
      %get3A = arith.constant 1 : i32
      %get3A_623 = arith.index_cast %get3A : i32 to index
      %get3A_624 = arith.index_cast %scan3A_614 : i32 to index
      %get3A_625 = arith.constant 0 : index
      %get3A_626 = tpu.vector_load %arg5[%get3A_623, %get3A_624, %get3A_625] {strides = array<i32>} : memref<2x56x128xf32, #tpu.memory_space<vmem>>, vector<1x1x16xf32>,
      %get3A_627 = vector.shape_cast %get3A_626 : vector<1x1x16xf32> to vector<16xf32>
      %get3A_628 = arith.constant 1 : i32
      %get3A_629 = arith.index_cast %get3A_628 : i32 to index
      %get3A_630 = arith.index_cast %add3A_617 : i32 to index
      %get3A_631 = arith.constant 0 : index
      %get3A_632 = tpu.vector_load %arg6[%get3A_629, %get3A_630, %get3A_631] {strides = array<i32>} : memref<2x184x128xf32, #tpu.memory_space<vmem>>, vector<1x1x16xf32>,
      %get3A_633 = vector.shape_cast %get3A_632 : vector<1x1x16xf32> to vector<16xf32>
      %add3A_634 = arith.addf %get3A_627, %get3A_633 : vector<16xf32>
      %swap3A = arith.constant 0 : i32
      %swap3A_635 = arith.index_cast %swap3A : i32 to index
      %swap3A_636 = arith.index_cast %add3A_622 : i32 to index
      %swap3A_637 = arith.constant 0 : index
      %swap3A_638 = tpu.vector_load %arg7[%swap3A_635, %swap3A_636, %swap3A_637] {strides = array<i32>} : memref<2x448x32xf32, #tpu.memory_space<vmem>>, vector<1x1x16xf32>,
      %swap3A_639 = vector.shape_cast %swap3A_638 : vector<1x1x16xf32> to vector<16xf32>
      %swap3A_640 = vector.shape_cast %add3A_634 : vector<16xf32> to vector<1x1x16xf32>
      tpu.vector_store %arg7[%swap3A_635, %swap3A_636, %swap3A_637], %swap3A_640 {strides = array<i32>} : memref<2x448x32xf32, #tpu.memory_space<vmem>>, vector<1x1x16xf32>,
      %add3A_641 = arith.constant 0 : i32
      %add3A_642 = arith.addi %add3A_618, %add3A_641 : i32
      %get3A_643 = arith.constant 1 : i32
      %get3A_644 = arith.index_cast %get3A_643 : i32 to index
      %get3A_645 = arith.index_cast %add3A_642 : i32 to index
      %get3A_646 = arith.constant 32 : index
      %get3A_647 = tpu.vector_load %arg6[%get3A_644, %get3A_645, %get3A_646] {strides = array<i32>} : memref<2x184x128xf32, #tpu.memory_space<vmem>>, vector<1x1x16xf32>,
      %get3A_648 = vector.shape_cast %get3A_647 : vector<1x1x16xf32> to vector<16xf32>
      %add3A_649 = arith.addf %get3A_627, %get3A_648 : vector<16xf32>
      %add3A_650 = arith.constant 1 : i32
      %add3A_651 = arith.addi %add3A_622, %add3A_650 : i32
      %swap3A_652 = arith.constant 0 : i32
      %swap3A_653 = arith.index_cast %swap3A_652 : i32 to index
      %swap3A_654 = arith.index_cast %add3A_651 : i32 to index
      %swap3A_655 = arith.constant 0 : index
      %swap3A_656 = tpu.vector_load %arg7[%swap3A_653, %swap3A_654, %swap3A_655] {strides = array<i32>} : memref<2x448x32xf32, #tpu.memory_space<vmem>>, vector<1x1x16xf32>,
      %swap3A_657 = vector.shape_cast %swap3A_656 : vector<1x1x16xf32> to vector<16xf32>
      %swap3A_658 = vector.shape_cast %add3A_649 : vector<16xf32> to vector<1x1x16xf32>
      tpu.vector_store %arg7[%swap3A_653, %swap3A_654, %swap3A_655], %swap3A_658 {strides = array<i32>} : memref<2x448x32xf32, #tpu.memory_space<vmem>>, vector<1x1x16xf32>,
      %mul3A_659 = arith.constant 8 : i32
      %mul3A_660 = arith.muli %mul3A_659, %scan3A_614 : i32
      %add3A_661 = arith.constant 0 : i32
      %add3A_662 = arith.addi %mul3A_660, %add3A_661 : i32
      %get3A_663 = arith.constant 1 : i32
      %get3A_664 = arith.index_cast %get3A_663 : i32 to index
      %get3A_665 = arith.index_cast %scan3A_614 : i32 to index
      %get3A_666 = arith.constant 16 : index
      %get3A_667 = tpu.vector_load %arg5[%get3A_664, %get3A_665, %get3A_666] {strides = array<i32>} : memref<2x56x128xf32, #tpu.memory_space<vmem>>, vector<1x1x16xf32>,
      %get3A_668 = vector.shape_cast %get3A_667 : vector<1x1x16xf32> to vector<16xf32>
      %get3A_669 = arith.constant 1 : i32
      %get3A_670 = arith.index_cast %get3A_669 : i32 to index
      %get3A_671 = arith.index_cast %add3A_617 : i32 to index
      %get3A_672 = arith.constant 16 : index
      %get3A_673 = tpu.vector_load %arg6[%get3A_670, %get3A_671, %get3A_672] {strides = array<i32>} : memref<2x184x128xf32, #tpu.memory_space<vmem>>, vector<1x1x16xf32>,
      %get3A_674 = vector.shape_cast %get3A_673 : vector<1x1x16xf32> to vector<16xf32>
      %add3A_675 = arith.addf %get3A_668, %get3A_674 : vector<16xf32>
      %swap3A_676 = arith.constant 0 : i32
      %swap3A_677 = arith.index_cast %swap3A_676 : i32 to index
      %swap3A_678 = arith.index_cast %add3A_662 : i32 to index
      %swap3A_679 = arith.constant 16 : index
      %swap3A_680 = tpu.vector_load %arg7[%swap3A_677, %swap3A_678, %swap3A_679] {strides = array<i32>} : memref<2x448x32xf32, #tpu.memory_space<vmem>>, vector<1x1x16xf32>,
      %swap3A_681 = vector.shape_cast %swap3A_680 : vector<1x1x16xf32> to vector<16xf32>
      %swap3A_682 = vector.shape_cast %add3A_675 : vector<16xf32> to vector<1x1x16xf32>
      tpu.vector_store %arg7[%swap3A_677, %swap3A_678, %swap3A_679], %swap3A_682 {strides = array<i32>} : memref<2x448x32xf32, #tpu.memory_space<vmem>>, vector<1x1x16xf32>,
      %add3A_683 = arith.constant 0 : i32
      %add3A_684 = arith.addi %add3A_618, %add3A_683 : i32
      %get3A_685 = arith.constant 1 : i32
      %get3A_686 = arith.index_cast %get3A_685 : i32 to index
      %get3A_687 = arith.index_cast %add3A_684 : i32 to index
      %get3A_688 = arith.constant 48 : index
      %get3A_689 = tpu.vector_load %arg6[%get3A_686, %get3A_687, %get3A_688] {strides = array<i32>} : memref<2x184x128xf32, #tpu.memory_space<vmem>>, vector<1x1x16xf32>,
      %get3A_690 = vector.shape_cast %get3A_689 : vector<1x1x16xf32> to vector<16xf32>
      %add3A_691 = arith.addf %get3A_668, %get3A_690 : vector<16xf32>
      %add3A_692 = arith.constant 1 : i32
      %add3A_693 = arith.addi %add3A_662, %add3A_692 : i32
      %swap3A_694 = arith.constant 0 : i32
      %swap3A_695 = arith.index_cast %swap3A_694 : i32 to index
      %swap3A_696 = arith.index_cast %add3A_693 : i32 to index
      %swap3A_697 = arith.constant 16 : index
      %swap3A_698 = tpu.vector_load %arg7[%swap3A_695, %swap3A_696, %swap3A_697] {strides = array<i32>} : memref<2x448x32xf32, #tpu.memory_space<vmem>>, vector<1x1x16xf32>,
      %swap3A_699 = vector.shape_cast %swap3A_698 : vector<1x1x16xf32> to vector<16xf32>
      %swap3A_700 = vector.shape_cast %add3A_691 : vector<16xf32> to vector<1x1x16xf32>
      tpu.vector_store %arg7[%swap3A_695, %swap3A_696, %swap3A_697], %swap3A_700 {strides = array<i32>} : memref<2x448x32xf32, #tpu.memory_space<vmem>>, vector<1x1x16xf32>,
      %mul3A_701 = arith.constant 8 : i32
      %mul3A_702 = arith.muli %mul3A_701, %scan3A_614 : i32
      %add3A_703 = arith.constant 2 : i32
      %add3A_704 = arith.addi %mul3A_702, %add3A_703 : i32
      %get3A_705 = arith.constant 1 : i32
      %get3A_706 = arith.index_cast %get3A_705 : i32 to index
      %get3A_707 = arith.index_cast %scan3A_614 : i32 to index
      %get3A_708 = arith.constant 32 : index
      %get3A_709 = tpu.vector_load %arg5[%get3A_706, %get3A_707, %get3A_708] {strides = array<i32>} : memref<2x56x128xf32, #tpu.memory_space<vmem>>, vector<1x1x16xf32>,
      %get3A_710 = vector.shape_cast %get3A_709 : vector<1x1x16xf32> to vector<16xf32>
      %get3A_711 = arith.constant 1 : i32
      %get3A_712 = arith.index_cast %get3A_711 : i32 to index
      %get3A_713 = arith.index_cast %add3A_617 : i32 to index
      %get3A_714 = arith.constant 32 : index
      %get3A_715 = tpu.vector_load %arg6[%get3A_712, %get3A_713, %get3A_714] {strides = array<i32>} : memref<2x184x128xf32, #tpu.memory_space<vmem>>, vector<1x1x16xf32>,
      %get3A_716 = vector.shape_cast %get3A_715 : vector<1x1x16xf32> to vector<16xf32>
      %add3A_717 = arith.addf %get3A_710, %get3A_716 : vector<16xf32>
      %swap3A_718 = arith.constant 0 : i32
      %swap3A_719 = arith.index_cast %swap3A_718 : i32 to index
      %swap3A_720 = arith.index_cast %add3A_704 : i32 to index
      %swap3A_721 = arith.constant 0 : index
      %swap3A_722 = tpu.vector_load %arg7[%swap3A_719, %swap3A_720, %swap3A_721] {strides = array<i32>} : memref<2x448x32xf32, #tpu.memory_space<vmem>>, vector<1x1x16xf32>,
      %swap3A_723 = vector.shape_cast %swap3A_722 : vector<1x1x16xf32> to vector<16xf32>
      %swap3A_724 = vector.shape_cast %add3A_717 : vector<16xf32> to vector<1x1x16xf32>
      tpu.vector_store %arg7[%swap3A_719, %swap3A_720, %swap3A_721], %swap3A_724 {strides = array<i32>} : memref<2x448x32xf32, #tpu.memory_space<vmem>>, vector<1x1x16xf32>,
      %add3A_725 = arith.constant 0 : i32
      %add3A_726 = arith.addi %add3A_618, %add3A_725 : i32
      %get3A_727 = arith.constant 1 : i32
      %get3A_728 = arith.index_cast %get3A_727 : i32 to index
      %get3A_729 = arith.index_cast %add3A_726 : i32 to index
      %get3A_730 = arith.constant 64 : index
      %get3A_731 = tpu.vector_load %arg6[%get3A_728, %get3A_729, %get3A_730] {strides = array<i32>} : memref<2x184x128xf32, #tpu.memory_space<vmem>>, vector<1x1x16xf32>,
      %get3A_732 = vector.shape_cast %get3A_731 : vector<1x1x16xf32> to vector<16xf32>
      %add3A_733 = arith.addf %get3A_710, %get3A_732 : vector<16xf32>
      %add3A_734 = arith.constant 1 : i32
      %add3A_735 = arith.addi %add3A_704, %add3A_734 : i32
      %swap3A_736 = arith.constant 0 : i32
      %swap3A_737 = arith.index_cast %swap3A_736 : i32 to index
      %swap3A_738 = arith.index_cast %add3A_735 : i32 to index
      %swap3A_739 = arith.constant 0 : index
      %swap3A_740 = tpu.vector_load %arg7[%swap3A_737, %swap3A_738, %swap3A_739] {strides = array<i32>} : memref<2x448x32xf32, #tpu.memory_space<vmem>>, vector<1x1x16xf32>,
      %swap3A_741 = vector.shape_cast %swap3A_740 : vector<1x1x16xf32> to vector<16xf32>
      %swap3A_742 = vector.shape_cast %add3A_733 : vector<16xf32> to vector<1x1x16xf32>
      tpu.vector_store %arg7[%swap3A_737, %swap3A_738, %swap3A_739], %swap3A_742 {strides = array<i32>} : memref<2x448x32xf32, #tpu.memory_space<vmem>>, vector<1x1x16xf32>,
      %mul3A_743 = arith.constant 8 : i32
      %mul3A_744 = arith.muli %mul3A_743, %scan3A_614 : i32
      %add3A_745 = arith.constant 2 : i32
      %add3A_746 = arith.addi %mul3A_744, %add3A_745 : i32
      %get3A_747 = arith.constant 1 : i32
      %get3A_748 = arith.index_cast %get3A_747 : i32 to index
      %get3A_749 = arith.index_cast %scan3A_614 : i32 to index
      %get3A_750 = arith.constant 48 : index
      %get3A_751 = tpu.vector_load %arg5[%get3A_748, %get3A_749, %get3A_750] {strides = array<i32>} : memref<2x56x128xf32, #tpu.memory_space<vmem>>, vector<1x1x16xf32>,
      %get3A_752 = vector.shape_cast %get3A_751 : vector<1x1x16xf32> to vector<16xf32>
      %get3A_753 = arith.constant 1 : i32
      %get3A_754 = arith.index_cast %get3A_753 : i32 to index
      %get3A_755 = arith.index_cast %add3A_617 : i32 to index
      %get3A_756 = arith.constant 48 : index
      %get3A_757 = tpu.vector_load %arg6[%get3A_754, %get3A_755, %get3A_756] {strides = array<i32>} : memref<2x184x128xf32, #tpu.memory_space<vmem>>, vector<1x1x16xf32>,
      %get3A_758 = vector.shape_cast %get3A_757 : vector<1x1x16xf32> to vector<16xf32>
      %add3A_759 = arith.addf %get3A_752, %get3A_758 : vector<16xf32>
      %swap3A_760 = arith.constant 0 : i32
      %swap3A_761 = arith.index_cast %swap3A_760 : i32 to index
      %swap3A_762 = arith.index_cast %add3A_746 : i32 to index
      %swap3A_763 = arith.constant 16 : index
      %swap3A_764 = tpu.vector_load %arg7[%swap3A_761, %swap3A_762, %swap3A_763] {strides = array<i32>} : memref<2x448x32xf32, #tpu.memory_space<vmem>>, vector<1x1x16xf32>,
      %swap3A_765 = vector.shape_cast %swap3A_764 : vector<1x1x16xf32> to vector<16xf32>
      %swap3A_766 = vector.shape_cast %add3A_759 : vector<16xf32> to vector<1x1x16xf32>
      tpu.vector_store %arg7[%swap3A_761, %swap3A_762, %swap3A_763], %swap3A_766 {strides = array<i32>} : memref<2x448x32xf32, #tpu.memory_space<vmem>>, vector<1x1x16xf32>,
      %add3A_767 = arith.constant 0 : i32
      %add3A_768 = arith.addi %add3A_618, %add3A_767 : i32
      %get3A_769 = arith.constant 1 : i32
      %get3A_770 = arith.index_cast %get3A_769 : i32 to index
      %get3A_771 = arith.index_cast %add3A_768 : i32 to index
      %get3A_772 = arith.constant 80 : index
      %get3A_773 = tpu.vector_load %arg6[%get3A_770, %get3A_771, %get3A_772] {strides = array<i32>} : memref<2x184x128xf32, #tpu.memory_space<vmem>>, vector<1x1x16xf32>,
      %get3A_774 = vector.shape_cast %get3A_773 : vector<1x1x16xf32> to vector<16xf32>
      %add3A_775 = arith.addf %get3A_752, %get3A_774 : vector<16xf32>
      %add3A_776 = arith.constant 1 : i32
      %add3A_777 = arith.addi %add3A_746, %add3A_776 : i32
      %swap3A_778 = arith.constant 0 : i32
      %swap3A_779 = arith.index_cast %swap3A_778 : i32 to index
      %swap3A_780 = arith.index_cast %add3A_777 : i32 to index
      %swap3A_781 = arith.constant 16 : index
      %swap3A_782 = tpu.vector_load %arg7[%swap3A_779, %swap3A_780, %swap3A_781] {strides = array<i32>} : memref<2x448x32xf32, #tpu.memory_space<vmem>>, vector<1x1x16xf32>,
      %swap3A_783 = vector.shape_cast %swap3A_782 : vector<1x1x16xf32> to vector<16xf32>
      %swap3A_784 = vector.shape_cast %add3A_775 : vector<16xf32> to vector<1x1x16xf32>
      tpu.vector_store %arg7[%swap3A_779, %swap3A_780, %swap3A_781], %swap3A_784 {strides = array<i32>} : memref<2x448x32xf32, #tpu.memory_space<vmem>>, vector<1x1x16xf32>,
      %mul3A_785 = arith.constant 8 : i32
      %mul3A_786 = arith.muli %mul3A_785, %scan3A_614 : i32
      %add3A_787 = arith.constant 4 : i32
      %add3A_788 = arith.addi %mul3A_786, %add3A_787 : i32
      %get3A_789 = arith.constant 1 : i32
      %get3A_790 = arith.index_cast %get3A_789 : i32 to index
      %get3A_791 = arith.index_cast %scan3A_614 : i32 to index
      %get3A_792 = arith.constant 64 : index
      %get3A_793 = tpu.vector_load %arg5[%get3A_790, %get3A_791, %get3A_792] {strides = array<i32>} : memref<2x56x128xf32, #tpu.memory_space<vmem>>, vector<1x1x16xf32>,
      %get3A_794 = vector.shape_cast %get3A_793 : vector<1x1x16xf32> to vector<16xf32>
      %get3A_795 = arith.constant 1 : i32
      %get3A_796 = arith.index_cast %get3A_795 : i32 to index
      %get3A_797 = arith.index_cast %add3A_617 : i32 to index
      %get3A_798 = arith.constant 64 : index
      %get3A_799 = tpu.vector_load %arg6[%get3A_796, %get3A_797, %get3A_798] {strides = array<i32>} : memref<2x184x128xf32, #tpu.memory_space<vmem>>, vector<1x1x16xf32>,
      %get3A_800 = vector.shape_cast %get3A_799 : vector<1x1x16xf32> to vector<16xf32>
      %add3A_801 = arith.addf %get3A_794, %get3A_800 : vector<16xf32>
      %swap3A_802 = arith.constant 0 : i32
      %swap3A_803 = arith.index_cast %swap3A_802 : i32 to index
      %swap3A_804 = arith.index_cast %add3A_788 : i32 to index
      %swap3A_805 = arith.constant 0 : index
      %swap3A_806 = tpu.vector_load %arg7[%swap3A_803, %swap3A_804, %swap3A_805] {strides = array<i32>} : memref<2x448x32xf32, #tpu.memory_space<vmem>>, vector<1x1x16xf32>,
      %swap3A_807 = vector.shape_cast %swap3A_806 : vector<1x1x16xf32> to vector<16xf32>
      %swap3A_808 = vector.shape_cast %add3A_801 : vector<16xf32> to vector<1x1x16xf32>
      tpu.vector_store %arg7[%swap3A_803, %swap3A_804, %swap3A_805], %swap3A_808 {strides = array<i32>} : memref<2x448x32xf32, #tpu.memory_space<vmem>>, vector<1x1x16xf32>,
      %add3A_809 = arith.constant 0 : i32
      %add3A_810 = arith.addi %add3A_618, %add3A_809 : i32
      %get3A_811 = arith.constant 1 : i32
      %get3A_812 = arith.index_cast %get3A_811 : i32 to index
      %get3A_813 = arith.index_cast %add3A_810 : i32 to index
      %get3A_814 = arith.constant 96 : index
      %get3A_815 = tpu.vector_load %arg6[%get3A_812, %get3A_813, %get3A_814] {strides = array<i32>} : memref<2x184x128xf32, #tpu.memory_space<vmem>>, vector<1x1x16xf32>,
      %get3A_816 = vector.shape_cast %get3A_815 : vector<1x1x16xf32> to vector<16xf32>
      %add3A_817 = arith.addf %get3A_794, %get3A_816 : vector<16xf32>
      %add3A_818 = arith.constant 1 : i32
      %add3A_819 = arith.addi %add3A_788, %add3A_818 : i32
      %swap3A_820 = arith.constant 0 : i32
      %swap3A_821 = arith.index_cast %swap3A_820 : i32 to index
      %swap3A_822 = arith.index_cast %add3A_819 : i32 to index
      %swap3A_823 = arith.constant 0 : index
      %swap3A_824 = tpu.vector_load %arg7[%swap3A_821, %swap3A_822, %swap3A_823] {strides = array<i32>} : memref<2x448x32xf32, #tpu.memory_space<vmem>>, vector<1x1x16xf32>,
      %swap3A_825 = vector.shape_cast %swap3A_824 : vector<1x1x16xf32> to vector<16xf32>
      %swap3A_826 = vector.shape_cast %add3A_817 : vector<16xf32> to vector<1x1x16xf32>
      tpu.vector_store %arg7[%swap3A_821, %swap3A_822, %swap3A_823], %swap3A_826 {strides = array<i32>} : memref<2x448x32xf32, #tpu.memory_space<vmem>>, vector<1x1x16xf32>,
      %mul3A_827 = arith.constant 8 : i32
      %mul3A_828 = arith.muli %mul3A_827, %scan3A_614 : i32
      %add3A_829 = arith.constant 4 : i32
      %add3A_830 = arith.addi %mul3A_828, %add3A_829 : i32
      %get3A_831 = arith.constant 1 : i32
      %get3A_832 = arith.index_cast %get3A_831 : i32 to index
      %get3A_833 = arith.index_cast %scan3A_614 : i32 to index
      %get3A_834 = arith.constant 80 : index
      %get3A_835 = tpu.vector_load %arg5[%get3A_832, %get3A_833, %get3A_834] {strides = array<i32>} : memref<2x56x128xf32, #tpu.memory_space<vmem>>, vector<1x1x16xf32>,
      %get3A_836 = vector.shape_cast %get3A_835 : vector<1x1x16xf32> to vector<16xf32>
      %get3A_837 = arith.constant 1 : i32
      %get3A_838 = arith.index_cast %get3A_837 : i32 to index
      %get3A_839 = arith.index_cast %add3A_617 : i32 to index
      %get3A_840 = arith.constant 80 : index
      %get3A_841 = tpu.vector_load %arg6[%get3A_838, %get3A_839, %get3A_840] {strides = array<i32>} : memref<2x184x128xf32, #tpu.memory_space<vmem>>, vector<1x1x16xf32>,
      %get3A_842 = vector.shape_cast %get3A_841 : vector<1x1x16xf32> to vector<16xf32>
      %add3A_843 = arith.addf %get3A_836, %get3A_842 : vector<16xf32>
      %swap3A_844 = arith.constant 0 : i32
      %swap3A_845 = arith.index_cast %swap3A_844 : i32 to index
      %swap3A_846 = arith.index_cast %add3A_830 : i32 to index
      %swap3A_847 = arith.constant 16 : index
      %swap3A_848 = tpu.vector_load %arg7[%swap3A_845, %swap3A_846, %swap3A_847] {strides = array<i32>} : memref<2x448x32xf32, #tpu.memory_space<vmem>>, vector<1x1x16xf32>,
      %swap3A_849 = vector.shape_cast %swap3A_848 : vector<1x1x16xf32> to vector<16xf32>
      %swap3A_850 = vector.shape_cast %add3A_843 : vector<16xf32> to vector<1x1x16xf32>
      tpu.vector_store %arg7[%swap3A_845, %swap3A_846, %swap3A_847], %swap3A_850 {strides = array<i32>} : memref<2x448x32xf32, #tpu.memory_space<vmem>>, vector<1x1x16xf32>,
      %add3A_851 = arith.constant 0 : i32
      %add3A_852 = arith.addi %add3A_618, %add3A_851 : i32
      %get3A_853 = arith.constant 1 : i32
      %get3A_854 = arith.index_cast %get3A_853 : i32 to index
      %get3A_855 = arith.index_cast %add3A_852 : i32 to index
      %get3A_856 = arith.constant 112 : index
      %get3A_857 = tpu.vector_load %arg6[%get3A_854, %get3A_855, %get3A_856] {strides = array<i32>} : memref<2x184x128xf32, #tpu.memory_space<vmem>>, vector<1x1x16xf32>,
      %get3A_858 = vector.shape_cast %get3A_857 : vector<1x1x16xf32> to vector<16xf32>
      %add3A_859 = arith.addf %get3A_836, %get3A_858 : vector<16xf32>
      %add3A_860 = arith.constant 1 : i32
      %add3A_861 = arith.addi %add3A_830, %add3A_860 : i32
      %swap3A_862 = arith.constant 0 : i32
      %swap3A_863 = arith.index_cast %swap3A_862 : i32 to index
      %swap3A_864 = arith.index_cast %add3A_861 : i32 to index
      %swap3A_865 = arith.constant 16 : index
      %swap3A_866 = tpu.vector_load %arg7[%swap3A_863, %swap3A_864, %swap3A_865] {strides = array<i32>} : memref<2x448x32xf32, #tpu.memory_space<vmem>>, vector<1x1x16xf32>,
      %swap3A_867 = vector.shape_cast %swap3A_866 : vector<1x1x16xf32> to vector<16xf32>
      %swap3A_868 = vector.shape_cast %add3A_859 : vector<16xf32> to vector<1x1x16xf32>
      tpu.vector_store %arg7[%swap3A_863, %swap3A_864, %swap3A_865], %swap3A_868 {strides = array<i32>} : memref<2x448x32xf32, #tpu.memory_space<vmem>>, vector<1x1x16xf32>,
      %mul3A_869 = arith.constant 8 : i32
      %mul3A_870 = arith.muli %mul3A_869, %scan3A_614 : i32
      %add3A_871 = arith.constant 6 : i32
      %add3A_872 = arith.addi %mul3A_870, %add3A_871 : i32
      %get3A_873 = arith.constant 1 : i32
      %get3A_874 = arith.index_cast %get3A_873 : i32 to index
      %get3A_875 = arith.index_cast %scan3A_614 : i32 to index
      %get3A_876 = arith.constant 96 : index
      %get3A_877 = tpu.vector_load %arg5[%get3A_874, %get3A_875, %get3A_876] {strides = array<i32>} : memref<2x56x128xf32, #tpu.memory_space<vmem>>, vector<1x1x16xf32>,
      %get3A_878 = vector.shape_cast %get3A_877 : vector<1x1x16xf32> to vector<16xf32>
      %get3A_879 = arith.constant 1 : i32
      %get3A_880 = arith.index_cast %get3A_879 : i32 to index
      %get3A_881 = arith.index_cast %add3A_617 : i32 to index
      %get3A_882 = arith.constant 96 : index
      %get3A_883 = tpu.vector_load %arg6[%get3A_880, %get3A_881, %get3A_882] {strides = array<i32>} : memref<2x184x128xf32, #tpu.memory_space<vmem>>, vector<1x1x16xf32>,
      %get3A_884 = vector.shape_cast %get3A_883 : vector<1x1x16xf32> to vector<16xf32>
      %add3A_885 = arith.addf %get3A_878, %get3A_884 : vector<16xf32>
      %swap3A_886 = arith.constant 0 : i32
      %swap3A_887 = arith.index_cast %swap3A_886 : i32 to index
      %swap3A_888 = arith.index_cast %add3A_872 : i32 to index
      %swap3A_889 = arith.constant 0 : index
      %swap3A_890 = tpu.vector_load %arg7[%swap3A_887, %swap3A_888, %swap3A_889] {strides = array<i32>} : memref<2x448x32xf32, #tpu.memory_space<vmem>>, vector<1x1x16xf32>,
      %swap3A_891 = vector.shape_cast %swap3A_890 : vector<1x1x16xf32> to vector<16xf32>
      %swap3A_892 = vector.shape_cast %add3A_885 : vector<16xf32> to vector<1x1x16xf32>
      tpu.vector_store %arg7[%swap3A_887, %swap3A_888, %swap3A_889], %swap3A_892 {strides = array<i32>} : memref<2x448x32xf32, #tpu.memory_space<vmem>>, vector<1x1x16xf32>,
      %add3A_893 = arith.constant 1 : i32
      %add3A_894 = arith.addi %add3A_618, %add3A_893 : i32
      %get3A_895 = arith.constant 1 : i32
      %get3A_896 = arith.index_cast %get3A_895 : i32 to index
      %get3A_897 = arith.index_cast %add3A_894 : i32 to index
      %get3A_898 = arith.constant 0 : index
      %get3A_899 = tpu.vector_load %arg6[%get3A_896, %get3A_897, %get3A_898] {strides = array<i32>} : memref<2x184x128xf32, #tpu.memory_space<vmem>>, vector<1x1x16xf32>,
      %get3A_900 = vector.shape_cast %get3A_899 : vector<1x1x16xf32> to vector<16xf32>
      %add3A_901 = arith.addf %get3A_878, %get3A_900 : vector<16xf32>
      %add3A_902 = arith.constant 1 : i32
      %add3A_903 = arith.addi %add3A_872, %add3A_902 : i32
      %swap3A_904 = arith.constant 0 : i32
      %swap3A_905 = arith.index_cast %swap3A_904 : i32 to index
      %swap3A_906 = arith.index_cast %add3A_903 : i32 to index
      %swap3A_907 = arith.constant 0 : index
      %swap3A_908 = tpu.vector_load %arg7[%swap3A_905, %swap3A_906, %swap3A_907] {strides = array<i32>} : memref<2x448x32xf32, #tpu.memory_space<vmem>>, vector<1x1x16xf32>,
      %swap3A_909 = vector.shape_cast %swap3A_908 : vector<1x1x16xf32> to vector<16xf32>
      %swap3A_910 = vector.shape_cast %add3A_901 : vector<16xf32> to vector<1x1x16xf32>
      tpu.vector_store %arg7[%swap3A_905, %swap3A_906, %swap3A_907], %swap3A_910 {strides = array<i32>} : memref<2x448x32xf32, #tpu.memory_space<vmem>>, vector<1x1x16xf32>,
      %mul3A_911 = arith.constant 8 : i32
      %mul3A_912 = arith.muli %mul3A_911, %scan3A_614 : i32
      %add3A_913 = arith.constant 6 : i32
      %add3A_914 = arith.addi %mul3A_912, %add3A_913 : i32
      %get3A_915 = arith.constant 1 : i32
      %get3A_916 = arith.index_cast %get3A_915 : i32 to index
      %get3A_917 = arith.index_cast %scan3A_614 : i32 to index
      %get3A_918 = arith.constant 112 : index
      %get3A_919 = tpu.vector_load %arg5[%get3A_916, %get3A_917, %get3A_918] {strides = array<i32>} : memref<2x56x128xf32, #tpu.memory_space<vmem>>, vector<1x1x16xf32>,
      %get3A_920 = vector.shape_cast %get3A_919 : vector<1x1x16xf32> to vector<16xf32>
      %get3A_921 = arith.constant 1 : i32
      %get3A_922 = arith.index_cast %get3A_921 : i32 to index
      %get3A_923 = arith.index_cast %add3A_617 : i32 to index
      %get3A_924 = arith.constant 112 : index
      %get3A_925 = tpu.vector_load %arg6[%get3A_922, %get3A_923, %get3A_924] {strides = array<i32>} : memref<2x184x128xf32, #tpu.memory_space<vmem>>, vector<1x1x16xf32>,
      %get3A_926 = vector.shape_cast %get3A_925 : vector<1x1x16xf32> to vector<16xf32>
      %add3A_927 = arith.addf %get3A_920, %get3A_926 : vector<16xf32>
      %swap3A_928 = arith.constant 0 : i32
      %swap3A_929 = arith.index_cast %swap3A_928 : i32 to index
      %swap3A_930 = arith.index_cast %add3A_914 : i32 to index
      %swap3A_931 = arith.constant 16 : index
      %swap3A_932 = tpu.vector_load %arg7[%swap3A_929, %swap3A_930, %swap3A_931] {strides = array<i32>} : memref<2x448x32xf32, #tpu.memory_space<vmem>>, vector<1x1x16xf32>,
      %swap3A_933 = vector.shape_cast %swap3A_932 : vector<1x1x16xf32> to vector<16xf32>
      %swap3A_934 = vector.shape_cast %add3A_927 : vector<16xf32> to vector<1x1x16xf32>
      tpu.vector_store %arg7[%swap3A_929, %swap3A_930, %swap3A_931], %swap3A_934 {strides = array<i32>} : memref<2x448x32xf32, #tpu.memory_space<vmem>>, vector<1x1x16xf32>,
      %add3A_935 = arith.constant 1 : i32
      %add3A_936 = arith.addi %add3A_618, %add3A_935 : i32
      %get3A_937 = arith.constant 1 : i32
      %get3A_938 = arith.index_cast %get3A_937 : i32 to index
      %get3A_939 = arith.index_cast %add3A_936 : i32 to index
      %get3A_940 = arith.constant 16 : index
      %get3A_941 = tpu.vector_load %arg6[%get3A_938, %get3A_939, %get3A_940] {strides = array<i32>} : memref<2x184x128xf32, #tpu.memory_space<vmem>>, vector<1x1x16xf32>,
      %get3A_942 = vector.shape_cast %get3A_941 : vector<1x1x16xf32> to vector<16xf32>
      %add3A_943 = arith.addf %get3A_920, %get3A_942 : vector<16xf32>
      %add3A_944 = arith.constant 1 : i32
      %add3A_945 = arith.addi %add3A_914, %add3A_944 : i32
      %swap3A_946 = arith.constant 0 : i32
      %swap3A_947 = arith.index_cast %swap3A_946 : i32 to index
      %swap3A_948 = arith.index_cast %add3A_945 : i32 to index
      %swap3A_949 = arith.constant 16 : index
      %swap3A_950 = tpu.vector_load %arg7[%swap3A_947, %swap3A_948, %swap3A_949] {strides = array<i32>} : memref<2x448x32xf32, #tpu.memory_space<vmem>>, vector<1x1x16xf32>,
      %swap3A_951 = vector.shape_cast %swap3A_950 : vector<1x1x16xf32> to vector<16xf32>
      %swap3A_952 = vector.shape_cast %add3A_943 : vector<16xf32> to vector<1x1x16xf32>
      tpu.vector_store %arg7[%swap3A_947, %swap3A_948, %swap3A_949], %swap3A_952 {strides = array<i32>} : memref<2x448x32xf32, #tpu.memory_space<vmem>>, vector<1x1x16xf32>,
    }
    %scan3A_194 = arith.constant 56 : i32
    %lt3A_195 = arith.constant 223 : i32
    %lt3A_196 = arith.cmpi slt, %add3A_119, %lt3A_195 : i32
    %convert_element_type3A_197 = arith.extui %lt3A_196 : i1 to i32
    %cond3A_198 = arith.constant 0 : i32
    %cond3A_199 = arith.cmpi ne, %convert_element_type3A_197, %cond3A_198 : i32
    scf.if %cond3A_199 {
      %mul3A_614 = arith.constant 447 : i32
      %mul3A_615 = arith.muli %add3A_119, %mul3A_614 : i32
      %run_scoped3A = arith.constant 0 : i32
      "tpu.region"() ({
        %run_scoped3A_616 = tpu.sem_alloc : memref<!tpu.dma_semaphore, #tpu.memory_space<semaphore_mem>>
        %dma_start3A_617 = arith.constant 0 : i32
        %dma_start3A_618 = arith.constant 0 : i32
        %dma_start3A_619 = tpu.memref_slice %arg7[%run_scoped3A, %dma_start3A_617, %dma_start3A_618] : memref<2x448x32xf32, #tpu.memory_space<vmem>> -> memref<1x447x32xf32, #tpu.memory_space<vmem>>
        %dma_start3A_620 = tpu.memref_squeeze %dma_start3A_619 : memref<1x447x32xf32, #tpu.memory_space<vmem>> -> memref<447x32xf32, #tpu.memory_space<vmem>>
        %dma_start3A_621 = arith.constant 0 : i32
        %dma_start3A_622 = tpu.memref_slice %arg4[%mul3A_615, %dma_start3A_621] : memref<99904x32xf32, #tpu.memory_space<hbm>> -> memref<447x32xf32, #tpu.memory_space<hbm>>
        %dma_start3A_623 = arith.constant 0 : i32
        %dma_start3A_624 = tpu.memref_slice %arg4[%mul3A_615, %dma_start3A_623] : memref<99904x32xf32, #tpu.memory_space<hbm>> -> memref<447x32xf32, #tpu.memory_space<hbm>>
        %dma_start3A_625 = arith.constant 0 : i32
        %dma_start3A_626 = arith.constant 0 : i32
        %dma_start3A_627 = tpu.memref_slice %arg7[%run_scoped3A, %dma_start3A_625, %dma_start3A_626] : memref<2x448x32xf32, #tpu.memory_space<vmem>> -> memref<1x447x32xf32, #tpu.memory_space<vmem>>
        %dma_start3A_628 = tpu.memref_squeeze %dma_start3A_627 : memref<1x447x32xf32, #tpu.memory_space<vmem>> -> memref<447x32xf32, #tpu.memory_space<vmem>>
        tpu.enqueue_dma source(%dma_start3A_628 : memref<447x32xf32, #tpu.memory_space<vmem>>) target(%dma_start3A_624 : memref<447x32xf32, #tpu.memory_space<hbm>>) target_semaphore(%run_scoped3A_616 : memref<!tpu.dma_semaphore, #tpu.memory_space<semaphore_mem>>)
        %dma_wait3A_629 = arith.constant 0 : i32
        %dma_wait3A_630 = arith.constant 0 : i32
        %dma_wait3A_631 = tpu.memref_slice %arg7[%run_scoped3A, %dma_wait3A_629, %dma_wait3A_630] : memref<2x448x32xf32, #tpu.memory_space<vmem>> -> memref<1x447x32xf32, #tpu.memory_space<vmem>>
        %dma_wait3A_632 = tpu.memref_squeeze %dma_wait3A_631 : memref<1x447x32xf32, #tpu.memory_space<vmem>> -> memref<447x32xf32, #tpu.memory_space<vmem>>
        %dma_wait3A_633 = arith.constant 0 : i32
        %dma_wait3A_634 = tpu.memref_slice %arg4[%mul3A_615, %dma_wait3A_633] : memref<99904x32xf32, #tpu.memory_space<hbm>> -> memref<447x32xf32, #tpu.memory_space<hbm>>
        %dma_wait3A_635 = arith.constant 0 : i32
        %dma_wait3A_636 = tpu.memref_slice %arg4[%mul3A_615, %dma_wait3A_635] : memref<99904x32xf32, #tpu.memory_space<hbm>> -> memref<447x32xf32, #tpu.memory_space<hbm>>
        %dma_wait3A_637 = arith.constant 0 : i32
        %dma_wait3A_638 = arith.constant 0 : i32
        %dma_wait3A_639 = tpu.memref_slice %arg7[%run_scoped3A, %dma_wait3A_637, %dma_wait3A_638] : memref<2x448x32xf32, #tpu.memory_space<vmem>> -> memref<1x447x32xf32, #tpu.memory_space<vmem>>
        %dma_wait3A_640 = tpu.memref_squeeze %dma_wait3A_639 : memref<1x447x32xf32, #tpu.memory_space<vmem>> -> memref<447x32xf32, #tpu.memory_space<vmem>>
        tpu.wait_dma2 semaphore(%run_scoped3A_616 : memref<!tpu.dma_semaphore, #tpu.memory_space<semaphore_mem>>) src(%dma_wait3A_640 : memref<447x32xf32, #tpu.memory_space<vmem>>) dst(%dma_wait3A_636 : memref<447x32xf32, #tpu.memory_space<hbm>>)
        tpu.yield
      }) : () -> ()
    } else {
    }
    %eq3A_200 = arith.constant 223 : i32
    %eq3A_201 = arith.cmpi eq, %add3A_119, %eq3A_200 : i32
    %convert_element_type3A_202 = arith.extui %eq3A_201 : i1 to i32
    %cond3A_203 = arith.constant 0 : i32
    %cond3A_204 = arith.cmpi ne, %convert_element_type3A_202, %cond3A_203 : i32
    scf.if %cond3A_204 {
      %scan3A_614 = arith.constant 0 : i32
      %scan3A_615 = arith.constant 0 : i32
      %scan3A_616 = arith.constant 223 : i32
      %scan3A_617 = arith.addi %scan3A_615, %scan3A_616 : i32
      %scan3A_618 = arith.constant 1 : i32
      scf.for %scan3A_620 = %scan3A_615 to %scan3A_617 step %scan3A_618  : i32 {
        %mul3A_621 = arith.constant 2 : i32
        %mul3A_622 = arith.muli %mul3A_621, %scan3A_620 : i32
        %add3A_623 = arith.constant 1 : i32
        %add3A_624 = arith.addi %mul3A_622, %add3A_623 : i32
        %get3A = arith.constant 0 : i32
        %get3A_625 = arith.index_cast %get3A : i32 to index
        %get3A_626 = arith.index_cast %add3A_624 : i32 to index
        %get3A_627 = arith.constant 0 : index
        %get3A_628 = tpu.vector_load %arg7[%get3A_625, %get3A_626, %get3A_627] {strides = array<i32>} : memref<2x448x32xf32, #tpu.memory_space<vmem>>, vector<1x1x16xf32>,
        %get3A_629 = vector.shape_cast %get3A_628 : vector<1x1x16xf32> to vector<16xf32>
        %swap3A = arith.index_cast %scan3A_620 : i32 to index
        %swap3A_630 = arith.constant 0 : index
        %swap3A_631 = tpu.vector_load %arg8[%swap3A, %swap3A_630] {strides = array<i32>} : memref<224x32xf32, #tpu.memory_space<vmem>>, vector<1x16xf32>,
        %swap3A_632 = vector.shape_cast %swap3A_631 : vector<1x16xf32> to vector<16xf32>
        %swap3A_633 = vector.shape_cast %get3A_629 : vector<16xf32> to vector<1x16xf32>
        tpu.vector_store %arg8[%swap3A, %swap3A_630], %swap3A_633 {strides = array<i32>} : memref<224x32xf32, #tpu.memory_space<vmem>>, vector<1x16xf32>,
        %mul3A_634 = arith.constant 2 : i32
        %mul3A_635 = arith.muli %mul3A_634, %scan3A_620 : i32
        %add3A_636 = arith.constant 1 : i32
        %add3A_637 = arith.addi %mul3A_635, %add3A_636 : i32
        %get3A_638 = arith.constant 0 : i32
        %get3A_639 = arith.index_cast %get3A_638 : i32 to index
        %get3A_640 = arith.index_cast %add3A_637 : i32 to index
        %get3A_641 = arith.constant 16 : index
        %get3A_642 = tpu.vector_load %arg7[%get3A_639, %get3A_640, %get3A_641] {strides = array<i32>} : memref<2x448x32xf32, #tpu.memory_space<vmem>>, vector<1x1x16xf32>,
        %get3A_643 = vector.shape_cast %get3A_642 : vector<1x1x16xf32> to vector<16xf32>
        %swap3A_644 = arith.index_cast %scan3A_620 : i32 to index
        %swap3A_645 = arith.constant 16 : index
        %swap3A_646 = tpu.vector_load %arg8[%swap3A_644, %swap3A_645] {strides = array<i32>} : memref<224x32xf32, #tpu.memory_space<vmem>>, vector<1x16xf32>,
        %swap3A_647 = vector.shape_cast %swap3A_646 : vector<1x16xf32> to vector<16xf32>
        %swap3A_648 = vector.shape_cast %get3A_643 : vector<16xf32> to vector<1x16xf32>
        tpu.vector_store %arg8[%swap3A_644, %swap3A_645], %swap3A_648 {strides = array<i32>} : memref<224x32xf32, #tpu.memory_space<vmem>>, vector<1x16xf32>,
      }
      %scan3A_619 = arith.constant 223 : i32
      "tpu.region"() ({
        %run_scoped3A = tpu.sem_alloc : memref<!tpu.dma_semaphore, #tpu.memory_space<semaphore_mem>>
        %dma_start3A_620 = arith.constant 0 : i32
        %dma_start3A_621 = arith.constant 0 : i32
        %dma_start3A_622 = tpu.memref_slice %arg8[%dma_start3A_620, %dma_start3A_621] : memref<224x32xf32, #tpu.memory_space<vmem>> -> memref<223x32xf32, #tpu.memory_space<vmem>>
        %dma_start3A_623 = arith.constant 99681 : i32
        %dma_start3A_624 = arith.constant 0 : i32
        %dma_start3A_625 = tpu.memref_slice %arg4[%dma_start3A_623, %dma_start3A_624] : memref<99904x32xf32, #tpu.memory_space<hbm>> -> memref<223x32xf32, #tpu.memory_space<hbm>>
        %dma_start3A_626 = arith.constant 99681 : i32
        %dma_start3A_627 = arith.constant 0 : i32
        %dma_start3A_628 = tpu.memref_slice %arg4[%dma_start3A_626, %dma_start3A_627] : memref<99904x32xf32, #tpu.memory_space<hbm>> -> memref<223x32xf32, #tpu.memory_space<hbm>>
        %dma_start3A_629 = arith.constant 0 : i32
        %dma_start3A_630 = arith.constant 0 : i32
        %dma_start3A_631 = tpu.memref_slice %arg8[%dma_start3A_629, %dma_start3A_630] : memref<224x32xf32, #tpu.memory_space<vmem>> -> memref<223x32xf32, #tpu.memory_space<vmem>>
        tpu.enqueue_dma source(%dma_start3A_631 : memref<223x32xf32, #tpu.memory_space<vmem>>) target(%dma_start3A_628 : memref<223x32xf32, #tpu.memory_space<hbm>>) target_semaphore(%run_scoped3A : memref<!tpu.dma_semaphore, #tpu.memory_space<semaphore_mem>>)
        %dma_wait3A_632 = arith.constant 0 : i32
        %dma_wait3A_633 = arith.constant 0 : i32
        %dma_wait3A_634 = tpu.memref_slice %arg8[%dma_wait3A_632, %dma_wait3A_633] : memref<224x32xf32, #tpu.memory_space<vmem>> -> memref<223x32xf32, #tpu.memory_space<vmem>>
        %dma_wait3A_635 = arith.constant 99681 : i32
        %dma_wait3A_636 = arith.constant 0 : i32
        %dma_wait3A_637 = tpu.memref_slice %arg4[%dma_wait3A_635, %dma_wait3A_636] : memref<99904x32xf32, #tpu.memory_space<hbm>> -> memref<223x32xf32, #tpu.memory_space<hbm>>
        %dma_wait3A_638 = arith.constant 99681 : i32
        %dma_wait3A_639 = arith.constant 0 : i32
        %dma_wait3A_640 = tpu.memref_slice %arg4[%dma_wait3A_638, %dma_wait3A_639] : memref<99904x32xf32, #tpu.memory_space<hbm>> -> memref<223x32xf32, #tpu.memory_space<hbm>>
        %dma_wait3A_641 = arith.constant 0 : i32
        %dma_wait3A_642 = arith.constant 0 : i32
        %dma_wait3A_643 = tpu.memref_slice %arg8[%dma_wait3A_641, %dma_wait3A_642] : memref<224x32xf32, #tpu.memory_space<vmem>> -> memref<223x32xf32, #tpu.memory_space<vmem>>
        tpu.wait_dma2 semaphore(%run_scoped3A : memref<!tpu.dma_semaphore, #tpu.memory_space<semaphore_mem>>) src(%dma_wait3A_643 : memref<223x32xf32, #tpu.memory_space<vmem>>) dst(%dma_wait3A_640 : memref<223x32xf32, #tpu.memory_space<hbm>>)
        tpu.yield
      }) : () -> ()
    } else {
    }
    %mul3A_205 = arith.constant 7 : i32
    %mul3A_206 = arith.muli %add3A, %mul3A_205 : i32
    %add3A_207 = arith.constant 2 : i32
    %add3A_208 = arith.addi %mul3A_206, %add3A_207 : i32
    %mul3A_209 = arith.constant 56 : i32
    %mul3A_210 = arith.muli %add3A_208, %mul3A_209 : i32
    %mul3A_211 = arith.constant 56 : i32
    %mul3A_212 = arith.muli %add3A_208, %mul3A_211 : i32
    %min3A_213 = arith.constant 12424 : i32
    %min3A_214 = arith.minsi %mul3A_212, %min3A_213 : i32
    %sub3A_215 = arith.subi %mul3A_210, %min3A_214 : i32
    %dma_wait3A_216 = arith.constant 0 : i32
    %dma_wait3A_217 = arith.constant 0 : i32
    %dma_wait3A_218 = arith.constant 0 : i32
    %dma_wait3A_219 = tpu.memref_slice %arg5[%dma_wait3A_216, %dma_wait3A_217, %dma_wait3A_218] : memref<2x56x128xf32, #tpu.memory_space<vmem>> -> memref<1x56x128xf32, #tpu.memory_space<vmem>>
    %dma_wait3A_220 = tpu.memref_squeeze %dma_wait3A_219 : memref<1x56x128xf32, #tpu.memory_space<vmem>> -> memref<56x128xf32, #tpu.memory_space<vmem>>
    %dma_wait3A_221 = arith.constant 0 : i32
    %dma_wait3A_222 = tpu.memref_slice %arg2[%multiple_of3A_159, %dma_wait3A_221] : memref<12544x128xf32, #tpu.memory_space<hbm>> -> memref<56x128xf32, #tpu.memory_space<hbm>>
    %dma_wait3A_223 = arith.constant 0 : i32
    %dma_wait3A_224 = arith.constant 0 : i32
    %dma_wait3A_225 = tpu.memref_slice %arg5[%dma_wait3A_216, %dma_wait3A_223, %dma_wait3A_224] : memref<2x56x128xf32, #tpu.memory_space<vmem>> -> memref<1x56x128xf32, #tpu.memory_space<vmem>>
    %dma_wait3A_226 = tpu.memref_squeeze %dma_wait3A_225 : memref<1x56x128xf32, #tpu.memory_space<vmem>> -> memref<56x128xf32, #tpu.memory_space<vmem>>
    %dma_wait3A_227 = arith.constant 0 : i32
    %dma_wait3A_228 = tpu.memref_slice %arg2[%multiple_of3A_159, %dma_wait3A_227] : memref<12544x128xf32, #tpu.memory_space<hbm>> -> memref<56x128xf32, #tpu.memory_space<hbm>>
    tpu.wait_dma2 semaphore(%arg9 : memref<!tpu.dma_semaphore, #tpu.memory_space<semaphore_mem>>) src(%dma_wait3A_228 : memref<56x128xf32, #tpu.memory_space<hbm>>) dst(%dma_wait3A_226 : memref<56x128xf32, #tpu.memory_space<vmem>>)
    %dma_wait3A_229 = arith.constant 0 : i32
    %dma_wait3A_230 = arith.constant 0 : i32
    %dma_wait3A_231 = arith.constant 0 : i32
    %dma_wait3A_232 = tpu.memref_slice %arg6[%dma_wait3A_229, %dma_wait3A_230, %dma_wait3A_231] : memref<2x184x128xf32, #tpu.memory_space<vmem>> -> memref<1x120x128xf32, #tpu.memory_space<vmem>>
    %dma_wait3A_233 = tpu.memref_squeeze %dma_wait3A_232 : memref<1x120x128xf32, #tpu.memory_space<vmem>> -> memref<120x128xf32, #tpu.memory_space<vmem>>
    %dma_wait3A_234 = arith.constant 0 : i32
    %dma_wait3A_235 = tpu.memref_slice %arg3[%multiple_of3A_162, %dma_wait3A_234] : memref<12544x128xf32, #tpu.memory_space<hbm>> -> memref<120x128xf32, #tpu.memory_space<hbm>>
    %dma_wait3A_236 = arith.constant 0 : i32
    %dma_wait3A_237 = arith.constant 0 : i32
    %dma_wait3A_238 = tpu.memref_slice %arg6[%dma_wait3A_229, %dma_wait3A_236, %dma_wait3A_237] : memref<2x184x128xf32, #tpu.memory_space<vmem>> -> memref<1x120x128xf32, #tpu.memory_space<vmem>>
    %dma_wait3A_239 = tpu.memref_squeeze %dma_wait3A_238 : memref<1x120x128xf32, #tpu.memory_space<vmem>> -> memref<120x128xf32, #tpu.memory_space<vmem>>
    %dma_wait3A_240 = arith.constant 0 : i32
    %dma_wait3A_241 = tpu.memref_slice %arg3[%multiple_of3A_162, %dma_wait3A_240] : memref<12544x128xf32, #tpu.memory_space<hbm>> -> memref<120x128xf32, #tpu.memory_space<hbm>>
    tpu.wait_dma2 semaphore(%arg11 : memref<!tpu.dma_semaphore, #tpu.memory_space<semaphore_mem>>) src(%dma_wait3A_241 : memref<120x128xf32, #tpu.memory_space<hbm>>) dst(%dma_wait3A_239 : memref<120x128xf32, #tpu.memory_space<vmem>>)
    %mul3A_242 = arith.constant 7 : i32
    %mul3A_243 = arith.muli %add3A, %mul3A_242 : i32
    %add3A_244 = arith.constant 3 : i32
    %add3A_245 = arith.addi %mul3A_243, %add3A_244 : i32
    %mul3A_246 = arith.constant 56 : i32
    %mul3A_247 = arith.muli %add3A_245, %mul3A_246 : i32
    %multiple_of3A_248 = tpu.assume_multiple %mul3A_247, 8 : i32
    %min3A_249 = arith.constant 12424 : i32
    %min3A_250 = arith.minsi %multiple_of3A_248, %min3A_249 : i32
    %multiple_of3A_251 = tpu.assume_multiple %min3A_250, 8 : i32
    %dma_start3A_252 = arith.constant 1 : i32
    %dma_start3A_253 = arith.constant 0 : i32
    %dma_start3A_254 = arith.constant 0 : i32
    %dma_start3A_255 = tpu.memref_slice %arg5[%dma_start3A_252, %dma_start3A_253, %dma_start3A_254] : memref<2x56x128xf32, #tpu.memory_space<vmem>> -> memref<1x56x128xf32, #tpu.memory_space<vmem>>
    %dma_start3A_256 = tpu.memref_squeeze %dma_start3A_255 : memref<1x56x128xf32, #tpu.memory_space<vmem>> -> memref<56x128xf32, #tpu.memory_space<vmem>>
    %dma_start3A_257 = arith.constant 0 : i32
    %dma_start3A_258 = tpu.memref_slice %arg2[%multiple_of3A_248, %dma_start3A_257] : memref<12544x128xf32, #tpu.memory_space<hbm>> -> memref<56x128xf32, #tpu.memory_space<hbm>>
    %dma_start3A_259 = arith.constant 0 : i32
    %dma_start3A_260 = arith.constant 0 : i32
    %dma_start3A_261 = tpu.memref_slice %arg5[%dma_start3A_252, %dma_start3A_259, %dma_start3A_260] : memref<2x56x128xf32, #tpu.memory_space<vmem>> -> memref<1x56x128xf32, #tpu.memory_space<vmem>>
    %dma_start3A_262 = tpu.memref_squeeze %dma_start3A_261 : memref<1x56x128xf32, #tpu.memory_space<vmem>> -> memref<56x128xf32, #tpu.memory_space<vmem>>
    %dma_start3A_263 = arith.constant 0 : i32
    %dma_start3A_264 = tpu.memref_slice %arg2[%multiple_of3A_248, %dma_start3A_263] : memref<12544x128xf32, #tpu.memory_space<hbm>> -> memref<56x128xf32, #tpu.memory_space<hbm>>
    tpu.enqueue_dma source(%dma_start3A_264 : memref<56x128xf32, #tpu.memory_space<hbm>>) target(%dma_start3A_262 : memref<56x128xf32, #tpu.memory_space<vmem>>) target_semaphore(%arg10 : memref<!tpu.dma_semaphore, #tpu.memory_space<semaphore_mem>>)
    %dma_start3A_265 = arith.constant 1 : i32
    %dma_start3A_266 = arith.constant 0 : i32
    %dma_start3A_267 = arith.constant 0 : i32
    %dma_start3A_268 = tpu.memref_slice %arg6[%dma_start3A_265, %dma_start3A_266, %dma_start3A_267] : memref<2x184x128xf32, #tpu.memory_space<vmem>> -> memref<1x120x128xf32, #tpu.memory_space<vmem>>
    %dma_start3A_269 = tpu.memref_squeeze %dma_start3A_268 : memref<1x120x128xf32, #tpu.memory_space<vmem>> -> memref<120x128xf32, #tpu.memory_space<vmem>>
    %dma_start3A_270 = arith.constant 0 : i32
    %dma_start3A_271 = tpu.memref_slice %arg3[%multiple_of3A_251, %dma_start3A_270] : memref<12544x128xf32, #tpu.memory_space<hbm>> -> memref<120x128xf32, #tpu.memory_space<hbm>>
    %dma_start3A_272 = arith.constant 0 : i32
    %dma_start3A_273 = arith.constant 0 : i32
    %dma_start3A_274 = tpu.memref_slice %arg6[%dma_start3A_265, %dma_start3A_272, %dma_start3A_273] : memref<2x184x128xf32, #tpu.memory_space<vmem>> -> memref<1x120x128xf32, #tpu.memory_space<vmem>>
    %dma_start3A_275 = tpu.memref_squeeze %dma_start3A_274 : memref<1x120x128xf32, #tpu.memory_space<vmem>> -> memref<120x128xf32, #tpu.memory_space<vmem>>
    %dma_start3A_276 = arith.constant 0 : i32
    %dma_start3A_277 = tpu.memref_slice %arg3[%multiple_of3A_251, %dma_start3A_276] : memref<12544x128xf32, #tpu.memory_space<hbm>> -> memref<120x128xf32, #tpu.memory_space<hbm>>
    tpu.enqueue_dma source(%dma_start3A_277 : memref<120x128xf32, #tpu.memory_space<hbm>>) target(%dma_start3A_275 : memref<120x128xf32, #tpu.memory_space<vmem>>) target_semaphore(%arg12 : memref<!tpu.dma_semaphore, #tpu.memory_space<semaphore_mem>>)
    %scan3A_278 = arith.constant 0 : i32
    %scan3A_279 = arith.constant 0 : i32
    %scan3A_280 = arith.constant 56 : i32
    %scan3A_281 = arith.addi %scan3A_279, %scan3A_280 : i32
    %scan3A_282 = arith.constant 1 : i32
    scf.for %scan3A_614 = %scan3A_279 to %scan3A_281 step %scan3A_282  : i32 {
      %add3A_615 = arith.addi %scan3A_614, %sub3A_215 : i32
      %add3A_616 = arith.constant 56 : i32
      %add3A_617 = arith.addi %add3A_615, %add3A_616 : i32
      %add3A_618 = arith.addi %scan3A_614, %sub3A_215 : i32
      %mul3A_619 = arith.constant 8 : i32
      %mul3A_620 = arith.muli %mul3A_619, %scan3A_614 : i32
      %add3A_621 = arith.constant 0 : i32
      %add3A_622 = arith.addi %mul3A_620, %add3A_621 : i32
      %get3A = arith.constant 0 : i32
      %get3A_623 = arith.index_cast %get3A : i32 to index
      %get3A_624 = arith.index_cast %scan3A_614 : i32 to index
      %get3A_625 = arith.constant 0 : index
      %get3A_626 = tpu.vector_load %arg5[%get3A_623, %get3A_624, %get3A_625] {strides = array<i32>} : memref<2x56x128xf32, #tpu.memory_space<vmem>>, vector<1x1x16xf32>,
      %get3A_627 = vector.shape_cast %get3A_626 : vector<1x1x16xf32> to vector<16xf32>
      %get3A_628 = arith.constant 0 : i32
      %get3A_629 = arith.index_cast %get3A_628 : i32 to index
      %get3A_630 = arith.index_cast %add3A_617 : i32 to index
      %get3A_631 = arith.constant 0 : index
      %get3A_632 = tpu.vector_load %arg6[%get3A_629, %get3A_630, %get3A_631] {strides = array<i32>} : memref<2x184x128xf32, #tpu.memory_space<vmem>>, vector<1x1x16xf32>,
      %get3A_633 = vector.shape_cast %get3A_632 : vector<1x1x16xf32> to vector<16xf32>
      %add3A_634 = arith.addf %get3A_627, %get3A_633 : vector<16xf32>
      %swap3A = arith.constant 0 : i32
      %swap3A_635 = arith.index_cast %swap3A : i32 to index
      %swap3A_636 = arith.index_cast %add3A_622 : i32 to index
      %swap3A_637 = arith.constant 0 : index
      %swap3A_638 = tpu.vector_load %arg7[%swap3A_635, %swap3A_636, %swap3A_637] {strides = array<i32>} : memref<2x448x32xf32, #tpu.memory_space<vmem>>, vector<1x1x16xf32>,
      %swap3A_639 = vector.shape_cast %swap3A_638 : vector<1x1x16xf32> to vector<16xf32>
      %swap3A_640 = vector.shape_cast %add3A_634 : vector<16xf32> to vector<1x1x16xf32>
      tpu.vector_store %arg7[%swap3A_635, %swap3A_636, %swap3A_637], %swap3A_640 {strides = array<i32>} : memref<2x448x32xf32, #tpu.memory_space<vmem>>, vector<1x1x16xf32>,
      %add3A_641 = arith.constant 0 : i32
      %add3A_642 = arith.addi %add3A_618, %add3A_641 : i32
      %get3A_643 = arith.constant 0 : i32
      %get3A_644 = arith.index_cast %get3A_643 : i32 to index
      %get3A_645 = arith.index_cast %add3A_642 : i32 to index
      %get3A_646 = arith.constant 32 : index
      %get3A_647 = tpu.vector_load %arg6[%get3A_644, %get3A_645, %get3A_646] {strides = array<i32>} : memref<2x184x128xf32, #tpu.memory_space<vmem>>, vector<1x1x16xf32>,
      %get3A_648 = vector.shape_cast %get3A_647 : vector<1x1x16xf32> to vector<16xf32>
      %add3A_649 = arith.addf %get3A_627, %get3A_648 : vector<16xf32>
      %add3A_650 = arith.constant 1 : i32
      %add3A_651 = arith.addi %add3A_622, %add3A_650 : i32
      %swap3A_652 = arith.constant 0 : i32
      %swap3A_653 = arith.index_cast %swap3A_652 : i32 to index
      %swap3A_654 = arith.index_cast %add3A_651 : i32 to index
      %swap3A_655 = arith.constant 0 : index
      %swap3A_656 = tpu.vector_load %arg7[%swap3A_653, %swap3A_654, %swap3A_655] {strides = array<i32>} : memref<2x448x32xf32, #tpu.memory_space<vmem>>, vector<1x1x16xf32>,
      %swap3A_657 = vector.shape_cast %swap3A_656 : vector<1x1x16xf32> to vector<16xf32>
      %swap3A_658 = vector.shape_cast %add3A_649 : vector<16xf32> to vector<1x1x16xf32>
      tpu.vector_store %arg7[%swap3A_653, %swap3A_654, %swap3A_655], %swap3A_658 {strides = array<i32>} : memref<2x448x32xf32, #tpu.memory_space<vmem>>, vector<1x1x16xf32>,
      %mul3A_659 = arith.constant 8 : i32
      %mul3A_660 = arith.muli %mul3A_659, %scan3A_614 : i32
      %add3A_661 = arith.constant 0 : i32
      %add3A_662 = arith.addi %mul3A_660, %add3A_661 : i32
      %get3A_663 = arith.constant 0 : i32
      %get3A_664 = arith.index_cast %get3A_663 : i32 to index
      %get3A_665 = arith.index_cast %scan3A_614 : i32 to index
      %get3A_666 = arith.constant 16 : index
      %get3A_667 = tpu.vector_load %arg5[%get3A_664, %get3A_665, %get3A_666] {strides = array<i32>} : memref<2x56x128xf32, #tpu.memory_space<vmem>>, vector<1x1x16xf32>,
      %get3A_668 = vector.shape_cast %get3A_667 : vector<1x1x16xf32> to vector<16xf32>
      %get3A_669 = arith.constant 0 : i32
      %get3A_670 = arith.index_cast %get3A_669 : i32 to index
      %get3A_671 = arith.index_cast %add3A_617 : i32 to index
      %get3A_672 = arith.constant 16 : index
      %get3A_673 = tpu.vector_load %arg6[%get3A_670, %get3A_671, %get3A_672] {strides = array<i32>} : memref<2x184x128xf32, #tpu.memory_space<vmem>>, vector<1x1x16xf32>,
      %get3A_674 = vector.shape_cast %get3A_673 : vector<1x1x16xf32> to vector<16xf32>
      %add3A_675 = arith.addf %get3A_668, %get3A_674 : vector<16xf32>
      %swap3A_676 = arith.constant 0 : i32
      %swap3A_677 = arith.index_cast %swap3A_676 : i32 to index
      %swap3A_678 = arith.index_cast %add3A_662 : i32 to index
      %swap3A_679 = arith.constant 16 : index
      %swap3A_680 = tpu.vector_load %arg7[%swap3A_677, %swap3A_678, %swap3A_679] {strides = array<i32>} : memref<2x448x32xf32, #tpu.memory_space<vmem>>, vector<1x1x16xf32>,
      %swap3A_681 = vector.shape_cast %swap3A_680 : vector<1x1x16xf32> to vector<16xf32>
      %swap3A_682 = vector.shape_cast %add3A_675 : vector<16xf32> to vector<1x1x16xf32>
      tpu.vector_store %arg7[%swap3A_677, %swap3A_678, %swap3A_679], %swap3A_682 {strides = array<i32>} : memref<2x448x32xf32, #tpu.memory_space<vmem>>, vector<1x1x16xf32>,
      %add3A_683 = arith.constant 0 : i32
      %add3A_684 = arith.addi %add3A_618, %add3A_683 : i32
      %get3A_685 = arith.constant 0 : i32
      %get3A_686 = arith.index_cast %get3A_685 : i32 to index
      %get3A_687 = arith.index_cast %add3A_684 : i32 to index
      %get3A_688 = arith.constant 48 : index
      %get3A_689 = tpu.vector_load %arg6[%get3A_686, %get3A_687, %get3A_688] {strides = array<i32>} : memref<2x184x128xf32, #tpu.memory_space<vmem>>, vector<1x1x16xf32>,
      %get3A_690 = vector.shape_cast %get3A_689 : vector<1x1x16xf32> to vector<16xf32>
      %add3A_691 = arith.addf %get3A_668, %get3A_690 : vector<16xf32>
      %add3A_692 = arith.constant 1 : i32
      %add3A_693 = arith.addi %add3A_662, %add3A_692 : i32
      %swap3A_694 = arith.constant 0 : i32
      %swap3A_695 = arith.index_cast %swap3A_694 : i32 to index
      %swap3A_696 = arith.index_cast %add3A_693 : i32 to index
      %swap3A_697 = arith.constant 16 : index
      %swap3A_698 = tpu.vector_load %arg7[%swap3A_695, %swap3A_696, %swap3A_697] {strides = array<i32>} : memref<2x448x32xf32, #tpu.memory_space<vmem>>, vector<1x1x16xf32>,
      %swap3A_699 = vector.shape_cast %swap3A_698 : vector<1x1x16xf32> to vector<16xf32>
      %swap3A_700 = vector.shape_cast %add3A_691 : vector<16xf32> to vector<1x1x16xf32>
      tpu.vector_store %arg7[%swap3A_695, %swap3A_696, %swap3A_697], %swap3A_700 {strides = array<i32>} : memref<2x448x32xf32, #tpu.memory_space<vmem>>, vector<1x1x16xf32>,
      %mul3A_701 = arith.constant 8 : i32
      %mul3A_702 = arith.muli %mul3A_701, %scan3A_614 : i32
      %add3A_703 = arith.constant 2 : i32
      %add3A_704 = arith.addi %mul3A_702, %add3A_703 : i32
      %get3A_705 = arith.constant 0 : i32
      %get3A_706 = arith.index_cast %get3A_705 : i32 to index
      %get3A_707 = arith.index_cast %scan3A_614 : i32 to index
      %get3A_708 = arith.constant 32 : index
      %get3A_709 = tpu.vector_load %arg5[%get3A_706, %get3A_707, %get3A_708] {strides = array<i32>} : memref<2x56x128xf32, #tpu.memory_space<vmem>>, vector<1x1x16xf32>,
      %get3A_710 = vector.shape_cast %get3A_709 : vector<1x1x16xf32> to vector<16xf32>
      %get3A_711 = arith.constant 0 : i32
      %get3A_712 = arith.index_cast %get3A_711 : i32 to index
      %get3A_713 = arith.index_cast %add3A_617 : i32 to index
      %get3A_714 = arith.constant 32 : index
      %get3A_715 = tpu.vector_load %arg6[%get3A_712, %get3A_713, %get3A_714] {strides = array<i32>} : memref<2x184x128xf32, #tpu.memory_space<vmem>>, vector<1x1x16xf32>,
      %get3A_716 = vector.shape_cast %get3A_715 : vector<1x1x16xf32> to vector<16xf32>
      %add3A_717 = arith.addf %get3A_710, %get3A_716 : vector<16xf32>
      %swap3A_718 = arith.constant 0 : i32
      %swap3A_719 = arith.index_cast %swap3A_718 : i32 to index
      %swap3A_720 = arith.index_cast %add3A_704 : i32 to index
      %swap3A_721 = arith.constant 0 : index
      %swap3A_722 = tpu.vector_load %arg7[%swap3A_719, %swap3A_720, %swap3A_721] {strides = array<i32>} : memref<2x448x32xf32, #tpu.memory_space<vmem>>, vector<1x1x16xf32>,
      %swap3A_723 = vector.shape_cast %swap3A_722 : vector<1x1x16xf32> to vector<16xf32>
      %swap3A_724 = vector.shape_cast %add3A_717 : vector<16xf32> to vector<1x1x16xf32>
      tpu.vector_store %arg7[%swap3A_719, %swap3A_720, %swap3A_721], %swap3A_724 {strides = array<i32>} : memref<2x448x32xf32, #tpu.memory_space<vmem>>, vector<1x1x16xf32>,
      %add3A_725 = arith.constant 0 : i32
      %add3A_726 = arith.addi %add3A_618, %add3A_725 : i32
      %get3A_727 = arith.constant 0 : i32
      %get3A_728 = arith.index_cast %get3A_727 : i32 to index
      %get3A_729 = arith.index_cast %add3A_726 : i32 to index
      %get3A_730 = arith.constant 64 : index
      %get3A_731 = tpu.vector_load %arg6[%get3A_728, %get3A_729, %get3A_730] {strides = array<i32>} : memref<2x184x128xf32, #tpu.memory_space<vmem>>, vector<1x1x16xf32>,
      %get3A_732 = vector.shape_cast %get3A_731 : vector<1x1x16xf32> to vector<16xf32>
      %add3A_733 = arith.addf %get3A_710, %get3A_732 : vector<16xf32>
      %add3A_734 = arith.constant 1 : i32
      %add3A_735 = arith.addi %add3A_704, %add3A_734 : i32
      %swap3A_736 = arith.constant 0 : i32
      %swap3A_737 = arith.index_cast %swap3A_736 : i32 to index
      %swap3A_738 = arith.index_cast %add3A_735 : i32 to index
      %swap3A_739 = arith.constant 0 : index
      %swap3A_740 = tpu.vector_load %arg7[%swap3A_737, %swap3A_738, %swap3A_739] {strides = array<i32>} : memref<2x448x32xf32, #tpu.memory_space<vmem>>, vector<1x1x16xf32>,
      %swap3A_741 = vector.shape_cast %swap3A_740 : vector<1x1x16xf32> to vector<16xf32>
      %swap3A_742 = vector.shape_cast %add3A_733 : vector<16xf32> to vector<1x1x16xf32>
      tpu.vector_store %arg7[%swap3A_737, %swap3A_738, %swap3A_739], %swap3A_742 {strides = array<i32>} : memref<2x448x32xf32, #tpu.memory_space<vmem>>, vector<1x1x16xf32>,
      %mul3A_743 = arith.constant 8 : i32
      %mul3A_744 = arith.muli %mul3A_743, %scan3A_614 : i32
      %add3A_745 = arith.constant 2 : i32
      %add3A_746 = arith.addi %mul3A_744, %add3A_745 : i32
      %get3A_747 = arith.constant 0 : i32
      %get3A_748 = arith.index_cast %get3A_747 : i32 to index
      %get3A_749 = arith.index_cast %scan3A_614 : i32 to index
      %get3A_750 = arith.constant 48 : index
      %get3A_751 = tpu.vector_load %arg5[%get3A_748, %get3A_749, %get3A_750] {strides = array<i32>} : memref<2x56x128xf32, #tpu.memory_space<vmem>>, vector<1x1x16xf32>,
      %get3A_752 = vector.shape_cast %get3A_751 : vector<1x1x16xf32> to vector<16xf32>
      %get3A_753 = arith.constant 0 : i32
      %get3A_754 = arith.index_cast %get3A_753 : i32 to index
      %get3A_755 = arith.index_cast %add3A_617 : i32 to index
      %get3A_756 = arith.constant 48 : index
      %get3A_757 = tpu.vector_load %arg6[%get3A_754, %get3A_755, %get3A_756] {strides = array<i32>} : memref<2x184x128xf32, #tpu.memory_space<vmem>>, vector<1x1x16xf32>,
      %get3A_758 = vector.shape_cast %get3A_757 : vector<1x1x16xf32> to vector<16xf32>
      %add3A_759 = arith.addf %get3A_752, %get3A_758 : vector<16xf32>
      %swap3A_760 = arith.constant 0 : i32
      %swap3A_761 = arith.index_cast %swap3A_760 : i32 to index
      %swap3A_762 = arith.index_cast %add3A_746 : i32 to index
      %swap3A_763 = arith.constant 16 : index
      %swap3A_764 = tpu.vector_load %arg7[%swap3A_761, %swap3A_762, %swap3A_763] {strides = array<i32>} : memref<2x448x32xf32, #tpu.memory_space<vmem>>, vector<1x1x16xf32>,
      %swap3A_765 = vector.shape_cast %swap3A_764 : vector<1x1x16xf32> to vector<16xf32>
      %swap3A_766 = vector.shape_cast %add3A_759 : vector<16xf32> to vector<1x1x16xf32>
      tpu.vector_store %arg7[%swap3A_761, %swap3A_762, %swap3A_763], %swap3A_766 {strides = array<i32>} : memref<2x448x32xf32, #tpu.memory_space<vmem>>, vector<1x1x16xf32>,
      %add3A_767 = arith.constant 0 : i32
      %add3A_768 = arith.addi %add3A_618, %add3A_767 : i32
      %get3A_769 = arith.constant 0 : i32
      %get3A_770 = arith.index_cast %get3A_769 : i32 to index
      %get3A_771 = arith.index_cast %add3A_768 : i32 to index
      %get3A_772 = arith.constant 80 : index
      %get3A_773 = tpu.vector_load %arg6[%get3A_770, %get3A_771, %get3A_772] {strides = array<i32>} : memref<2x184x128xf32, #tpu.memory_space<vmem>>, vector<1x1x16xf32>,
      %get3A_774 = vector.shape_cast %get3A_773 : vector<1x1x16xf32> to vector<16xf32>
      %add3A_775 = arith.addf %get3A_752, %get3A_774 : vector<16xf32>
      %add3A_776 = arith.constant 1 : i32
      %add3A_777 = arith.addi %add3A_746, %add3A_776 : i32
      %swap3A_778 = arith.constant 0 : i32
      %swap3A_779 = arith.index_cast %swap3A_778 : i32 to index
      %swap3A_780 = arith.index_cast %add3A_777 : i32 to index
      %swap3A_781 = arith.constant 16 : index
      %swap3A_782 = tpu.vector_load %arg7[%swap3A_779, %swap3A_780, %swap3A_781] {strides = array<i32>} : memref<2x448x32xf32, #tpu.memory_space<vmem>>, vector<1x1x16xf32>,
      %swap3A_783 = vector.shape_cast %swap3A_782 : vector<1x1x16xf32> to vector<16xf32>
      %swap3A_784 = vector.shape_cast %add3A_775 : vector<16xf32> to vector<1x1x16xf32>
      tpu.vector_store %arg7[%swap3A_779, %swap3A_780, %swap3A_781], %swap3A_784 {strides = array<i32>} : memref<2x448x32xf32, #tpu.memory_space<vmem>>, vector<1x1x16xf32>,
      %mul3A_785 = arith.constant 8 : i32
      %mul3A_786 = arith.muli %mul3A_785, %scan3A_614 : i32
      %add3A_787 = arith.constant 4 : i32
      %add3A_788 = arith.addi %mul3A_786, %add3A_787 : i32
      %get3A_789 = arith.constant 0 : i32
      %get3A_790 = arith.index_cast %get3A_789 : i32 to index
      %get3A_791 = arith.index_cast %scan3A_614 : i32 to index
      %get3A_792 = arith.constant 64 : index
      %get3A_793 = tpu.vector_load %arg5[%get3A_790, %get3A_791, %get3A_792] {strides = array<i32>} : memref<2x56x128xf32, #tpu.memory_space<vmem>>, vector<1x1x16xf32>,
      %get3A_794 = vector.shape_cast %get3A_793 : vector<1x1x16xf32> to vector<16xf32>
      %get3A_795 = arith.constant 0 : i32
      %get3A_796 = arith.index_cast %get3A_795 : i32 to index
      %get3A_797 = arith.index_cast %add3A_617 : i32 to index
      %get3A_798 = arith.constant 64 : index
      %get3A_799 = tpu.vector_load %arg6[%get3A_796, %get3A_797, %get3A_798] {strides = array<i32>} : memref<2x184x128xf32, #tpu.memory_space<vmem>>, vector<1x1x16xf32>,
      %get3A_800 = vector.shape_cast %get3A_799 : vector<1x1x16xf32> to vector<16xf32>
      %add3A_801 = arith.addf %get3A_794, %get3A_800 : vector<16xf32>
      %swap3A_802 = arith.constant 0 : i32
      %swap3A_803 = arith.index_cast %swap3A_802 : i32 to index
      %swap3A_804 = arith.index_cast %add3A_788 : i32 to index
      %swap3A_805 = arith.constant 0 : index
      %swap3A_806 = tpu.vector_load %arg7[%swap3A_803, %swap3A_804, %swap3A_805] {strides = array<i32>} : memref<2x448x32xf32, #tpu.memory_space<vmem>>, vector<1x1x16xf32>,
      %swap3A_807 = vector.shape_cast %swap3A_806 : vector<1x1x16xf32> to vector<16xf32>
      %swap3A_808 = vector.shape_cast %add3A_801 : vector<16xf32> to vector<1x1x16xf32>
      tpu.vector_store %arg7[%swap3A_803, %swap3A_804, %swap3A_805], %swap3A_808 {strides = array<i32>} : memref<2x448x32xf32, #tpu.memory_space<vmem>>, vector<1x1x16xf32>,
      %add3A_809 = arith.constant 0 : i32
      %add3A_810 = arith.addi %add3A_618, %add3A_809 : i32
      %get3A_811 = arith.constant 0 : i32
      %get3A_812 = arith.index_cast %get3A_811 : i32 to index
      %get3A_813 = arith.index_cast %add3A_810 : i32 to index
      %get3A_814 = arith.constant 96 : index
      %get3A_815 = tpu.vector_load %arg6[%get3A_812, %get3A_813, %get3A_814] {strides = array<i32>} : memref<2x184x128xf32, #tpu.memory_space<vmem>>, vector<1x1x16xf32>,
      %get3A_816 = vector.shape_cast %get3A_815 : vector<1x1x16xf32> to vector<16xf32>
      %add3A_817 = arith.addf %get3A_794, %get3A_816 : vector<16xf32>
      %add3A_818 = arith.constant 1 : i32
      %add3A_819 = arith.addi %add3A_788, %add3A_818 : i32
      %swap3A_820 = arith.constant 0 : i32
      %swap3A_821 = arith.index_cast %swap3A_820 : i32 to index
      %swap3A_822 = arith.index_cast %add3A_819 : i32 to index
      %swap3A_823 = arith.constant 0 : index
      %swap3A_824 = tpu.vector_load %arg7[%swap3A_821, %swap3A_822, %swap3A_823] {strides = array<i32>} : memref<2x448x32xf32, #tpu.memory_space<vmem>>, vector<1x1x16xf32>,
      %swap3A_825 = vector.shape_cast %swap3A_824 : vector<1x1x16xf32> to vector<16xf32>
      %swap3A_826 = vector.shape_cast %add3A_817 : vector<16xf32> to vector<1x1x16xf32>
      tpu.vector_store %arg7[%swap3A_821, %swap3A_822, %swap3A_823], %swap3A_826 {strides = array<i32>} : memref<2x448x32xf32, #tpu.memory_space<vmem>>, vector<1x1x16xf32>,
      %mul3A_827 = arith.constant 8 : i32
      %mul3A_828 = arith.muli %mul3A_827, %scan3A_614 : i32
      %add3A_829 = arith.constant 4 : i32
      %add3A_830 = arith.addi %mul3A_828, %add3A_829 : i32
      %get3A_831 = arith.constant 0 : i32
      %get3A_832 = arith.index_cast %get3A_831 : i32 to index
      %get3A_833 = arith.index_cast %scan3A_614 : i32 to index
      %get3A_834 = arith.constant 80 : index
      %get3A_835 = tpu.vector_load %arg5[%get3A_832, %get3A_833, %get3A_834] {strides = array<i32>} : memref<2x56x128xf32, #tpu.memory_space<vmem>>, vector<1x1x16xf32>,
      %get3A_836 = vector.shape_cast %get3A_835 : vector<1x1x16xf32> to vector<16xf32>
      %get3A_837 = arith.constant 0 : i32
      %get3A_838 = arith.index_cast %get3A_837 : i32 to index
      %get3A_839 = arith.index_cast %add3A_617 : i32 to index
      %get3A_840 = arith.constant 80 : index
      %get3A_841 = tpu.vector_load %arg6[%get3A_838, %get3A_839, %get3A_840] {strides = array<i32>} : memref<2x184x128xf32, #tpu.memory_space<vmem>>, vector<1x1x16xf32>,
      %get3A_842 = vector.shape_cast %get3A_841 : vector<1x1x16xf32> to vector<16xf32>
      %add3A_843 = arith.addf %get3A_836, %get3A_842 : vector<16xf32>
      %swap3A_844 = arith.constant 0 : i32
      %swap3A_845 = arith.index_cast %swap3A_844 : i32 to index
      %swap3A_846 = arith.index_cast %add3A_830 : i32 to index
      %swap3A_847 = arith.constant 16 : index
      %swap3A_848 = tpu.vector_load %arg7[%swap3A_845, %swap3A_846, %swap3A_847] {strides = array<i32>} : memref<2x448x32xf32, #tpu.memory_space<vmem>>, vector<1x1x16xf32>,
      %swap3A_849 = vector.shape_cast %swap3A_848 : vector<1x1x16xf32> to vector<16xf32>
      %swap3A_850 = vector.shape_cast %add3A_843 : vector<16xf32> to vector<1x1x16xf32>
      tpu.vector_store %arg7[%swap3A_845, %swap3A_846, %swap3A_847], %swap3A_850 {strides = array<i32>} : memref<2x448x32xf32, #tpu.memory_space<vmem>>, vector<1x1x16xf32>,
      %add3A_851 = arith.constant 0 : i32
      %add3A_852 = arith.addi %add3A_618, %add3A_851 : i32
      %get3A_853 = arith.constant 0 : i32
      %get3A_854 = arith.index_cast %get3A_853 : i32 to index
      %get3A_855 = arith.index_cast %add3A_852 : i32 to index
      %get3A_856 = arith.constant 112 : index
      %get3A_857 = tpu.vector_load %arg6[%get3A_854, %get3A_855, %get3A_856] {strides = array<i32>} : memref<2x184x128xf32, #tpu.memory_space<vmem>>, vector<1x1x16xf32>,
      %get3A_858 = vector.shape_cast %get3A_857 : vector<1x1x16xf32> to vector<16xf32>
      %add3A_859 = arith.addf %get3A_836, %get3A_858 : vector<16xf32>
      %add3A_860 = arith.constant 1 : i32
      %add3A_861 = arith.addi %add3A_830, %add3A_860 : i32
      %swap3A_862 = arith.constant 0 : i32
      %swap3A_863 = arith.index_cast %swap3A_862 : i32 to index
      %swap3A_864 = arith.index_cast %add3A_861 : i32 to index
      %swap3A_865 = arith.constant 16 : index
      %swap3A_866 = tpu.vector_load %arg7[%swap3A_863, %swap3A_864, %swap3A_865] {strides = array<i32>} : memref<2x448x32xf32, #tpu.memory_space<vmem>>, vector<1x1x16xf32>,
      %swap3A_867 = vector.shape_cast %swap3A_866 : vector<1x1x16xf32> to vector<16xf32>
      %swap3A_868 = vector.shape_cast %add3A_859 : vector<16xf32> to vector<1x1x16xf32>
      tpu.vector_store %arg7[%swap3A_863, %swap3A_864, %swap3A_865], %swap3A_868 {strides = array<i32>} : memref<2x448x32xf32, #tpu.memory_space<vmem>>, vector<1x1x16xf32>,
      %mul3A_869 = arith.constant 8 : i32
      %mul3A_870 = arith.muli %mul3A_869, %scan3A_614 : i32
      %add3A_871 = arith.constant 6 : i32
      %add3A_872 = arith.addi %mul3A_870, %add3A_871 : i32
      %get3A_873 = arith.constant 0 : i32
      %get3A_874 = arith.index_cast %get3A_873 : i32 to index
      %get3A_875 = arith.index_cast %scan3A_614 : i32 to index
      %get3A_876 = arith.constant 96 : index
      %get3A_877 = tpu.vector_load %arg5[%get3A_874, %get3A_875, %get3A_876] {strides = array<i32>} : memref<2x56x128xf32, #tpu.memory_space<vmem>>, vector<1x1x16xf32>,
      %get3A_878 = vector.shape_cast %get3A_877 : vector<1x1x16xf32> to vector<16xf32>
      %get3A_879 = arith.constant 0 : i32
      %get3A_880 = arith.index_cast %get3A_879 : i32 to index
      %get3A_881 = arith.index_cast %add3A_617 : i32 to index
      %get3A_882 = arith.constant 96 : index
      %get3A_883 = tpu.vector_load %arg6[%get3A_880, %get3A_881, %get3A_882] {strides = array<i32>} : memref<2x184x128xf32, #tpu.memory_space<vmem>>, vector<1x1x16xf32>,
      %get3A_884 = vector.shape_cast %get3A_883 : vector<1x1x16xf32> to vector<16xf32>
      %add3A_885 = arith.addf %get3A_878, %get3A_884 : vector<16xf32>
      %swap3A_886 = arith.constant 0 : i32
      %swap3A_887 = arith.index_cast %swap3A_886 : i32 to index
      %swap3A_888 = arith.index_cast %add3A_872 : i32 to index
      %swap3A_889 = arith.constant 0 : index
      %swap3A_890 = tpu.vector_load %arg7[%swap3A_887, %swap3A_888, %swap3A_889] {strides = array<i32>} : memref<2x448x32xf32, #tpu.memory_space<vmem>>, vector<1x1x16xf32>,
      %swap3A_891 = vector.shape_cast %swap3A_890 : vector<1x1x16xf32> to vector<16xf32>
      %swap3A_892 = vector.shape_cast %add3A_885 : vector<16xf32> to vector<1x1x16xf32>
      tpu.vector_store %arg7[%swap3A_887, %swap3A_888, %swap3A_889], %swap3A_892 {strides = array<i32>} : memref<2x448x32xf32, #tpu.memory_space<vmem>>, vector<1x1x16xf32>,
      %add3A_893 = arith.constant 1 : i32
      %add3A_894 = arith.addi %add3A_618, %add3A_893 : i32
      %get3A_895 = arith.constant 0 : i32
      %get3A_896 = arith.index_cast %get3A_895 : i32 to index
      %get3A_897 = arith.index_cast %add3A_894 : i32 to index
      %get3A_898 = arith.constant 0 : index
      %get3A_899 = tpu.vector_load %arg6[%get3A_896, %get3A_897, %get3A_898] {strides = array<i32>} : memref<2x184x128xf32, #tpu.memory_space<vmem>>, vector<1x1x16xf32>,
      %get3A_900 = vector.shape_cast %get3A_899 : vector<1x1x16xf32> to vector<16xf32>
      %add3A_901 = arith.addf %get3A_878, %get3A_900 : vector<16xf32>
      %add3A_902 = arith.constant 1 : i32
      %add3A_903 = arith.addi %add3A_872, %add3A_902 : i32
      %swap3A_904 = arith.constant 0 : i32
      %swap3A_905 = arith.index_cast %swap3A_904 : i32 to index
      %swap3A_906 = arith.index_cast %add3A_903 : i32 to index
      %swap3A_907 = arith.constant 0 : index
      %swap3A_908 = tpu.vector_load %arg7[%swap3A_905, %swap3A_906, %swap3A_907] {strides = array<i32>} : memref<2x448x32xf32, #tpu.memory_space<vmem>>, vector<1x1x16xf32>,
      %swap3A_909 = vector.shape_cast %swap3A_908 : vector<1x1x16xf32> to vector<16xf32>
      %swap3A_910 = vector.shape_cast %add3A_901 : vector<16xf32> to vector<1x1x16xf32>
      tpu.vector_store %arg7[%swap3A_905, %swap3A_906, %swap3A_907], %swap3A_910 {strides = array<i32>} : memref<2x448x32xf32, #tpu.memory_space<vmem>>, vector<1x1x16xf32>,
      %mul3A_911 = arith.constant 8 : i32
      %mul3A_912 = arith.muli %mul3A_911, %scan3A_614 : i32
      %add3A_913 = arith.constant 6 : i32
      %add3A_914 = arith.addi %mul3A_912, %add3A_913 : i32
      %get3A_915 = arith.constant 0 : i32
      %get3A_916 = arith.index_cast %get3A_915 : i32 to index
      %get3A_917 = arith.index_cast %scan3A_614 : i32 to index
      %get3A_918 = arith.constant 112 : index
      %get3A_919 = tpu.vector_load %arg5[%get3A_916, %get3A_917, %get3A_918] {strides = array<i32>} : memref<2x56x128xf32, #tpu.memory_space<vmem>>, vector<1x1x16xf32>,
      %get3A_920 = vector.shape_cast %get3A_919 : vector<1x1x16xf32> to vector<16xf32>
      %get3A_921 = arith.constant 0 : i32
      %get3A_922 = arith.index_cast %get3A_921 : i32 to index
      %get3A_923 = arith.index_cast %add3A_617 : i32 to index
      %get3A_924 = arith.constant 112 : index
      %get3A_925 = tpu.vector_load %arg6[%get3A_922, %get3A_923, %get3A_924] {strides = array<i32>} : memref<2x184x128xf32, #tpu.memory_space<vmem>>, vector<1x1x16xf32>,
      %get3A_926 = vector.shape_cast %get3A_925 : vector<1x1x16xf32> to vector<16xf32>
      %add3A_927 = arith.addf %get3A_920, %get3A_926 : vector<16xf32>
      %swap3A_928 = arith.constant 0 : i32
      %swap3A_929 = arith.index_cast %swap3A_928 : i32 to index
      %swap3A_930 = arith.index_cast %add3A_914 : i32 to index
      %swap3A_931 = arith.constant 16 : index
      %swap3A_932 = tpu.vector_load %arg7[%swap3A_929, %swap3A_930, %swap3A_931] {strides = array<i32>} : memref<2x448x32xf32, #tpu.memory_space<vmem>>, vector<1x1x16xf32>,
      %swap3A_933 = vector.shape_cast %swap3A_932 : vector<1x1x16xf32> to vector<16xf32>
      %swap3A_934 = vector.shape_cast %add3A_927 : vector<16xf32> to vector<1x1x16xf32>
      tpu.vector_store %arg7[%swap3A_929, %swap3A_930, %swap3A_931], %swap3A_934 {strides = array<i32>} : memref<2x448x32xf32, #tpu.memory_space<vmem>>, vector<1x1x16xf32>,
      %add3A_935 = arith.constant 1 : i32
      %add3A_936 = arith.addi %add3A_618, %add3A_935 : i32
      %get3A_937 = arith.constant 0 : i32
      %get3A_938 = arith.index_cast %get3A_937 : i32 to index
      %get3A_939 = arith.index_cast %add3A_936 : i32 to index
      %get3A_940 = arith.constant 16 : index
      %get3A_941 = tpu.vector_load %arg6[%get3A_938, %get3A_939, %get3A_940] {strides = array<i32>} : memref<2x184x128xf32, #tpu.memory_space<vmem>>, vector<1x1x16xf32>,
      %get3A_942 = vector.shape_cast %get3A_941 : vector<1x1x16xf32> to vector<16xf32>
      %add3A_943 = arith.addf %get3A_920, %get3A_942 : vector<16xf32>
      %add3A_944 = arith.constant 1 : i32
      %add3A_945 = arith.addi %add3A_914, %add3A_944 : i32
      %swap3A_946 = arith.constant 0 : i32
      %swap3A_947 = arith.index_cast %swap3A_946 : i32 to index
      %swap3A_948 = arith.index_cast %add3A_945 : i32 to index
      %swap3A_949 = arith.constant 16 : index
      %swap3A_950 = tpu.vector_load %arg7[%swap3A_947, %swap3A_948, %swap3A_949] {strides = array<i32>} : memref<2x448x32xf32, #tpu.memory_space<vmem>>, vector<1x1x16xf32>,
      %swap3A_951 = vector.shape_cast %swap3A_950 : vector<1x1x16xf32> to vector<16xf32>
      %swap3A_952 = vector.shape_cast %add3A_943 : vector<16xf32> to vector<1x1x16xf32>
      tpu.vector_store %arg7[%swap3A_947, %swap3A_948, %swap3A_949], %swap3A_952 {strides = array<i32>} : memref<2x448x32xf32, #tpu.memory_space<vmem>>, vector<1x1x16xf32>,
    }
    %scan3A_283 = arith.constant 56 : i32
    %lt3A_284 = arith.constant 223 : i32
    %lt3A_285 = arith.cmpi slt, %add3A_208, %lt3A_284 : i32
    %convert_element_type3A_286 = arith.extui %lt3A_285 : i1 to i32
    %cond3A_287 = arith.constant 0 : i32
    %cond3A_288 = arith.cmpi ne, %convert_element_type3A_286, %cond3A_287 : i32
    scf.if %cond3A_288 {
      %mul3A_614 = arith.constant 447 : i32
      %mul3A_615 = arith.muli %add3A_208, %mul3A_614 : i32
      %run_scoped3A = arith.constant 0 : i32
      "tpu.region"() ({
        %run_scoped3A_616 = tpu.sem_alloc : memref<!tpu.dma_semaphore, #tpu.memory_space<semaphore_mem>>
        %dma_start3A_617 = arith.constant 0 : i32
        %dma_start3A_618 = arith.constant 0 : i32
        %dma_start3A_619 = tpu.memref_slice %arg7[%run_scoped3A, %dma_start3A_617, %dma_start3A_618] : memref<2x448x32xf32, #tpu.memory_space<vmem>> -> memref<1x447x32xf32, #tpu.memory_space<vmem>>
        %dma_start3A_620 = tpu.memref_squeeze %dma_start3A_619 : memref<1x447x32xf32, #tpu.memory_space<vmem>> -> memref<447x32xf32, #tpu.memory_space<vmem>>
        %dma_start3A_621 = arith.constant 0 : i32
        %dma_start3A_622 = tpu.memref_slice %arg4[%mul3A_615, %dma_start3A_621] : memref<99904x32xf32, #tpu.memory_space<hbm>> -> memref<447x32xf32, #tpu.memory_space<hbm>>
        %dma_start3A_623 = arith.constant 0 : i32
        %dma_start3A_624 = tpu.memref_slice %arg4[%mul3A_615, %dma_start3A_623] : memref<99904x32xf32, #tpu.memory_space<hbm>> -> memref<447x32xf32, #tpu.memory_space<hbm>>
        %dma_start3A_625 = arith.constant 0 : i32
        %dma_start3A_626 = arith.constant 0 : i32
        %dma_start3A_627 = tpu.memref_slice %arg7[%run_scoped3A, %dma_start3A_625, %dma_start3A_626] : memref<2x448x32xf32, #tpu.memory_space<vmem>> -> memref<1x447x32xf32, #tpu.memory_space<vmem>>
        %dma_start3A_628 = tpu.memref_squeeze %dma_start3A_627 : memref<1x447x32xf32, #tpu.memory_space<vmem>> -> memref<447x32xf32, #tpu.memory_space<vmem>>
        tpu.enqueue_dma source(%dma_start3A_628 : memref<447x32xf32, #tpu.memory_space<vmem>>) target(%dma_start3A_624 : memref<447x32xf32, #tpu.memory_space<hbm>>) target_semaphore(%run_scoped3A_616 : memref<!tpu.dma_semaphore, #tpu.memory_space<semaphore_mem>>)
        %dma_wait3A_629 = arith.constant 0 : i32
        %dma_wait3A_630 = arith.constant 0 : i32
        %dma_wait3A_631 = tpu.memref_slice %arg7[%run_scoped3A, %dma_wait3A_629, %dma_wait3A_630] : memref<2x448x32xf32, #tpu.memory_space<vmem>> -> memref<1x447x32xf32, #tpu.memory_space<vmem>>
        %dma_wait3A_632 = tpu.memref_squeeze %dma_wait3A_631 : memref<1x447x32xf32, #tpu.memory_space<vmem>> -> memref<447x32xf32, #tpu.memory_space<vmem>>
        %dma_wait3A_633 = arith.constant 0 : i32
        %dma_wait3A_634 = tpu.memref_slice %arg4[%mul3A_615, %dma_wait3A_633] : memref<99904x32xf32, #tpu.memory_space<hbm>> -> memref<447x32xf32, #tpu.memory_space<hbm>>
        %dma_wait3A_635 = arith.constant 0 : i32
        %dma_wait3A_636 = tpu.memref_slice %arg4[%mul3A_615, %dma_wait3A_635] : memref<99904x32xf32, #tpu.memory_space<hbm>> -> memref<447x32xf32, #tpu.memory_space<hbm>>
        %dma_wait3A_637 = arith.constant 0 : i32
        %dma_wait3A_638 = arith.constant 0 : i32
        %dma_wait3A_639 = tpu.memref_slice %arg7[%run_scoped3A, %dma_wait3A_637, %dma_wait3A_638] : memref<2x448x32xf32, #tpu.memory_space<vmem>> -> memref<1x447x32xf32, #tpu.memory_space<vmem>>
        %dma_wait3A_640 = tpu.memref_squeeze %dma_wait3A_639 : memref<1x447x32xf32, #tpu.memory_space<vmem>> -> memref<447x32xf32, #tpu.memory_space<vmem>>
        tpu.wait_dma2 semaphore(%run_scoped3A_616 : memref<!tpu.dma_semaphore, #tpu.memory_space<semaphore_mem>>) src(%dma_wait3A_640 : memref<447x32xf32, #tpu.memory_space<vmem>>) dst(%dma_wait3A_636 : memref<447x32xf32, #tpu.memory_space<hbm>>)
        tpu.yield
      }) : () -> ()
    } else {
    }
    %eq3A_289 = arith.constant 223 : i32
    %eq3A_290 = arith.cmpi eq, %add3A_208, %eq3A_289 : i32
    %convert_element_type3A_291 = arith.extui %eq3A_290 : i1 to i32
    %cond3A_292 = arith.constant 0 : i32
    %cond3A_293 = arith.cmpi ne, %convert_element_type3A_291, %cond3A_292 : i32
    scf.if %cond3A_293 {
      %scan3A_614 = arith.constant 0 : i32
      %scan3A_615 = arith.constant 0 : i32
      %scan3A_616 = arith.constant 223 : i32
      %scan3A_617 = arith.addi %scan3A_615, %scan3A_616 : i32
      %scan3A_618 = arith.constant 1 : i32
      scf.for %scan3A_620 = %scan3A_615 to %scan3A_617 step %scan3A_618  : i32 {
        %mul3A_621 = arith.constant 2 : i32
        %mul3A_622 = arith.muli %mul3A_621, %scan3A_620 : i32
        %add3A_623 = arith.constant 1 : i32
        %add3A_624 = arith.addi %mul3A_622, %add3A_623 : i32
        %get3A = arith.constant 0 : i32
        %get3A_625 = arith.index_cast %get3A : i32 to index
        %get3A_626 = arith.index_cast %add3A_624 : i32 to index
        %get3A_627 = arith.constant 0 : index
        %get3A_628 = tpu.vector_load %arg7[%get3A_625, %get3A_626, %get3A_627] {strides = array<i32>} : memref<2x448x32xf32, #tpu.memory_space<vmem>>, vector<1x1x16xf32>,
        %get3A_629 = vector.shape_cast %get3A_628 : vector<1x1x16xf32> to vector<16xf32>
        %swap3A = arith.index_cast %scan3A_620 : i32 to index
        %swap3A_630 = arith.constant 0 : index
        %swap3A_631 = tpu.vector_load %arg8[%swap3A, %swap3A_630] {strides = array<i32>} : memref<224x32xf32, #tpu.memory_space<vmem>>, vector<1x16xf32>,
        %swap3A_632 = vector.shape_cast %swap3A_631 : vector<1x16xf32> to vector<16xf32>
        %swap3A_633 = vector.shape_cast %get3A_629 : vector<16xf32> to vector<1x16xf32>
        tpu.vector_store %arg8[%swap3A, %swap3A_630], %swap3A_633 {strides = array<i32>} : memref<224x32xf32, #tpu.memory_space<vmem>>, vector<1x16xf32>,
        %mul3A_634 = arith.constant 2 : i32
        %mul3A_635 = arith.muli %mul3A_634, %scan3A_620 : i32
        %add3A_636 = arith.constant 1 : i32
        %add3A_637 = arith.addi %mul3A_635, %add3A_636 : i32
        %get3A_638 = arith.constant 0 : i32
        %get3A_639 = arith.index_cast %get3A_638 : i32 to index
        %get3A_640 = arith.index_cast %add3A_637 : i32 to index
        %get3A_641 = arith.constant 16 : index
        %get3A_642 = tpu.vector_load %arg7[%get3A_639, %get3A_640, %get3A_641] {strides = array<i32>} : memref<2x448x32xf32, #tpu.memory_space<vmem>>, vector<1x1x16xf32>,
        %get3A_643 = vector.shape_cast %get3A_642 : vector<1x1x16xf32> to vector<16xf32>
        %swap3A_644 = arith.index_cast %scan3A_620 : i32 to index
        %swap3A_645 = arith.constant 16 : index
        %swap3A_646 = tpu.vector_load %arg8[%swap3A_644, %swap3A_645] {strides = array<i32>} : memref<224x32xf32, #tpu.memory_space<vmem>>, vector<1x16xf32>,
        %swap3A_647 = vector.shape_cast %swap3A_646 : vector<1x16xf32> to vector<16xf32>
        %swap3A_648 = vector.shape_cast %get3A_643 : vector<16xf32> to vector<1x16xf32>
        tpu.vector_store %arg8[%swap3A_644, %swap3A_645], %swap3A_648 {strides = array<i32>} : memref<224x32xf32, #tpu.memory_space<vmem>>, vector<1x16xf32>,
      }
      %scan3A_619 = arith.constant 223 : i32
      "tpu.region"() ({
        %run_scoped3A = tpu.sem_alloc : memref<!tpu.dma_semaphore, #tpu.memory_space<semaphore_mem>>
        %dma_start3A_620 = arith.constant 0 : i32
        %dma_start3A_621 = arith.constant 0 : i32
        %dma_start3A_622 = tpu.memref_slice %arg8[%dma_start3A_620, %dma_start3A_621] : memref<224x32xf32, #tpu.memory_space<vmem>> -> memref<223x32xf32, #tpu.memory_space<vmem>>
        %dma_start3A_623 = arith.constant 99681 : i32
        %dma_start3A_624 = arith.constant 0 : i32
        %dma_start3A_625 = tpu.memref_slice %arg4[%dma_start3A_623, %dma_start3A_624] : memref<99904x32xf32, #tpu.memory_space<hbm>> -> memref<223x32xf32, #tpu.memory_space<hbm>>
        %dma_start3A_626 = arith.constant 99681 : i32
        %dma_start3A_627 = arith.constant 0 : i32
        %dma_start3A_628 = tpu.memref_slice %arg4[%dma_start3A_626, %dma_start3A_627] : memref<99904x32xf32, #tpu.memory_space<hbm>> -> memref<223x32xf32, #tpu.memory_space<hbm>>
        %dma_start3A_629 = arith.constant 0 : i32
        %dma_start3A_630 = arith.constant 0 : i32
        %dma_start3A_631 = tpu.memref_slice %arg8[%dma_start3A_629, %dma_start3A_630] : memref<224x32xf32, #tpu.memory_space<vmem>> -> memref<223x32xf32, #tpu.memory_space<vmem>>
        tpu.enqueue_dma source(%dma_start3A_631 : memref<223x32xf32, #tpu.memory_space<vmem>>) target(%dma_start3A_628 : memref<223x32xf32, #tpu.memory_space<hbm>>) target_semaphore(%run_scoped3A : memref<!tpu.dma_semaphore, #tpu.memory_space<semaphore_mem>>)
        %dma_wait3A_632 = arith.constant 0 : i32
        %dma_wait3A_633 = arith.constant 0 : i32
        %dma_wait3A_634 = tpu.memref_slice %arg8[%dma_wait3A_632, %dma_wait3A_633] : memref<224x32xf32, #tpu.memory_space<vmem>> -> memref<223x32xf32, #tpu.memory_space<vmem>>
        %dma_wait3A_635 = arith.constant 99681 : i32
        %dma_wait3A_636 = arith.constant 0 : i32
        %dma_wait3A_637 = tpu.memref_slice %arg4[%dma_wait3A_635, %dma_wait3A_636] : memref<99904x32xf32, #tpu.memory_space<hbm>> -> memref<223x32xf32, #tpu.memory_space<hbm>>
        %dma_wait3A_638 = arith.constant 99681 : i32
        %dma_wait3A_639 = arith.constant 0 : i32
        %dma_wait3A_640 = tpu.memref_slice %arg4[%dma_wait3A_638, %dma_wait3A_639] : memref<99904x32xf32, #tpu.memory_space<hbm>> -> memref<223x32xf32, #tpu.memory_space<hbm>>
        %dma_wait3A_641 = arith.constant 0 : i32
        %dma_wait3A_642 = arith.constant 0 : i32
        %dma_wait3A_643 = tpu.memref_slice %arg8[%dma_wait3A_641, %dma_wait3A_642] : memref<224x32xf32, #tpu.memory_space<vmem>> -> memref<223x32xf32, #tpu.memory_space<vmem>>
        tpu.wait_dma2 semaphore(%run_scoped3A : memref<!tpu.dma_semaphore, #tpu.memory_space<semaphore_mem>>) src(%dma_wait3A_643 : memref<223x32xf32, #tpu.memory_space<vmem>>) dst(%dma_wait3A_640 : memref<223x32xf32, #tpu.memory_space<hbm>>)
        tpu.yield
      }) : () -> ()
    } else {
    }
    %mul3A_294 = arith.constant 7 : i32
    %mul3A_295 = arith.muli %add3A, %mul3A_294 : i32
    %add3A_296 = arith.constant 3 : i32
    %add3A_297 = arith.addi %mul3A_295, %add3A_296 : i32
    %mul3A_298 = arith.constant 56 : i32
    %mul3A_299 = arith.muli %add3A_297, %mul3A_298 : i32
    %mul3A_300 = arith.constant 56 : i32
    %mul3A_301 = arith.muli %add3A_297, %mul3A_300 : i32
    %min3A_302 = arith.constant 12424 : i32
    %min3A_303 = arith.minsi %mul3A_301, %min3A_302 : i32
    %sub3A_304 = arith.subi %mul3A_299, %min3A_303 : i32
    %dma_wait3A_305 = arith.constant 1 : i32
    %dma_wait3A_306 = arith.constant 0 : i32
    %dma_wait3A_307 = arith.constant 0 : i32
    %dma_wait3A_308 = tpu.memref_slice %arg5[%dma_wait3A_305, %dma_wait3A_306, %dma_wait3A_307] : memref<2x56x128xf32, #tpu.memory_space<vmem>> -> memref<1x56x128xf32, #tpu.memory_space<vmem>>
    %dma_wait3A_309 = tpu.memref_squeeze %dma_wait3A_308 : memref<1x56x128xf32, #tpu.memory_space<vmem>> -> memref<56x128xf32, #tpu.memory_space<vmem>>
    %dma_wait3A_310 = arith.constant 0 : i32
    %dma_wait3A_311 = tpu.memref_slice %arg2[%multiple_of3A_248, %dma_wait3A_310] : memref<12544x128xf32, #tpu.memory_space<hbm>> -> memref<56x128xf32, #tpu.memory_space<hbm>>
    %dma_wait3A_312 = arith.constant 0 : i32
    %dma_wait3A_313 = arith.constant 0 : i32
    %dma_wait3A_314 = tpu.memref_slice %arg5[%dma_wait3A_305, %dma_wait3A_312, %dma_wait3A_313] : memref<2x56x128xf32, #tpu.memory_space<vmem>> -> memref<1x56x128xf32, #tpu.memory_space<vmem>>
    %dma_wait3A_315 = tpu.memref_squeeze %dma_wait3A_314 : memref<1x56x128xf32, #tpu.memory_space<vmem>> -> memref<56x128xf32, #tpu.memory_space<vmem>>
    %dma_wait3A_316 = arith.constant 0 : i32
    %dma_wait3A_317 = tpu.memref_slice %arg2[%multiple_of3A_248, %dma_wait3A_316] : memref<12544x128xf32, #tpu.memory_space<hbm>> -> memref<56x128xf32, #tpu.memory_space<hbm>>
    tpu.wait_dma2 semaphore(%arg10 : memref<!tpu.dma_semaphore, #tpu.memory_space<semaphore_mem>>) src(%dma_wait3A_317 : memref<56x128xf32, #tpu.memory_space<hbm>>) dst(%dma_wait3A_315 : memref<56x128xf32, #tpu.memory_space<vmem>>)
    %dma_wait3A_318 = arith.constant 1 : i32
    %dma_wait3A_319 = arith.constant 0 : i32
    %dma_wait3A_320 = arith.constant 0 : i32
    %dma_wait3A_321 = tpu.memref_slice %arg6[%dma_wait3A_318, %dma_wait3A_319, %dma_wait3A_320] : memref<2x184x128xf32, #tpu.memory_space<vmem>> -> memref<1x120x128xf32, #tpu.memory_space<vmem>>
    %dma_wait3A_322 = tpu.memref_squeeze %dma_wait3A_321 : memref<1x120x128xf32, #tpu.memory_space<vmem>> -> memref<120x128xf32, #tpu.memory_space<vmem>>
    %dma_wait3A_323 = arith.constant 0 : i32
    %dma_wait3A_324 = tpu.memref_slice %arg3[%multiple_of3A_251, %dma_wait3A_323] : memref<12544x128xf32, #tpu.memory_space<hbm>> -> memref<120x128xf32, #tpu.memory_space<hbm>>
    %dma_wait3A_325 = arith.constant 0 : i32
    %dma_wait3A_326 = arith.constant 0 : i32
    %dma_wait3A_327 = tpu.memref_slice %arg6[%dma_wait3A_318, %dma_wait3A_325, %dma_wait3A_326] : memref<2x184x128xf32, #tpu.memory_space<vmem>> -> memref<1x120x128xf32, #tpu.memory_space<vmem>>
    %dma_wait3A_328 = tpu.memref_squeeze %dma_wait3A_327 : memref<1x120x128xf32, #tpu.memory_space<vmem>> -> memref<120x128xf32, #tpu.memory_space<vmem>>
    %dma_wait3A_329 = arith.constant 0 : i32
    %dma_wait3A_330 = tpu.memref_slice %arg3[%multiple_of3A_251, %dma_wait3A_329] : memref<12544x128xf32, #tpu.memory_space<hbm>> -> memref<120x128xf32, #tpu.memory_space<hbm>>
    tpu.wait_dma2 semaphore(%arg12 : memref<!tpu.dma_semaphore, #tpu.memory_space<semaphore_mem>>) src(%dma_wait3A_330 : memref<120x128xf32, #tpu.memory_space<hbm>>) dst(%dma_wait3A_328 : memref<120x128xf32, #tpu.memory_space<vmem>>)
    %mul3A_331 = arith.constant 7 : i32
    %mul3A_332 = arith.muli %add3A, %mul3A_331 : i32
    %add3A_333 = arith.constant 4 : i32
    %add3A_334 = arith.addi %mul3A_332, %add3A_333 : i32
    %mul3A_335 = arith.constant 56 : i32
    %mul3A_336 = arith.muli %add3A_334, %mul3A_335 : i32
    %multiple_of3A_337 = tpu.assume_multiple %mul3A_336, 8 : i32
    %min3A_338 = arith.constant 12424 : i32
    %min3A_339 = arith.minsi %multiple_of3A_337, %min3A_338 : i32
    %multiple_of3A_340 = tpu.assume_multiple %min3A_339, 8 : i32
    %dma_start3A_341 = arith.constant 0 : i32
    %dma_start3A_342 = arith.constant 0 : i32
    %dma_start3A_343 = arith.constant 0 : i32
    %dma_start3A_344 = tpu.memref_slice %arg5[%dma_start3A_341, %dma_start3A_342, %dma_start3A_343] : memref<2x56x128xf32, #tpu.memory_space<vmem>> -> memref<1x56x128xf32, #tpu.memory_space<vmem>>
    %dma_start3A_345 = tpu.memref_squeeze %dma_start3A_344 : memref<1x56x128xf32, #tpu.memory_space<vmem>> -> memref<56x128xf32, #tpu.memory_space<vmem>>
    %dma_start3A_346 = arith.constant 0 : i32
    %dma_start3A_347 = tpu.memref_slice %arg2[%multiple_of3A_337, %dma_start3A_346] : memref<12544x128xf32, #tpu.memory_space<hbm>> -> memref<56x128xf32, #tpu.memory_space<hbm>>
    %dma_start3A_348 = arith.constant 0 : i32
    %dma_start3A_349 = arith.constant 0 : i32
    %dma_start3A_350 = tpu.memref_slice %arg5[%dma_start3A_341, %dma_start3A_348, %dma_start3A_349] : memref<2x56x128xf32, #tpu.memory_space<vmem>> -> memref<1x56x128xf32, #tpu.memory_space<vmem>>
    %dma_start3A_351 = tpu.memref_squeeze %dma_start3A_350 : memref<1x56x128xf32, #tpu.memory_space<vmem>> -> memref<56x128xf32, #tpu.memory_space<vmem>>
    %dma_start3A_352 = arith.constant 0 : i32
    %dma_start3A_353 = tpu.memref_slice %arg2[%multiple_of3A_337, %dma_start3A_352] : memref<12544x128xf32, #tpu.memory_space<hbm>> -> memref<56x128xf32, #tpu.memory_space<hbm>>
    tpu.enqueue_dma source(%dma_start3A_353 : memref<56x128xf32, #tpu.memory_space<hbm>>) target(%dma_start3A_351 : memref<56x128xf32, #tpu.memory_space<vmem>>) target_semaphore(%arg9 : memref<!tpu.dma_semaphore, #tpu.memory_space<semaphore_mem>>)
    %dma_start3A_354 = arith.constant 0 : i32
    %dma_start3A_355 = arith.constant 0 : i32
    %dma_start3A_356 = arith.constant 0 : i32
    %dma_start3A_357 = tpu.memref_slice %arg6[%dma_start3A_354, %dma_start3A_355, %dma_start3A_356] : memref<2x184x128xf32, #tpu.memory_space<vmem>> -> memref<1x120x128xf32, #tpu.memory_space<vmem>>
    %dma_start3A_358 = tpu.memref_squeeze %dma_start3A_357 : memref<1x120x128xf32, #tpu.memory_space<vmem>> -> memref<120x128xf32, #tpu.memory_space<vmem>>
    %dma_start3A_359 = arith.constant 0 : i32
    %dma_start3A_360 = tpu.memref_slice %arg3[%multiple_of3A_340, %dma_start3A_359] : memref<12544x128xf32, #tpu.memory_space<hbm>> -> memref<120x128xf32, #tpu.memory_space<hbm>>
    %dma_start3A_361 = arith.constant 0 : i32
    %dma_start3A_362 = arith.constant 0 : i32
    %dma_start3A_363 = tpu.memref_slice %arg6[%dma_start3A_354, %dma_start3A_361, %dma_start3A_362] : memref<2x184x128xf32, #tpu.memory_space<vmem>> -> memref<1x120x128xf32, #tpu.memory_space<vmem>>
    %dma_start3A_364 = tpu.memref_squeeze %dma_start3A_363 : memref<1x120x128xf32, #tpu.memory_space<vmem>> -> memref<120x128xf32, #tpu.memory_space<vmem>>
    %dma_start3A_365 = arith.constant 0 : i32
    %dma_start3A_366 = tpu.memref_slice %arg3[%multiple_of3A_340, %dma_start3A_365] : memref<12544x128xf32, #tpu.memory_space<hbm>> -> memref<120x128xf32, #tpu.memory_space<hbm>>
    tpu.enqueue_dma source(%dma_start3A_366 : memref<120x128xf32, #tpu.memory_space<hbm>>) target(%dma_start3A_364 : memref<120x128xf32, #tpu.memory_space<vmem>>) target_semaphore(%arg11 : memref<!tpu.dma_semaphore, #tpu.memory_space<semaphore_mem>>)
    %scan3A_367 = arith.constant 0 : i32
    %scan3A_368 = arith.constant 0 : i32
    %scan3A_369 = arith.constant 56 : i32
    %scan3A_370 = arith.addi %scan3A_368, %scan3A_369 : i32
    %scan3A_371 = arith.constant 1 : i32
    scf.for %scan3A_614 = %scan3A_368 to %scan3A_370 step %scan3A_371  : i32 {
      %add3A_615 = arith.addi %scan3A_614, %sub3A_304 : i32
      %add3A_616 = arith.constant 56 : i32
      %add3A_617 = arith.addi %add3A_615, %add3A_616 : i32
      %add3A_618 = arith.addi %scan3A_614, %sub3A_304 : i32
      %mul3A_619 = arith.constant 8 : i32
      %mul3A_620 = arith.muli %mul3A_619, %scan3A_614 : i32
      %add3A_621 = arith.constant 0 : i32
      %add3A_622 = arith.addi %mul3A_620, %add3A_621 : i32
      %get3A = arith.constant 1 : i32
      %get3A_623 = arith.index_cast %get3A : i32 to index
      %get3A_624 = arith.index_cast %scan3A_614 : i32 to index
      %get3A_625 = arith.constant 0 : index
      %get3A_626 = tpu.vector_load %arg5[%get3A_623, %get3A_624, %get3A_625] {strides = array<i32>} : memref<2x56x128xf32, #tpu.memory_space<vmem>>, vector<1x1x16xf32>,
      %get3A_627 = vector.shape_cast %get3A_626 : vector<1x1x16xf32> to vector<16xf32>
      %get3A_628 = arith.constant 1 : i32
      %get3A_629 = arith.index_cast %get3A_628 : i32 to index
      %get3A_630 = arith.index_cast %add3A_617 : i32 to index
      %get3A_631 = arith.constant 0 : index
      %get3A_632 = tpu.vector_load %arg6[%get3A_629, %get3A_630, %get3A_631] {strides = array<i32>} : memref<2x184x128xf32, #tpu.memory_space<vmem>>, vector<1x1x16xf32>,
      %get3A_633 = vector.shape_cast %get3A_632 : vector<1x1x16xf32> to vector<16xf32>
      %add3A_634 = arith.addf %get3A_627, %get3A_633 : vector<16xf32>
      %swap3A = arith.constant 0 : i32
      %swap3A_635 = arith.index_cast %swap3A : i32 to index
      %swap3A_636 = arith.index_cast %add3A_622 : i32 to index
      %swap3A_637 = arith.constant 0 : index
      %swap3A_638 = tpu.vector_load %arg7[%swap3A_635, %swap3A_636, %swap3A_637] {strides = array<i32>} : memref<2x448x32xf32, #tpu.memory_space<vmem>>, vector<1x1x16xf32>,
      %swap3A_639 = vector.shape_cast %swap3A_638 : vector<1x1x16xf32> to vector<16xf32>
      %swap3A_640 = vector.shape_cast %add3A_634 : vector<16xf32> to vector<1x1x16xf32>
      tpu.vector_store %arg7[%swap3A_635, %swap3A_636, %swap3A_637], %swap3A_640 {strides = array<i32>} : memref<2x448x32xf32, #tpu.memory_space<vmem>>, vector<1x1x16xf32>,
      %add3A_641 = arith.constant 0 : i32
      %add3A_642 = arith.addi %add3A_618, %add3A_641 : i32
      %get3A_643 = arith.constant 1 : i32
      %get3A_644 = arith.index_cast %get3A_643 : i32 to index
      %get3A_645 = arith.index_cast %add3A_642 : i32 to index
      %get3A_646 = arith.constant 32 : index
      %get3A_647 = tpu.vector_load %arg6[%get3A_644, %get3A_645, %get3A_646] {strides = array<i32>} : memref<2x184x128xf32, #tpu.memory_space<vmem>>, vector<1x1x16xf32>,
      %get3A_648 = vector.shape_cast %get3A_647 : vector<1x1x16xf32> to vector<16xf32>
      %add3A_649 = arith.addf %get3A_627, %get3A_648 : vector<16xf32>
      %add3A_650 = arith.constant 1 : i32
      %add3A_651 = arith.addi %add3A_622, %add3A_650 : i32
      %swap3A_652 = arith.constant 0 : i32
      %swap3A_653 = arith.index_cast %swap3A_652 : i32 to index
      %swap3A_654 = arith.index_cast %add3A_651 : i32 to index
      %swap3A_655 = arith.constant 0 : index
      %swap3A_656 = tpu.vector_load %arg7[%swap3A_653, %swap3A_654, %swap3A_655] {strides = array<i32>} : memref<2x448x32xf32, #tpu.memory_space<vmem>>, vector<1x1x16xf32>,
      %swap3A_657 = vector.shape_cast %swap3A_656 : vector<1x1x16xf32> to vector<16xf32>
      %swap3A_658 = vector.shape_cast %add3A_649 : vector<16xf32> to vector<1x1x16xf32>
      tpu.vector_store %arg7[%swap3A_653, %swap3A_654, %swap3A_655], %swap3A_658 {strides = array<i32>} : memref<2x448x32xf32, #tpu.memory_space<vmem>>, vector<1x1x16xf32>,
      %mul3A_659 = arith.constant 8 : i32
      %mul3A_660 = arith.muli %mul3A_659, %scan3A_614 : i32
      %add3A_661 = arith.constant 0 : i32
      %add3A_662 = arith.addi %mul3A_660, %add3A_661 : i32
      %get3A_663 = arith.constant 1 : i32
      %get3A_664 = arith.index_cast %get3A_663 : i32 to index
      %get3A_665 = arith.index_cast %scan3A_614 : i32 to index
      %get3A_666 = arith.constant 16 : index
      %get3A_667 = tpu.vector_load %arg5[%get3A_664, %get3A_665, %get3A_666] {strides = array<i32>} : memref<2x56x128xf32, #tpu.memory_space<vmem>>, vector<1x1x16xf32>,
      %get3A_668 = vector.shape_cast %get3A_667 : vector<1x1x16xf32> to vector<16xf32>
      %get3A_669 = arith.constant 1 : i32
      %get3A_670 = arith.index_cast %get3A_669 : i32 to index
      %get3A_671 = arith.index_cast %add3A_617 : i32 to index
      %get3A_672 = arith.constant 16 : index
      %get3A_673 = tpu.vector_load %arg6[%get3A_670, %get3A_671, %get3A_672] {strides = array<i32>} : memref<2x184x128xf32, #tpu.memory_space<vmem>>, vector<1x1x16xf32>,
      %get3A_674 = vector.shape_cast %get3A_673 : vector<1x1x16xf32> to vector<16xf32>
      %add3A_675 = arith.addf %get3A_668, %get3A_674 : vector<16xf32>
      %swap3A_676 = arith.constant 0 : i32
      %swap3A_677 = arith.index_cast %swap3A_676 : i32 to index
      %swap3A_678 = arith.index_cast %add3A_662 : i32 to index
      %swap3A_679 = arith.constant 16 : index
      %swap3A_680 = tpu.vector_load %arg7[%swap3A_677, %swap3A_678, %swap3A_679] {strides = array<i32>} : memref<2x448x32xf32, #tpu.memory_space<vmem>>, vector<1x1x16xf32>,
      %swap3A_681 = vector.shape_cast %swap3A_680 : vector<1x1x16xf32> to vector<16xf32>
      %swap3A_682 = vector.shape_cast %add3A_675 : vector<16xf32> to vector<1x1x16xf32>
      tpu.vector_store %arg7[%swap3A_677, %swap3A_678, %swap3A_679], %swap3A_682 {strides = array<i32>} : memref<2x448x32xf32, #tpu.memory_space<vmem>>, vector<1x1x16xf32>,
      %add3A_683 = arith.constant 0 : i32
      %add3A_684 = arith.addi %add3A_618, %add3A_683 : i32
      %get3A_685 = arith.constant 1 : i32
      %get3A_686 = arith.index_cast %get3A_685 : i32 to index
      %get3A_687 = arith.index_cast %add3A_684 : i32 to index
      %get3A_688 = arith.constant 48 : index
      %get3A_689 = tpu.vector_load %arg6[%get3A_686, %get3A_687, %get3A_688] {strides = array<i32>} : memref<2x184x128xf32, #tpu.memory_space<vmem>>, vector<1x1x16xf32>,
      %get3A_690 = vector.shape_cast %get3A_689 : vector<1x1x16xf32> to vector<16xf32>
      %add3A_691 = arith.addf %get3A_668, %get3A_690 : vector<16xf32>
      %add3A_692 = arith.constant 1 : i32
      %add3A_693 = arith.addi %add3A_662, %add3A_692 : i32
      %swap3A_694 = arith.constant 0 : i32
      %swap3A_695 = arith.index_cast %swap3A_694 : i32 to index
      %swap3A_696 = arith.index_cast %add3A_693 : i32 to index
      %swap3A_697 = arith.constant 16 : index
      %swap3A_698 = tpu.vector_load %arg7[%swap3A_695, %swap3A_696, %swap3A_697] {strides = array<i32>} : memref<2x448x32xf32, #tpu.memory_space<vmem>>, vector<1x1x16xf32>,
      %swap3A_699 = vector.shape_cast %swap3A_698 : vector<1x1x16xf32> to vector<16xf32>
      %swap3A_700 = vector.shape_cast %add3A_691 : vector<16xf32> to vector<1x1x16xf32>
      tpu.vector_store %arg7[%swap3A_695, %swap3A_696, %swap3A_697], %swap3A_700 {strides = array<i32>} : memref<2x448x32xf32, #tpu.memory_space<vmem>>, vector<1x1x16xf32>,
      %mul3A_701 = arith.constant 8 : i32
      %mul3A_702 = arith.muli %mul3A_701, %scan3A_614 : i32
      %add3A_703 = arith.constant 2 : i32
      %add3A_704 = arith.addi %mul3A_702, %add3A_703 : i32
      %get3A_705 = arith.constant 1 : i32
      %get3A_706 = arith.index_cast %get3A_705 : i32 to index
      %get3A_707 = arith.index_cast %scan3A_614 : i32 to index
      %get3A_708 = arith.constant 32 : index
      %get3A_709 = tpu.vector_load %arg5[%get3A_706, %get3A_707, %get3A_708] {strides = array<i32>} : memref<2x56x128xf32, #tpu.memory_space<vmem>>, vector<1x1x16xf32>,
      %get3A_710 = vector.shape_cast %get3A_709 : vector<1x1x16xf32> to vector<16xf32>
      %get3A_711 = arith.constant 1 : i32
      %get3A_712 = arith.index_cast %get3A_711 : i32 to index
      %get3A_713 = arith.index_cast %add3A_617 : i32 to index
      %get3A_714 = arith.constant 32 : index
      %get3A_715 = tpu.vector_load %arg6[%get3A_712, %get3A_713, %get3A_714] {strides = array<i32>} : memref<2x184x128xf32, #tpu.memory_space<vmem>>, vector<1x1x16xf32>,
      %get3A_716 = vector.shape_cast %get3A_715 : vector<1x1x16xf32> to vector<16xf32>
      %add3A_717 = arith.addf %get3A_710, %get3A_716 : vector<16xf32>
      %swap3A_718 = arith.constant 0 : i32
      %swap3A_719 = arith.index_cast %swap3A_718 : i32 to index
      %swap3A_720 = arith.index_cast %add3A_704 : i32 to index
      %swap3A_721 = arith.constant 0 : index
      %swap3A_722 = tpu.vector_load %arg7[%swap3A_719, %swap3A_720, %swap3A_721] {strides = array<i32>} : memref<2x448x32xf32, #tpu.memory_space<vmem>>, vector<1x1x16xf32>,
      %swap3A_723 = vector.shape_cast %swap3A_722 : vector<1x1x16xf32> to vector<16xf32>
      %swap3A_724 = vector.shape_cast %add3A_717 : vector<16xf32> to vector<1x1x16xf32>
      tpu.vector_store %arg7[%swap3A_719, %swap3A_720, %swap3A_721], %swap3A_724 {strides = array<i32>} : memref<2x448x32xf32, #tpu.memory_space<vmem>>, vector<1x1x16xf32>,
      %add3A_725 = arith.constant 0 : i32
      %add3A_726 = arith.addi %add3A_618, %add3A_725 : i32
      %get3A_727 = arith.constant 1 : i32
      %get3A_728 = arith.index_cast %get3A_727 : i32 to index
      %get3A_729 = arith.index_cast %add3A_726 : i32 to index
      %get3A_730 = arith.constant 64 : index
      %get3A_731 = tpu.vector_load %arg6[%get3A_728, %get3A_729, %get3A_730] {strides = array<i32>} : memref<2x184x128xf32, #tpu.memory_space<vmem>>, vector<1x1x16xf32>,
      %get3A_732 = vector.shape_cast %get3A_731 : vector<1x1x16xf32> to vector<16xf32>
      %add3A_733 = arith.addf %get3A_710, %get3A_732 : vector<16xf32>
      %add3A_734 = arith.constant 1 : i32
      %add3A_735 = arith.addi %add3A_704, %add3A_734 : i32
      %swap3A_736 = arith.constant 0 : i32
      %swap3A_737 = arith.index_cast %swap3A_736 : i32 to index
      %swap3A_738 = arith.index_cast %add3A_735 : i32 to index
      %swap3A_739 = arith.constant 0 : index
      %swap3A_740 = tpu.vector_load %arg7[%swap3A_737, %swap3A_738, %swap3A_739] {strides = array<i32>} : memref<2x448x32xf32, #tpu.memory_space<vmem>>, vector<1x1x16xf32>,
      %swap3A_741 = vector.shape_cast %swap3A_740 : vector<1x1x16xf32> to vector<16xf32>
      %swap3A_742 = vector.shape_cast %add3A_733 : vector<16xf32> to vector<1x1x16xf32>
      tpu.vector_store %arg7[%swap3A_737, %swap3A_738, %swap3A_739], %swap3A_742 {strides = array<i32>} : memref<2x448x32xf32, #tpu.memory_space<vmem>>, vector<1x1x16xf32>,
      %mul3A_743 = arith.constant 8 : i32
      %mul3A_744 = arith.muli %mul3A_743, %scan3A_614 : i32
      %add3A_745 = arith.constant 2 : i32
      %add3A_746 = arith.addi %mul3A_744, %add3A_745 : i32
      %get3A_747 = arith.constant 1 : i32
      %get3A_748 = arith.index_cast %get3A_747 : i32 to index
      %get3A_749 = arith.index_cast %scan3A_614 : i32 to index
      %get3A_750 = arith.constant 48 : index
      %get3A_751 = tpu.vector_load %arg5[%get3A_748, %get3A_749, %get3A_750] {strides = array<i32>} : memref<2x56x128xf32, #tpu.memory_space<vmem>>, vector<1x1x16xf32>,
      %get3A_752 = vector.shape_cast %get3A_751 : vector<1x1x16xf32> to vector<16xf32>
      %get3A_753 = arith.constant 1 : i32
      %get3A_754 = arith.index_cast %get3A_753 : i32 to index
      %get3A_755 = arith.index_cast %add3A_617 : i32 to index
      %get3A_756 = arith.constant 48 : index
      %get3A_757 = tpu.vector_load %arg6[%get3A_754, %get3A_755, %get3A_756] {strides = array<i32>} : memref<2x184x128xf32, #tpu.memory_space<vmem>>, vector<1x1x16xf32>,
      %get3A_758 = vector.shape_cast %get3A_757 : vector<1x1x16xf32> to vector<16xf32>
      %add3A_759 = arith.addf %get3A_752, %get3A_758 : vector<16xf32>
      %swap3A_760 = arith.constant 0 : i32
      %swap3A_761 = arith.index_cast %swap3A_760 : i32 to index
      %swap3A_762 = arith.index_cast %add3A_746 : i32 to index
      %swap3A_763 = arith.constant 16 : index
      %swap3A_764 = tpu.vector_load %arg7[%swap3A_761, %swap3A_762, %swap3A_763] {strides = array<i32>} : memref<2x448x32xf32, #tpu.memory_space<vmem>>, vector<1x1x16xf32>,
      %swap3A_765 = vector.shape_cast %swap3A_764 : vector<1x1x16xf32> to vector<16xf32>
      %swap3A_766 = vector.shape_cast %add3A_759 : vector<16xf32> to vector<1x1x16xf32>
      tpu.vector_store %arg7[%swap3A_761, %swap3A_762, %swap3A_763], %swap3A_766 {strides = array<i32>} : memref<2x448x32xf32, #tpu.memory_space<vmem>>, vector<1x1x16xf32>,
      %add3A_767 = arith.constant 0 : i32
      %add3A_768 = arith.addi %add3A_618, %add3A_767 : i32
      %get3A_769 = arith.constant 1 : i32
      %get3A_770 = arith.index_cast %get3A_769 : i32 to index
      %get3A_771 = arith.index_cast %add3A_768 : i32 to index
      %get3A_772 = arith.constant 80 : index
      %get3A_773 = tpu.vector_load %arg6[%get3A_770, %get3A_771, %get3A_772] {strides = array<i32>} : memref<2x184x128xf32, #tpu.memory_space<vmem>>, vector<1x1x16xf32>,
      %get3A_774 = vector.shape_cast %get3A_773 : vector<1x1x16xf32> to vector<16xf32>
      %add3A_775 = arith.addf %get3A_752, %get3A_774 : vector<16xf32>
      %add3A_776 = arith.constant 1 : i32
      %add3A_777 = arith.addi %add3A_746, %add3A_776 : i32
      %swap3A_778 = arith.constant 0 : i32
      %swap3A_779 = arith.index_cast %swap3A_778 : i32 to index
      %swap3A_780 = arith.index_cast %add3A_777 : i32 to index
      %swap3A_781 = arith.constant 16 : index
      %swap3A_782 = tpu.vector_load %arg7[%swap3A_779, %swap3A_780, %swap3A_781] {strides = array<i32>} : memref<2x448x32xf32, #tpu.memory_space<vmem>>, vector<1x1x16xf32>,
      %swap3A_783 = vector.shape_cast %swap3A_782 : vector<1x1x16xf32> to vector<16xf32>
      %swap3A_784 = vector.shape_cast %add3A_775 : vector<16xf32> to vector<1x1x16xf32>
      tpu.vector_store %arg7[%swap3A_779, %swap3A_780, %swap3A_781], %swap3A_784 {strides = array<i32>} : memref<2x448x32xf32, #tpu.memory_space<vmem>>, vector<1x1x16xf32>,
      %mul3A_785 = arith.constant 8 : i32
      %mul3A_786 = arith.muli %mul3A_785, %scan3A_614 : i32
      %add3A_787 = arith.constant 4 : i32
      %add3A_788 = arith.addi %mul3A_786, %add3A_787 : i32
      %get3A_789 = arith.constant 1 : i32
      %get3A_790 = arith.index_cast %get3A_789 : i32 to index
      %get3A_791 = arith.index_cast %scan3A_614 : i32 to index
      %get3A_792 = arith.constant 64 : index
      %get3A_793 = tpu.vector_load %arg5[%get3A_790, %get3A_791, %get3A_792] {strides = array<i32>} : memref<2x56x128xf32, #tpu.memory_space<vmem>>, vector<1x1x16xf32>,
      %get3A_794 = vector.shape_cast %get3A_793 : vector<1x1x16xf32> to vector<16xf32>
      %get3A_795 = arith.constant 1 : i32
      %get3A_796 = arith.index_cast %get3A_795 : i32 to index
      %get3A_797 = arith.index_cast %add3A_617 : i32 to index
      %get3A_798 = arith.constant 64 : index
      %get3A_799 = tpu.vector_load %arg6[%get3A_796, %get3A_797, %get3A_798] {strides = array<i32>} : memref<2x184x128xf32, #tpu.memory_space<vmem>>, vector<1x1x16xf32>,
      %get3A_800 = vector.shape_cast %get3A_799 : vector<1x1x16xf32> to vector<16xf32>
      %add3A_801 = arith.addf %get3A_794, %get3A_800 : vector<16xf32>
      %swap3A_802 = arith.constant 0 : i32
      %swap3A_803 = arith.index_cast %swap3A_802 : i32 to index
      %swap3A_804 = arith.index_cast %add3A_788 : i32 to index
      %swap3A_805 = arith.constant 0 : index
      %swap3A_806 = tpu.vector_load %arg7[%swap3A_803, %swap3A_804, %swap3A_805] {strides = array<i32>} : memref<2x448x32xf32, #tpu.memory_space<vmem>>, vector<1x1x16xf32>,
      %swap3A_807 = vector.shape_cast %swap3A_806 : vector<1x1x16xf32> to vector<16xf32>
      %swap3A_808 = vector.shape_cast %add3A_801 : vector<16xf32> to vector<1x1x16xf32>
      tpu.vector_store %arg7[%swap3A_803, %swap3A_804, %swap3A_805], %swap3A_808 {strides = array<i32>} : memref<2x448x32xf32, #tpu.memory_space<vmem>>, vector<1x1x16xf32>,
      %add3A_809 = arith.constant 0 : i32
      %add3A_810 = arith.addi %add3A_618, %add3A_809 : i32
      %get3A_811 = arith.constant 1 : i32
      %get3A_812 = arith.index_cast %get3A_811 : i32 to index
      %get3A_813 = arith.index_cast %add3A_810 : i32 to index
      %get3A_814 = arith.constant 96 : index
      %get3A_815 = tpu.vector_load %arg6[%get3A_812, %get3A_813, %get3A_814] {strides = array<i32>} : memref<2x184x128xf32, #tpu.memory_space<vmem>>, vector<1x1x16xf32>,
      %get3A_816 = vector.shape_cast %get3A_815 : vector<1x1x16xf32> to vector<16xf32>
      %add3A_817 = arith.addf %get3A_794, %get3A_816 : vector<16xf32>
      %add3A_818 = arith.constant 1 : i32
      %add3A_819 = arith.addi %add3A_788, %add3A_818 : i32
      %swap3A_820 = arith.constant 0 : i32
      %swap3A_821 = arith.index_cast %swap3A_820 : i32 to index
      %swap3A_822 = arith.index_cast %add3A_819 : i32 to index
      %swap3A_823 = arith.constant 0 : index
      %swap3A_824 = tpu.vector_load %arg7[%swap3A_821, %swap3A_822, %swap3A_823] {strides = array<i32>} : memref<2x448x32xf32, #tpu.memory_space<vmem>>, vector<1x1x16xf32>,
      %swap3A_825 = vector.shape_cast %swap3A_824 : vector<1x1x16xf32> to vector<16xf32>
      %swap3A_826 = vector.shape_cast %add3A_817 : vector<16xf32> to vector<1x1x16xf32>
      tpu.vector_store %arg7[%swap3A_821, %swap3A_822, %swap3A_823], %swap3A_826 {strides = array<i32>} : memref<2x448x32xf32, #tpu.memory_space<vmem>>, vector<1x1x16xf32>,
      %mul3A_827 = arith.constant 8 : i32
      %mul3A_828 = arith.muli %mul3A_827, %scan3A_614 : i32
      %add3A_829 = arith.constant 4 : i32
      %add3A_830 = arith.addi %mul3A_828, %add3A_829 : i32
      %get3A_831 = arith.constant 1 : i32
      %get3A_832 = arith.index_cast %get3A_831 : i32 to index
      %get3A_833 = arith.index_cast %scan3A_614 : i32 to index
      %get3A_834 = arith.constant 80 : index
      %get3A_835 = tpu.vector_load %arg5[%get3A_832, %get3A_833, %get3A_834] {strides = array<i32>} : memref<2x56x128xf32, #tpu.memory_space<vmem>>, vector<1x1x16xf32>,
      %get3A_836 = vector.shape_cast %get3A_835 : vector<1x1x16xf32> to vector<16xf32>
      %get3A_837 = arith.constant 1 : i32
      %get3A_838 = arith.index_cast %get3A_837 : i32 to index
      %get3A_839 = arith.index_cast %add3A_617 : i32 to index
      %get3A_840 = arith.constant 80 : index
      %get3A_841 = tpu.vector_load %arg6[%get3A_838, %get3A_839, %get3A_840] {strides = array<i32>} : memref<2x184x128xf32, #tpu.memory_space<vmem>>, vector<1x1x16xf32>,
      %get3A_842 = vector.shape_cast %get3A_841 : vector<1x1x16xf32> to vector<16xf32>
      %add3A_843 = arith.addf %get3A_836, %get3A_842 : vector<16xf32>
      %swap3A_844 = arith.constant 0 : i32
      %swap3A_845 = arith.index_cast %swap3A_844 : i32 to index
      %swap3A_846 = arith.index_cast %add3A_830 : i32 to index
      %swap3A_847 = arith.constant 16 : index
      %swap3A_848 = tpu.vector_load %arg7[%swap3A_845, %swap3A_846, %swap3A_847] {strides = array<i32>} : memref<2x448x32xf32, #tpu.memory_space<vmem>>, vector<1x1x16xf32>,
      %swap3A_849 = vector.shape_cast %swap3A_848 : vector<1x1x16xf32> to vector<16xf32>
      %swap3A_850 = vector.shape_cast %add3A_843 : vector<16xf32> to vector<1x1x16xf32>
      tpu.vector_store %arg7[%swap3A_845, %swap3A_846, %swap3A_847], %swap3A_850 {strides = array<i32>} : memref<2x448x32xf32, #tpu.memory_space<vmem>>, vector<1x1x16xf32>,
      %add3A_851 = arith.constant 0 : i32
      %add3A_852 = arith.addi %add3A_618, %add3A_851 : i32
      %get3A_853 = arith.constant 1 : i32
      %get3A_854 = arith.index_cast %get3A_853 : i32 to index
      %get3A_855 = arith.index_cast %add3A_852 : i32 to index
      %get3A_856 = arith.constant 112 : index
      %get3A_857 = tpu.vector_load %arg6[%get3A_854, %get3A_855, %get3A_856] {strides = array<i32>} : memref<2x184x128xf32, #tpu.memory_space<vmem>>, vector<1x1x16xf32>,
      %get3A_858 = vector.shape_cast %get3A_857 : vector<1x1x16xf32> to vector<16xf32>
      %add3A_859 = arith.addf %get3A_836, %get3A_858 : vector<16xf32>
      %add3A_860 = arith.constant 1 : i32
      %add3A_861 = arith.addi %add3A_830, %add3A_860 : i32
      %swap3A_862 = arith.constant 0 : i32
      %swap3A_863 = arith.index_cast %swap3A_862 : i32 to index
      %swap3A_864 = arith.index_cast %add3A_861 : i32 to index
      %swap3A_865 = arith.constant 16 : index
      %swap3A_866 = tpu.vector_load %arg7[%swap3A_863, %swap3A_864, %swap3A_865] {strides = array<i32>} : memref<2x448x32xf32, #tpu.memory_space<vmem>>, vector<1x1x16xf32>,
      %swap3A_867 = vector.shape_cast %swap3A_866 : vector<1x1x16xf32> to vector<16xf32>
      %swap3A_868 = vector.shape_cast %add3A_859 : vector<16xf32> to vector<1x1x16xf32>
      tpu.vector_store %arg7[%swap3A_863, %swap3A_864, %swap3A_865], %swap3A_868 {strides = array<i32>} : memref<2x448x32xf32, #tpu.memory_space<vmem>>, vector<1x1x16xf32>,
      %mul3A_869 = arith.constant 8 : i32
      %mul3A_870 = arith.muli %mul3A_869, %scan3A_614 : i32
      %add3A_871 = arith.constant 6 : i32
      %add3A_872 = arith.addi %mul3A_870, %add3A_871 : i32
      %get3A_873 = arith.constant 1 : i32
      %get3A_874 = arith.index_cast %get3A_873 : i32 to index
      %get3A_875 = arith.index_cast %scan3A_614 : i32 to index
      %get3A_876 = arith.constant 96 : index
      %get3A_877 = tpu.vector_load %arg5[%get3A_874, %get3A_875, %get3A_876] {strides = array<i32>} : memref<2x56x128xf32, #tpu.memory_space<vmem>>, vector<1x1x16xf32>,
      %get3A_878 = vector.shape_cast %get3A_877 : vector<1x1x16xf32> to vector<16xf32>
      %get3A_879 = arith.constant 1 : i32
      %get3A_880 = arith.index_cast %get3A_879 : i32 to index
      %get3A_881 = arith.index_cast %add3A_617 : i32 to index
      %get3A_882 = arith.constant 96 : index
      %get3A_883 = tpu.vector_load %arg6[%get3A_880, %get3A_881, %get3A_882] {strides = array<i32>} : memref<2x184x128xf32, #tpu.memory_space<vmem>>, vector<1x1x16xf32>,
      %get3A_884 = vector.shape_cast %get3A_883 : vector<1x1x16xf32> to vector<16xf32>
      %add3A_885 = arith.addf %get3A_878, %get3A_884 : vector<16xf32>
      %swap3A_886 = arith.constant 0 : i32
      %swap3A_887 = arith.index_cast %swap3A_886 : i32 to index
      %swap3A_888 = arith.index_cast %add3A_872 : i32 to index
      %swap3A_889 = arith.constant 0 : index
      %swap3A_890 = tpu.vector_load %arg7[%swap3A_887, %swap3A_888, %swap3A_889] {strides = array<i32>} : memref<2x448x32xf32, #tpu.memory_space<vmem>>, vector<1x1x16xf32>,
      %swap3A_891 = vector.shape_cast %swap3A_890 : vector<1x1x16xf32> to vector<16xf32>
      %swap3A_892 = vector.shape_cast %add3A_885 : vector<16xf32> to vector<1x1x16xf32>
      tpu.vector_store %arg7[%swap3A_887, %swap3A_888, %swap3A_889], %swap3A_892 {strides = array<i32>} : memref<2x448x32xf32, #tpu.memory_space<vmem>>, vector<1x1x16xf32>,
      %add3A_893 = arith.constant 1 : i32
      %add3A_894 = arith.addi %add3A_618, %add3A_893 : i32
      %get3A_895 = arith.constant 1 : i32
      %get3A_896 = arith.index_cast %get3A_895 : i32 to index
      %get3A_897 = arith.index_cast %add3A_894 : i32 to index
      %get3A_898 = arith.constant 0 : index
      %get3A_899 = tpu.vector_load %arg6[%get3A_896, %get3A_897, %get3A_898] {strides = array<i32>} : memref<2x184x128xf32, #tpu.memory_space<vmem>>, vector<1x1x16xf32>,
      %get3A_900 = vector.shape_cast %get3A_899 : vector<1x1x16xf32> to vector<16xf32>
      %add3A_901 = arith.addf %get3A_878, %get3A_900 : vector<16xf32>
      %add3A_902 = arith.constant 1 : i32
      %add3A_903 = arith.addi %add3A_872, %add3A_902 : i32
      %swap3A_904 = arith.constant 0 : i32
      %swap3A_905 = arith.index_cast %swap3A_904 : i32 to index
      %swap3A_906 = arith.index_cast %add3A_903 : i32 to index
      %swap3A_907 = arith.constant 0 : index
      %swap3A_908 = tpu.vector_load %arg7[%swap3A_905, %swap3A_906, %swap3A_907] {strides = array<i32>} : memref<2x448x32xf32, #tpu.memory_space<vmem>>, vector<1x1x16xf32>,
      %swap3A_909 = vector.shape_cast %swap3A_908 : vector<1x1x16xf32> to vector<16xf32>
      %swap3A_910 = vector.shape_cast %add3A_901 : vector<16xf32> to vector<1x1x16xf32>
      tpu.vector_store %arg7[%swap3A_905, %swap3A_906, %swap3A_907], %swap3A_910 {strides = array<i32>} : memref<2x448x32xf32, #tpu.memory_space<vmem>>, vector<1x1x16xf32>,
      %mul3A_911 = arith.constant 8 : i32
      %mul3A_912 = arith.muli %mul3A_911, %scan3A_614 : i32
      %add3A_913 = arith.constant 6 : i32
      %add3A_914 = arith.addi %mul3A_912, %add3A_913 : i32
      %get3A_915 = arith.constant 1 : i32
      %get3A_916 = arith.index_cast %get3A_915 : i32 to index
      %get3A_917 = arith.index_cast %scan3A_614 : i32 to index
      %get3A_918 = arith.constant 112 : index
      %get3A_919 = tpu.vector_load %arg5[%get3A_916, %get3A_917, %get3A_918] {strides = array<i32>} : memref<2x56x128xf32, #tpu.memory_space<vmem>>, vector<1x1x16xf32>,
      %get3A_920 = vector.shape_cast %get3A_919 : vector<1x1x16xf32> to vector<16xf32>
      %get3A_921 = arith.constant 1 : i32
      %get3A_922 = arith.index_cast %get3A_921 : i32 to index
      %get3A_923 = arith.index_cast %add3A_617 : i32 to index
      %get3A_924 = arith.constant 112 : index
      %get3A_925 = tpu.vector_load %arg6[%get3A_922, %get3A_923, %get3A_924] {strides = array<i32>} : memref<2x184x128xf32, #tpu.memory_space<vmem>>, vector<1x1x16xf32>,
      %get3A_926 = vector.shape_cast %get3A_925 : vector<1x1x16xf32> to vector<16xf32>
      %add3A_927 = arith.addf %get3A_920, %get3A_926 : vector<16xf32>
      %swap3A_928 = arith.constant 0 : i32
      %swap3A_929 = arith.index_cast %swap3A_928 : i32 to index
      %swap3A_930 = arith.index_cast %add3A_914 : i32 to index
      %swap3A_931 = arith.constant 16 : index
      %swap3A_932 = tpu.vector_load %arg7[%swap3A_929, %swap3A_930, %swap3A_931] {strides = array<i32>} : memref<2x448x32xf32, #tpu.memory_space<vmem>>, vector<1x1x16xf32>,
      %swap3A_933 = vector.shape_cast %swap3A_932 : vector<1x1x16xf32> to vector<16xf32>
      %swap3A_934 = vector.shape_cast %add3A_927 : vector<16xf32> to vector<1x1x16xf32>
      tpu.vector_store %arg7[%swap3A_929, %swap3A_930, %swap3A_931], %swap3A_934 {strides = array<i32>} : memref<2x448x32xf32, #tpu.memory_space<vmem>>, vector<1x1x16xf32>,
      %add3A_935 = arith.constant 1 : i32
      %add3A_936 = arith.addi %add3A_618, %add3A_935 : i32
      %get3A_937 = arith.constant 1 : i32
      %get3A_938 = arith.index_cast %get3A_937 : i32 to index
      %get3A_939 = arith.index_cast %add3A_936 : i32 to index
      %get3A_940 = arith.constant 16 : index
      %get3A_941 = tpu.vector_load %arg6[%get3A_938, %get3A_939, %get3A_940] {strides = array<i32>} : memref<2x184x128xf32, #tpu.memory_space<vmem>>, vector<1x1x16xf32>,
      %get3A_942 = vector.shape_cast %get3A_941 : vector<1x1x16xf32> to vector<16xf32>
      %add3A_943 = arith.addf %get3A_920, %get3A_942 : vector<16xf32>
      %add3A_944 = arith.constant 1 : i32
      %add3A_945 = arith.addi %add3A_914, %add3A_944 : i32
      %swap3A_946 = arith.constant 0 : i32
      %swap3A_947 = arith.index_cast %swap3A_946 : i32 to index
      %swap3A_948 = arith.index_cast %add3A_945 : i32 to index
      %swap3A_949 = arith.constant 16 : index
      %swap3A_950 = tpu.vector_load %arg7[%swap3A_947, %swap3A_948, %swap3A_949] {strides = array<i32>} : memref<2x448x32xf32, #tpu.memory_space<vmem>>, vector<1x1x16xf32>,
      %swap3A_951 = vector.shape_cast %swap3A_950 : vector<1x1x16xf32> to vector<16xf32>
      %swap3A_952 = vector.shape_cast %add3A_943 : vector<16xf32> to vector<1x1x16xf32>
      tpu.vector_store %arg7[%swap3A_947, %swap3A_948, %swap3A_949], %swap3A_952 {strides = array<i32>} : memref<2x448x32xf32, #tpu.memory_space<vmem>>, vector<1x1x16xf32>,
    }
    %scan3A_372 = arith.constant 56 : i32
    %lt3A_373 = arith.constant 223 : i32
    %lt3A_374 = arith.cmpi slt, %add3A_297, %lt3A_373 : i32
    %convert_element_type3A_375 = arith.extui %lt3A_374 : i1 to i32
    %cond3A_376 = arith.constant 0 : i32
    %cond3A_377 = arith.cmpi ne, %convert_element_type3A_375, %cond3A_376 : i32
    scf.if %cond3A_377 {
      %mul3A_614 = arith.constant 447 : i32
      %mul3A_615 = arith.muli %add3A_297, %mul3A_614 : i32
      %run_scoped3A = arith.constant 0 : i32
      "tpu.region"() ({
        %run_scoped3A_616 = tpu.sem_alloc : memref<!tpu.dma_semaphore, #tpu.memory_space<semaphore_mem>>
        %dma_start3A_617 = arith.constant 0 : i32
        %dma_start3A_618 = arith.constant 0 : i32
        %dma_start3A_619 = tpu.memref_slice %arg7[%run_scoped3A, %dma_start3A_617, %dma_start3A_618] : memref<2x448x32xf32, #tpu.memory_space<vmem>> -> memref<1x447x32xf32, #tpu.memory_space<vmem>>
        %dma_start3A_620 = tpu.memref_squeeze %dma_start3A_619 : memref<1x447x32xf32, #tpu.memory_space<vmem>> -> memref<447x32xf32, #tpu.memory_space<vmem>>
        %dma_start3A_621 = arith.constant 0 : i32
        %dma_start3A_622 = tpu.memref_slice %arg4[%mul3A_615, %dma_start3A_621] : memref<99904x32xf32, #tpu.memory_space<hbm>> -> memref<447x32xf32, #tpu.memory_space<hbm>>
        %dma_start3A_623 = arith.constant 0 : i32
        %dma_start3A_624 = tpu.memref_slice %arg4[%mul3A_615, %dma_start3A_623] : memref<99904x32xf32, #tpu.memory_space<hbm>> -> memref<447x32xf32, #tpu.memory_space<hbm>>
        %dma_start3A_625 = arith.constant 0 : i32
        %dma_start3A_626 = arith.constant 0 : i32
        %dma_start3A_627 = tpu.memref_slice %arg7[%run_scoped3A, %dma_start3A_625, %dma_start3A_626] : memref<2x448x32xf32, #tpu.memory_space<vmem>> -> memref<1x447x32xf32, #tpu.memory_space<vmem>>
        %dma_start3A_628 = tpu.memref_squeeze %dma_start3A_627 : memref<1x447x32xf32, #tpu.memory_space<vmem>> -> memref<447x32xf32, #tpu.memory_space<vmem>>
        tpu.enqueue_dma source(%dma_start3A_628 : memref<447x32xf32, #tpu.memory_space<vmem>>) target(%dma_start3A_624 : memref<447x32xf32, #tpu.memory_space<hbm>>) target_semaphore(%run_scoped3A_616 : memref<!tpu.dma_semaphore, #tpu.memory_space<semaphore_mem>>)
        %dma_wait3A_629 = arith.constant 0 : i32
        %dma_wait3A_630 = arith.constant 0 : i32
        %dma_wait3A_631 = tpu.memref_slice %arg7[%run_scoped3A, %dma_wait3A_629, %dma_wait3A_630] : memref<2x448x32xf32, #tpu.memory_space<vmem>> -> memref<1x447x32xf32, #tpu.memory_space<vmem>>
        %dma_wait3A_632 = tpu.memref_squeeze %dma_wait3A_631 : memref<1x447x32xf32, #tpu.memory_space<vmem>> -> memref<447x32xf32, #tpu.memory_space<vmem>>
        %dma_wait3A_633 = arith.constant 0 : i32
        %dma_wait3A_634 = tpu.memref_slice %arg4[%mul3A_615, %dma_wait3A_633] : memref<99904x32xf32, #tpu.memory_space<hbm>> -> memref<447x32xf32, #tpu.memory_space<hbm>>
        %dma_wait3A_635 = arith.constant 0 : i32
        %dma_wait3A_636 = tpu.memref_slice %arg4[%mul3A_615, %dma_wait3A_635] : memref<99904x32xf32, #tpu.memory_space<hbm>> -> memref<447x32xf32, #tpu.memory_space<hbm>>
        %dma_wait3A_637 = arith.constant 0 : i32
        %dma_wait3A_638 = arith.constant 0 : i32
        %dma_wait3A_639 = tpu.memref_slice %arg7[%run_scoped3A, %dma_wait3A_637, %dma_wait3A_638] : memref<2x448x32xf32, #tpu.memory_space<vmem>> -> memref<1x447x32xf32, #tpu.memory_space<vmem>>
        %dma_wait3A_640 = tpu.memref_squeeze %dma_wait3A_639 : memref<1x447x32xf32, #tpu.memory_space<vmem>> -> memref<447x32xf32, #tpu.memory_space<vmem>>
        tpu.wait_dma2 semaphore(%run_scoped3A_616 : memref<!tpu.dma_semaphore, #tpu.memory_space<semaphore_mem>>) src(%dma_wait3A_640 : memref<447x32xf32, #tpu.memory_space<vmem>>) dst(%dma_wait3A_636 : memref<447x32xf32, #tpu.memory_space<hbm>>)
        tpu.yield
      }) : () -> ()
    } else {
    }
    %eq3A_378 = arith.constant 223 : i32
    %eq3A_379 = arith.cmpi eq, %add3A_297, %eq3A_378 : i32
    %convert_element_type3A_380 = arith.extui %eq3A_379 : i1 to i32
    %cond3A_381 = arith.constant 0 : i32
    %cond3A_382 = arith.cmpi ne, %convert_element_type3A_380, %cond3A_381 : i32
    scf.if %cond3A_382 {
      %scan3A_614 = arith.constant 0 : i32
      %scan3A_615 = arith.constant 0 : i32
      %scan3A_616 = arith.constant 223 : i32
      %scan3A_617 = arith.addi %scan3A_615, %scan3A_616 : i32
      %scan3A_618 = arith.constant 1 : i32
      scf.for %scan3A_620 = %scan3A_615 to %scan3A_617 step %scan3A_618  : i32 {
        %mul3A_621 = arith.constant 2 : i32
        %mul3A_622 = arith.muli %mul3A_621, %scan3A_620 : i32
        %add3A_623 = arith.constant 1 : i32
        %add3A_624 = arith.addi %mul3A_622, %add3A_623 : i32
        %get3A = arith.constant 0 : i32
        %get3A_625 = arith.index_cast %get3A : i32 to index
        %get3A_626 = arith.index_cast %add3A_624 : i32 to index
        %get3A_627 = arith.constant 0 : index
        %get3A_628 = tpu.vector_load %arg7[%get3A_625, %get3A_626, %get3A_627] {strides = array<i32>} : memref<2x448x32xf32, #tpu.memory_space<vmem>>, vector<1x1x16xf32>,
        %get3A_629 = vector.shape_cast %get3A_628 : vector<1x1x16xf32> to vector<16xf32>
        %swap3A = arith.index_cast %scan3A_620 : i32 to index
        %swap3A_630 = arith.constant 0 : index
        %swap3A_631 = tpu.vector_load %arg8[%swap3A, %swap3A_630] {strides = array<i32>} : memref<224x32xf32, #tpu.memory_space<vmem>>, vector<1x16xf32>,
        %swap3A_632 = vector.shape_cast %swap3A_631 : vector<1x16xf32> to vector<16xf32>
        %swap3A_633 = vector.shape_cast %get3A_629 : vector<16xf32> to vector<1x16xf32>
        tpu.vector_store %arg8[%swap3A, %swap3A_630], %swap3A_633 {strides = array<i32>} : memref<224x32xf32, #tpu.memory_space<vmem>>, vector<1x16xf32>,
        %mul3A_634 = arith.constant 2 : i32
        %mul3A_635 = arith.muli %mul3A_634, %scan3A_620 : i32
        %add3A_636 = arith.constant 1 : i32
        %add3A_637 = arith.addi %mul3A_635, %add3A_636 : i32
        %get3A_638 = arith.constant 0 : i32
        %get3A_639 = arith.index_cast %get3A_638 : i32 to index
        %get3A_640 = arith.index_cast %add3A_637 : i32 to index
        %get3A_641 = arith.constant 16 : index
        %get3A_642 = tpu.vector_load %arg7[%get3A_639, %get3A_640, %get3A_641] {strides = array<i32>} : memref<2x448x32xf32, #tpu.memory_space<vmem>>, vector<1x1x16xf32>,
        %get3A_643 = vector.shape_cast %get3A_642 : vector<1x1x16xf32> to vector<16xf32>
        %swap3A_644 = arith.index_cast %scan3A_620 : i32 to index
        %swap3A_645 = arith.constant 16 : index
        %swap3A_646 = tpu.vector_load %arg8[%swap3A_644, %swap3A_645] {strides = array<i32>} : memref<224x32xf32, #tpu.memory_space<vmem>>, vector<1x16xf32>,
        %swap3A_647 = vector.shape_cast %swap3A_646 : vector<1x16xf32> to vector<16xf32>
        %swap3A_648 = vector.shape_cast %get3A_643 : vector<16xf32> to vector<1x16xf32>
        tpu.vector_store %arg8[%swap3A_644, %swap3A_645], %swap3A_648 {strides = array<i32>} : memref<224x32xf32, #tpu.memory_space<vmem>>, vector<1x16xf32>,
      }
      %scan3A_619 = arith.constant 223 : i32
      "tpu.region"() ({
        %run_scoped3A = tpu.sem_alloc : memref<!tpu.dma_semaphore, #tpu.memory_space<semaphore_mem>>
        %dma_start3A_620 = arith.constant 0 : i32
        %dma_start3A_621 = arith.constant 0 : i32
        %dma_start3A_622 = tpu.memref_slice %arg8[%dma_start3A_620, %dma_start3A_621] : memref<224x32xf32, #tpu.memory_space<vmem>> -> memref<223x32xf32, #tpu.memory_space<vmem>>
        %dma_start3A_623 = arith.constant 99681 : i32
        %dma_start3A_624 = arith.constant 0 : i32
        %dma_start3A_625 = tpu.memref_slice %arg4[%dma_start3A_623, %dma_start3A_624] : memref<99904x32xf32, #tpu.memory_space<hbm>> -> memref<223x32xf32, #tpu.memory_space<hbm>>
        %dma_start3A_626 = arith.constant 99681 : i32
        %dma_start3A_627 = arith.constant 0 : i32
        %dma_start3A_628 = tpu.memref_slice %arg4[%dma_start3A_626, %dma_start3A_627] : memref<99904x32xf32, #tpu.memory_space<hbm>> -> memref<223x32xf32, #tpu.memory_space<hbm>>
        %dma_start3A_629 = arith.constant 0 : i32
        %dma_start3A_630 = arith.constant 0 : i32
        %dma_start3A_631 = tpu.memref_slice %arg8[%dma_start3A_629, %dma_start3A_630] : memref<224x32xf32, #tpu.memory_space<vmem>> -> memref<223x32xf32, #tpu.memory_space<vmem>>
        tpu.enqueue_dma source(%dma_start3A_631 : memref<223x32xf32, #tpu.memory_space<vmem>>) target(%dma_start3A_628 : memref<223x32xf32, #tpu.memory_space<hbm>>) target_semaphore(%run_scoped3A : memref<!tpu.dma_semaphore, #tpu.memory_space<semaphore_mem>>)
        %dma_wait3A_632 = arith.constant 0 : i32
        %dma_wait3A_633 = arith.constant 0 : i32
        %dma_wait3A_634 = tpu.memref_slice %arg8[%dma_wait3A_632, %dma_wait3A_633] : memref<224x32xf32, #tpu.memory_space<vmem>> -> memref<223x32xf32, #tpu.memory_space<vmem>>
        %dma_wait3A_635 = arith.constant 99681 : i32
        %dma_wait3A_636 = arith.constant 0 : i32
        %dma_wait3A_637 = tpu.memref_slice %arg4[%dma_wait3A_635, %dma_wait3A_636] : memref<99904x32xf32, #tpu.memory_space<hbm>> -> memref<223x32xf32, #tpu.memory_space<hbm>>
        %dma_wait3A_638 = arith.constant 99681 : i32
        %dma_wait3A_639 = arith.constant 0 : i32
        %dma_wait3A_640 = tpu.memref_slice %arg4[%dma_wait3A_638, %dma_wait3A_639] : memref<99904x32xf32, #tpu.memory_space<hbm>> -> memref<223x32xf32, #tpu.memory_space<hbm>>
        %dma_wait3A_641 = arith.constant 0 : i32
        %dma_wait3A_642 = arith.constant 0 : i32
        %dma_wait3A_643 = tpu.memref_slice %arg8[%dma_wait3A_641, %dma_wait3A_642] : memref<224x32xf32, #tpu.memory_space<vmem>> -> memref<223x32xf32, #tpu.memory_space<vmem>>
        tpu.wait_dma2 semaphore(%run_scoped3A : memref<!tpu.dma_semaphore, #tpu.memory_space<semaphore_mem>>) src(%dma_wait3A_643 : memref<223x32xf32, #tpu.memory_space<vmem>>) dst(%dma_wait3A_640 : memref<223x32xf32, #tpu.memory_space<hbm>>)
        tpu.yield
      }) : () -> ()
    } else {
    }
    %mul3A_383 = arith.constant 7 : i32
    %mul3A_384 = arith.muli %add3A, %mul3A_383 : i32
    %add3A_385 = arith.constant 4 : i32
    %add3A_386 = arith.addi %mul3A_384, %add3A_385 : i32
    %mul3A_387 = arith.constant 56 : i32
    %mul3A_388 = arith.muli %add3A_386, %mul3A_387 : i32
    %mul3A_389 = arith.constant 56 : i32
    %mul3A_390 = arith.muli %add3A_386, %mul3A_389 : i32
    %min3A_391 = arith.constant 12424 : i32
    %min3A_392 = arith.minsi %mul3A_390, %min3A_391 : i32
    %sub3A_393 = arith.subi %mul3A_388, %min3A_392 : i32
    %dma_wait3A_394 = arith.constant 0 : i32
    %dma_wait3A_395 = arith.constant 0 : i32
    %dma_wait3A_396 = arith.constant 0 : i32
    %dma_wait3A_397 = tpu.memref_slice %arg5[%dma_wait3A_394, %dma_wait3A_395, %dma_wait3A_396] : memref<2x56x128xf32, #tpu.memory_space<vmem>> -> memref<1x56x128xf32, #tpu.memory_space<vmem>>
    %dma_wait3A_398 = tpu.memref_squeeze %dma_wait3A_397 : memref<1x56x128xf32, #tpu.memory_space<vmem>> -> memref<56x128xf32, #tpu.memory_space<vmem>>
    %dma_wait3A_399 = arith.constant 0 : i32
    %dma_wait3A_400 = tpu.memref_slice %arg2[%multiple_of3A_337, %dma_wait3A_399] : memref<12544x128xf32, #tpu.memory_space<hbm>> -> memref<56x128xf32, #tpu.memory_space<hbm>>
    %dma_wait3A_401 = arith.constant 0 : i32
    %dma_wait3A_402 = arith.constant 0 : i32
    %dma_wait3A_403 = tpu.memref_slice %arg5[%dma_wait3A_394, %dma_wait3A_401, %dma_wait3A_402] : memref<2x56x128xf32, #tpu.memory_space<vmem>> -> memref<1x56x128xf32, #tpu.memory_space<vmem>>
    %dma_wait3A_404 = tpu.memref_squeeze %dma_wait3A_403 : memref<1x56x128xf32, #tpu.memory_space<vmem>> -> memref<56x128xf32, #tpu.memory_space<vmem>>
    %dma_wait3A_405 = arith.constant 0 : i32
    %dma_wait3A_406 = tpu.memref_slice %arg2[%multiple_of3A_337, %dma_wait3A_405] : memref<12544x128xf32, #tpu.memory_space<hbm>> -> memref<56x128xf32, #tpu.memory_space<hbm>>
    tpu.wait_dma2 semaphore(%arg9 : memref<!tpu.dma_semaphore, #tpu.memory_space<semaphore_mem>>) src(%dma_wait3A_406 : memref<56x128xf32, #tpu.memory_space<hbm>>) dst(%dma_wait3A_404 : memref<56x128xf32, #tpu.memory_space<vmem>>)
    %dma_wait3A_407 = arith.constant 0 : i32
    %dma_wait3A_408 = arith.constant 0 : i32
    %dma_wait3A_409 = arith.constant 0 : i32
    %dma_wait3A_410 = tpu.memref_slice %arg6[%dma_wait3A_407, %dma_wait3A_408, %dma_wait3A_409] : memref<2x184x128xf32, #tpu.memory_space<vmem>> -> memref<1x120x128xf32, #tpu.memory_space<vmem>>
    %dma_wait3A_411 = tpu.memref_squeeze %dma_wait3A_410 : memref<1x120x128xf32, #tpu.memory_space<vmem>> -> memref<120x128xf32, #tpu.memory_space<vmem>>
    %dma_wait3A_412 = arith.constant 0 : i32
    %dma_wait3A_413 = tpu.memref_slice %arg3[%multiple_of3A_340, %dma_wait3A_412] : memref<12544x128xf32, #tpu.memory_space<hbm>> -> memref<120x128xf32, #tpu.memory_space<hbm>>
    %dma_wait3A_414 = arith.constant 0 : i32
    %dma_wait3A_415 = arith.constant 0 : i32
    %dma_wait3A_416 = tpu.memref_slice %arg6[%dma_wait3A_407, %dma_wait3A_414, %dma_wait3A_415] : memref<2x184x128xf32, #tpu.memory_space<vmem>> -> memref<1x120x128xf32, #tpu.memory_space<vmem>>
    %dma_wait3A_417 = tpu.memref_squeeze %dma_wait3A_416 : memref<1x120x128xf32, #tpu.memory_space<vmem>> -> memref<120x128xf32, #tpu.memory_space<vmem>>
    %dma_wait3A_418 = arith.constant 0 : i32
    %dma_wait3A_419 = tpu.memref_slice %arg3[%multiple_of3A_340, %dma_wait3A_418] : memref<12544x128xf32, #tpu.memory_space<hbm>> -> memref<120x128xf32, #tpu.memory_space<hbm>>
    tpu.wait_dma2 semaphore(%arg11 : memref<!tpu.dma_semaphore, #tpu.memory_space<semaphore_mem>>) src(%dma_wait3A_419 : memref<120x128xf32, #tpu.memory_space<hbm>>) dst(%dma_wait3A_417 : memref<120x128xf32, #tpu.memory_space<vmem>>)
    %mul3A_420 = arith.constant 7 : i32
    %mul3A_421 = arith.muli %add3A, %mul3A_420 : i32
    %add3A_422 = arith.constant 5 : i32
    %add3A_423 = arith.addi %mul3A_421, %add3A_422 : i32
    %mul3A_424 = arith.constant 56 : i32
    %mul3A_425 = arith.muli %add3A_423, %mul3A_424 : i32
    %multiple_of3A_426 = tpu.assume_multiple %mul3A_425, 8 : i32
    %min3A_427 = arith.constant 12424 : i32
    %min3A_428 = arith.minsi %multiple_of3A_426, %min3A_427 : i32
    %multiple_of3A_429 = tpu.assume_multiple %min3A_428, 8 : i32
    %dma_start3A_430 = arith.constant 1 : i32
    %dma_start3A_431 = arith.constant 0 : i32
    %dma_start3A_432 = arith.constant 0 : i32
    %dma_start3A_433 = tpu.memref_slice %arg5[%dma_start3A_430, %dma_start3A_431, %dma_start3A_432] : memref<2x56x128xf32, #tpu.memory_space<vmem>> -> memref<1x56x128xf32, #tpu.memory_space<vmem>>
    %dma_start3A_434 = tpu.memref_squeeze %dma_start3A_433 : memref<1x56x128xf32, #tpu.memory_space<vmem>> -> memref<56x128xf32, #tpu.memory_space<vmem>>
    %dma_start3A_435 = arith.constant 0 : i32
    %dma_start3A_436 = tpu.memref_slice %arg2[%multiple_of3A_426, %dma_start3A_435] : memref<12544x128xf32, #tpu.memory_space<hbm>> -> memref<56x128xf32, #tpu.memory_space<hbm>>
    %dma_start3A_437 = arith.constant 0 : i32
    %dma_start3A_438 = arith.constant 0 : i32
    %dma_start3A_439 = tpu.memref_slice %arg5[%dma_start3A_430, %dma_start3A_437, %dma_start3A_438] : memref<2x56x128xf32, #tpu.memory_space<vmem>> -> memref<1x56x128xf32, #tpu.memory_space<vmem>>
    %dma_start3A_440 = tpu.memref_squeeze %dma_start3A_439 : memref<1x56x128xf32, #tpu.memory_space<vmem>> -> memref<56x128xf32, #tpu.memory_space<vmem>>
    %dma_start3A_441 = arith.constant 0 : i32
    %dma_start3A_442 = tpu.memref_slice %arg2[%multiple_of3A_426, %dma_start3A_441] : memref<12544x128xf32, #tpu.memory_space<hbm>> -> memref<56x128xf32, #tpu.memory_space<hbm>>
    tpu.enqueue_dma source(%dma_start3A_442 : memref<56x128xf32, #tpu.memory_space<hbm>>) target(%dma_start3A_440 : memref<56x128xf32, #tpu.memory_space<vmem>>) target_semaphore(%arg10 : memref<!tpu.dma_semaphore, #tpu.memory_space<semaphore_mem>>)
    %dma_start3A_443 = arith.constant 1 : i32
    %dma_start3A_444 = arith.constant 0 : i32
    %dma_start3A_445 = arith.constant 0 : i32
    %dma_start3A_446 = tpu.memref_slice %arg6[%dma_start3A_443, %dma_start3A_444, %dma_start3A_445] : memref<2x184x128xf32, #tpu.memory_space<vmem>> -> memref<1x120x128xf32, #tpu.memory_space<vmem>>
    %dma_start3A_447 = tpu.memref_squeeze %dma_start3A_446 : memref<1x120x128xf32, #tpu.memory_space<vmem>> -> memref<120x128xf32, #tpu.memory_space<vmem>>
    %dma_start3A_448 = arith.constant 0 : i32
    %dma_start3A_449 = tpu.memref_slice %arg3[%multiple_of3A_429, %dma_start3A_448] : memref<12544x128xf32, #tpu.memory_space<hbm>> -> memref<120x128xf32, #tpu.memory_space<hbm>>
    %dma_start3A_450 = arith.constant 0 : i32
    %dma_start3A_451 = arith.constant 0 : i32
    %dma_start3A_452 = tpu.memref_slice %arg6[%dma_start3A_443, %dma_start3A_450, %dma_start3A_451] : memref<2x184x128xf32, #tpu.memory_space<vmem>> -> memref<1x120x128xf32, #tpu.memory_space<vmem>>
    %dma_start3A_453 = tpu.memref_squeeze %dma_start3A_452 : memref<1x120x128xf32, #tpu.memory_space<vmem>> -> memref<120x128xf32, #tpu.memory_space<vmem>>
    %dma_start3A_454 = arith.constant 0 : i32
    %dma_start3A_455 = tpu.memref_slice %arg3[%multiple_of3A_429, %dma_start3A_454] : memref<12544x128xf32, #tpu.memory_space<hbm>> -> memref<120x128xf32, #tpu.memory_space<hbm>>
    tpu.enqueue_dma source(%dma_start3A_455 : memref<120x128xf32, #tpu.memory_space<hbm>>) target(%dma_start3A_453 : memref<120x128xf32, #tpu.memory_space<vmem>>) target_semaphore(%arg12 : memref<!tpu.dma_semaphore, #tpu.memory_space<semaphore_mem>>)
    %scan3A_456 = arith.constant 0 : i32
    %scan3A_457 = arith.constant 0 : i32
    %scan3A_458 = arith.constant 56 : i32
    %scan3A_459 = arith.addi %scan3A_457, %scan3A_458 : i32
    %scan3A_460 = arith.constant 1 : i32
    scf.for %scan3A_614 = %scan3A_457 to %scan3A_459 step %scan3A_460  : i32 {
      %add3A_615 = arith.addi %scan3A_614, %sub3A_393 : i32
      %add3A_616 = arith.constant 56 : i32
      %add3A_617 = arith.addi %add3A_615, %add3A_616 : i32
      %add3A_618 = arith.addi %scan3A_614, %sub3A_393 : i32
      %mul3A_619 = arith.constant 8 : i32
      %mul3A_620 = arith.muli %mul3A_619, %scan3A_614 : i32
      %add3A_621 = arith.constant 0 : i32
      %add3A_622 = arith.addi %mul3A_620, %add3A_621 : i32
      %get3A = arith.constant 0 : i32
      %get3A_623 = arith.index_cast %get3A : i32 to index
      %get3A_624 = arith.index_cast %scan3A_614 : i32 to index
      %get3A_625 = arith.constant 0 : index
      %get3A_626 = tpu.vector_load %arg5[%get3A_623, %get3A_624, %get3A_625] {strides = array<i32>} : memref<2x56x128xf32, #tpu.memory_space<vmem>>, vector<1x1x16xf32>,
      %get3A_627 = vector.shape_cast %get3A_626 : vector<1x1x16xf32> to vector<16xf32>
      %get3A_628 = arith.constant 0 : i32
      %get3A_629 = arith.index_cast %get3A_628 : i32 to index
      %get3A_630 = arith.index_cast %add3A_617 : i32 to index
      %get3A_631 = arith.constant 0 : index
      %get3A_632 = tpu.vector_load %arg6[%get3A_629, %get3A_630, %get3A_631] {strides = array<i32>} : memref<2x184x128xf32, #tpu.memory_space<vmem>>, vector<1x1x16xf32>,
      %get3A_633 = vector.shape_cast %get3A_632 : vector<1x1x16xf32> to vector<16xf32>
      %add3A_634 = arith.addf %get3A_627, %get3A_633 : vector<16xf32>
      %swap3A = arith.constant 0 : i32
      %swap3A_635 = arith.index_cast %swap3A : i32 to index
      %swap3A_636 = arith.index_cast %add3A_622 : i32 to index
      %swap3A_637 = arith.constant 0 : index
      %swap3A_638 = tpu.vector_load %arg7[%swap3A_635, %swap3A_636, %swap3A_637] {strides = array<i32>} : memref<2x448x32xf32, #tpu.memory_space<vmem>>, vector<1x1x16xf32>,
      %swap3A_639 = vector.shape_cast %swap3A_638 : vector<1x1x16xf32> to vector<16xf32>
      %swap3A_640 = vector.shape_cast %add3A_634 : vector<16xf32> to vector<1x1x16xf32>
      tpu.vector_store %arg7[%swap3A_635, %swap3A_636, %swap3A_637], %swap3A_640 {strides = array<i32>} : memref<2x448x32xf32, #tpu.memory_space<vmem>>, vector<1x1x16xf32>,
      %add3A_641 = arith.constant 0 : i32
      %add3A_642 = arith.addi %add3A_618, %add3A_641 : i32
      %get3A_643 = arith.constant 0 : i32
      %get3A_644 = arith.index_cast %get3A_643 : i32 to index
      %get3A_645 = arith.index_cast %add3A_642 : i32 to index
      %get3A_646 = arith.constant 32 : index
      %get3A_647 = tpu.vector_load %arg6[%get3A_644, %get3A_645, %get3A_646] {strides = array<i32>} : memref<2x184x128xf32, #tpu.memory_space<vmem>>, vector<1x1x16xf32>,
      %get3A_648 = vector.shape_cast %get3A_647 : vector<1x1x16xf32> to vector<16xf32>
      %add3A_649 = arith.addf %get3A_627, %get3A_648 : vector<16xf32>
      %add3A_650 = arith.constant 1 : i32
      %add3A_651 = arith.addi %add3A_622, %add3A_650 : i32
      %swap3A_652 = arith.constant 0 : i32
      %swap3A_653 = arith.index_cast %swap3A_652 : i32 to index
      %swap3A_654 = arith.index_cast %add3A_651 : i32 to index
      %swap3A_655 = arith.constant 0 : index
      %swap3A_656 = tpu.vector_load %arg7[%swap3A_653, %swap3A_654, %swap3A_655] {strides = array<i32>} : memref<2x448x32xf32, #tpu.memory_space<vmem>>, vector<1x1x16xf32>,
      %swap3A_657 = vector.shape_cast %swap3A_656 : vector<1x1x16xf32> to vector<16xf32>
      %swap3A_658 = vector.shape_cast %add3A_649 : vector<16xf32> to vector<1x1x16xf32>
      tpu.vector_store %arg7[%swap3A_653, %swap3A_654, %swap3A_655], %swap3A_658 {strides = array<i32>} : memref<2x448x32xf32, #tpu.memory_space<vmem>>, vector<1x1x16xf32>,
      %mul3A_659 = arith.constant 8 : i32
      %mul3A_660 = arith.muli %mul3A_659, %scan3A_614 : i32
      %add3A_661 = arith.constant 0 : i32
      %add3A_662 = arith.addi %mul3A_660, %add3A_661 : i32
      %get3A_663 = arith.constant 0 : i32
      %get3A_664 = arith.index_cast %get3A_663 : i32 to index
      %get3A_665 = arith.index_cast %scan3A_614 : i32 to index
      %get3A_666 = arith.constant 16 : index
      %get3A_667 = tpu.vector_load %arg5[%get3A_664, %get3A_665, %get3A_666] {strides = array<i32>} : memref<2x56x128xf32, #tpu.memory_space<vmem>>, vector<1x1x16xf32>,
      %get3A_668 = vector.shape_cast %get3A_667 : vector<1x1x16xf32> to vector<16xf32>
      %get3A_669 = arith.constant 0 : i32
      %get3A_670 = arith.index_cast %get3A_669 : i32 to index
      %get3A_671 = arith.index_cast %add3A_617 : i32 to index
      %get3A_672 = arith.constant 16 : index
      %get3A_673 = tpu.vector_load %arg6[%get3A_670, %get3A_671, %get3A_672] {strides = array<i32>} : memref<2x184x128xf32, #tpu.memory_space<vmem>>, vector<1x1x16xf32>,
      %get3A_674 = vector.shape_cast %get3A_673 : vector<1x1x16xf32> to vector<16xf32>
      %add3A_675 = arith.addf %get3A_668, %get3A_674 : vector<16xf32>
      %swap3A_676 = arith.constant 0 : i32
      %swap3A_677 = arith.index_cast %swap3A_676 : i32 to index
      %swap3A_678 = arith.index_cast %add3A_662 : i32 to index
      %swap3A_679 = arith.constant 16 : index
      %swap3A_680 = tpu.vector_load %arg7[%swap3A_677, %swap3A_678, %swap3A_679] {strides = array<i32>} : memref<2x448x32xf32, #tpu.memory_space<vmem>>, vector<1x1x16xf32>,
      %swap3A_681 = vector.shape_cast %swap3A_680 : vector<1x1x16xf32> to vector<16xf32>
      %swap3A_682 = vector.shape_cast %add3A_675 : vector<16xf32> to vector<1x1x16xf32>
      tpu.vector_store %arg7[%swap3A_677, %swap3A_678, %swap3A_679], %swap3A_682 {strides = array<i32>} : memref<2x448x32xf32, #tpu.memory_space<vmem>>, vector<1x1x16xf32>,
      %add3A_683 = arith.constant 0 : i32
      %add3A_684 = arith.addi %add3A_618, %add3A_683 : i32
      %get3A_685 = arith.constant 0 : i32
      %get3A_686 = arith.index_cast %get3A_685 : i32 to index
      %get3A_687 = arith.index_cast %add3A_684 : i32 to index
      %get3A_688 = arith.constant 48 : index
      %get3A_689 = tpu.vector_load %arg6[%get3A_686, %get3A_687, %get3A_688] {strides = array<i32>} : memref<2x184x128xf32, #tpu.memory_space<vmem>>, vector<1x1x16xf32>,
      %get3A_690 = vector.shape_cast %get3A_689 : vector<1x1x16xf32> to vector<16xf32>
      %add3A_691 = arith.addf %get3A_668, %get3A_690 : vector<16xf32>
      %add3A_692 = arith.constant 1 : i32
      %add3A_693 = arith.addi %add3A_662, %add3A_692 : i32
      %swap3A_694 = arith.constant 0 : i32
      %swap3A_695 = arith.index_cast %swap3A_694 : i32 to index
      %swap3A_696 = arith.index_cast %add3A_693 : i32 to index
      %swap3A_697 = arith.constant 16 : index
      %swap3A_698 = tpu.vector_load %arg7[%swap3A_695, %swap3A_696, %swap3A_697] {strides = array<i32>} : memref<2x448x32xf32, #tpu.memory_space<vmem>>, vector<1x1x16xf32>,
      %swap3A_699 = vector.shape_cast %swap3A_698 : vector<1x1x16xf32> to vector<16xf32>
      %swap3A_700 = vector.shape_cast %add3A_691 : vector<16xf32> to vector<1x1x16xf32>
      tpu.vector_store %arg7[%swap3A_695, %swap3A_696, %swap3A_697], %swap3A_700 {strides = array<i32>} : memref<2x448x32xf32, #tpu.memory_space<vmem>>, vector<1x1x16xf32>,
      %mul3A_701 = arith.constant 8 : i32
      %mul3A_702 = arith.muli %mul3A_701, %scan3A_614 : i32
      %add3A_703 = arith.constant 2 : i32
      %add3A_704 = arith.addi %mul3A_702, %add3A_703 : i32
      %get3A_705 = arith.constant 0 : i32
      %get3A_706 = arith.index_cast %get3A_705 : i32 to index
      %get3A_707 = arith.index_cast %scan3A_614 : i32 to index
      %get3A_708 = arith.constant 32 : index
      %get3A_709 = tpu.vector_load %arg5[%get3A_706, %get3A_707, %get3A_708] {strides = array<i32>} : memref<2x56x128xf32, #tpu.memory_space<vmem>>, vector<1x1x16xf32>,
      %get3A_710 = vector.shape_cast %get3A_709 : vector<1x1x16xf32> to vector<16xf32>
      %get3A_711 = arith.constant 0 : i32
      %get3A_712 = arith.index_cast %get3A_711 : i32 to index
      %get3A_713 = arith.index_cast %add3A_617 : i32 to index
      %get3A_714 = arith.constant 32 : index
      %get3A_715 = tpu.vector_load %arg6[%get3A_712, %get3A_713, %get3A_714] {strides = array<i32>} : memref<2x184x128xf32, #tpu.memory_space<vmem>>, vector<1x1x16xf32>,
      %get3A_716 = vector.shape_cast %get3A_715 : vector<1x1x16xf32> to vector<16xf32>
      %add3A_717 = arith.addf %get3A_710, %get3A_716 : vector<16xf32>
      %swap3A_718 = arith.constant 0 : i32
      %swap3A_719 = arith.index_cast %swap3A_718 : i32 to index
      %swap3A_720 = arith.index_cast %add3A_704 : i32 to index
      %swap3A_721 = arith.constant 0 : index
      %swap3A_722 = tpu.vector_load %arg7[%swap3A_719, %swap3A_720, %swap3A_721] {strides = array<i32>} : memref<2x448x32xf32, #tpu.memory_space<vmem>>, vector<1x1x16xf32>,
      %swap3A_723 = vector.shape_cast %swap3A_722 : vector<1x1x16xf32> to vector<16xf32>
      %swap3A_724 = vector.shape_cast %add3A_717 : vector<16xf32> to vector<1x1x16xf32>
      tpu.vector_store %arg7[%swap3A_719, %swap3A_720, %swap3A_721], %swap3A_724 {strides = array<i32>} : memref<2x448x32xf32, #tpu.memory_space<vmem>>, vector<1x1x16xf32>,
      %add3A_725 = arith.constant 0 : i32
      %add3A_726 = arith.addi %add3A_618, %add3A_725 : i32
      %get3A_727 = arith.constant 0 : i32
      %get3A_728 = arith.index_cast %get3A_727 : i32 to index
      %get3A_729 = arith.index_cast %add3A_726 : i32 to index
      %get3A_730 = arith.constant 64 : index
      %get3A_731 = tpu.vector_load %arg6[%get3A_728, %get3A_729, %get3A_730] {strides = array<i32>} : memref<2x184x128xf32, #tpu.memory_space<vmem>>, vector<1x1x16xf32>,
      %get3A_732 = vector.shape_cast %get3A_731 : vector<1x1x16xf32> to vector<16xf32>
      %add3A_733 = arith.addf %get3A_710, %get3A_732 : vector<16xf32>
      %add3A_734 = arith.constant 1 : i32
      %add3A_735 = arith.addi %add3A_704, %add3A_734 : i32
      %swap3A_736 = arith.constant 0 : i32
      %swap3A_737 = arith.index_cast %swap3A_736 : i32 to index
      %swap3A_738 = arith.index_cast %add3A_735 : i32 to index
      %swap3A_739 = arith.constant 0 : index
      %swap3A_740 = tpu.vector_load %arg7[%swap3A_737, %swap3A_738, %swap3A_739] {strides = array<i32>} : memref<2x448x32xf32, #tpu.memory_space<vmem>>, vector<1x1x16xf32>,
      %swap3A_741 = vector.shape_cast %swap3A_740 : vector<1x1x16xf32> to vector<16xf32>
      %swap3A_742 = vector.shape_cast %add3A_733 : vector<16xf32> to vector<1x1x16xf32>
      tpu.vector_store %arg7[%swap3A_737, %swap3A_738, %swap3A_739], %swap3A_742 {strides = array<i32>} : memref<2x448x32xf32, #tpu.memory_space<vmem>>, vector<1x1x16xf32>,
      %mul3A_743 = arith.constant 8 : i32
      %mul3A_744 = arith.muli %mul3A_743, %scan3A_614 : i32
      %add3A_745 = arith.constant 2 : i32
      %add3A_746 = arith.addi %mul3A_744, %add3A_745 : i32
      %get3A_747 = arith.constant 0 : i32
      %get3A_748 = arith.index_cast %get3A_747 : i32 to index
      %get3A_749 = arith.index_cast %scan3A_614 : i32 to index
      %get3A_750 = arith.constant 48 : index
      %get3A_751 = tpu.vector_load %arg5[%get3A_748, %get3A_749, %get3A_750] {strides = array<i32>} : memref<2x56x128xf32, #tpu.memory_space<vmem>>, vector<1x1x16xf32>,
      %get3A_752 = vector.shape_cast %get3A_751 : vector<1x1x16xf32> to vector<16xf32>
      %get3A_753 = arith.constant 0 : i32
      %get3A_754 = arith.index_cast %get3A_753 : i32 to index
      %get3A_755 = arith.index_cast %add3A_617 : i32 to index
      %get3A_756 = arith.constant 48 : index
      %get3A_757 = tpu.vector_load %arg6[%get3A_754, %get3A_755, %get3A_756] {strides = array<i32>} : memref<2x184x128xf32, #tpu.memory_space<vmem>>, vector<1x1x16xf32>,
      %get3A_758 = vector.shape_cast %get3A_757 : vector<1x1x16xf32> to vector<16xf32>
      %add3A_759 = arith.addf %get3A_752, %get3A_758 : vector<16xf32>
      %swap3A_760 = arith.constant 0 : i32
      %swap3A_761 = arith.index_cast %swap3A_760 : i32 to index
      %swap3A_762 = arith.index_cast %add3A_746 : i32 to index
      %swap3A_763 = arith.constant 16 : index
      %swap3A_764 = tpu.vector_load %arg7[%swap3A_761, %swap3A_762, %swap3A_763] {strides = array<i32>} : memref<2x448x32xf32, #tpu.memory_space<vmem>>, vector<1x1x16xf32>,
      %swap3A_765 = vector.shape_cast %swap3A_764 : vector<1x1x16xf32> to vector<16xf32>
      %swap3A_766 = vector.shape_cast %add3A_759 : vector<16xf32> to vector<1x1x16xf32>
      tpu.vector_store %arg7[%swap3A_761, %swap3A_762, %swap3A_763], %swap3A_766 {strides = array<i32>} : memref<2x448x32xf32, #tpu.memory_space<vmem>>, vector<1x1x16xf32>,
      %add3A_767 = arith.constant 0 : i32
      %add3A_768 = arith.addi %add3A_618, %add3A_767 : i32
      %get3A_769 = arith.constant 0 : i32
      %get3A_770 = arith.index_cast %get3A_769 : i32 to index
      %get3A_771 = arith.index_cast %add3A_768 : i32 to index
      %get3A_772 = arith.constant 80 : index
      %get3A_773 = tpu.vector_load %arg6[%get3A_770, %get3A_771, %get3A_772] {strides = array<i32>} : memref<2x184x128xf32, #tpu.memory_space<vmem>>, vector<1x1x16xf32>,
      %get3A_774 = vector.shape_cast %get3A_773 : vector<1x1x16xf32> to vector<16xf32>
      %add3A_775 = arith.addf %get3A_752, %get3A_774 : vector<16xf32>
      %add3A_776 = arith.constant 1 : i32
      %add3A_777 = arith.addi %add3A_746, %add3A_776 : i32
      %swap3A_778 = arith.constant 0 : i32
      %swap3A_779 = arith.index_cast %swap3A_778 : i32 to index
      %swap3A_780 = arith.index_cast %add3A_777 : i32 to index
      %swap3A_781 = arith.constant 16 : index
      %swap3A_782 = tpu.vector_load %arg7[%swap3A_779, %swap3A_780, %swap3A_781] {strides = array<i32>} : memref<2x448x32xf32, #tpu.memory_space<vmem>>, vector<1x1x16xf32>,
      %swap3A_783 = vector.shape_cast %swap3A_782 : vector<1x1x16xf32> to vector<16xf32>
      %swap3A_784 = vector.shape_cast %add3A_775 : vector<16xf32> to vector<1x1x16xf32>
      tpu.vector_store %arg7[%swap3A_779, %swap3A_780, %swap3A_781], %swap3A_784 {strides = array<i32>} : memref<2x448x32xf32, #tpu.memory_space<vmem>>, vector<1x1x16xf32>,
      %mul3A_785 = arith.constant 8 : i32
      %mul3A_786 = arith.muli %mul3A_785, %scan3A_614 : i32
      %add3A_787 = arith.constant 4 : i32
      %add3A_788 = arith.addi %mul3A_786, %add3A_787 : i32
      %get3A_789 = arith.constant 0 : i32
      %get3A_790 = arith.index_cast %get3A_789 : i32 to index
      %get3A_791 = arith.index_cast %scan3A_614 : i32 to index
      %get3A_792 = arith.constant 64 : index
      %get3A_793 = tpu.vector_load %arg5[%get3A_790, %get3A_791, %get3A_792] {strides = array<i32>} : memref<2x56x128xf32, #tpu.memory_space<vmem>>, vector<1x1x16xf32>,
      %get3A_794 = vector.shape_cast %get3A_793 : vector<1x1x16xf32> to vector<16xf32>
      %get3A_795 = arith.constant 0 : i32
      %get3A_796 = arith.index_cast %get3A_795 : i32 to index
      %get3A_797 = arith.index_cast %add3A_617 : i32 to index
      %get3A_798 = arith.constant 64 : index
      %get3A_799 = tpu.vector_load %arg6[%get3A_796, %get3A_797, %get3A_798] {strides = array<i32>} : memref<2x184x128xf32, #tpu.memory_space<vmem>>, vector<1x1x16xf32>,
      %get3A_800 = vector.shape_cast %get3A_799 : vector<1x1x16xf32> to vector<16xf32>
      %add3A_801 = arith.addf %get3A_794, %get3A_800 : vector<16xf32>
      %swap3A_802 = arith.constant 0 : i32
      %swap3A_803 = arith.index_cast %swap3A_802 : i32 to index
      %swap3A_804 = arith.index_cast %add3A_788 : i32 to index
      %swap3A_805 = arith.constant 0 : index
      %swap3A_806 = tpu.vector_load %arg7[%swap3A_803, %swap3A_804, %swap3A_805] {strides = array<i32>} : memref<2x448x32xf32, #tpu.memory_space<vmem>>, vector<1x1x16xf32>,
      %swap3A_807 = vector.shape_cast %swap3A_806 : vector<1x1x16xf32> to vector<16xf32>
      %swap3A_808 = vector.shape_cast %add3A_801 : vector<16xf32> to vector<1x1x16xf32>
      tpu.vector_store %arg7[%swap3A_803, %swap3A_804, %swap3A_805], %swap3A_808 {strides = array<i32>} : memref<2x448x32xf32, #tpu.memory_space<vmem>>, vector<1x1x16xf32>,
      %add3A_809 = arith.constant 0 : i32
      %add3A_810 = arith.addi %add3A_618, %add3A_809 : i32
      %get3A_811 = arith.constant 0 : i32
      %get3A_812 = arith.index_cast %get3A_811 : i32 to index
      %get3A_813 = arith.index_cast %add3A_810 : i32 to index
      %get3A_814 = arith.constant 96 : index
      %get3A_815 = tpu.vector_load %arg6[%get3A_812, %get3A_813, %get3A_814] {strides = array<i32>} : memref<2x184x128xf32, #tpu.memory_space<vmem>>, vector<1x1x16xf32>,
      %get3A_816 = vector.shape_cast %get3A_815 : vector<1x1x16xf32> to vector<16xf32>
      %add3A_817 = arith.addf %get3A_794, %get3A_816 : vector<16xf32>
      %add3A_818 = arith.constant 1 : i32
      %add3A_819 = arith.addi %add3A_788, %add3A_818 : i32
      %swap3A_820 = arith.constant 0 : i32
      %swap3A_821 = arith.index_cast %swap3A_820 : i32 to index
      %swap3A_822 = arith.index_cast %add3A_819 : i32 to index
      %swap3A_823 = arith.constant 0 : index
      %swap3A_824 = tpu.vector_load %arg7[%swap3A_821, %swap3A_822, %swap3A_823] {strides = array<i32>} : memref<2x448x32xf32, #tpu.memory_space<vmem>>, vector<1x1x16xf32>,
      %swap3A_825 = vector.shape_cast %swap3A_824 : vector<1x1x16xf32> to vector<16xf32>
      %swap3A_826 = vector.shape_cast %add3A_817 : vector<16xf32> to vector<1x1x16xf32>
      tpu.vector_store %arg7[%swap3A_821, %swap3A_822, %swap3A_823], %swap3A_826 {strides = array<i32>} : memref<2x448x32xf32, #tpu.memory_space<vmem>>, vector<1x1x16xf32>,
      %mul3A_827 = arith.constant 8 : i32
      %mul3A_828 = arith.muli %mul3A_827, %scan3A_614 : i32
      %add3A_829 = arith.constant 4 : i32
      %add3A_830 = arith.addi %mul3A_828, %add3A_829 : i32
      %get3A_831 = arith.constant 0 : i32
      %get3A_832 = arith.index_cast %get3A_831 : i32 to index
      %get3A_833 = arith.index_cast %scan3A_614 : i32 to index
      %get3A_834 = arith.constant 80 : index
      %get3A_835 = tpu.vector_load %arg5[%get3A_832, %get3A_833, %get3A_834] {strides = array<i32>} : memref<2x56x128xf32, #tpu.memory_space<vmem>>, vector<1x1x16xf32>,
      %get3A_836 = vector.shape_cast %get3A_835 : vector<1x1x16xf32> to vector<16xf32>
      %get3A_837 = arith.constant 0 : i32
      %get3A_838 = arith.index_cast %get3A_837 : i32 to index
      %get3A_839 = arith.index_cast %add3A_617 : i32 to index
      %get3A_840 = arith.constant 80 : index
      %get3A_841 = tpu.vector_load %arg6[%get3A_838, %get3A_839, %get3A_840] {strides = array<i32>} : memref<2x184x128xf32, #tpu.memory_space<vmem>>, vector<1x1x16xf32>,
      %get3A_842 = vector.shape_cast %get3A_841 : vector<1x1x16xf32> to vector<16xf32>
      %add3A_843 = arith.addf %get3A_836, %get3A_842 : vector<16xf32>
      %swap3A_844 = arith.constant 0 : i32
      %swap3A_845 = arith.index_cast %swap3A_844 : i32 to index
      %swap3A_846 = arith.index_cast %add3A_830 : i32 to index
      %swap3A_847 = arith.constant 16 : index
      %swap3A_848 = tpu.vector_load %arg7[%swap3A_845, %swap3A_846, %swap3A_847] {strides = array<i32>} : memref<2x448x32xf32, #tpu.memory_space<vmem>>, vector<1x1x16xf32>,
      %swap3A_849 = vector.shape_cast %swap3A_848 : vector<1x1x16xf32> to vector<16xf32>
      %swap3A_850 = vector.shape_cast %add3A_843 : vector<16xf32> to vector<1x1x16xf32>
      tpu.vector_store %arg7[%swap3A_845, %swap3A_846, %swap3A_847], %swap3A_850 {strides = array<i32>} : memref<2x448x32xf32, #tpu.memory_space<vmem>>, vector<1x1x16xf32>,
      %add3A_851 = arith.constant 0 : i32
      %add3A_852 = arith.addi %add3A_618, %add3A_851 : i32
      %get3A_853 = arith.constant 0 : i32
      %get3A_854 = arith.index_cast %get3A_853 : i32 to index
      %get3A_855 = arith.index_cast %add3A_852 : i32 to index
      %get3A_856 = arith.constant 112 : index
      %get3A_857 = tpu.vector_load %arg6[%get3A_854, %get3A_855, %get3A_856] {strides = array<i32>} : memref<2x184x128xf32, #tpu.memory_space<vmem>>, vector<1x1x16xf32>,
      %get3A_858 = vector.shape_cast %get3A_857 : vector<1x1x16xf32> to vector<16xf32>
      %add3A_859 = arith.addf %get3A_836, %get3A_858 : vector<16xf32>
      %add3A_860 = arith.constant 1 : i32
      %add3A_861 = arith.addi %add3A_830, %add3A_860 : i32
      %swap3A_862 = arith.constant 0 : i32
      %swap3A_863 = arith.index_cast %swap3A_862 : i32 to index
      %swap3A_864 = arith.index_cast %add3A_861 : i32 to index
      %swap3A_865 = arith.constant 16 : index
      %swap3A_866 = tpu.vector_load %arg7[%swap3A_863, %swap3A_864, %swap3A_865] {strides = array<i32>} : memref<2x448x32xf32, #tpu.memory_space<vmem>>, vector<1x1x16xf32>,
      %swap3A_867 = vector.shape_cast %swap3A_866 : vector<1x1x16xf32> to vector<16xf32>
      %swap3A_868 = vector.shape_cast %add3A_859 : vector<16xf32> to vector<1x1x16xf32>
      tpu.vector_store %arg7[%swap3A_863, %swap3A_864, %swap3A_865], %swap3A_868 {strides = array<i32>} : memref<2x448x32xf32, #tpu.memory_space<vmem>>, vector<1x1x16xf32>,
      %mul3A_869 = arith.constant 8 : i32
      %mul3A_870 = arith.muli %mul3A_869, %scan3A_614 : i32
      %add3A_871 = arith.constant 6 : i32
      %add3A_872 = arith.addi %mul3A_870, %add3A_871 : i32
      %get3A_873 = arith.constant 0 : i32
      %get3A_874 = arith.index_cast %get3A_873 : i32 to index
      %get3A_875 = arith.index_cast %scan3A_614 : i32 to index
      %get3A_876 = arith.constant 96 : index
      %get3A_877 = tpu.vector_load %arg5[%get3A_874, %get3A_875, %get3A_876] {strides = array<i32>} : memref<2x56x128xf32, #tpu.memory_space<vmem>>, vector<1x1x16xf32>,
      %get3A_878 = vector.shape_cast %get3A_877 : vector<1x1x16xf32> to vector<16xf32>
      %get3A_879 = arith.constant 0 : i32
      %get3A_880 = arith.index_cast %get3A_879 : i32 to index
      %get3A_881 = arith.index_cast %add3A_617 : i32 to index
      %get3A_882 = arith.constant 96 : index
      %get3A_883 = tpu.vector_load %arg6[%get3A_880, %get3A_881, %get3A_882] {strides = array<i32>} : memref<2x184x128xf32, #tpu.memory_space<vmem>>, vector<1x1x16xf32>,
      %get3A_884 = vector.shape_cast %get3A_883 : vector<1x1x16xf32> to vector<16xf32>
      %add3A_885 = arith.addf %get3A_878, %get3A_884 : vector<16xf32>
      %swap3A_886 = arith.constant 0 : i32
      %swap3A_887 = arith.index_cast %swap3A_886 : i32 to index
      %swap3A_888 = arith.index_cast %add3A_872 : i32 to index
      %swap3A_889 = arith.constant 0 : index
      %swap3A_890 = tpu.vector_load %arg7[%swap3A_887, %swap3A_888, %swap3A_889] {strides = array<i32>} : memref<2x448x32xf32, #tpu.memory_space<vmem>>, vector<1x1x16xf32>,
      %swap3A_891 = vector.shape_cast %swap3A_890 : vector<1x1x16xf32> to vector<16xf32>
      %swap3A_892 = vector.shape_cast %add3A_885 : vector<16xf32> to vector<1x1x16xf32>
      tpu.vector_store %arg7[%swap3A_887, %swap3A_888, %swap3A_889], %swap3A_892 {strides = array<i32>} : memref<2x448x32xf32, #tpu.memory_space<vmem>>, vector<1x1x16xf32>,
      %add3A_893 = arith.constant 1 : i32
      %add3A_894 = arith.addi %add3A_618, %add3A_893 : i32
      %get3A_895 = arith.constant 0 : i32
      %get3A_896 = arith.index_cast %get3A_895 : i32 to index
      %get3A_897 = arith.index_cast %add3A_894 : i32 to index
      %get3A_898 = arith.constant 0 : index
      %get3A_899 = tpu.vector_load %arg6[%get3A_896, %get3A_897, %get3A_898] {strides = array<i32>} : memref<2x184x128xf32, #tpu.memory_space<vmem>>, vector<1x1x16xf32>,
      %get3A_900 = vector.shape_cast %get3A_899 : vector<1x1x16xf32> to vector<16xf32>
      %add3A_901 = arith.addf %get3A_878, %get3A_900 : vector<16xf32>
      %add3A_902 = arith.constant 1 : i32
      %add3A_903 = arith.addi %add3A_872, %add3A_902 : i32
      %swap3A_904 = arith.constant 0 : i32
      %swap3A_905 = arith.index_cast %swap3A_904 : i32 to index
      %swap3A_906 = arith.index_cast %add3A_903 : i32 to index
      %swap3A_907 = arith.constant 0 : index
      %swap3A_908 = tpu.vector_load %arg7[%swap3A_905, %swap3A_906, %swap3A_907] {strides = array<i32>} : memref<2x448x32xf32, #tpu.memory_space<vmem>>, vector<1x1x16xf32>,
      %swap3A_909 = vector.shape_cast %swap3A_908 : vector<1x1x16xf32> to vector<16xf32>
      %swap3A_910 = vector.shape_cast %add3A_901 : vector<16xf32> to vector<1x1x16xf32>
      tpu.vector_store %arg7[%swap3A_905, %swap3A_906, %swap3A_907], %swap3A_910 {strides = array<i32>} : memref<2x448x32xf32, #tpu.memory_space<vmem>>, vector<1x1x16xf32>,
      %mul3A_911 = arith.constant 8 : i32
      %mul3A_912 = arith.muli %mul3A_911, %scan3A_614 : i32
      %add3A_913 = arith.constant 6 : i32
      %add3A_914 = arith.addi %mul3A_912, %add3A_913 : i32
      %get3A_915 = arith.constant 0 : i32
      %get3A_916 = arith.index_cast %get3A_915 : i32 to index
      %get3A_917 = arith.index_cast %scan3A_614 : i32 to index
      %get3A_918 = arith.constant 112 : index
      %get3A_919 = tpu.vector_load %arg5[%get3A_916, %get3A_917, %get3A_918] {strides = array<i32>} : memref<2x56x128xf32, #tpu.memory_space<vmem>>, vector<1x1x16xf32>,
      %get3A_920 = vector.shape_cast %get3A_919 : vector<1x1x16xf32> to vector<16xf32>
      %get3A_921 = arith.constant 0 : i32
      %get3A_922 = arith.index_cast %get3A_921 : i32 to index
      %get3A_923 = arith.index_cast %add3A_617 : i32 to index
      %get3A_924 = arith.constant 112 : index
      %get3A_925 = tpu.vector_load %arg6[%get3A_922, %get3A_923, %get3A_924] {strides = array<i32>} : memref<2x184x128xf32, #tpu.memory_space<vmem>>, vector<1x1x16xf32>,
      %get3A_926 = vector.shape_cast %get3A_925 : vector<1x1x16xf32> to vector<16xf32>
      %add3A_927 = arith.addf %get3A_920, %get3A_926 : vector<16xf32>
      %swap3A_928 = arith.constant 0 : i32
      %swap3A_929 = arith.index_cast %swap3A_928 : i32 to index
      %swap3A_930 = arith.index_cast %add3A_914 : i32 to index
      %swap3A_931 = arith.constant 16 : index
      %swap3A_932 = tpu.vector_load %arg7[%swap3A_929, %swap3A_930, %swap3A_931] {strides = array<i32>} : memref<2x448x32xf32, #tpu.memory_space<vmem>>, vector<1x1x16xf32>,
      %swap3A_933 = vector.shape_cast %swap3A_932 : vector<1x1x16xf32> to vector<16xf32>
      %swap3A_934 = vector.shape_cast %add3A_927 : vector<16xf32> to vector<1x1x16xf32>
      tpu.vector_store %arg7[%swap3A_929, %swap3A_930, %swap3A_931], %swap3A_934 {strides = array<i32>} : memref<2x448x32xf32, #tpu.memory_space<vmem>>, vector<1x1x16xf32>,
      %add3A_935 = arith.constant 1 : i32
      %add3A_936 = arith.addi %add3A_618, %add3A_935 : i32
      %get3A_937 = arith.constant 0 : i32
      %get3A_938 = arith.index_cast %get3A_937 : i32 to index
      %get3A_939 = arith.index_cast %add3A_936 : i32 to index
      %get3A_940 = arith.constant 16 : index
      %get3A_941 = tpu.vector_load %arg6[%get3A_938, %get3A_939, %get3A_940] {strides = array<i32>} : memref<2x184x128xf32, #tpu.memory_space<vmem>>, vector<1x1x16xf32>,
      %get3A_942 = vector.shape_cast %get3A_941 : vector<1x1x16xf32> to vector<16xf32>
      %add3A_943 = arith.addf %get3A_920, %get3A_942 : vector<16xf32>
      %add3A_944 = arith.constant 1 : i32
      %add3A_945 = arith.addi %add3A_914, %add3A_944 : i32
      %swap3A_946 = arith.constant 0 : i32
      %swap3A_947 = arith.index_cast %swap3A_946 : i32 to index
      %swap3A_948 = arith.index_cast %add3A_945 : i32 to index
      %swap3A_949 = arith.constant 16 : index
      %swap3A_950 = tpu.vector_load %arg7[%swap3A_947, %swap3A_948, %swap3A_949] {strides = array<i32>} : memref<2x448x32xf32, #tpu.memory_space<vmem>>, vector<1x1x16xf32>,
      %swap3A_951 = vector.shape_cast %swap3A_950 : vector<1x1x16xf32> to vector<16xf32>
      %swap3A_952 = vector.shape_cast %add3A_943 : vector<16xf32> to vector<1x1x16xf32>
      tpu.vector_store %arg7[%swap3A_947, %swap3A_948, %swap3A_949], %swap3A_952 {strides = array<i32>} : memref<2x448x32xf32, #tpu.memory_space<vmem>>, vector<1x1x16xf32>,
    }
    %scan3A_461 = arith.constant 56 : i32
    %lt3A_462 = arith.constant 223 : i32
    %lt3A_463 = arith.cmpi slt, %add3A_386, %lt3A_462 : i32
    %convert_element_type3A_464 = arith.extui %lt3A_463 : i1 to i32
    %cond3A_465 = arith.constant 0 : i32
    %cond3A_466 = arith.cmpi ne, %convert_element_type3A_464, %cond3A_465 : i32
    scf.if %cond3A_466 {
      %mul3A_614 = arith.constant 447 : i32
      %mul3A_615 = arith.muli %add3A_386, %mul3A_614 : i32
      %run_scoped3A = arith.constant 0 : i32
      "tpu.region"() ({
        %run_scoped3A_616 = tpu.sem_alloc : memref<!tpu.dma_semaphore, #tpu.memory_space<semaphore_mem>>
        %dma_start3A_617 = arith.constant 0 : i32
        %dma_start3A_618 = arith.constant 0 : i32
        %dma_start3A_619 = tpu.memref_slice %arg7[%run_scoped3A, %dma_start3A_617, %dma_start3A_618] : memref<2x448x32xf32, #tpu.memory_space<vmem>> -> memref<1x447x32xf32, #tpu.memory_space<vmem>>
        %dma_start3A_620 = tpu.memref_squeeze %dma_start3A_619 : memref<1x447x32xf32, #tpu.memory_space<vmem>> -> memref<447x32xf32, #tpu.memory_space<vmem>>
        %dma_start3A_621 = arith.constant 0 : i32
        %dma_start3A_622 = tpu.memref_slice %arg4[%mul3A_615, %dma_start3A_621] : memref<99904x32xf32, #tpu.memory_space<hbm>> -> memref<447x32xf32, #tpu.memory_space<hbm>>
        %dma_start3A_623 = arith.constant 0 : i32
        %dma_start3A_624 = tpu.memref_slice %arg4[%mul3A_615, %dma_start3A_623] : memref<99904x32xf32, #tpu.memory_space<hbm>> -> memref<447x32xf32, #tpu.memory_space<hbm>>
        %dma_start3A_625 = arith.constant 0 : i32
        %dma_start3A_626 = arith.constant 0 : i32
        %dma_start3A_627 = tpu.memref_slice %arg7[%run_scoped3A, %dma_start3A_625, %dma_start3A_626] : memref<2x448x32xf32, #tpu.memory_space<vmem>> -> memref<1x447x32xf32, #tpu.memory_space<vmem>>
        %dma_start3A_628 = tpu.memref_squeeze %dma_start3A_627 : memref<1x447x32xf32, #tpu.memory_space<vmem>> -> memref<447x32xf32, #tpu.memory_space<vmem>>
        tpu.enqueue_dma source(%dma_start3A_628 : memref<447x32xf32, #tpu.memory_space<vmem>>) target(%dma_start3A_624 : memref<447x32xf32, #tpu.memory_space<hbm>>) target_semaphore(%run_scoped3A_616 : memref<!tpu.dma_semaphore, #tpu.memory_space<semaphore_mem>>)
        %dma_wait3A_629 = arith.constant 0 : i32
        %dma_wait3A_630 = arith.constant 0 : i32
        %dma_wait3A_631 = tpu.memref_slice %arg7[%run_scoped3A, %dma_wait3A_629, %dma_wait3A_630] : memref<2x448x32xf32, #tpu.memory_space<vmem>> -> memref<1x447x32xf32, #tpu.memory_space<vmem>>
        %dma_wait3A_632 = tpu.memref_squeeze %dma_wait3A_631 : memref<1x447x32xf32, #tpu.memory_space<vmem>> -> memref<447x32xf32, #tpu.memory_space<vmem>>
        %dma_wait3A_633 = arith.constant 0 : i32
        %dma_wait3A_634 = tpu.memref_slice %arg4[%mul3A_615, %dma_wait3A_633] : memref<99904x32xf32, #tpu.memory_space<hbm>> -> memref<447x32xf32, #tpu.memory_space<hbm>>
        %dma_wait3A_635 = arith.constant 0 : i32
        %dma_wait3A_636 = tpu.memref_slice %arg4[%mul3A_615, %dma_wait3A_635] : memref<99904x32xf32, #tpu.memory_space<hbm>> -> memref<447x32xf32, #tpu.memory_space<hbm>>
        %dma_wait3A_637 = arith.constant 0 : i32
        %dma_wait3A_638 = arith.constant 0 : i32
        %dma_wait3A_639 = tpu.memref_slice %arg7[%run_scoped3A, %dma_wait3A_637, %dma_wait3A_638] : memref<2x448x32xf32, #tpu.memory_space<vmem>> -> memref<1x447x32xf32, #tpu.memory_space<vmem>>
        %dma_wait3A_640 = tpu.memref_squeeze %dma_wait3A_639 : memref<1x447x32xf32, #tpu.memory_space<vmem>> -> memref<447x32xf32, #tpu.memory_space<vmem>>
        tpu.wait_dma2 semaphore(%run_scoped3A_616 : memref<!tpu.dma_semaphore, #tpu.memory_space<semaphore_mem>>) src(%dma_wait3A_640 : memref<447x32xf32, #tpu.memory_space<vmem>>) dst(%dma_wait3A_636 : memref<447x32xf32, #tpu.memory_space<hbm>>)
        tpu.yield
      }) : () -> ()
    } else {
    }
    %eq3A_467 = arith.constant 223 : i32
    %eq3A_468 = arith.cmpi eq, %add3A_386, %eq3A_467 : i32
    %convert_element_type3A_469 = arith.extui %eq3A_468 : i1 to i32
    %cond3A_470 = arith.constant 0 : i32
    %cond3A_471 = arith.cmpi ne, %convert_element_type3A_469, %cond3A_470 : i32
    scf.if %cond3A_471 {
      %scan3A_614 = arith.constant 0 : i32
      %scan3A_615 = arith.constant 0 : i32
      %scan3A_616 = arith.constant 223 : i32
      %scan3A_617 = arith.addi %scan3A_615, %scan3A_616 : i32
      %scan3A_618 = arith.constant 1 : i32
      scf.for %scan3A_620 = %scan3A_615 to %scan3A_617 step %scan3A_618  : i32 {
        %mul3A_621 = arith.constant 2 : i32
        %mul3A_622 = arith.muli %mul3A_621, %scan3A_620 : i32
        %add3A_623 = arith.constant 1 : i32
        %add3A_624 = arith.addi %mul3A_622, %add3A_623 : i32
        %get3A = arith.constant 0 : i32
        %get3A_625 = arith.index_cast %get3A : i32 to index
        %get3A_626 = arith.index_cast %add3A_624 : i32 to index
        %get3A_627 = arith.constant 0 : index
        %get3A_628 = tpu.vector_load %arg7[%get3A_625, %get3A_626, %get3A_627] {strides = array<i32>} : memref<2x448x32xf32, #tpu.memory_space<vmem>>, vector<1x1x16xf32>,
        %get3A_629 = vector.shape_cast %get3A_628 : vector<1x1x16xf32> to vector<16xf32>
        %swap3A = arith.index_cast %scan3A_620 : i32 to index
        %swap3A_630 = arith.constant 0 : index
        %swap3A_631 = tpu.vector_load %arg8[%swap3A, %swap3A_630] {strides = array<i32>} : memref<224x32xf32, #tpu.memory_space<vmem>>, vector<1x16xf32>,
        %swap3A_632 = vector.shape_cast %swap3A_631 : vector<1x16xf32> to vector<16xf32>
        %swap3A_633 = vector.shape_cast %get3A_629 : vector<16xf32> to vector<1x16xf32>
        tpu.vector_store %arg8[%swap3A, %swap3A_630], %swap3A_633 {strides = array<i32>} : memref<224x32xf32, #tpu.memory_space<vmem>>, vector<1x16xf32>,
        %mul3A_634 = arith.constant 2 : i32
        %mul3A_635 = arith.muli %mul3A_634, %scan3A_620 : i32
        %add3A_636 = arith.constant 1 : i32
        %add3A_637 = arith.addi %mul3A_635, %add3A_636 : i32
        %get3A_638 = arith.constant 0 : i32
        %get3A_639 = arith.index_cast %get3A_638 : i32 to index
        %get3A_640 = arith.index_cast %add3A_637 : i32 to index
        %get3A_641 = arith.constant 16 : index
        %get3A_642 = tpu.vector_load %arg7[%get3A_639, %get3A_640, %get3A_641] {strides = array<i32>} : memref<2x448x32xf32, #tpu.memory_space<vmem>>, vector<1x1x16xf32>,
        %get3A_643 = vector.shape_cast %get3A_642 : vector<1x1x16xf32> to vector<16xf32>
        %swap3A_644 = arith.index_cast %scan3A_620 : i32 to index
        %swap3A_645 = arith.constant 16 : index
        %swap3A_646 = tpu.vector_load %arg8[%swap3A_644, %swap3A_645] {strides = array<i32>} : memref<224x32xf32, #tpu.memory_space<vmem>>, vector<1x16xf32>,
        %swap3A_647 = vector.shape_cast %swap3A_646 : vector<1x16xf32> to vector<16xf32>
        %swap3A_648 = vector.shape_cast %get3A_643 : vector<16xf32> to vector<1x16xf32>
        tpu.vector_store %arg8[%swap3A_644, %swap3A_645], %swap3A_648 {strides = array<i32>} : memref<224x32xf32, #tpu.memory_space<vmem>>, vector<1x16xf32>,
      }
      %scan3A_619 = arith.constant 223 : i32
      "tpu.region"() ({
        %run_scoped3A = tpu.sem_alloc : memref<!tpu.dma_semaphore, #tpu.memory_space<semaphore_mem>>
        %dma_start3A_620 = arith.constant 0 : i32
        %dma_start3A_621 = arith.constant 0 : i32
        %dma_start3A_622 = tpu.memref_slice %arg8[%dma_start3A_620, %dma_start3A_621] : memref<224x32xf32, #tpu.memory_space<vmem>> -> memref<223x32xf32, #tpu.memory_space<vmem>>
        %dma_start3A_623 = arith.constant 99681 : i32
        %dma_start3A_624 = arith.constant 0 : i32
        %dma_start3A_625 = tpu.memref_slice %arg4[%dma_start3A_623, %dma_start3A_624] : memref<99904x32xf32, #tpu.memory_space<hbm>> -> memref<223x32xf32, #tpu.memory_space<hbm>>
        %dma_start3A_626 = arith.constant 99681 : i32
        %dma_start3A_627 = arith.constant 0 : i32
        %dma_start3A_628 = tpu.memref_slice %arg4[%dma_start3A_626, %dma_start3A_627] : memref<99904x32xf32, #tpu.memory_space<hbm>> -> memref<223x32xf32, #tpu.memory_space<hbm>>
        %dma_start3A_629 = arith.constant 0 : i32
        %dma_start3A_630 = arith.constant 0 : i32
        %dma_start3A_631 = tpu.memref_slice %arg8[%dma_start3A_629, %dma_start3A_630] : memref<224x32xf32, #tpu.memory_space<vmem>> -> memref<223x32xf32, #tpu.memory_space<vmem>>
        tpu.enqueue_dma source(%dma_start3A_631 : memref<223x32xf32, #tpu.memory_space<vmem>>) target(%dma_start3A_628 : memref<223x32xf32, #tpu.memory_space<hbm>>) target_semaphore(%run_scoped3A : memref<!tpu.dma_semaphore, #tpu.memory_space<semaphore_mem>>)
        %dma_wait3A_632 = arith.constant 0 : i32
        %dma_wait3A_633 = arith.constant 0 : i32
        %dma_wait3A_634 = tpu.memref_slice %arg8[%dma_wait3A_632, %dma_wait3A_633] : memref<224x32xf32, #tpu.memory_space<vmem>> -> memref<223x32xf32, #tpu.memory_space<vmem>>
        %dma_wait3A_635 = arith.constant 99681 : i32
        %dma_wait3A_636 = arith.constant 0 : i32
        %dma_wait3A_637 = tpu.memref_slice %arg4[%dma_wait3A_635, %dma_wait3A_636] : memref<99904x32xf32, #tpu.memory_space<hbm>> -> memref<223x32xf32, #tpu.memory_space<hbm>>
        %dma_wait3A_638 = arith.constant 99681 : i32
        %dma_wait3A_639 = arith.constant 0 : i32
        %dma_wait3A_640 = tpu.memref_slice %arg4[%dma_wait3A_638, %dma_wait3A_639] : memref<99904x32xf32, #tpu.memory_space<hbm>> -> memref<223x32xf32, #tpu.memory_space<hbm>>
        %dma_wait3A_641 = arith.constant 0 : i32
        %dma_wait3A_642 = arith.constant 0 : i32
        %dma_wait3A_643 = tpu.memref_slice %arg8[%dma_wait3A_641, %dma_wait3A_642] : memref<224x32xf32, #tpu.memory_space<vmem>> -> memref<223x32xf32, #tpu.memory_space<vmem>>
        tpu.wait_dma2 semaphore(%run_scoped3A : memref<!tpu.dma_semaphore, #tpu.memory_space<semaphore_mem>>) src(%dma_wait3A_643 : memref<223x32xf32, #tpu.memory_space<vmem>>) dst(%dma_wait3A_640 : memref<223x32xf32, #tpu.memory_space<hbm>>)
        tpu.yield
      }) : () -> ()
    } else {
    }
    %mul3A_472 = arith.constant 7 : i32
    %mul3A_473 = arith.muli %add3A, %mul3A_472 : i32
    %add3A_474 = arith.constant 5 : i32
    %add3A_475 = arith.addi %mul3A_473, %add3A_474 : i32
    %mul3A_476 = arith.constant 56 : i32
    %mul3A_477 = arith.muli %add3A_475, %mul3A_476 : i32
    %mul3A_478 = arith.constant 56 : i32
    %mul3A_479 = arith.muli %add3A_475, %mul3A_478 : i32
    %min3A_480 = arith.constant 12424 : i32
    %min3A_481 = arith.minsi %mul3A_479, %min3A_480 : i32
    %sub3A_482 = arith.subi %mul3A_477, %min3A_481 : i32
    %dma_wait3A_483 = arith.constant 1 : i32
    %dma_wait3A_484 = arith.constant 0 : i32
    %dma_wait3A_485 = arith.constant 0 : i32
    %dma_wait3A_486 = tpu.memref_slice %arg5[%dma_wait3A_483, %dma_wait3A_484, %dma_wait3A_485] : memref<2x56x128xf32, #tpu.memory_space<vmem>> -> memref<1x56x128xf32, #tpu.memory_space<vmem>>
    %dma_wait3A_487 = tpu.memref_squeeze %dma_wait3A_486 : memref<1x56x128xf32, #tpu.memory_space<vmem>> -> memref<56x128xf32, #tpu.memory_space<vmem>>
    %dma_wait3A_488 = arith.constant 0 : i32
    %dma_wait3A_489 = tpu.memref_slice %arg2[%multiple_of3A_426, %dma_wait3A_488] : memref<12544x128xf32, #tpu.memory_space<hbm>> -> memref<56x128xf32, #tpu.memory_space<hbm>>
    %dma_wait3A_490 = arith.constant 0 : i32
    %dma_wait3A_491 = arith.constant 0 : i32
    %dma_wait3A_492 = tpu.memref_slice %arg5[%dma_wait3A_483, %dma_wait3A_490, %dma_wait3A_491] : memref<2x56x128xf32, #tpu.memory_space<vmem>> -> memref<1x56x128xf32, #tpu.memory_space<vmem>>
    %dma_wait3A_493 = tpu.memref_squeeze %dma_wait3A_492 : memref<1x56x128xf32, #tpu.memory_space<vmem>> -> memref<56x128xf32, #tpu.memory_space<vmem>>
    %dma_wait3A_494 = arith.constant 0 : i32
    %dma_wait3A_495 = tpu.memref_slice %arg2[%multiple_of3A_426, %dma_wait3A_494] : memref<12544x128xf32, #tpu.memory_space<hbm>> -> memref<56x128xf32, #tpu.memory_space<hbm>>
    tpu.wait_dma2 semaphore(%arg10 : memref<!tpu.dma_semaphore, #tpu.memory_space<semaphore_mem>>) src(%dma_wait3A_495 : memref<56x128xf32, #tpu.memory_space<hbm>>) dst(%dma_wait3A_493 : memref<56x128xf32, #tpu.memory_space<vmem>>)
    %dma_wait3A_496 = arith.constant 1 : i32
    %dma_wait3A_497 = arith.constant 0 : i32
    %dma_wait3A_498 = arith.constant 0 : i32
    %dma_wait3A_499 = tpu.memref_slice %arg6[%dma_wait3A_496, %dma_wait3A_497, %dma_wait3A_498] : memref<2x184x128xf32, #tpu.memory_space<vmem>> -> memref<1x120x128xf32, #tpu.memory_space<vmem>>
    %dma_wait3A_500 = tpu.memref_squeeze %dma_wait3A_499 : memref<1x120x128xf32, #tpu.memory_space<vmem>> -> memref<120x128xf32, #tpu.memory_space<vmem>>
    %dma_wait3A_501 = arith.constant 0 : i32
    %dma_wait3A_502 = tpu.memref_slice %arg3[%multiple_of3A_429, %dma_wait3A_501] : memref<12544x128xf32, #tpu.memory_space<hbm>> -> memref<120x128xf32, #tpu.memory_space<hbm>>
    %dma_wait3A_503 = arith.constant 0 : i32
    %dma_wait3A_504 = arith.constant 0 : i32
    %dma_wait3A_505 = tpu.memref_slice %arg6[%dma_wait3A_496, %dma_wait3A_503, %dma_wait3A_504] : memref<2x184x128xf32, #tpu.memory_space<vmem>> -> memref<1x120x128xf32, #tpu.memory_space<vmem>>
    %dma_wait3A_506 = tpu.memref_squeeze %dma_wait3A_505 : memref<1x120x128xf32, #tpu.memory_space<vmem>> -> memref<120x128xf32, #tpu.memory_space<vmem>>
    %dma_wait3A_507 = arith.constant 0 : i32
    %dma_wait3A_508 = tpu.memref_slice %arg3[%multiple_of3A_429, %dma_wait3A_507] : memref<12544x128xf32, #tpu.memory_space<hbm>> -> memref<120x128xf32, #tpu.memory_space<hbm>>
    tpu.wait_dma2 semaphore(%arg12 : memref<!tpu.dma_semaphore, #tpu.memory_space<semaphore_mem>>) src(%dma_wait3A_508 : memref<120x128xf32, #tpu.memory_space<hbm>>) dst(%dma_wait3A_506 : memref<120x128xf32, #tpu.memory_space<vmem>>)
    %mul3A_509 = arith.constant 7 : i32
    %mul3A_510 = arith.muli %add3A, %mul3A_509 : i32
    %add3A_511 = arith.constant 6 : i32
    %add3A_512 = arith.addi %mul3A_510, %add3A_511 : i32
    %mul3A_513 = arith.constant 56 : i32
    %mul3A_514 = arith.muli %add3A_512, %mul3A_513 : i32
    %multiple_of3A_515 = tpu.assume_multiple %mul3A_514, 8 : i32
    %min3A_516 = arith.constant 12424 : i32
    %min3A_517 = arith.minsi %multiple_of3A_515, %min3A_516 : i32
    %multiple_of3A_518 = tpu.assume_multiple %min3A_517, 8 : i32
    %dma_start3A_519 = arith.constant 0 : i32
    %dma_start3A_520 = arith.constant 0 : i32
    %dma_start3A_521 = arith.constant 0 : i32
    %dma_start3A_522 = tpu.memref_slice %arg5[%dma_start3A_519, %dma_start3A_520, %dma_start3A_521] : memref<2x56x128xf32, #tpu.memory_space<vmem>> -> memref<1x56x128xf32, #tpu.memory_space<vmem>>
    %dma_start3A_523 = tpu.memref_squeeze %dma_start3A_522 : memref<1x56x128xf32, #tpu.memory_space<vmem>> -> memref<56x128xf32, #tpu.memory_space<vmem>>
    %dma_start3A_524 = arith.constant 0 : i32
    %dma_start3A_525 = tpu.memref_slice %arg2[%multiple_of3A_515, %dma_start3A_524] : memref<12544x128xf32, #tpu.memory_space<hbm>> -> memref<56x128xf32, #tpu.memory_space<hbm>>
    %dma_start3A_526 = arith.constant 0 : i32
    %dma_start3A_527 = arith.constant 0 : i32
    %dma_start3A_528 = tpu.memref_slice %arg5[%dma_start3A_519, %dma_start3A_526, %dma_start3A_527] : memref<2x56x128xf32, #tpu.memory_space<vmem>> -> memref<1x56x128xf32, #tpu.memory_space<vmem>>
    %dma_start3A_529 = tpu.memref_squeeze %dma_start3A_528 : memref<1x56x128xf32, #tpu.memory_space<vmem>> -> memref<56x128xf32, #tpu.memory_space<vmem>>
    %dma_start3A_530 = arith.constant 0 : i32
    %dma_start3A_531 = tpu.memref_slice %arg2[%multiple_of3A_515, %dma_start3A_530] : memref<12544x128xf32, #tpu.memory_space<hbm>> -> memref<56x128xf32, #tpu.memory_space<hbm>>
    tpu.enqueue_dma source(%dma_start3A_531 : memref<56x128xf32, #tpu.memory_space<hbm>>) target(%dma_start3A_529 : memref<56x128xf32, #tpu.memory_space<vmem>>) target_semaphore(%arg9 : memref<!tpu.dma_semaphore, #tpu.memory_space<semaphore_mem>>)
    %dma_start3A_532 = arith.constant 0 : i32
    %dma_start3A_533 = arith.constant 0 : i32
    %dma_start3A_534 = arith.constant 0 : i32
    %dma_start3A_535 = tpu.memref_slice %arg6[%dma_start3A_532, %dma_start3A_533, %dma_start3A_534] : memref<2x184x128xf32, #tpu.memory_space<vmem>> -> memref<1x120x128xf32, #tpu.memory_space<vmem>>
    %dma_start3A_536 = tpu.memref_squeeze %dma_start3A_535 : memref<1x120x128xf32, #tpu.memory_space<vmem>> -> memref<120x128xf32, #tpu.memory_space<vmem>>
    %dma_start3A_537 = arith.constant 0 : i32
    %dma_start3A_538 = tpu.memref_slice %arg3[%multiple_of3A_518, %dma_start3A_537] : memref<12544x128xf32, #tpu.memory_space<hbm>> -> memref<120x128xf32, #tpu.memory_space<hbm>>
    %dma_start3A_539 = arith.constant 0 : i32
    %dma_start3A_540 = arith.constant 0 : i32
    %dma_start3A_541 = tpu.memref_slice %arg6[%dma_start3A_532, %dma_start3A_539, %dma_start3A_540] : memref<2x184x128xf32, #tpu.memory_space<vmem>> -> memref<1x120x128xf32, #tpu.memory_space<vmem>>
    %dma_start3A_542 = tpu.memref_squeeze %dma_start3A_541 : memref<1x120x128xf32, #tpu.memory_space<vmem>> -> memref<120x128xf32, #tpu.memory_space<vmem>>
    %dma_start3A_543 = arith.constant 0 : i32
    %dma_start3A_544 = tpu.memref_slice %arg3[%multiple_of3A_518, %dma_start3A_543] : memref<12544x128xf32, #tpu.memory_space<hbm>> -> memref<120x128xf32, #tpu.memory_space<hbm>>
    tpu.enqueue_dma source(%dma_start3A_544 : memref<120x128xf32, #tpu.memory_space<hbm>>) target(%dma_start3A_542 : memref<120x128xf32, #tpu.memory_space<vmem>>) target_semaphore(%arg11 : memref<!tpu.dma_semaphore, #tpu.memory_space<semaphore_mem>>)
    %scan3A_545 = arith.constant 0 : i32
    %scan3A_546 = arith.constant 0 : i32
    %scan3A_547 = arith.constant 56 : i32
    %scan3A_548 = arith.addi %scan3A_546, %scan3A_547 : i32
    %scan3A_549 = arith.constant 1 : i32
    scf.for %scan3A_614 = %scan3A_546 to %scan3A_548 step %scan3A_549  : i32 {
      %add3A_615 = arith.addi %scan3A_614, %sub3A_482 : i32
      %add3A_616 = arith.constant 56 : i32
      %add3A_617 = arith.addi %add3A_615, %add3A_616 : i32
      %add3A_618 = arith.addi %scan3A_614, %sub3A_482 : i32
      %mul3A_619 = arith.constant 8 : i32
      %mul3A_620 = arith.muli %mul3A_619, %scan3A_614 : i32
      %add3A_621 = arith.constant 0 : i32
      %add3A_622 = arith.addi %mul3A_620, %add3A_621 : i32
      %get3A = arith.constant 1 : i32
      %get3A_623 = arith.index_cast %get3A : i32 to index
      %get3A_624 = arith.index_cast %scan3A_614 : i32 to index
      %get3A_625 = arith.constant 0 : index
      %get3A_626 = tpu.vector_load %arg5[%get3A_623, %get3A_624, %get3A_625] {strides = array<i32>} : memref<2x56x128xf32, #tpu.memory_space<vmem>>, vector<1x1x16xf32>,
      %get3A_627 = vector.shape_cast %get3A_626 : vector<1x1x16xf32> to vector<16xf32>
      %get3A_628 = arith.constant 1 : i32
      %get3A_629 = arith.index_cast %get3A_628 : i32 to index
      %get3A_630 = arith.index_cast %add3A_617 : i32 to index
      %get3A_631 = arith.constant 0 : index
      %get3A_632 = tpu.vector_load %arg6[%get3A_629, %get3A_630, %get3A_631] {strides = array<i32>} : memref<2x184x128xf32, #tpu.memory_space<vmem>>, vector<1x1x16xf32>,
      %get3A_633 = vector.shape_cast %get3A_632 : vector<1x1x16xf32> to vector<16xf32>
      %add3A_634 = arith.addf %get3A_627, %get3A_633 : vector<16xf32>
      %swap3A = arith.constant 0 : i32
      %swap3A_635 = arith.index_cast %swap3A : i32 to index
      %swap3A_636 = arith.index_cast %add3A_622 : i32 to index
      %swap3A_637 = arith.constant 0 : index
      %swap3A_638 = tpu.vector_load %arg7[%swap3A_635, %swap3A_636, %swap3A_637] {strides = array<i32>} : memref<2x448x32xf32, #tpu.memory_space<vmem>>, vector<1x1x16xf32>,
      %swap3A_639 = vector.shape_cast %swap3A_638 : vector<1x1x16xf32> to vector<16xf32>
      %swap3A_640 = vector.shape_cast %add3A_634 : vector<16xf32> to vector<1x1x16xf32>
      tpu.vector_store %arg7[%swap3A_635, %swap3A_636, %swap3A_637], %swap3A_640 {strides = array<i32>} : memref<2x448x32xf32, #tpu.memory_space<vmem>>, vector<1x1x16xf32>,
      %add3A_641 = arith.constant 0 : i32
      %add3A_642 = arith.addi %add3A_618, %add3A_641 : i32
      %get3A_643 = arith.constant 1 : i32
      %get3A_644 = arith.index_cast %get3A_643 : i32 to index
      %get3A_645 = arith.index_cast %add3A_642 : i32 to index
      %get3A_646 = arith.constant 32 : index
      %get3A_647 = tpu.vector_load %arg6[%get3A_644, %get3A_645, %get3A_646] {strides = array<i32>} : memref<2x184x128xf32, #tpu.memory_space<vmem>>, vector<1x1x16xf32>,
      %get3A_648 = vector.shape_cast %get3A_647 : vector<1x1x16xf32> to vector<16xf32>
      %add3A_649 = arith.addf %get3A_627, %get3A_648 : vector<16xf32>
      %add3A_650 = arith.constant 1 : i32
      %add3A_651 = arith.addi %add3A_622, %add3A_650 : i32
      %swap3A_652 = arith.constant 0 : i32
      %swap3A_653 = arith.index_cast %swap3A_652 : i32 to index
      %swap3A_654 = arith.index_cast %add3A_651 : i32 to index
      %swap3A_655 = arith.constant 0 : index
      %swap3A_656 = tpu.vector_load %arg7[%swap3A_653, %swap3A_654, %swap3A_655] {strides = array<i32>} : memref<2x448x32xf32, #tpu.memory_space<vmem>>, vector<1x1x16xf32>,
      %swap3A_657 = vector.shape_cast %swap3A_656 : vector<1x1x16xf32> to vector<16xf32>
      %swap3A_658 = vector.shape_cast %add3A_649 : vector<16xf32> to vector<1x1x16xf32>
      tpu.vector_store %arg7[%swap3A_653, %swap3A_654, %swap3A_655], %swap3A_658 {strides = array<i32>} : memref<2x448x32xf32, #tpu.memory_space<vmem>>, vector<1x1x16xf32>,
      %mul3A_659 = arith.constant 8 : i32
      %mul3A_660 = arith.muli %mul3A_659, %scan3A_614 : i32
      %add3A_661 = arith.constant 0 : i32
      %add3A_662 = arith.addi %mul3A_660, %add3A_661 : i32
      %get3A_663 = arith.constant 1 : i32
      %get3A_664 = arith.index_cast %get3A_663 : i32 to index
      %get3A_665 = arith.index_cast %scan3A_614 : i32 to index
      %get3A_666 = arith.constant 16 : index
      %get3A_667 = tpu.vector_load %arg5[%get3A_664, %get3A_665, %get3A_666] {strides = array<i32>} : memref<2x56x128xf32, #tpu.memory_space<vmem>>, vector<1x1x16xf32>,
      %get3A_668 = vector.shape_cast %get3A_667 : vector<1x1x16xf32> to vector<16xf32>
      %get3A_669 = arith.constant 1 : i32
      %get3A_670 = arith.index_cast %get3A_669 : i32 to index
      %get3A_671 = arith.index_cast %add3A_617 : i32 to index
      %get3A_672 = arith.constant 16 : index
      %get3A_673 = tpu.vector_load %arg6[%get3A_670, %get3A_671, %get3A_672] {strides = array<i32>} : memref<2x184x128xf32, #tpu.memory_space<vmem>>, vector<1x1x16xf32>,
      %get3A_674 = vector.shape_cast %get3A_673 : vector<1x1x16xf32> to vector<16xf32>
      %add3A_675 = arith.addf %get3A_668, %get3A_674 : vector<16xf32>
      %swap3A_676 = arith.constant 0 : i32
      %swap3A_677 = arith.index_cast %swap3A_676 : i32 to index
      %swap3A_678 = arith.index_cast %add3A_662 : i32 to index
      %swap3A_679 = arith.constant 16 : index
      %swap3A_680 = tpu.vector_load %arg7[%swap3A_677, %swap3A_678, %swap3A_679] {strides = array<i32>} : memref<2x448x32xf32, #tpu.memory_space<vmem>>, vector<1x1x16xf32>,
      %swap3A_681 = vector.shape_cast %swap3A_680 : vector<1x1x16xf32> to vector<16xf32>
      %swap3A_682 = vector.shape_cast %add3A_675 : vector<16xf32> to vector<1x1x16xf32>
      tpu.vector_store %arg7[%swap3A_677, %swap3A_678, %swap3A_679], %swap3A_682 {strides = array<i32>} : memref<2x448x32xf32, #tpu.memory_space<vmem>>, vector<1x1x16xf32>,
      %add3A_683 = arith.constant 0 : i32
      %add3A_684 = arith.addi %add3A_618, %add3A_683 : i32
      %get3A_685 = arith.constant 1 : i32
      %get3A_686 = arith.index_cast %get3A_685 : i32 to index
      %get3A_687 = arith.index_cast %add3A_684 : i32 to index
      %get3A_688 = arith.constant 48 : index
      %get3A_689 = tpu.vector_load %arg6[%get3A_686, %get3A_687, %get3A_688] {strides = array<i32>} : memref<2x184x128xf32, #tpu.memory_space<vmem>>, vector<1x1x16xf32>,
      %get3A_690 = vector.shape_cast %get3A_689 : vector<1x1x16xf32> to vector<16xf32>
      %add3A_691 = arith.addf %get3A_668, %get3A_690 : vector<16xf32>
      %add3A_692 = arith.constant 1 : i32
      %add3A_693 = arith.addi %add3A_662, %add3A_692 : i32
      %swap3A_694 = arith.constant 0 : i32
      %swap3A_695 = arith.index_cast %swap3A_694 : i32 to index
      %swap3A_696 = arith.index_cast %add3A_693 : i32 to index
      %swap3A_697 = arith.constant 16 : index
      %swap3A_698 = tpu.vector_load %arg7[%swap3A_695, %swap3A_696, %swap3A_697] {strides = array<i32>} : memref<2x448x32xf32, #tpu.memory_space<vmem>>, vector<1x1x16xf32>,
      %swap3A_699 = vector.shape_cast %swap3A_698 : vector<1x1x16xf32> to vector<16xf32>
      %swap3A_700 = vector.shape_cast %add3A_691 : vector<16xf32> to vector<1x1x16xf32>
      tpu.vector_store %arg7[%swap3A_695, %swap3A_696, %swap3A_697], %swap3A_700 {strides = array<i32>} : memref<2x448x32xf32, #tpu.memory_space<vmem>>, vector<1x1x16xf32>,
      %mul3A_701 = arith.constant 8 : i32
      %mul3A_702 = arith.muli %mul3A_701, %scan3A_614 : i32
      %add3A_703 = arith.constant 2 : i32
      %add3A_704 = arith.addi %mul3A_702, %add3A_703 : i32
      %get3A_705 = arith.constant 1 : i32
      %get3A_706 = arith.index_cast %get3A_705 : i32 to index
      %get3A_707 = arith.index_cast %scan3A_614 : i32 to index
      %get3A_708 = arith.constant 32 : index
      %get3A_709 = tpu.vector_load %arg5[%get3A_706, %get3A_707, %get3A_708] {strides = array<i32>} : memref<2x56x128xf32, #tpu.memory_space<vmem>>, vector<1x1x16xf32>,
      %get3A_710 = vector.shape_cast %get3A_709 : vector<1x1x16xf32> to vector<16xf32>
      %get3A_711 = arith.constant 1 : i32
      %get3A_712 = arith.index_cast %get3A_711 : i32 to index
      %get3A_713 = arith.index_cast %add3A_617 : i32 to index
      %get3A_714 = arith.constant 32 : index
      %get3A_715 = tpu.vector_load %arg6[%get3A_712, %get3A_713, %get3A_714] {strides = array<i32>} : memref<2x184x128xf32, #tpu.memory_space<vmem>>, vector<1x1x16xf32>,
      %get3A_716 = vector.shape_cast %get3A_715 : vector<1x1x16xf32> to vector<16xf32>
      %add3A_717 = arith.addf %get3A_710, %get3A_716 : vector<16xf32>
      %swap3A_718 = arith.constant 0 : i32
      %swap3A_719 = arith.index_cast %swap3A_718 : i32 to index
      %swap3A_720 = arith.index_cast %add3A_704 : i32 to index
      %swap3A_721 = arith.constant 0 : index
      %swap3A_722 = tpu.vector_load %arg7[%swap3A_719, %swap3A_720, %swap3A_721] {strides = array<i32>} : memref<2x448x32xf32, #tpu.memory_space<vmem>>, vector<1x1x16xf32>,
      %swap3A_723 = vector.shape_cast %swap3A_722 : vector<1x1x16xf32> to vector<16xf32>
      %swap3A_724 = vector.shape_cast %add3A_717 : vector<16xf32> to vector<1x1x16xf32>
      tpu.vector_store %arg7[%swap3A_719, %swap3A_720, %swap3A_721], %swap3A_724 {strides = array<i32>} : memref<2x448x32xf32, #tpu.memory_space<vmem>>, vector<1x1x16xf32>,
      %add3A_725 = arith.constant 0 : i32
      %add3A_726 = arith.addi %add3A_618, %add3A_725 : i32
      %get3A_727 = arith.constant 1 : i32
      %get3A_728 = arith.index_cast %get3A_727 : i32 to index
      %get3A_729 = arith.index_cast %add3A_726 : i32 to index
      %get3A_730 = arith.constant 64 : index
      %get3A_731 = tpu.vector_load %arg6[%get3A_728, %get3A_729, %get3A_730] {strides = array<i32>} : memref<2x184x128xf32, #tpu.memory_space<vmem>>, vector<1x1x16xf32>,
      %get3A_732 = vector.shape_cast %get3A_731 : vector<1x1x16xf32> to vector<16xf32>
      %add3A_733 = arith.addf %get3A_710, %get3A_732 : vector<16xf32>
      %add3A_734 = arith.constant 1 : i32
      %add3A_735 = arith.addi %add3A_704, %add3A_734 : i32
      %swap3A_736 = arith.constant 0 : i32
      %swap3A_737 = arith.index_cast %swap3A_736 : i32 to index
      %swap3A_738 = arith.index_cast %add3A_735 : i32 to index
      %swap3A_739 = arith.constant 0 : index
      %swap3A_740 = tpu.vector_load %arg7[%swap3A_737, %swap3A_738, %swap3A_739] {strides = array<i32>} : memref<2x448x32xf32, #tpu.memory_space<vmem>>, vector<1x1x16xf32>,
      %swap3A_741 = vector.shape_cast %swap3A_740 : vector<1x1x16xf32> to vector<16xf32>
      %swap3A_742 = vector.shape_cast %add3A_733 : vector<16xf32> to vector<1x1x16xf32>
      tpu.vector_store %arg7[%swap3A_737, %swap3A_738, %swap3A_739], %swap3A_742 {strides = array<i32>} : memref<2x448x32xf32, #tpu.memory_space<vmem>>, vector<1x1x16xf32>,
      %mul3A_743 = arith.constant 8 : i32
      %mul3A_744 = arith.muli %mul3A_743, %scan3A_614 : i32
      %add3A_745 = arith.constant 2 : i32
      %add3A_746 = arith.addi %mul3A_744, %add3A_745 : i32
      %get3A_747 = arith.constant 1 : i32
      %get3A_748 = arith.index_cast %get3A_747 : i32 to index
      %get3A_749 = arith.index_cast %scan3A_614 : i32 to index
      %get3A_750 = arith.constant 48 : index
      %get3A_751 = tpu.vector_load %arg5[%get3A_748, %get3A_749, %get3A_750] {strides = array<i32>} : memref<2x56x128xf32, #tpu.memory_space<vmem>>, vector<1x1x16xf32>,
      %get3A_752 = vector.shape_cast %get3A_751 : vector<1x1x16xf32> to vector<16xf32>
      %get3A_753 = arith.constant 1 : i32
      %get3A_754 = arith.index_cast %get3A_753 : i32 to index
      %get3A_755 = arith.index_cast %add3A_617 : i32 to index
      %get3A_756 = arith.constant 48 : index
      %get3A_757 = tpu.vector_load %arg6[%get3A_754, %get3A_755, %get3A_756] {strides = array<i32>} : memref<2x184x128xf32, #tpu.memory_space<vmem>>, vector<1x1x16xf32>,
      %get3A_758 = vector.shape_cast %get3A_757 : vector<1x1x16xf32> to vector<16xf32>
      %add3A_759 = arith.addf %get3A_752, %get3A_758 : vector<16xf32>
      %swap3A_760 = arith.constant 0 : i32
      %swap3A_761 = arith.index_cast %swap3A_760 : i32 to index
      %swap3A_762 = arith.index_cast %add3A_746 : i32 to index
      %swap3A_763 = arith.constant 16 : index
      %swap3A_764 = tpu.vector_load %arg7[%swap3A_761, %swap3A_762, %swap3A_763] {strides = array<i32>} : memref<2x448x32xf32, #tpu.memory_space<vmem>>, vector<1x1x16xf32>,
      %swap3A_765 = vector.shape_cast %swap3A_764 : vector<1x1x16xf32> to vector<16xf32>
      %swap3A_766 = vector.shape_cast %add3A_759 : vector<16xf32> to vector<1x1x16xf32>
      tpu.vector_store %arg7[%swap3A_761, %swap3A_762, %swap3A_763], %swap3A_766 {strides = array<i32>} : memref<2x448x32xf32, #tpu.memory_space<vmem>>, vector<1x1x16xf32>,
      %add3A_767 = arith.constant 0 : i32
      %add3A_768 = arith.addi %add3A_618, %add3A_767 : i32
      %get3A_769 = arith.constant 1 : i32
      %get3A_770 = arith.index_cast %get3A_769 : i32 to index
      %get3A_771 = arith.index_cast %add3A_768 : i32 to index
      %get3A_772 = arith.constant 80 : index
      %get3A_773 = tpu.vector_load %arg6[%get3A_770, %get3A_771, %get3A_772] {strides = array<i32>} : memref<2x184x128xf32, #tpu.memory_space<vmem>>, vector<1x1x16xf32>,
      %get3A_774 = vector.shape_cast %get3A_773 : vector<1x1x16xf32> to vector<16xf32>
      %add3A_775 = arith.addf %get3A_752, %get3A_774 : vector<16xf32>
      %add3A_776 = arith.constant 1 : i32
      %add3A_777 = arith.addi %add3A_746, %add3A_776 : i32
      %swap3A_778 = arith.constant 0 : i32
      %swap3A_779 = arith.index_cast %swap3A_778 : i32 to index
      %swap3A_780 = arith.index_cast %add3A_777 : i32 to index
      %swap3A_781 = arith.constant 16 : index
      %swap3A_782 = tpu.vector_load %arg7[%swap3A_779, %swap3A_780, %swap3A_781] {strides = array<i32>} : memref<2x448x32xf32, #tpu.memory_space<vmem>>, vector<1x1x16xf32>,
      %swap3A_783 = vector.shape_cast %swap3A_782 : vector<1x1x16xf32> to vector<16xf32>
      %swap3A_784 = vector.shape_cast %add3A_775 : vector<16xf32> to vector<1x1x16xf32>
      tpu.vector_store %arg7[%swap3A_779, %swap3A_780, %swap3A_781], %swap3A_784 {strides = array<i32>} : memref<2x448x32xf32, #tpu.memory_space<vmem>>, vector<1x1x16xf32>,
      %mul3A_785 = arith.constant 8 : i32
      %mul3A_786 = arith.muli %mul3A_785, %scan3A_614 : i32
      %add3A_787 = arith.constant 4 : i32
      %add3A_788 = arith.addi %mul3A_786, %add3A_787 : i32
      %get3A_789 = arith.constant 1 : i32
      %get3A_790 = arith.index_cast %get3A_789 : i32 to index
      %get3A_791 = arith.index_cast %scan3A_614 : i32 to index
      %get3A_792 = arith.constant 64 : index
      %get3A_793 = tpu.vector_load %arg5[%get3A_790, %get3A_791, %get3A_792] {strides = array<i32>} : memref<2x56x128xf32, #tpu.memory_space<vmem>>, vector<1x1x16xf32>,
      %get3A_794 = vector.shape_cast %get3A_793 : vector<1x1x16xf32> to vector<16xf32>
      %get3A_795 = arith.constant 1 : i32
      %get3A_796 = arith.index_cast %get3A_795 : i32 to index
      %get3A_797 = arith.index_cast %add3A_617 : i32 to index
      %get3A_798 = arith.constant 64 : index
      %get3A_799 = tpu.vector_load %arg6[%get3A_796, %get3A_797, %get3A_798] {strides = array<i32>} : memref<2x184x128xf32, #tpu.memory_space<vmem>>, vector<1x1x16xf32>,
      %get3A_800 = vector.shape_cast %get3A_799 : vector<1x1x16xf32> to vector<16xf32>
      %add3A_801 = arith.addf %get3A_794, %get3A_800 : vector<16xf32>
      %swap3A_802 = arith.constant 0 : i32
      %swap3A_803 = arith.index_cast %swap3A_802 : i32 to index
      %swap3A_804 = arith.index_cast %add3A_788 : i32 to index
      %swap3A_805 = arith.constant 0 : index
      %swap3A_806 = tpu.vector_load %arg7[%swap3A_803, %swap3A_804, %swap3A_805] {strides = array<i32>} : memref<2x448x32xf32, #tpu.memory_space<vmem>>, vector<1x1x16xf32>,
      %swap3A_807 = vector.shape_cast %swap3A_806 : vector<1x1x16xf32> to vector<16xf32>
      %swap3A_808 = vector.shape_cast %add3A_801 : vector<16xf32> to vector<1x1x16xf32>
      tpu.vector_store %arg7[%swap3A_803, %swap3A_804, %swap3A_805], %swap3A_808 {strides = array<i32>} : memref<2x448x32xf32, #tpu.memory_space<vmem>>, vector<1x1x16xf32>,
      %add3A_809 = arith.constant 0 : i32
      %add3A_810 = arith.addi %add3A_618, %add3A_809 : i32
      %get3A_811 = arith.constant 1 : i32
      %get3A_812 = arith.index_cast %get3A_811 : i32 to index
      %get3A_813 = arith.index_cast %add3A_810 : i32 to index
      %get3A_814 = arith.constant 96 : index
      %get3A_815 = tpu.vector_load %arg6[%get3A_812, %get3A_813, %get3A_814] {strides = array<i32>} : memref<2x184x128xf32, #tpu.memory_space<vmem>>, vector<1x1x16xf32>,
      %get3A_816 = vector.shape_cast %get3A_815 : vector<1x1x16xf32> to vector<16xf32>
      %add3A_817 = arith.addf %get3A_794, %get3A_816 : vector<16xf32>
      %add3A_818 = arith.constant 1 : i32
      %add3A_819 = arith.addi %add3A_788, %add3A_818 : i32
      %swap3A_820 = arith.constant 0 : i32
      %swap3A_821 = arith.index_cast %swap3A_820 : i32 to index
      %swap3A_822 = arith.index_cast %add3A_819 : i32 to index
      %swap3A_823 = arith.constant 0 : index
      %swap3A_824 = tpu.vector_load %arg7[%swap3A_821, %swap3A_822, %swap3A_823] {strides = array<i32>} : memref<2x448x32xf32, #tpu.memory_space<vmem>>, vector<1x1x16xf32>,
      %swap3A_825 = vector.shape_cast %swap3A_824 : vector<1x1x16xf32> to vector<16xf32>
      %swap3A_826 = vector.shape_cast %add3A_817 : vector<16xf32> to vector<1x1x16xf32>
      tpu.vector_store %arg7[%swap3A_821, %swap3A_822, %swap3A_823], %swap3A_826 {strides = array<i32>} : memref<2x448x32xf32, #tpu.memory_space<vmem>>, vector<1x1x16xf32>,
      %mul3A_827 = arith.constant 8 : i32
      %mul3A_828 = arith.muli %mul3A_827, %scan3A_614 : i32
      %add3A_829 = arith.constant 4 : i32
      %add3A_830 = arith.addi %mul3A_828, %add3A_829 : i32
      %get3A_831 = arith.constant 1 : i32
      %get3A_832 = arith.index_cast %get3A_831 : i32 to index
      %get3A_833 = arith.index_cast %scan3A_614 : i32 to index
      %get3A_834 = arith.constant 80 : index
      %get3A_835 = tpu.vector_load %arg5[%get3A_832, %get3A_833, %get3A_834] {strides = array<i32>} : memref<2x56x128xf32, #tpu.memory_space<vmem>>, vector<1x1x16xf32>,
      %get3A_836 = vector.shape_cast %get3A_835 : vector<1x1x16xf32> to vector<16xf32>
      %get3A_837 = arith.constant 1 : i32
      %get3A_838 = arith.index_cast %get3A_837 : i32 to index
      %get3A_839 = arith.index_cast %add3A_617 : i32 to index
      %get3A_840 = arith.constant 80 : index
      %get3A_841 = tpu.vector_load %arg6[%get3A_838, %get3A_839, %get3A_840] {strides = array<i32>} : memref<2x184x128xf32, #tpu.memory_space<vmem>>, vector<1x1x16xf32>,
      %get3A_842 = vector.shape_cast %get3A_841 : vector<1x1x16xf32> to vector<16xf32>
      %add3A_843 = arith.addf %get3A_836, %get3A_842 : vector<16xf32>
      %swap3A_844 = arith.constant 0 : i32
      %swap3A_845 = arith.index_cast %swap3A_844 : i32 to index
      %swap3A_846 = arith.index_cast %add3A_830 : i32 to index
      %swap3A_847 = arith.constant 16 : index
      %swap3A_848 = tpu.vector_load %arg7[%swap3A_845, %swap3A_846, %swap3A_847] {strides = array<i32>} : memref<2x448x32xf32, #tpu.memory_space<vmem>>, vector<1x1x16xf32>,
      %swap3A_849 = vector.shape_cast %swap3A_848 : vector<1x1x16xf32> to vector<16xf32>
      %swap3A_850 = vector.shape_cast %add3A_843 : vector<16xf32> to vector<1x1x16xf32>
      tpu.vector_store %arg7[%swap3A_845, %swap3A_846, %swap3A_847], %swap3A_850 {strides = array<i32>} : memref<2x448x32xf32, #tpu.memory_space<vmem>>, vector<1x1x16xf32>,
      %add3A_851 = arith.constant 0 : i32
      %add3A_852 = arith.addi %add3A_618, %add3A_851 : i32
      %get3A_853 = arith.constant 1 : i32
      %get3A_854 = arith.index_cast %get3A_853 : i32 to index
      %get3A_855 = arith.index_cast %add3A_852 : i32 to index
      %get3A_856 = arith.constant 112 : index
      %get3A_857 = tpu.vector_load %arg6[%get3A_854, %get3A_855, %get3A_856] {strides = array<i32>} : memref<2x184x128xf32, #tpu.memory_space<vmem>>, vector<1x1x16xf32>,
      %get3A_858 = vector.shape_cast %get3A_857 : vector<1x1x16xf32> to vector<16xf32>
      %add3A_859 = arith.addf %get3A_836, %get3A_858 : vector<16xf32>
      %add3A_860 = arith.constant 1 : i32
      %add3A_861 = arith.addi %add3A_830, %add3A_860 : i32
      %swap3A_862 = arith.constant 0 : i32
      %swap3A_863 = arith.index_cast %swap3A_862 : i32 to index
      %swap3A_864 = arith.index_cast %add3A_861 : i32 to index
      %swap3A_865 = arith.constant 16 : index
      %swap3A_866 = tpu.vector_load %arg7[%swap3A_863, %swap3A_864, %swap3A_865] {strides = array<i32>} : memref<2x448x32xf32, #tpu.memory_space<vmem>>, vector<1x1x16xf32>,
      %swap3A_867 = vector.shape_cast %swap3A_866 : vector<1x1x16xf32> to vector<16xf32>
      %swap3A_868 = vector.shape_cast %add3A_859 : vector<16xf32> to vector<1x1x16xf32>
      tpu.vector_store %arg7[%swap3A_863, %swap3A_864, %swap3A_865], %swap3A_868 {strides = array<i32>} : memref<2x448x32xf32, #tpu.memory_space<vmem>>, vector<1x1x16xf32>,
      %mul3A_869 = arith.constant 8 : i32
      %mul3A_870 = arith.muli %mul3A_869, %scan3A_614 : i32
      %add3A_871 = arith.constant 6 : i32
      %add3A_872 = arith.addi %mul3A_870, %add3A_871 : i32
      %get3A_873 = arith.constant 1 : i32
      %get3A_874 = arith.index_cast %get3A_873 : i32 to index
      %get3A_875 = arith.index_cast %scan3A_614 : i32 to index
      %get3A_876 = arith.constant 96 : index
      %get3A_877 = tpu.vector_load %arg5[%get3A_874, %get3A_875, %get3A_876] {strides = array<i32>} : memref<2x56x128xf32, #tpu.memory_space<vmem>>, vector<1x1x16xf32>,
      %get3A_878 = vector.shape_cast %get3A_877 : vector<1x1x16xf32> to vector<16xf32>
      %get3A_879 = arith.constant 1 : i32
      %get3A_880 = arith.index_cast %get3A_879 : i32 to index
      %get3A_881 = arith.index_cast %add3A_617 : i32 to index
      %get3A_882 = arith.constant 96 : index
      %get3A_883 = tpu.vector_load %arg6[%get3A_880, %get3A_881, %get3A_882] {strides = array<i32>} : memref<2x184x128xf32, #tpu.memory_space<vmem>>, vector<1x1x16xf32>,
      %get3A_884 = vector.shape_cast %get3A_883 : vector<1x1x16xf32> to vector<16xf32>
      %add3A_885 = arith.addf %get3A_878, %get3A_884 : vector<16xf32>
      %swap3A_886 = arith.constant 0 : i32
      %swap3A_887 = arith.index_cast %swap3A_886 : i32 to index
      %swap3A_888 = arith.index_cast %add3A_872 : i32 to index
      %swap3A_889 = arith.constant 0 : index
      %swap3A_890 = tpu.vector_load %arg7[%swap3A_887, %swap3A_888, %swap3A_889] {strides = array<i32>} : memref<2x448x32xf32, #tpu.memory_space<vmem>>, vector<1x1x16xf32>,
      %swap3A_891 = vector.shape_cast %swap3A_890 : vector<1x1x16xf32> to vector<16xf32>
      %swap3A_892 = vector.shape_cast %add3A_885 : vector<16xf32> to vector<1x1x16xf32>
      tpu.vector_store %arg7[%swap3A_887, %swap3A_888, %swap3A_889], %swap3A_892 {strides = array<i32>} : memref<2x448x32xf32, #tpu.memory_space<vmem>>, vector<1x1x16xf32>,
      %add3A_893 = arith.constant 1 : i32
      %add3A_894 = arith.addi %add3A_618, %add3A_893 : i32
      %get3A_895 = arith.constant 1 : i32
      %get3A_896 = arith.index_cast %get3A_895 : i32 to index
      %get3A_897 = arith.index_cast %add3A_894 : i32 to index
      %get3A_898 = arith.constant 0 : index
      %get3A_899 = tpu.vector_load %arg6[%get3A_896, %get3A_897, %get3A_898] {strides = array<i32>} : memref<2x184x128xf32, #tpu.memory_space<vmem>>, vector<1x1x16xf32>,
      %get3A_900 = vector.shape_cast %get3A_899 : vector<1x1x16xf32> to vector<16xf32>
      %add3A_901 = arith.addf %get3A_878, %get3A_900 : vector<16xf32>
      %add3A_902 = arith.constant 1 : i32
      %add3A_903 = arith.addi %add3A_872, %add3A_902 : i32
      %swap3A_904 = arith.constant 0 : i32
      %swap3A_905 = arith.index_cast %swap3A_904 : i32 to index
      %swap3A_906 = arith.index_cast %add3A_903 : i32 to index
      %swap3A_907 = arith.constant 0 : index
      %swap3A_908 = tpu.vector_load %arg7[%swap3A_905, %swap3A_906, %swap3A_907] {strides = array<i32>} : memref<2x448x32xf32, #tpu.memory_space<vmem>>, vector<1x1x16xf32>,
      %swap3A_909 = vector.shape_cast %swap3A_908 : vector<1x1x16xf32> to vector<16xf32>
      %swap3A_910 = vector.shape_cast %add3A_901 : vector<16xf32> to vector<1x1x16xf32>
      tpu.vector_store %arg7[%swap3A_905, %swap3A_906, %swap3A_907], %swap3A_910 {strides = array<i32>} : memref<2x448x32xf32, #tpu.memory_space<vmem>>, vector<1x1x16xf32>,
      %mul3A_911 = arith.constant 8 : i32
      %mul3A_912 = arith.muli %mul3A_911, %scan3A_614 : i32
      %add3A_913 = arith.constant 6 : i32
      %add3A_914 = arith.addi %mul3A_912, %add3A_913 : i32
      %get3A_915 = arith.constant 1 : i32
      %get3A_916 = arith.index_cast %get3A_915 : i32 to index
      %get3A_917 = arith.index_cast %scan3A_614 : i32 to index
      %get3A_918 = arith.constant 112 : index
      %get3A_919 = tpu.vector_load %arg5[%get3A_916, %get3A_917, %get3A_918] {strides = array<i32>} : memref<2x56x128xf32, #tpu.memory_space<vmem>>, vector<1x1x16xf32>,
      %get3A_920 = vector.shape_cast %get3A_919 : vector<1x1x16xf32> to vector<16xf32>
      %get3A_921 = arith.constant 1 : i32
      %get3A_922 = arith.index_cast %get3A_921 : i32 to index
      %get3A_923 = arith.index_cast %add3A_617 : i32 to index
      %get3A_924 = arith.constant 112 : index
      %get3A_925 = tpu.vector_load %arg6[%get3A_922, %get3A_923, %get3A_924] {strides = array<i32>} : memref<2x184x128xf32, #tpu.memory_space<vmem>>, vector<1x1x16xf32>,
      %get3A_926 = vector.shape_cast %get3A_925 : vector<1x1x16xf32> to vector<16xf32>
      %add3A_927 = arith.addf %get3A_920, %get3A_926 : vector<16xf32>
      %swap3A_928 = arith.constant 0 : i32
      %swap3A_929 = arith.index_cast %swap3A_928 : i32 to index
      %swap3A_930 = arith.index_cast %add3A_914 : i32 to index
      %swap3A_931 = arith.constant 16 : index
      %swap3A_932 = tpu.vector_load %arg7[%swap3A_929, %swap3A_930, %swap3A_931] {strides = array<i32>} : memref<2x448x32xf32, #tpu.memory_space<vmem>>, vector<1x1x16xf32>,
      %swap3A_933 = vector.shape_cast %swap3A_932 : vector<1x1x16xf32> to vector<16xf32>
      %swap3A_934 = vector.shape_cast %add3A_927 : vector<16xf32> to vector<1x1x16xf32>
      tpu.vector_store %arg7[%swap3A_929, %swap3A_930, %swap3A_931], %swap3A_934 {strides = array<i32>} : memref<2x448x32xf32, #tpu.memory_space<vmem>>, vector<1x1x16xf32>,
      %add3A_935 = arith.constant 1 : i32
      %add3A_936 = arith.addi %add3A_618, %add3A_935 : i32
      %get3A_937 = arith.constant 1 : i32
      %get3A_938 = arith.index_cast %get3A_937 : i32 to index
      %get3A_939 = arith.index_cast %add3A_936 : i32 to index
      %get3A_940 = arith.constant 16 : index
      %get3A_941 = tpu.vector_load %arg6[%get3A_938, %get3A_939, %get3A_940] {strides = array<i32>} : memref<2x184x128xf32, #tpu.memory_space<vmem>>, vector<1x1x16xf32>,
      %get3A_942 = vector.shape_cast %get3A_941 : vector<1x1x16xf32> to vector<16xf32>
      %add3A_943 = arith.addf %get3A_920, %get3A_942 : vector<16xf32>
      %add3A_944 = arith.constant 1 : i32
      %add3A_945 = arith.addi %add3A_914, %add3A_944 : i32
      %swap3A_946 = arith.constant 0 : i32
      %swap3A_947 = arith.index_cast %swap3A_946 : i32 to index
      %swap3A_948 = arith.index_cast %add3A_945 : i32 to index
      %swap3A_949 = arith.constant 16 : index
      %swap3A_950 = tpu.vector_load %arg7[%swap3A_947, %swap3A_948, %swap3A_949] {strides = array<i32>} : memref<2x448x32xf32, #tpu.memory_space<vmem>>, vector<1x1x16xf32>,
      %swap3A_951 = vector.shape_cast %swap3A_950 : vector<1x1x16xf32> to vector<16xf32>
      %swap3A_952 = vector.shape_cast %add3A_943 : vector<16xf32> to vector<1x1x16xf32>
      tpu.vector_store %arg7[%swap3A_947, %swap3A_948, %swap3A_949], %swap3A_952 {strides = array<i32>} : memref<2x448x32xf32, #tpu.memory_space<vmem>>, vector<1x1x16xf32>,
    }
    %scan3A_550 = arith.constant 56 : i32
    %lt3A_551 = arith.constant 223 : i32
    %lt3A_552 = arith.cmpi slt, %add3A_475, %lt3A_551 : i32
    %convert_element_type3A_553 = arith.extui %lt3A_552 : i1 to i32
    %cond3A_554 = arith.constant 0 : i32
    %cond3A_555 = arith.cmpi ne, %convert_element_type3A_553, %cond3A_554 : i32
    scf.if %cond3A_555 {
      %mul3A_614 = arith.constant 447 : i32
      %mul3A_615 = arith.muli %add3A_475, %mul3A_614 : i32
      %run_scoped3A = arith.constant 0 : i32
      "tpu.region"() ({
        %run_scoped3A_616 = tpu.sem_alloc : memref<!tpu.dma_semaphore, #tpu.memory_space<semaphore_mem>>
        %dma_start3A_617 = arith.constant 0 : i32
        %dma_start3A_618 = arith.constant 0 : i32
        %dma_start3A_619 = tpu.memref_slice %arg7[%run_scoped3A, %dma_start3A_617, %dma_start3A_618] : memref<2x448x32xf32, #tpu.memory_space<vmem>> -> memref<1x447x32xf32, #tpu.memory_space<vmem>>
        %dma_start3A_620 = tpu.memref_squeeze %dma_start3A_619 : memref<1x447x32xf32, #tpu.memory_space<vmem>> -> memref<447x32xf32, #tpu.memory_space<vmem>>
        %dma_start3A_621 = arith.constant 0 : i32
        %dma_start3A_622 = tpu.memref_slice %arg4[%mul3A_615, %dma_start3A_621] : memref<99904x32xf32, #tpu.memory_space<hbm>> -> memref<447x32xf32, #tpu.memory_space<hbm>>
        %dma_start3A_623 = arith.constant 0 : i32
        %dma_start3A_624 = tpu.memref_slice %arg4[%mul3A_615, %dma_start3A_623] : memref<99904x32xf32, #tpu.memory_space<hbm>> -> memref<447x32xf32, #tpu.memory_space<hbm>>
        %dma_start3A_625 = arith.constant 0 : i32
        %dma_start3A_626 = arith.constant 0 : i32
        %dma_start3A_627 = tpu.memref_slice %arg7[%run_scoped3A, %dma_start3A_625, %dma_start3A_626] : memref<2x448x32xf32, #tpu.memory_space<vmem>> -> memref<1x447x32xf32, #tpu.memory_space<vmem>>
        %dma_start3A_628 = tpu.memref_squeeze %dma_start3A_627 : memref<1x447x32xf32, #tpu.memory_space<vmem>> -> memref<447x32xf32, #tpu.memory_space<vmem>>
        tpu.enqueue_dma source(%dma_start3A_628 : memref<447x32xf32, #tpu.memory_space<vmem>>) target(%dma_start3A_624 : memref<447x32xf32, #tpu.memory_space<hbm>>) target_semaphore(%run_scoped3A_616 : memref<!tpu.dma_semaphore, #tpu.memory_space<semaphore_mem>>)
        %dma_wait3A_629 = arith.constant 0 : i32
        %dma_wait3A_630 = arith.constant 0 : i32
        %dma_wait3A_631 = tpu.memref_slice %arg7[%run_scoped3A, %dma_wait3A_629, %dma_wait3A_630] : memref<2x448x32xf32, #tpu.memory_space<vmem>> -> memref<1x447x32xf32, #tpu.memory_space<vmem>>
        %dma_wait3A_632 = tpu.memref_squeeze %dma_wait3A_631 : memref<1x447x32xf32, #tpu.memory_space<vmem>> -> memref<447x32xf32, #tpu.memory_space<vmem>>
        %dma_wait3A_633 = arith.constant 0 : i32
        %dma_wait3A_634 = tpu.memref_slice %arg4[%mul3A_615, %dma_wait3A_633] : memref<99904x32xf32, #tpu.memory_space<hbm>> -> memref<447x32xf32, #tpu.memory_space<hbm>>
        %dma_wait3A_635 = arith.constant 0 : i32
        %dma_wait3A_636 = tpu.memref_slice %arg4[%mul3A_615, %dma_wait3A_635] : memref<99904x32xf32, #tpu.memory_space<hbm>> -> memref<447x32xf32, #tpu.memory_space<hbm>>
        %dma_wait3A_637 = arith.constant 0 : i32
        %dma_wait3A_638 = arith.constant 0 : i32
        %dma_wait3A_639 = tpu.memref_slice %arg7[%run_scoped3A, %dma_wait3A_637, %dma_wait3A_638] : memref<2x448x32xf32, #tpu.memory_space<vmem>> -> memref<1x447x32xf32, #tpu.memory_space<vmem>>
        %dma_wait3A_640 = tpu.memref_squeeze %dma_wait3A_639 : memref<1x447x32xf32, #tpu.memory_space<vmem>> -> memref<447x32xf32, #tpu.memory_space<vmem>>
        tpu.wait_dma2 semaphore(%run_scoped3A_616 : memref<!tpu.dma_semaphore, #tpu.memory_space<semaphore_mem>>) src(%dma_wait3A_640 : memref<447x32xf32, #tpu.memory_space<vmem>>) dst(%dma_wait3A_636 : memref<447x32xf32, #tpu.memory_space<hbm>>)
        tpu.yield
      }) : () -> ()
    } else {
    }
    %eq3A_556 = arith.constant 223 : i32
    %eq3A_557 = arith.cmpi eq, %add3A_475, %eq3A_556 : i32
    %convert_element_type3A_558 = arith.extui %eq3A_557 : i1 to i32
    %cond3A_559 = arith.constant 0 : i32
    %cond3A_560 = arith.cmpi ne, %convert_element_type3A_558, %cond3A_559 : i32
    scf.if %cond3A_560 {
      %scan3A_614 = arith.constant 0 : i32
      %scan3A_615 = arith.constant 0 : i32
      %scan3A_616 = arith.constant 223 : i32
      %scan3A_617 = arith.addi %scan3A_615, %scan3A_616 : i32
      %scan3A_618 = arith.constant 1 : i32
      scf.for %scan3A_620 = %scan3A_615 to %scan3A_617 step %scan3A_618  : i32 {
        %mul3A_621 = arith.constant 2 : i32
        %mul3A_622 = arith.muli %mul3A_621, %scan3A_620 : i32
        %add3A_623 = arith.constant 1 : i32
        %add3A_624 = arith.addi %mul3A_622, %add3A_623 : i32
        %get3A = arith.constant 0 : i32
        %get3A_625 = arith.index_cast %get3A : i32 to index
        %get3A_626 = arith.index_cast %add3A_624 : i32 to index
        %get3A_627 = arith.constant 0 : index
        %get3A_628 = tpu.vector_load %arg7[%get3A_625, %get3A_626, %get3A_627] {strides = array<i32>} : memref<2x448x32xf32, #tpu.memory_space<vmem>>, vector<1x1x16xf32>,
        %get3A_629 = vector.shape_cast %get3A_628 : vector<1x1x16xf32> to vector<16xf32>
        %swap3A = arith.index_cast %scan3A_620 : i32 to index
        %swap3A_630 = arith.constant 0 : index
        %swap3A_631 = tpu.vector_load %arg8[%swap3A, %swap3A_630] {strides = array<i32>} : memref<224x32xf32, #tpu.memory_space<vmem>>, vector<1x16xf32>,
        %swap3A_632 = vector.shape_cast %swap3A_631 : vector<1x16xf32> to vector<16xf32>
        %swap3A_633 = vector.shape_cast %get3A_629 : vector<16xf32> to vector<1x16xf32>
        tpu.vector_store %arg8[%swap3A, %swap3A_630], %swap3A_633 {strides = array<i32>} : memref<224x32xf32, #tpu.memory_space<vmem>>, vector<1x16xf32>,
        %mul3A_634 = arith.constant 2 : i32
        %mul3A_635 = arith.muli %mul3A_634, %scan3A_620 : i32
        %add3A_636 = arith.constant 1 : i32
        %add3A_637 = arith.addi %mul3A_635, %add3A_636 : i32
        %get3A_638 = arith.constant 0 : i32
        %get3A_639 = arith.index_cast %get3A_638 : i32 to index
        %get3A_640 = arith.index_cast %add3A_637 : i32 to index
        %get3A_641 = arith.constant 16 : index
        %get3A_642 = tpu.vector_load %arg7[%get3A_639, %get3A_640, %get3A_641] {strides = array<i32>} : memref<2x448x32xf32, #tpu.memory_space<vmem>>, vector<1x1x16xf32>,
        %get3A_643 = vector.shape_cast %get3A_642 : vector<1x1x16xf32> to vector<16xf32>
        %swap3A_644 = arith.index_cast %scan3A_620 : i32 to index
        %swap3A_645 = arith.constant 16 : index
        %swap3A_646 = tpu.vector_load %arg8[%swap3A_644, %swap3A_645] {strides = array<i32>} : memref<224x32xf32, #tpu.memory_space<vmem>>, vector<1x16xf32>,
        %swap3A_647 = vector.shape_cast %swap3A_646 : vector<1x16xf32> to vector<16xf32>
        %swap3A_648 = vector.shape_cast %get3A_643 : vector<16xf32> to vector<1x16xf32>
        tpu.vector_store %arg8[%swap3A_644, %swap3A_645], %swap3A_648 {strides = array<i32>} : memref<224x32xf32, #tpu.memory_space<vmem>>, vector<1x16xf32>,
      }
      %scan3A_619 = arith.constant 223 : i32
      "tpu.region"() ({
        %run_scoped3A = tpu.sem_alloc : memref<!tpu.dma_semaphore, #tpu.memory_space<semaphore_mem>>
        %dma_start3A_620 = arith.constant 0 : i32
        %dma_start3A_621 = arith.constant 0 : i32
        %dma_start3A_622 = tpu.memref_slice %arg8[%dma_start3A_620, %dma_start3A_621] : memref<224x32xf32, #tpu.memory_space<vmem>> -> memref<223x32xf32, #tpu.memory_space<vmem>>
        %dma_start3A_623 = arith.constant 99681 : i32
        %dma_start3A_624 = arith.constant 0 : i32
        %dma_start3A_625 = tpu.memref_slice %arg4[%dma_start3A_623, %dma_start3A_624] : memref<99904x32xf32, #tpu.memory_space<hbm>> -> memref<223x32xf32, #tpu.memory_space<hbm>>
        %dma_start3A_626 = arith.constant 99681 : i32
        %dma_start3A_627 = arith.constant 0 : i32
        %dma_start3A_628 = tpu.memref_slice %arg4[%dma_start3A_626, %dma_start3A_627] : memref<99904x32xf32, #tpu.memory_space<hbm>> -> memref<223x32xf32, #tpu.memory_space<hbm>>
        %dma_start3A_629 = arith.constant 0 : i32
        %dma_start3A_630 = arith.constant 0 : i32
        %dma_start3A_631 = tpu.memref_slice %arg8[%dma_start3A_629, %dma_start3A_630] : memref<224x32xf32, #tpu.memory_space<vmem>> -> memref<223x32xf32, #tpu.memory_space<vmem>>
        tpu.enqueue_dma source(%dma_start3A_631 : memref<223x32xf32, #tpu.memory_space<vmem>>) target(%dma_start3A_628 : memref<223x32xf32, #tpu.memory_space<hbm>>) target_semaphore(%run_scoped3A : memref<!tpu.dma_semaphore, #tpu.memory_space<semaphore_mem>>)
        %dma_wait3A_632 = arith.constant 0 : i32
        %dma_wait3A_633 = arith.constant 0 : i32
        %dma_wait3A_634 = tpu.memref_slice %arg8[%dma_wait3A_632, %dma_wait3A_633] : memref<224x32xf32, #tpu.memory_space<vmem>> -> memref<223x32xf32, #tpu.memory_space<vmem>>
        %dma_wait3A_635 = arith.constant 99681 : i32
        %dma_wait3A_636 = arith.constant 0 : i32
        %dma_wait3A_637 = tpu.memref_slice %arg4[%dma_wait3A_635, %dma_wait3A_636] : memref<99904x32xf32, #tpu.memory_space<hbm>> -> memref<223x32xf32, #tpu.memory_space<hbm>>
        %dma_wait3A_638 = arith.constant 99681 : i32
        %dma_wait3A_639 = arith.constant 0 : i32
        %dma_wait3A_640 = tpu.memref_slice %arg4[%dma_wait3A_638, %dma_wait3A_639] : memref<99904x32xf32, #tpu.memory_space<hbm>> -> memref<223x32xf32, #tpu.memory_space<hbm>>
        %dma_wait3A_641 = arith.constant 0 : i32
        %dma_wait3A_642 = arith.constant 0 : i32
        %dma_wait3A_643 = tpu.memref_slice %arg8[%dma_wait3A_641, %dma_wait3A_642] : memref<224x32xf32, #tpu.memory_space<vmem>> -> memref<223x32xf32, #tpu.memory_space<vmem>>
        tpu.wait_dma2 semaphore(%run_scoped3A : memref<!tpu.dma_semaphore, #tpu.memory_space<semaphore_mem>>) src(%dma_wait3A_643 : memref<223x32xf32, #tpu.memory_space<vmem>>) dst(%dma_wait3A_640 : memref<223x32xf32, #tpu.memory_space<hbm>>)
        tpu.yield
      }) : () -> ()
    } else {
    }
    %mul3A_561 = arith.constant 7 : i32
    %mul3A_562 = arith.muli %add3A, %mul3A_561 : i32
    %add3A_563 = arith.constant 6 : i32
    %add3A_564 = arith.addi %mul3A_562, %add3A_563 : i32
    %mul3A_565 = arith.constant 56 : i32
    %mul3A_566 = arith.muli %add3A_564, %mul3A_565 : i32
    %mul3A_567 = arith.constant 56 : i32
    %mul3A_568 = arith.muli %add3A_564, %mul3A_567 : i32
    %min3A_569 = arith.constant 12424 : i32
    %min3A_570 = arith.minsi %mul3A_568, %min3A_569 : i32
    %sub3A_571 = arith.subi %mul3A_566, %min3A_570 : i32
    %dma_wait3A_572 = arith.constant 0 : i32
    %dma_wait3A_573 = arith.constant 0 : i32
    %dma_wait3A_574 = arith.constant 0 : i32
    %dma_wait3A_575 = tpu.memref_slice %arg5[%dma_wait3A_572, %dma_wait3A_573, %dma_wait3A_574] : memref<2x56x128xf32, #tpu.memory_space<vmem>> -> memref<1x56x128xf32, #tpu.memory_space<vmem>>
    %dma_wait3A_576 = tpu.memref_squeeze %dma_wait3A_575 : memref<1x56x128xf32, #tpu.memory_space<vmem>> -> memref<56x128xf32, #tpu.memory_space<vmem>>
    %dma_wait3A_577 = arith.constant 0 : i32
    %dma_wait3A_578 = tpu.memref_slice %arg2[%multiple_of3A_515, %dma_wait3A_577] : memref<12544x128xf32, #tpu.memory_space<hbm>> -> memref<56x128xf32, #tpu.memory_space<hbm>>
    %dma_wait3A_579 = arith.constant 0 : i32
    %dma_wait3A_580 = arith.constant 0 : i32
    %dma_wait3A_581 = tpu.memref_slice %arg5[%dma_wait3A_572, %dma_wait3A_579, %dma_wait3A_580] : memref<2x56x128xf32, #tpu.memory_space<vmem>> -> memref<1x56x128xf32, #tpu.memory_space<vmem>>
    %dma_wait3A_582 = tpu.memref_squeeze %dma_wait3A_581 : memref<1x56x128xf32, #tpu.memory_space<vmem>> -> memref<56x128xf32, #tpu.memory_space<vmem>>
    %dma_wait3A_583 = arith.constant 0 : i32
    %dma_wait3A_584 = tpu.memref_slice %arg2[%multiple_of3A_515, %dma_wait3A_583] : memref<12544x128xf32, #tpu.memory_space<hbm>> -> memref<56x128xf32, #tpu.memory_space<hbm>>
    tpu.wait_dma2 semaphore(%arg9 : memref<!tpu.dma_semaphore, #tpu.memory_space<semaphore_mem>>) src(%dma_wait3A_584 : memref<56x128xf32, #tpu.memory_space<hbm>>) dst(%dma_wait3A_582 : memref<56x128xf32, #tpu.memory_space<vmem>>)
    %dma_wait3A_585 = arith.constant 0 : i32
    %dma_wait3A_586 = arith.constant 0 : i32
    %dma_wait3A_587 = arith.constant 0 : i32
    %dma_wait3A_588 = tpu.memref_slice %arg6[%dma_wait3A_585, %dma_wait3A_586, %dma_wait3A_587] : memref<2x184x128xf32, #tpu.memory_space<vmem>> -> memref<1x120x128xf32, #tpu.memory_space<vmem>>
    %dma_wait3A_589 = tpu.memref_squeeze %dma_wait3A_588 : memref<1x120x128xf32, #tpu.memory_space<vmem>> -> memref<120x128xf32, #tpu.memory_space<vmem>>
    %dma_wait3A_590 = arith.constant 0 : i32
    %dma_wait3A_591 = tpu.memref_slice %arg3[%multiple_of3A_518, %dma_wait3A_590] : memref<12544x128xf32, #tpu.memory_space<hbm>> -> memref<120x128xf32, #tpu.memory_space<hbm>>
    %dma_wait3A_592 = arith.constant 0 : i32
    %dma_wait3A_593 = arith.constant 0 : i32
    %dma_wait3A_594 = tpu.memref_slice %arg6[%dma_wait3A_585, %dma_wait3A_592, %dma_wait3A_593] : memref<2x184x128xf32, #tpu.memory_space<vmem>> -> memref<1x120x128xf32, #tpu.memory_space<vmem>>
    %dma_wait3A_595 = tpu.memref_squeeze %dma_wait3A_594 : memref<1x120x128xf32, #tpu.memory_space<vmem>> -> memref<120x128xf32, #tpu.memory_space<vmem>>
    %dma_wait3A_596 = arith.constant 0 : i32
    %dma_wait3A_597 = tpu.memref_slice %arg3[%multiple_of3A_518, %dma_wait3A_596] : memref<12544x128xf32, #tpu.memory_space<hbm>> -> memref<120x128xf32, #tpu.memory_space<hbm>>
    tpu.wait_dma2 semaphore(%arg11 : memref<!tpu.dma_semaphore, #tpu.memory_space<semaphore_mem>>) src(%dma_wait3A_597 : memref<120x128xf32, #tpu.memory_space<hbm>>) dst(%dma_wait3A_595 : memref<120x128xf32, #tpu.memory_space<vmem>>)
    %scan3A_598 = arith.constant 0 : i32
    %scan3A_599 = arith.constant 0 : i32
    %scan3A_600 = arith.constant 56 : i32
    %scan3A_601 = arith.addi %scan3A_599, %scan3A_600 : i32
    %scan3A_602 = arith.constant 1 : i32
    scf.for %scan3A_614 = %scan3A_599 to %scan3A_601 step %scan3A_602  : i32 {
      %add3A_615 = arith.addi %scan3A_614, %sub3A_571 : i32
      %add3A_616 = arith.constant 56 : i32
      %add3A_617 = arith.addi %add3A_615, %add3A_616 : i32
      %add3A_618 = arith.addi %scan3A_614, %sub3A_571 : i32
      %mul3A_619 = arith.constant 8 : i32
      %mul3A_620 = arith.muli %mul3A_619, %scan3A_614 : i32
      %add3A_621 = arith.constant 0 : i32
      %add3A_622 = arith.addi %mul3A_620, %add3A_621 : i32
      %get3A = arith.constant 0 : i32
      %get3A_623 = arith.index_cast %get3A : i32 to index
      %get3A_624 = arith.index_cast %scan3A_614 : i32 to index
      %get3A_625 = arith.constant 0 : index
      %get3A_626 = tpu.vector_load %arg5[%get3A_623, %get3A_624, %get3A_625] {strides = array<i32>} : memref<2x56x128xf32, #tpu.memory_space<vmem>>, vector<1x1x16xf32>,
      %get3A_627 = vector.shape_cast %get3A_626 : vector<1x1x16xf32> to vector<16xf32>
      %get3A_628 = arith.constant 0 : i32
      %get3A_629 = arith.index_cast %get3A_628 : i32 to index
      %get3A_630 = arith.index_cast %add3A_617 : i32 to index
      %get3A_631 = arith.constant 0 : index
      %get3A_632 = tpu.vector_load %arg6[%get3A_629, %get3A_630, %get3A_631] {strides = array<i32>} : memref<2x184x128xf32, #tpu.memory_space<vmem>>, vector<1x1x16xf32>,
      %get3A_633 = vector.shape_cast %get3A_632 : vector<1x1x16xf32> to vector<16xf32>
      %add3A_634 = arith.addf %get3A_627, %get3A_633 : vector<16xf32>
      %swap3A = arith.constant 0 : i32
      %swap3A_635 = arith.index_cast %swap3A : i32 to index
      %swap3A_636 = arith.index_cast %add3A_622 : i32 to index
      %swap3A_637 = arith.constant 0 : index
      %swap3A_638 = tpu.vector_load %arg7[%swap3A_635, %swap3A_636, %swap3A_637] {strides = array<i32>} : memref<2x448x32xf32, #tpu.memory_space<vmem>>, vector<1x1x16xf32>,
      %swap3A_639 = vector.shape_cast %swap3A_638 : vector<1x1x16xf32> to vector<16xf32>
      %swap3A_640 = vector.shape_cast %add3A_634 : vector<16xf32> to vector<1x1x16xf32>
      tpu.vector_store %arg7[%swap3A_635, %swap3A_636, %swap3A_637], %swap3A_640 {strides = array<i32>} : memref<2x448x32xf32, #tpu.memory_space<vmem>>, vector<1x1x16xf32>,
      %add3A_641 = arith.constant 0 : i32
      %add3A_642 = arith.addi %add3A_618, %add3A_641 : i32
      %get3A_643 = arith.constant 0 : i32
      %get3A_644 = arith.index_cast %get3A_643 : i32 to index
      %get3A_645 = arith.index_cast %add3A_642 : i32 to index
      %get3A_646 = arith.constant 32 : index
      %get3A_647 = tpu.vector_load %arg6[%get3A_644, %get3A_645, %get3A_646] {strides = array<i32>} : memref<2x184x128xf32, #tpu.memory_space<vmem>>, vector<1x1x16xf32>,
      %get3A_648 = vector.shape_cast %get3A_647 : vector<1x1x16xf32> to vector<16xf32>
      %add3A_649 = arith.addf %get3A_627, %get3A_648 : vector<16xf32>
      %add3A_650 = arith.constant 1 : i32
      %add3A_651 = arith.addi %add3A_622, %add3A_650 : i32
      %swap3A_652 = arith.constant 0 : i32
      %swap3A_653 = arith.index_cast %swap3A_652 : i32 to index
      %swap3A_654 = arith.index_cast %add3A_651 : i32 to index
      %swap3A_655 = arith.constant 0 : index
      %swap3A_656 = tpu.vector_load %arg7[%swap3A_653, %swap3A_654, %swap3A_655] {strides = array<i32>} : memref<2x448x32xf32, #tpu.memory_space<vmem>>, vector<1x1x16xf32>,
      %swap3A_657 = vector.shape_cast %swap3A_656 : vector<1x1x16xf32> to vector<16xf32>
      %swap3A_658 = vector.shape_cast %add3A_649 : vector<16xf32> to vector<1x1x16xf32>
      tpu.vector_store %arg7[%swap3A_653, %swap3A_654, %swap3A_655], %swap3A_658 {strides = array<i32>} : memref<2x448x32xf32, #tpu.memory_space<vmem>>, vector<1x1x16xf32>,
      %mul3A_659 = arith.constant 8 : i32
      %mul3A_660 = arith.muli %mul3A_659, %scan3A_614 : i32
      %add3A_661 = arith.constant 0 : i32
      %add3A_662 = arith.addi %mul3A_660, %add3A_661 : i32
      %get3A_663 = arith.constant 0 : i32
      %get3A_664 = arith.index_cast %get3A_663 : i32 to index
      %get3A_665 = arith.index_cast %scan3A_614 : i32 to index
      %get3A_666 = arith.constant 16 : index
      %get3A_667 = tpu.vector_load %arg5[%get3A_664, %get3A_665, %get3A_666] {strides = array<i32>} : memref<2x56x128xf32, #tpu.memory_space<vmem>>, vector<1x1x16xf32>,
      %get3A_668 = vector.shape_cast %get3A_667 : vector<1x1x16xf32> to vector<16xf32>
      %get3A_669 = arith.constant 0 : i32
      %get3A_670 = arith.index_cast %get3A_669 : i32 to index
      %get3A_671 = arith.index_cast %add3A_617 : i32 to index
      %get3A_672 = arith.constant 16 : index
      %get3A_673 = tpu.vector_load %arg6[%get3A_670, %get3A_671, %get3A_672] {strides = array<i32>} : memref<2x184x128xf32, #tpu.memory_space<vmem>>, vector<1x1x16xf32>,
      %get3A_674 = vector.shape_cast %get3A_673 : vector<1x1x16xf32> to vector<16xf32>
      %add3A_675 = arith.addf %get3A_668, %get3A_674 : vector<16xf32>
      %swap3A_676 = arith.constant 0 : i32
      %swap3A_677 = arith.index_cast %swap3A_676 : i32 to index
      %swap3A_678 = arith.index_cast %add3A_662 : i32 to index
      %swap3A_679 = arith.constant 16 : index
      %swap3A_680 = tpu.vector_load %arg7[%swap3A_677, %swap3A_678, %swap3A_679] {strides = array<i32>} : memref<2x448x32xf32, #tpu.memory_space<vmem>>, vector<1x1x16xf32>,
      %swap3A_681 = vector.shape_cast %swap3A_680 : vector<1x1x16xf32> to vector<16xf32>
      %swap3A_682 = vector.shape_cast %add3A_675 : vector<16xf32> to vector<1x1x16xf32>
      tpu.vector_store %arg7[%swap3A_677, %swap3A_678, %swap3A_679], %swap3A_682 {strides = array<i32>} : memref<2x448x32xf32, #tpu.memory_space<vmem>>, vector<1x1x16xf32>,
      %add3A_683 = arith.constant 0 : i32
      %add3A_684 = arith.addi %add3A_618, %add3A_683 : i32
      %get3A_685 = arith.constant 0 : i32
      %get3A_686 = arith.index_cast %get3A_685 : i32 to index
      %get3A_687 = arith.index_cast %add3A_684 : i32 to index
      %get3A_688 = arith.constant 48 : index
      %get3A_689 = tpu.vector_load %arg6[%get3A_686, %get3A_687, %get3A_688] {strides = array<i32>} : memref<2x184x128xf32, #tpu.memory_space<vmem>>, vector<1x1x16xf32>,
      %get3A_690 = vector.shape_cast %get3A_689 : vector<1x1x16xf32> to vector<16xf32>
      %add3A_691 = arith.addf %get3A_668, %get3A_690 : vector<16xf32>
      %add3A_692 = arith.constant 1 : i32
      %add3A_693 = arith.addi %add3A_662, %add3A_692 : i32
      %swap3A_694 = arith.constant 0 : i32
      %swap3A_695 = arith.index_cast %swap3A_694 : i32 to index
      %swap3A_696 = arith.index_cast %add3A_693 : i32 to index
      %swap3A_697 = arith.constant 16 : index
      %swap3A_698 = tpu.vector_load %arg7[%swap3A_695, %swap3A_696, %swap3A_697] {strides = array<i32>} : memref<2x448x32xf32, #tpu.memory_space<vmem>>, vector<1x1x16xf32>,
      %swap3A_699 = vector.shape_cast %swap3A_698 : vector<1x1x16xf32> to vector<16xf32>
      %swap3A_700 = vector.shape_cast %add3A_691 : vector<16xf32> to vector<1x1x16xf32>
      tpu.vector_store %arg7[%swap3A_695, %swap3A_696, %swap3A_697], %swap3A_700 {strides = array<i32>} : memref<2x448x32xf32, #tpu.memory_space<vmem>>, vector<1x1x16xf32>,
      %mul3A_701 = arith.constant 8 : i32
      %mul3A_702 = arith.muli %mul3A_701, %scan3A_614 : i32
      %add3A_703 = arith.constant 2 : i32
      %add3A_704 = arith.addi %mul3A_702, %add3A_703 : i32
      %get3A_705 = arith.constant 0 : i32
      %get3A_706 = arith.index_cast %get3A_705 : i32 to index
      %get3A_707 = arith.index_cast %scan3A_614 : i32 to index
      %get3A_708 = arith.constant 32 : index
      %get3A_709 = tpu.vector_load %arg5[%get3A_706, %get3A_707, %get3A_708] {strides = array<i32>} : memref<2x56x128xf32, #tpu.memory_space<vmem>>, vector<1x1x16xf32>,
      %get3A_710 = vector.shape_cast %get3A_709 : vector<1x1x16xf32> to vector<16xf32>
      %get3A_711 = arith.constant 0 : i32
      %get3A_712 = arith.index_cast %get3A_711 : i32 to index
      %get3A_713 = arith.index_cast %add3A_617 : i32 to index
      %get3A_714 = arith.constant 32 : index
      %get3A_715 = tpu.vector_load %arg6[%get3A_712, %get3A_713, %get3A_714] {strides = array<i32>} : memref<2x184x128xf32, #tpu.memory_space<vmem>>, vector<1x1x16xf32>,
      %get3A_716 = vector.shape_cast %get3A_715 : vector<1x1x16xf32> to vector<16xf32>
      %add3A_717 = arith.addf %get3A_710, %get3A_716 : vector<16xf32>
      %swap3A_718 = arith.constant 0 : i32
      %swap3A_719 = arith.index_cast %swap3A_718 : i32 to index
      %swap3A_720 = arith.index_cast %add3A_704 : i32 to index
      %swap3A_721 = arith.constant 0 : index
      %swap3A_722 = tpu.vector_load %arg7[%swap3A_719, %swap3A_720, %swap3A_721] {strides = array<i32>} : memref<2x448x32xf32, #tpu.memory_space<vmem>>, vector<1x1x16xf32>,
      %swap3A_723 = vector.shape_cast %swap3A_722 : vector<1x1x16xf32> to vector<16xf32>
      %swap3A_724 = vector.shape_cast %add3A_717 : vector<16xf32> to vector<1x1x16xf32>
      tpu.vector_store %arg7[%swap3A_719, %swap3A_720, %swap3A_721], %swap3A_724 {strides = array<i32>} : memref<2x448x32xf32, #tpu.memory_space<vmem>>, vector<1x1x16xf32>,
      %add3A_725 = arith.constant 0 : i32
      %add3A_726 = arith.addi %add3A_618, %add3A_725 : i32
      %get3A_727 = arith.constant 0 : i32
      %get3A_728 = arith.index_cast %get3A_727 : i32 to index
      %get3A_729 = arith.index_cast %add3A_726 : i32 to index
      %get3A_730 = arith.constant 64 : index
      %get3A_731 = tpu.vector_load %arg6[%get3A_728, %get3A_729, %get3A_730] {strides = array<i32>} : memref<2x184x128xf32, #tpu.memory_space<vmem>>, vector<1x1x16xf32>,
      %get3A_732 = vector.shape_cast %get3A_731 : vector<1x1x16xf32> to vector<16xf32>
      %add3A_733 = arith.addf %get3A_710, %get3A_732 : vector<16xf32>
      %add3A_734 = arith.constant 1 : i32
      %add3A_735 = arith.addi %add3A_704, %add3A_734 : i32
      %swap3A_736 = arith.constant 0 : i32
      %swap3A_737 = arith.index_cast %swap3A_736 : i32 to index
      %swap3A_738 = arith.index_cast %add3A_735 : i32 to index
      %swap3A_739 = arith.constant 0 : index
      %swap3A_740 = tpu.vector_load %arg7[%swap3A_737, %swap3A_738, %swap3A_739] {strides = array<i32>} : memref<2x448x32xf32, #tpu.memory_space<vmem>>, vector<1x1x16xf32>,
      %swap3A_741 = vector.shape_cast %swap3A_740 : vector<1x1x16xf32> to vector<16xf32>
      %swap3A_742 = vector.shape_cast %add3A_733 : vector<16xf32> to vector<1x1x16xf32>
      tpu.vector_store %arg7[%swap3A_737, %swap3A_738, %swap3A_739], %swap3A_742 {strides = array<i32>} : memref<2x448x32xf32, #tpu.memory_space<vmem>>, vector<1x1x16xf32>,
      %mul3A_743 = arith.constant 8 : i32
      %mul3A_744 = arith.muli %mul3A_743, %scan3A_614 : i32
      %add3A_745 = arith.constant 2 : i32
      %add3A_746 = arith.addi %mul3A_744, %add3A_745 : i32
      %get3A_747 = arith.constant 0 : i32
      %get3A_748 = arith.index_cast %get3A_747 : i32 to index
      %get3A_749 = arith.index_cast %scan3A_614 : i32 to index
      %get3A_750 = arith.constant 48 : index
      %get3A_751 = tpu.vector_load %arg5[%get3A_748, %get3A_749, %get3A_750] {strides = array<i32>} : memref<2x56x128xf32, #tpu.memory_space<vmem>>, vector<1x1x16xf32>,
      %get3A_752 = vector.shape_cast %get3A_751 : vector<1x1x16xf32> to vector<16xf32>
      %get3A_753 = arith.constant 0 : i32
      %get3A_754 = arith.index_cast %get3A_753 : i32 to index
      %get3A_755 = arith.index_cast %add3A_617 : i32 to index
      %get3A_756 = arith.constant 48 : index
      %get3A_757 = tpu.vector_load %arg6[%get3A_754, %get3A_755, %get3A_756] {strides = array<i32>} : memref<2x184x128xf32, #tpu.memory_space<vmem>>, vector<1x1x16xf32>,
      %get3A_758 = vector.shape_cast %get3A_757 : vector<1x1x16xf32> to vector<16xf32>
      %add3A_759 = arith.addf %get3A_752, %get3A_758 : vector<16xf32>
      %swap3A_760 = arith.constant 0 : i32
      %swap3A_761 = arith.index_cast %swap3A_760 : i32 to index
      %swap3A_762 = arith.index_cast %add3A_746 : i32 to index
      %swap3A_763 = arith.constant 16 : index
      %swap3A_764 = tpu.vector_load %arg7[%swap3A_761, %swap3A_762, %swap3A_763] {strides = array<i32>} : memref<2x448x32xf32, #tpu.memory_space<vmem>>, vector<1x1x16xf32>,
      %swap3A_765 = vector.shape_cast %swap3A_764 : vector<1x1x16xf32> to vector<16xf32>
      %swap3A_766 = vector.shape_cast %add3A_759 : vector<16xf32> to vector<1x1x16xf32>
      tpu.vector_store %arg7[%swap3A_761, %swap3A_762, %swap3A_763], %swap3A_766 {strides = array<i32>} : memref<2x448x32xf32, #tpu.memory_space<vmem>>, vector<1x1x16xf32>,
      %add3A_767 = arith.constant 0 : i32
      %add3A_768 = arith.addi %add3A_618, %add3A_767 : i32
      %get3A_769 = arith.constant 0 : i32
      %get3A_770 = arith.index_cast %get3A_769 : i32 to index
      %get3A_771 = arith.index_cast %add3A_768 : i32 to index
      %get3A_772 = arith.constant 80 : index
      %get3A_773 = tpu.vector_load %arg6[%get3A_770, %get3A_771, %get3A_772] {strides = array<i32>} : memref<2x184x128xf32, #tpu.memory_space<vmem>>, vector<1x1x16xf32>,
      %get3A_774 = vector.shape_cast %get3A_773 : vector<1x1x16xf32> to vector<16xf32>
      %add3A_775 = arith.addf %get3A_752, %get3A_774 : vector<16xf32>
      %add3A_776 = arith.constant 1 : i32
      %add3A_777 = arith.addi %add3A_746, %add3A_776 : i32
      %swap3A_778 = arith.constant 0 : i32
      %swap3A_779 = arith.index_cast %swap3A_778 : i32 to index
      %swap3A_780 = arith.index_cast %add3A_777 : i32 to index
      %swap3A_781 = arith.constant 16 : index
      %swap3A_782 = tpu.vector_load %arg7[%swap3A_779, %swap3A_780, %swap3A_781] {strides = array<i32>} : memref<2x448x32xf32, #tpu.memory_space<vmem>>, vector<1x1x16xf32>,
      %swap3A_783 = vector.shape_cast %swap3A_782 : vector<1x1x16xf32> to vector<16xf32>
      %swap3A_784 = vector.shape_cast %add3A_775 : vector<16xf32> to vector<1x1x16xf32>
      tpu.vector_store %arg7[%swap3A_779, %swap3A_780, %swap3A_781], %swap3A_784 {strides = array<i32>} : memref<2x448x32xf32, #tpu.memory_space<vmem>>, vector<1x1x16xf32>,
      %mul3A_785 = arith.constant 8 : i32
      %mul3A_786 = arith.muli %mul3A_785, %scan3A_614 : i32
      %add3A_787 = arith.constant 4 : i32
      %add3A_788 = arith.addi %mul3A_786, %add3A_787 : i32
      %get3A_789 = arith.constant 0 : i32
      %get3A_790 = arith.index_cast %get3A_789 : i32 to index
      %get3A_791 = arith.index_cast %scan3A_614 : i32 to index
      %get3A_792 = arith.constant 64 : index
      %get3A_793 = tpu.vector_load %arg5[%get3A_790, %get3A_791, %get3A_792] {strides = array<i32>} : memref<2x56x128xf32, #tpu.memory_space<vmem>>, vector<1x1x16xf32>,
      %get3A_794 = vector.shape_cast %get3A_793 : vector<1x1x16xf32> to vector<16xf32>
      %get3A_795 = arith.constant 0 : i32
      %get3A_796 = arith.index_cast %get3A_795 : i32 to index
      %get3A_797 = arith.index_cast %add3A_617 : i32 to index
      %get3A_798 = arith.constant 64 : index
      %get3A_799 = tpu.vector_load %arg6[%get3A_796, %get3A_797, %get3A_798] {strides = array<i32>} : memref<2x184x128xf32, #tpu.memory_space<vmem>>, vector<1x1x16xf32>,
      %get3A_800 = vector.shape_cast %get3A_799 : vector<1x1x16xf32> to vector<16xf32>
      %add3A_801 = arith.addf %get3A_794, %get3A_800 : vector<16xf32>
      %swap3A_802 = arith.constant 0 : i32
      %swap3A_803 = arith.index_cast %swap3A_802 : i32 to index
      %swap3A_804 = arith.index_cast %add3A_788 : i32 to index
      %swap3A_805 = arith.constant 0 : index
      %swap3A_806 = tpu.vector_load %arg7[%swap3A_803, %swap3A_804, %swap3A_805] {strides = array<i32>} : memref<2x448x32xf32, #tpu.memory_space<vmem>>, vector<1x1x16xf32>,
      %swap3A_807 = vector.shape_cast %swap3A_806 : vector<1x1x16xf32> to vector<16xf32>
      %swap3A_808 = vector.shape_cast %add3A_801 : vector<16xf32> to vector<1x1x16xf32>
      tpu.vector_store %arg7[%swap3A_803, %swap3A_804, %swap3A_805], %swap3A_808 {strides = array<i32>} : memref<2x448x32xf32, #tpu.memory_space<vmem>>, vector<1x1x16xf32>,
      %add3A_809 = arith.constant 0 : i32
      %add3A_810 = arith.addi %add3A_618, %add3A_809 : i32
      %get3A_811 = arith.constant 0 : i32
      %get3A_812 = arith.index_cast %get3A_811 : i32 to index
      %get3A_813 = arith.index_cast %add3A_810 : i32 to index
      %get3A_814 = arith.constant 96 : index
      %get3A_815 = tpu.vector_load %arg6[%get3A_812, %get3A_813, %get3A_814] {strides = array<i32>} : memref<2x184x128xf32, #tpu.memory_space<vmem>>, vector<1x1x16xf32>,
      %get3A_816 = vector.shape_cast %get3A_815 : vector<1x1x16xf32> to vector<16xf32>
      %add3A_817 = arith.addf %get3A_794, %get3A_816 : vector<16xf32>
      %add3A_818 = arith.constant 1 : i32
      %add3A_819 = arith.addi %add3A_788, %add3A_818 : i32
      %swap3A_820 = arith.constant 0 : i32
      %swap3A_821 = arith.index_cast %swap3A_820 : i32 to index
      %swap3A_822 = arith.index_cast %add3A_819 : i32 to index
      %swap3A_823 = arith.constant 0 : index
      %swap3A_824 = tpu.vector_load %arg7[%swap3A_821, %swap3A_822, %swap3A_823] {strides = array<i32>} : memref<2x448x32xf32, #tpu.memory_space<vmem>>, vector<1x1x16xf32>,
      %swap3A_825 = vector.shape_cast %swap3A_824 : vector<1x1x16xf32> to vector<16xf32>
      %swap3A_826 = vector.shape_cast %add3A_817 : vector<16xf32> to vector<1x1x16xf32>
      tpu.vector_store %arg7[%swap3A_821, %swap3A_822, %swap3A_823], %swap3A_826 {strides = array<i32>} : memref<2x448x32xf32, #tpu.memory_space<vmem>>, vector<1x1x16xf32>,
      %mul3A_827 = arith.constant 8 : i32
      %mul3A_828 = arith.muli %mul3A_827, %scan3A_614 : i32
      %add3A_829 = arith.constant 4 : i32
      %add3A_830 = arith.addi %mul3A_828, %add3A_829 : i32
      %get3A_831 = arith.constant 0 : i32
      %get3A_832 = arith.index_cast %get3A_831 : i32 to index
      %get3A_833 = arith.index_cast %scan3A_614 : i32 to index
      %get3A_834 = arith.constant 80 : index
      %get3A_835 = tpu.vector_load %arg5[%get3A_832, %get3A_833, %get3A_834] {strides = array<i32>} : memref<2x56x128xf32, #tpu.memory_space<vmem>>, vector<1x1x16xf32>,
      %get3A_836 = vector.shape_cast %get3A_835 : vector<1x1x16xf32> to vector<16xf32>
      %get3A_837 = arith.constant 0 : i32
      %get3A_838 = arith.index_cast %get3A_837 : i32 to index
      %get3A_839 = arith.index_cast %add3A_617 : i32 to index
      %get3A_840 = arith.constant 80 : index
      %get3A_841 = tpu.vector_load %arg6[%get3A_838, %get3A_839, %get3A_840] {strides = array<i32>} : memref<2x184x128xf32, #tpu.memory_space<vmem>>, vector<1x1x16xf32>,
      %get3A_842 = vector.shape_cast %get3A_841 : vector<1x1x16xf32> to vector<16xf32>
      %add3A_843 = arith.addf %get3A_836, %get3A_842 : vector<16xf32>
      %swap3A_844 = arith.constant 0 : i32
      %swap3A_845 = arith.index_cast %swap3A_844 : i32 to index
      %swap3A_846 = arith.index_cast %add3A_830 : i32 to index
      %swap3A_847 = arith.constant 16 : index
      %swap3A_848 = tpu.vector_load %arg7[%swap3A_845, %swap3A_846, %swap3A_847] {strides = array<i32>} : memref<2x448x32xf32, #tpu.memory_space<vmem>>, vector<1x1x16xf32>,
      %swap3A_849 = vector.shape_cast %swap3A_848 : vector<1x1x16xf32> to vector<16xf32>
      %swap3A_850 = vector.shape_cast %add3A_843 : vector<16xf32> to vector<1x1x16xf32>
      tpu.vector_store %arg7[%swap3A_845, %swap3A_846, %swap3A_847], %swap3A_850 {strides = array<i32>} : memref<2x448x32xf32, #tpu.memory_space<vmem>>, vector<1x1x16xf32>,
      %add3A_851 = arith.constant 0 : i32
      %add3A_852 = arith.addi %add3A_618, %add3A_851 : i32
      %get3A_853 = arith.constant 0 : i32
      %get3A_854 = arith.index_cast %get3A_853 : i32 to index
      %get3A_855 = arith.index_cast %add3A_852 : i32 to index
      %get3A_856 = arith.constant 112 : index
      %get3A_857 = tpu.vector_load %arg6[%get3A_854, %get3A_855, %get3A_856] {strides = array<i32>} : memref<2x184x128xf32, #tpu.memory_space<vmem>>, vector<1x1x16xf32>,
      %get3A_858 = vector.shape_cast %get3A_857 : vector<1x1x16xf32> to vector<16xf32>
      %add3A_859 = arith.addf %get3A_836, %get3A_858 : vector<16xf32>
      %add3A_860 = arith.constant 1 : i32
      %add3A_861 = arith.addi %add3A_830, %add3A_860 : i32
      %swap3A_862 = arith.constant 0 : i32
      %swap3A_863 = arith.index_cast %swap3A_862 : i32 to index
      %swap3A_864 = arith.index_cast %add3A_861 : i32 to index
      %swap3A_865 = arith.constant 16 : index
      %swap3A_866 = tpu.vector_load %arg7[%swap3A_863, %swap3A_864, %swap3A_865] {strides = array<i32>} : memref<2x448x32xf32, #tpu.memory_space<vmem>>, vector<1x1x16xf32>,
      %swap3A_867 = vector.shape_cast %swap3A_866 : vector<1x1x16xf32> to vector<16xf32>
      %swap3A_868 = vector.shape_cast %add3A_859 : vector<16xf32> to vector<1x1x16xf32>
      tpu.vector_store %arg7[%swap3A_863, %swap3A_864, %swap3A_865], %swap3A_868 {strides = array<i32>} : memref<2x448x32xf32, #tpu.memory_space<vmem>>, vector<1x1x16xf32>,
      %mul3A_869 = arith.constant 8 : i32
      %mul3A_870 = arith.muli %mul3A_869, %scan3A_614 : i32
      %add3A_871 = arith.constant 6 : i32
      %add3A_872 = arith.addi %mul3A_870, %add3A_871 : i32
      %get3A_873 = arith.constant 0 : i32
      %get3A_874 = arith.index_cast %get3A_873 : i32 to index
      %get3A_875 = arith.index_cast %scan3A_614 : i32 to index
      %get3A_876 = arith.constant 96 : index
      %get3A_877 = tpu.vector_load %arg5[%get3A_874, %get3A_875, %get3A_876] {strides = array<i32>} : memref<2x56x128xf32, #tpu.memory_space<vmem>>, vector<1x1x16xf32>,
      %get3A_878 = vector.shape_cast %get3A_877 : vector<1x1x16xf32> to vector<16xf32>
      %get3A_879 = arith.constant 0 : i32
      %get3A_880 = arith.index_cast %get3A_879 : i32 to index
      %get3A_881 = arith.index_cast %add3A_617 : i32 to index
      %get3A_882 = arith.constant 96 : index
      %get3A_883 = tpu.vector_load %arg6[%get3A_880, %get3A_881, %get3A_882] {strides = array<i32>} : memref<2x184x128xf32, #tpu.memory_space<vmem>>, vector<1x1x16xf32>,
      %get3A_884 = vector.shape_cast %get3A_883 : vector<1x1x16xf32> to vector<16xf32>
      %add3A_885 = arith.addf %get3A_878, %get3A_884 : vector<16xf32>
      %swap3A_886 = arith.constant 0 : i32
      %swap3A_887 = arith.index_cast %swap3A_886 : i32 to index
      %swap3A_888 = arith.index_cast %add3A_872 : i32 to index
      %swap3A_889 = arith.constant 0 : index
      %swap3A_890 = tpu.vector_load %arg7[%swap3A_887, %swap3A_888, %swap3A_889] {strides = array<i32>} : memref<2x448x32xf32, #tpu.memory_space<vmem>>, vector<1x1x16xf32>,
      %swap3A_891 = vector.shape_cast %swap3A_890 : vector<1x1x16xf32> to vector<16xf32>
      %swap3A_892 = vector.shape_cast %add3A_885 : vector<16xf32> to vector<1x1x16xf32>
      tpu.vector_store %arg7[%swap3A_887, %swap3A_888, %swap3A_889], %swap3A_892 {strides = array<i32>} : memref<2x448x32xf32, #tpu.memory_space<vmem>>, vector<1x1x16xf32>,
      %add3A_893 = arith.constant 1 : i32
      %add3A_894 = arith.addi %add3A_618, %add3A_893 : i32
      %get3A_895 = arith.constant 0 : i32
      %get3A_896 = arith.index_cast %get3A_895 : i32 to index
      %get3A_897 = arith.index_cast %add3A_894 : i32 to index
      %get3A_898 = arith.constant 0 : index
      %get3A_899 = tpu.vector_load %arg6[%get3A_896, %get3A_897, %get3A_898] {strides = array<i32>} : memref<2x184x128xf32, #tpu.memory_space<vmem>>, vector<1x1x16xf32>,
      %get3A_900 = vector.shape_cast %get3A_899 : vector<1x1x16xf32> to vector<16xf32>
      %add3A_901 = arith.addf %get3A_878, %get3A_900 : vector<16xf32>
      %add3A_902 = arith.constant 1 : i32
      %add3A_903 = arith.addi %add3A_872, %add3A_902 : i32
      %swap3A_904 = arith.constant 0 : i32
      %swap3A_905 = arith.index_cast %swap3A_904 : i32 to index
      %swap3A_906 = arith.index_cast %add3A_903 : i32 to index
      %swap3A_907 = arith.constant 0 : index
      %swap3A_908 = tpu.vector_load %arg7[%swap3A_905, %swap3A_906, %swap3A_907] {strides = array<i32>} : memref<2x448x32xf32, #tpu.memory_space<vmem>>, vector<1x1x16xf32>,
      %swap3A_909 = vector.shape_cast %swap3A_908 : vector<1x1x16xf32> to vector<16xf32>
      %swap3A_910 = vector.shape_cast %add3A_901 : vector<16xf32> to vector<1x1x16xf32>
      tpu.vector_store %arg7[%swap3A_905, %swap3A_906, %swap3A_907], %swap3A_910 {strides = array<i32>} : memref<2x448x32xf32, #tpu.memory_space<vmem>>, vector<1x1x16xf32>,
      %mul3A_911 = arith.constant 8 : i32
      %mul3A_912 = arith.muli %mul3A_911, %scan3A_614 : i32
      %add3A_913 = arith.constant 6 : i32
      %add3A_914 = arith.addi %mul3A_912, %add3A_913 : i32
      %get3A_915 = arith.constant 0 : i32
      %get3A_916 = arith.index_cast %get3A_915 : i32 to index
      %get3A_917 = arith.index_cast %scan3A_614 : i32 to index
      %get3A_918 = arith.constant 112 : index
      %get3A_919 = tpu.vector_load %arg5[%get3A_916, %get3A_917, %get3A_918] {strides = array<i32>} : memref<2x56x128xf32, #tpu.memory_space<vmem>>, vector<1x1x16xf32>,
      %get3A_920 = vector.shape_cast %get3A_919 : vector<1x1x16xf32> to vector<16xf32>
      %get3A_921 = arith.constant 0 : i32
      %get3A_922 = arith.index_cast %get3A_921 : i32 to index
      %get3A_923 = arith.index_cast %add3A_617 : i32 to index
      %get3A_924 = arith.constant 112 : index
      %get3A_925 = tpu.vector_load %arg6[%get3A_922, %get3A_923, %get3A_924] {strides = array<i32>} : memref<2x184x128xf32, #tpu.memory_space<vmem>>, vector<1x1x16xf32>,
      %get3A_926 = vector.shape_cast %get3A_925 : vector<1x1x16xf32> to vector<16xf32>
      %add3A_927 = arith.addf %get3A_920, %get3A_926 : vector<16xf32>
      %swap3A_928 = arith.constant 0 : i32
      %swap3A_929 = arith.index_cast %swap3A_928 : i32 to index
      %swap3A_930 = arith.index_cast %add3A_914 : i32 to index
      %swap3A_931 = arith.constant 16 : index
      %swap3A_932 = tpu.vector_load %arg7[%swap3A_929, %swap3A_930, %swap3A_931] {strides = array<i32>} : memref<2x448x32xf32, #tpu.memory_space<vmem>>, vector<1x1x16xf32>,
      %swap3A_933 = vector.shape_cast %swap3A_932 : vector<1x1x16xf32> to vector<16xf32>
      %swap3A_934 = vector.shape_cast %add3A_927 : vector<16xf32> to vector<1x1x16xf32>
      tpu.vector_store %arg7[%swap3A_929, %swap3A_930, %swap3A_931], %swap3A_934 {strides = array<i32>} : memref<2x448x32xf32, #tpu.memory_space<vmem>>, vector<1x1x16xf32>,
      %add3A_935 = arith.constant 1 : i32
      %add3A_936 = arith.addi %add3A_618, %add3A_935 : i32
      %get3A_937 = arith.constant 0 : i32
      %get3A_938 = arith.index_cast %get3A_937 : i32 to index
      %get3A_939 = arith.index_cast %add3A_936 : i32 to index
      %get3A_940 = arith.constant 16 : index
      %get3A_941 = tpu.vector_load %arg6[%get3A_938, %get3A_939, %get3A_940] {strides = array<i32>} : memref<2x184x128xf32, #tpu.memory_space<vmem>>, vector<1x1x16xf32>,
      %get3A_942 = vector.shape_cast %get3A_941 : vector<1x1x16xf32> to vector<16xf32>
      %add3A_943 = arith.addf %get3A_920, %get3A_942 : vector<16xf32>
      %add3A_944 = arith.constant 1 : i32
      %add3A_945 = arith.addi %add3A_914, %add3A_944 : i32
      %swap3A_946 = arith.constant 0 : i32
      %swap3A_947 = arith.index_cast %swap3A_946 : i32 to index
      %swap3A_948 = arith.index_cast %add3A_945 : i32 to index
      %swap3A_949 = arith.constant 16 : index
      %swap3A_950 = tpu.vector_load %arg7[%swap3A_947, %swap3A_948, %swap3A_949] {strides = array<i32>} : memref<2x448x32xf32, #tpu.memory_space<vmem>>, vector<1x1x16xf32>,
      %swap3A_951 = vector.shape_cast %swap3A_950 : vector<1x1x16xf32> to vector<16xf32>
      %swap3A_952 = vector.shape_cast %add3A_943 : vector<16xf32> to vector<1x1x16xf32>
      tpu.vector_store %arg7[%swap3A_947, %swap3A_948, %swap3A_949], %swap3A_952 {strides = array<i32>} : memref<2x448x32xf32, #tpu.memory_space<vmem>>, vector<1x1x16xf32>,
    }
    %scan3A_603 = arith.constant 56 : i32
    %lt3A_604 = arith.constant 223 : i32
    %lt3A_605 = arith.cmpi slt, %add3A_564, %lt3A_604 : i32
    %convert_element_type3A_606 = arith.extui %lt3A_605 : i1 to i32
    %cond3A_607 = arith.constant 0 : i32
    %cond3A_608 = arith.cmpi ne, %convert_element_type3A_606, %cond3A_607 : i32
    scf.if %cond3A_608 {
      %mul3A_614 = arith.constant 447 : i32
      %mul3A_615 = arith.muli %add3A_564, %mul3A_614 : i32
      %run_scoped3A = arith.constant 0 : i32
      "tpu.region"() ({
        %run_scoped3A_616 = tpu.sem_alloc : memref<!tpu.dma_semaphore, #tpu.memory_space<semaphore_mem>>
        %dma_start3A_617 = arith.constant 0 : i32
        %dma_start3A_618 = arith.constant 0 : i32
        %dma_start3A_619 = tpu.memref_slice %arg7[%run_scoped3A, %dma_start3A_617, %dma_start3A_618] : memref<2x448x32xf32, #tpu.memory_space<vmem>> -> memref<1x447x32xf32, #tpu.memory_space<vmem>>
        %dma_start3A_620 = tpu.memref_squeeze %dma_start3A_619 : memref<1x447x32xf32, #tpu.memory_space<vmem>> -> memref<447x32xf32, #tpu.memory_space<vmem>>
        %dma_start3A_621 = arith.constant 0 : i32
        %dma_start3A_622 = tpu.memref_slice %arg4[%mul3A_615, %dma_start3A_621] : memref<99904x32xf32, #tpu.memory_space<hbm>> -> memref<447x32xf32, #tpu.memory_space<hbm>>
        %dma_start3A_623 = arith.constant 0 : i32
        %dma_start3A_624 = tpu.memref_slice %arg4[%mul3A_615, %dma_start3A_623] : memref<99904x32xf32, #tpu.memory_space<hbm>> -> memref<447x32xf32, #tpu.memory_space<hbm>>
        %dma_start3A_625 = arith.constant 0 : i32
        %dma_start3A_626 = arith.constant 0 : i32
        %dma_start3A_627 = tpu.memref_slice %arg7[%run_scoped3A, %dma_start3A_625, %dma_start3A_626] : memref<2x448x32xf32, #tpu.memory_space<vmem>> -> memref<1x447x32xf32, #tpu.memory_space<vmem>>
        %dma_start3A_628 = tpu.memref_squeeze %dma_start3A_627 : memref<1x447x32xf32, #tpu.memory_space<vmem>> -> memref<447x32xf32, #tpu.memory_space<vmem>>
        tpu.enqueue_dma source(%dma_start3A_628 : memref<447x32xf32, #tpu.memory_space<vmem>>) target(%dma_start3A_624 : memref<447x32xf32, #tpu.memory_space<hbm>>) target_semaphore(%run_scoped3A_616 : memref<!tpu.dma_semaphore, #tpu.memory_space<semaphore_mem>>)
        %dma_wait3A_629 = arith.constant 0 : i32
        %dma_wait3A_630 = arith.constant 0 : i32
        %dma_wait3A_631 = tpu.memref_slice %arg7[%run_scoped3A, %dma_wait3A_629, %dma_wait3A_630] : memref<2x448x32xf32, #tpu.memory_space<vmem>> -> memref<1x447x32xf32, #tpu.memory_space<vmem>>
        %dma_wait3A_632 = tpu.memref_squeeze %dma_wait3A_631 : memref<1x447x32xf32, #tpu.memory_space<vmem>> -> memref<447x32xf32, #tpu.memory_space<vmem>>
        %dma_wait3A_633 = arith.constant 0 : i32
        %dma_wait3A_634 = tpu.memref_slice %arg4[%mul3A_615, %dma_wait3A_633] : memref<99904x32xf32, #tpu.memory_space<hbm>> -> memref<447x32xf32, #tpu.memory_space<hbm>>
        %dma_wait3A_635 = arith.constant 0 : i32
        %dma_wait3A_636 = tpu.memref_slice %arg4[%mul3A_615, %dma_wait3A_635] : memref<99904x32xf32, #tpu.memory_space<hbm>> -> memref<447x32xf32, #tpu.memory_space<hbm>>
        %dma_wait3A_637 = arith.constant 0 : i32
        %dma_wait3A_638 = arith.constant 0 : i32
        %dma_wait3A_639 = tpu.memref_slice %arg7[%run_scoped3A, %dma_wait3A_637, %dma_wait3A_638] : memref<2x448x32xf32, #tpu.memory_space<vmem>> -> memref<1x447x32xf32, #tpu.memory_space<vmem>>
        %dma_wait3A_640 = tpu.memref_squeeze %dma_wait3A_639 : memref<1x447x32xf32, #tpu.memory_space<vmem>> -> memref<447x32xf32, #tpu.memory_space<vmem>>
        tpu.wait_dma2 semaphore(%run_scoped3A_616 : memref<!tpu.dma_semaphore, #tpu.memory_space<semaphore_mem>>) src(%dma_wait3A_640 : memref<447x32xf32, #tpu.memory_space<vmem>>) dst(%dma_wait3A_636 : memref<447x32xf32, #tpu.memory_space<hbm>>)
        tpu.yield
      }) : () -> ()
    } else {
    }
    %eq3A_609 = arith.constant 223 : i32
    %eq3A_610 = arith.cmpi eq, %add3A_564, %eq3A_609 : i32
    %convert_element_type3A_611 = arith.extui %eq3A_610 : i1 to i32
    %cond3A_612 = arith.constant 0 : i32
    %cond3A_613 = arith.cmpi ne, %convert_element_type3A_611, %cond3A_612 : i32
    scf.if %cond3A_613 {
      %scan3A_614 = arith.constant 0 : i32
      %scan3A_615 = arith.constant 0 : i32
      %scan3A_616 = arith.constant 223 : i32
      %scan3A_617 = arith.addi %scan3A_615, %scan3A_616 : i32
      %scan3A_618 = arith.constant 1 : i32
      scf.for %scan3A_620 = %scan3A_615 to %scan3A_617 step %scan3A_618  : i32 {
        %mul3A_621 = arith.constant 2 : i32
        %mul3A_622 = arith.muli %mul3A_621, %scan3A_620 : i32
        %add3A_623 = arith.constant 1 : i32
        %add3A_624 = arith.addi %mul3A_622, %add3A_623 : i32
        %get3A = arith.constant 0 : i32
        %get3A_625 = arith.index_cast %get3A : i32 to index
        %get3A_626 = arith.index_cast %add3A_624 : i32 to index
        %get3A_627 = arith.constant 0 : index
        %get3A_628 = tpu.vector_load %arg7[%get3A_625, %get3A_626, %get3A_627] {strides = array<i32>} : memref<2x448x32xf32, #tpu.memory_space<vmem>>, vector<1x1x16xf32>,
        %get3A_629 = vector.shape_cast %get3A_628 : vector<1x1x16xf32> to vector<16xf32>
        %swap3A = arith.index_cast %scan3A_620 : i32 to index
        %swap3A_630 = arith.constant 0 : index
        %swap3A_631 = tpu.vector_load %arg8[%swap3A, %swap3A_630] {strides = array<i32>} : memref<224x32xf32, #tpu.memory_space<vmem>>, vector<1x16xf32>,
        %swap3A_632 = vector.shape_cast %swap3A_631 : vector<1x16xf32> to vector<16xf32>
        %swap3A_633 = vector.shape_cast %get3A_629 : vector<16xf32> to vector<1x16xf32>
        tpu.vector_store %arg8[%swap3A, %swap3A_630], %swap3A_633 {strides = array<i32>} : memref<224x32xf32, #tpu.memory_space<vmem>>, vector<1x16xf32>,
        %mul3A_634 = arith.constant 2 : i32
        %mul3A_635 = arith.muli %mul3A_634, %scan3A_620 : i32
        %add3A_636 = arith.constant 1 : i32
        %add3A_637 = arith.addi %mul3A_635, %add3A_636 : i32
        %get3A_638 = arith.constant 0 : i32
        %get3A_639 = arith.index_cast %get3A_638 : i32 to index
        %get3A_640 = arith.index_cast %add3A_637 : i32 to index
        %get3A_641 = arith.constant 16 : index
        %get3A_642 = tpu.vector_load %arg7[%get3A_639, %get3A_640, %get3A_641] {strides = array<i32>} : memref<2x448x32xf32, #tpu.memory_space<vmem>>, vector<1x1x16xf32>,
        %get3A_643 = vector.shape_cast %get3A_642 : vector<1x1x16xf32> to vector<16xf32>
        %swap3A_644 = arith.index_cast %scan3A_620 : i32 to index
        %swap3A_645 = arith.constant 16 : index
        %swap3A_646 = tpu.vector_load %arg8[%swap3A_644, %swap3A_645] {strides = array<i32>} : memref<224x32xf32, #tpu.memory_space<vmem>>, vector<1x16xf32>,
        %swap3A_647 = vector.shape_cast %swap3A_646 : vector<1x16xf32> to vector<16xf32>
        %swap3A_648 = vector.shape_cast %get3A_643 : vector<16xf32> to vector<1x16xf32>
        tpu.vector_store %arg8[%swap3A_644, %swap3A_645], %swap3A_648 {strides = array<i32>} : memref<224x32xf32, #tpu.memory_space<vmem>>, vector<1x16xf32>,
      }
      %scan3A_619 = arith.constant 223 : i32
      "tpu.region"() ({
        %run_scoped3A = tpu.sem_alloc : memref<!tpu.dma_semaphore, #tpu.memory_space<semaphore_mem>>
        %dma_start3A_620 = arith.constant 0 : i32
        %dma_start3A_621 = arith.constant 0 : i32
        %dma_start3A_622 = tpu.memref_slice %arg8[%dma_start3A_620, %dma_start3A_621] : memref<224x32xf32, #tpu.memory_space<vmem>> -> memref<223x32xf32, #tpu.memory_space<vmem>>
        %dma_start3A_623 = arith.constant 99681 : i32
        %dma_start3A_624 = arith.constant 0 : i32
        %dma_start3A_625 = tpu.memref_slice %arg4[%dma_start3A_623, %dma_start3A_624] : memref<99904x32xf32, #tpu.memory_space<hbm>> -> memref<223x32xf32, #tpu.memory_space<hbm>>
        %dma_start3A_626 = arith.constant 99681 : i32
        %dma_start3A_627 = arith.constant 0 : i32
        %dma_start3A_628 = tpu.memref_slice %arg4[%dma_start3A_626, %dma_start3A_627] : memref<99904x32xf32, #tpu.memory_space<hbm>> -> memref<223x32xf32, #tpu.memory_space<hbm>>
        %dma_start3A_629 = arith.constant 0 : i32
        %dma_start3A_630 = arith.constant 0 : i32
        %dma_start3A_631 = tpu.memref_slice %arg8[%dma_start3A_629, %dma_start3A_630] : memref<224x32xf32, #tpu.memory_space<vmem>> -> memref<223x32xf32, #tpu.memory_space<vmem>>
        tpu.enqueue_dma source(%dma_start3A_631 : memref<223x32xf32, #tpu.memory_space<vmem>>) target(%dma_start3A_628 : memref<223x32xf32, #tpu.memory_space<hbm>>) target_semaphore(%run_scoped3A : memref<!tpu.dma_semaphore, #tpu.memory_space<semaphore_mem>>)
        %dma_wait3A_632 = arith.constant 0 : i32
        %dma_wait3A_633 = arith.constant 0 : i32
        %dma_wait3A_634 = tpu.memref_slice %arg8[%dma_wait3A_632, %dma_wait3A_633] : memref<224x32xf32, #tpu.memory_space<vmem>> -> memref<223x32xf32, #tpu.memory_space<vmem>>
        %dma_wait3A_635 = arith.constant 99681 : i32
        %dma_wait3A_636 = arith.constant 0 : i32
        %dma_wait3A_637 = tpu.memref_slice %arg4[%dma_wait3A_635, %dma_wait3A_636] : memref<99904x32xf32, #tpu.memory_space<hbm>> -> memref<223x32xf32, #tpu.memory_space<hbm>>
        %dma_wait3A_638 = arith.constant 99681 : i32
        %dma_wait3A_639 = arith.constant 0 : i32
        %dma_wait3A_640 = tpu.memref_slice %arg4[%dma_wait3A_638, %dma_wait3A_639] : memref<99904x32xf32, #tpu.memory_space<hbm>> -> memref<223x32xf32, #tpu.memory_space<hbm>>
        %dma_wait3A_641 = arith.constant 0 : i32
        %dma_wait3A_642 = arith.constant 0 : i32
        %dma_wait3A_643 = tpu.memref_slice %arg8[%dma_wait3A_641, %dma_wait3A_642] : memref<224x32xf32, #tpu.memory_space<vmem>> -> memref<223x32xf32, #tpu.memory_space<vmem>>
        tpu.wait_dma2 semaphore(%run_scoped3A : memref<!tpu.dma_semaphore, #tpu.memory_space<semaphore_mem>>) src(%dma_wait3A_643 : memref<223x32xf32, #tpu.memory_space<vmem>>) dst(%dma_wait3A_640 : memref<223x32xf32, #tpu.memory_space<hbm>>)
        tpu.yield
      }) : () -> ()
    } else {
    }
    return
  }
}

module attributes {stable_mosaic.version = 14 : i64} {
  func.func @_mm_body(%arg0: i32, %arg1: memref<1792x128xf32, #tpu.memory_space<vmem>>, %arg2: memref<128x21xf32, #tpu.memory_space<vmem>>, %arg3: memref<1x21xf32, #tpu.memory_space<vmem>>, %arg4: memref<128x32xf32, #tpu.memory_space<vmem>>, %arg5: memref<1x32xf32, #tpu.memory_space<vmem>>, %arg6: memref<128x32xf32, #tpu.memory_space<vmem>>, %arg7: memref<1792x21xf32, #tpu.memory_space<vmem>>, %arg8: memref<448x128xf32, #tpu.memory_space<vmem>>, %arg9: memref<448x128xf32, #tpu.memory_space<vmem>>) attributes {dimension_semantics = [#tpu.dimension_semantics<arbitrary>], iteration_bounds = array<i64: 28>, scalar_prefetch = 0 : i64, scratch_operands = 0 : i64, tpu.core_type = #tpu.core_type<tc>, window_params = [{transform_indices = @transform_0, window_bounds = array<i64: 1792, 128>}, {pipeline_mode = #tpu.pipeline_mode<synchronous>, transform_indices = @transform_1, window_bounds = array<i64: 128, 21>}, {pipeline_mode = #tpu.pipeline_mode<synchronous>, transform_indices = @transform_2, window_bounds = array<i64: 1, 21>}, {pipeline_mode = #tpu.pipeline_mode<synchronous>, transform_indices = @transform_3, window_bounds = array<i64: 128, 32>}, {pipeline_mode = #tpu.pipeline_mode<synchronous>, transform_indices = @transform_4, window_bounds = array<i64: 1, 32>}, {pipeline_mode = #tpu.pipeline_mode<synchronous>, transform_indices = @transform_5, window_bounds = array<i64: 128, 32>}, {transform_indices = @transform_6, window_bounds = array<i64: 1792, 21>}, {transform_indices = @transform_7, window_bounds = array<i64: 448, 128>}, {transform_indices = @transform_8, window_bounds = array<i64: 448, 128>}]} {
    %get3A = arith.constant 0 : index
    %get3A_0 = arith.constant 0 : index
    %get3A_1 = vector.load %arg1[%get3A, %get3A_0] : memref<1792x128xf32, #tpu.memory_space<vmem>>, vector<1792x128xf32>
    %get3A_2 = arith.constant 0 : index
    %get3A_3 = arith.constant 0 : index
    %get3A_4 = vector.load %arg2[%get3A_2, %get3A_3] : memref<128x21xf32, #tpu.memory_space<vmem>>, vector<128x21xf32>
    %dot_general3A = arith.constant dense<0.000000e+00> : vector<1792x21xf32>
    %dot_general3A_5 = tpu.matmul %get3A_1, %get3A_4, %dot_general3A {dimension_numbers = #tpu.dot_dimension_numbers<[1], [0], [0], [1], [0, 0, 1, 1], [], []>, transpose_lhs_hint = false} : vector<1792x128xf32>, vector<128x21xf32>, vector<1792x21xf32> -> vector<1792x21xf32>
    %get3A_6 = arith.constant 0 : index
    %get3A_7 = arith.constant 0 : index
    %get3A_8 = vector.load %arg3[%get3A_6, %get3A_7] : memref<1x21xf32, #tpu.memory_space<vmem>>, vector<1x21xf32>
    %add3A = vector.broadcast %get3A_8 : vector<1x21xf32> to vector<1792x21xf32>
    %add3A_9 = arith.addf %dot_general3A_5, %add3A : vector<1792x21xf32>
    %swap3A = arith.constant 0 : index
    %swap3A_10 = arith.constant 0 : index
    %swap3A_11 = vector.load %arg7[%swap3A, %swap3A_10] : memref<1792x21xf32, #tpu.memory_space<vmem>>, vector<1792x21xf32>
    tpu.vector_store %arg7[%swap3A, %swap3A_10], %add3A_9 {strides = array<i32>} : memref<1792x21xf32, #tpu.memory_space<vmem>>, vector<1792x21xf32>,
    %reshape3A = vector.shape_cast %get3A_1 : vector<1792x128xf32> to vector<448x4x128xf32>
    %slice3A = vector.extract_strided_slice %reshape3A {offsets = [0, 0, 0], sizes = [448, 1, 128], strides = [1, 1, 1]} : vector<448x4x128xf32> to vector<448x1x128xf32>
    %squeeze3A = vector.shape_cast %slice3A : vector<448x1x128xf32> to vector<448x128xf32>
    %get3A_12 = arith.constant 0 : index
    %get3A_13 = arith.constant 0 : index
    %get3A_14 = vector.load %arg4[%get3A_12, %get3A_13] : memref<128x32xf32, #tpu.memory_space<vmem>>, vector<128x32xf32>
    %dot_general3A_15 = arith.constant dense<0.000000e+00> : vector<448x32xf32>
    %dot_general3A_16 = tpu.matmul %squeeze3A, %get3A_14, %dot_general3A_15 {dimension_numbers = #tpu.dot_dimension_numbers<[1], [0], [0], [1], [0, 0, 1, 1], [], []>, transpose_lhs_hint = false} : vector<448x128xf32>, vector<128x32xf32>, vector<448x32xf32> -> vector<448x32xf32>
    %get3A_17 = arith.constant 0 : index
    %get3A_18 = arith.constant 0 : index
    %get3A_19 = vector.load %arg5[%get3A_17, %get3A_18] : memref<1x32xf32, #tpu.memory_space<vmem>>, vector<1x32xf32>
    %add3A_20 = vector.broadcast %get3A_19 : vector<1x32xf32> to vector<448x32xf32>
    %add3A_21 = arith.addf %dot_general3A_16, %add3A_20 : vector<448x32xf32>
    %swap3A_22 = arith.constant 0 : index
    %swap3A_23 = arith.constant 0 : index
    %swap3A_24 = vector.load %arg8[%swap3A_22, %swap3A_23] : memref<448x128xf32, #tpu.memory_space<vmem>>, vector<448x32xf32>
    tpu.vector_store %arg8[%swap3A_22, %swap3A_23], %add3A_21 {strides = array<i32>} : memref<448x128xf32, #tpu.memory_space<vmem>>, vector<448x32xf32>,
    %get3A_25 = arith.constant 0 : index
    %get3A_26 = arith.constant 0 : index
    %get3A_27 = vector.load %arg6[%get3A_25, %get3A_26] : memref<128x32xf32, #tpu.memory_space<vmem>>, vector<128x32xf32>
    %dot_general3A_28 = arith.constant dense<0.000000e+00> : vector<448x32xf32>
    %dot_general3A_29 = tpu.matmul %squeeze3A, %get3A_27, %dot_general3A_28 {dimension_numbers = #tpu.dot_dimension_numbers<[1], [0], [0], [1], [0, 0, 1, 1], [], []>, transpose_lhs_hint = false} : vector<448x128xf32>, vector<128x32xf32>, vector<448x32xf32> -> vector<448x32xf32>
    %swap3A_30 = arith.constant 0 : index
    %swap3A_31 = arith.constant 0 : index
    %swap3A_32 = vector.load %arg9[%swap3A_30, %swap3A_31] : memref<448x128xf32, #tpu.memory_space<vmem>>, vector<448x32xf32>
    tpu.vector_store %arg9[%swap3A_30, %swap3A_31], %dot_general3A_29 {strides = array<i32>} : memref<448x128xf32, #tpu.memory_space<vmem>>, vector<448x32xf32>,
    %slice3A_33 = vector.extract_strided_slice %reshape3A {offsets = [0, 1, 0], sizes = [448, 1, 128], strides = [1, 1, 1]} : vector<448x4x128xf32> to vector<448x1x128xf32>
    %squeeze3A_34 = vector.shape_cast %slice3A_33 : vector<448x1x128xf32> to vector<448x128xf32>
    %get3A_35 = arith.constant 0 : index
    %get3A_36 = arith.constant 0 : index
    %get3A_37 = vector.load %arg4[%get3A_35, %get3A_36] : memref<128x32xf32, #tpu.memory_space<vmem>>, vector<128x32xf32>
    %dot_general3A_38 = arith.constant dense<0.000000e+00> : vector<448x32xf32>
    %dot_general3A_39 = tpu.matmul %squeeze3A_34, %get3A_37, %dot_general3A_38 {dimension_numbers = #tpu.dot_dimension_numbers<[1], [0], [0], [1], [0, 0, 1, 1], [], []>, transpose_lhs_hint = false} : vector<448x128xf32>, vector<128x32xf32>, vector<448x32xf32> -> vector<448x32xf32>
    %get3A_40 = arith.constant 0 : index
    %get3A_41 = arith.constant 0 : index
    %get3A_42 = vector.load %arg5[%get3A_40, %get3A_41] : memref<1x32xf32, #tpu.memory_space<vmem>>, vector<1x32xf32>
    %add3A_43 = vector.broadcast %get3A_42 : vector<1x32xf32> to vector<448x32xf32>
    %add3A_44 = arith.addf %dot_general3A_39, %add3A_43 : vector<448x32xf32>
    %swap3A_45 = arith.constant 0 : index
    %swap3A_46 = arith.constant 32 : index
    %swap3A_47 = vector.load %arg8[%swap3A_45, %swap3A_46] : memref<448x128xf32, #tpu.memory_space<vmem>>, vector<448x32xf32>
    tpu.vector_store %arg8[%swap3A_45, %swap3A_46], %add3A_44 {strides = array<i32>} : memref<448x128xf32, #tpu.memory_space<vmem>>, vector<448x32xf32>,
    %get3A_48 = arith.constant 0 : index
    %get3A_49 = arith.constant 0 : index
    %get3A_50 = vector.load %arg6[%get3A_48, %get3A_49] : memref<128x32xf32, #tpu.memory_space<vmem>>, vector<128x32xf32>
    %dot_general3A_51 = arith.constant dense<0.000000e+00> : vector<448x32xf32>
    %dot_general3A_52 = tpu.matmul %squeeze3A_34, %get3A_50, %dot_general3A_51 {dimension_numbers = #tpu.dot_dimension_numbers<[1], [0], [0], [1], [0, 0, 1, 1], [], []>, transpose_lhs_hint = false} : vector<448x128xf32>, vector<128x32xf32>, vector<448x32xf32> -> vector<448x32xf32>
    %swap3A_53 = arith.constant 0 : index
    %swap3A_54 = arith.constant 32 : index
    %swap3A_55 = vector.load %arg9[%swap3A_53, %swap3A_54] : memref<448x128xf32, #tpu.memory_space<vmem>>, vector<448x32xf32>
    tpu.vector_store %arg9[%swap3A_53, %swap3A_54], %dot_general3A_52 {strides = array<i32>} : memref<448x128xf32, #tpu.memory_space<vmem>>, vector<448x32xf32>,
    %slice3A_56 = vector.extract_strided_slice %reshape3A {offsets = [0, 2, 0], sizes = [448, 1, 128], strides = [1, 1, 1]} : vector<448x4x128xf32> to vector<448x1x128xf32>
    %squeeze3A_57 = vector.shape_cast %slice3A_56 : vector<448x1x128xf32> to vector<448x128xf32>
    %get3A_58 = arith.constant 0 : index
    %get3A_59 = arith.constant 0 : index
    %get3A_60 = vector.load %arg4[%get3A_58, %get3A_59] : memref<128x32xf32, #tpu.memory_space<vmem>>, vector<128x32xf32>
    %dot_general3A_61 = arith.constant dense<0.000000e+00> : vector<448x32xf32>
    %dot_general3A_62 = tpu.matmul %squeeze3A_57, %get3A_60, %dot_general3A_61 {dimension_numbers = #tpu.dot_dimension_numbers<[1], [0], [0], [1], [0, 0, 1, 1], [], []>, transpose_lhs_hint = false} : vector<448x128xf32>, vector<128x32xf32>, vector<448x32xf32> -> vector<448x32xf32>
    %get3A_63 = arith.constant 0 : index
    %get3A_64 = arith.constant 0 : index
    %get3A_65 = vector.load %arg5[%get3A_63, %get3A_64] : memref<1x32xf32, #tpu.memory_space<vmem>>, vector<1x32xf32>
    %add3A_66 = vector.broadcast %get3A_65 : vector<1x32xf32> to vector<448x32xf32>
    %add3A_67 = arith.addf %dot_general3A_62, %add3A_66 : vector<448x32xf32>
    %swap3A_68 = arith.constant 0 : index
    %swap3A_69 = arith.constant 64 : index
    %swap3A_70 = vector.load %arg8[%swap3A_68, %swap3A_69] : memref<448x128xf32, #tpu.memory_space<vmem>>, vector<448x32xf32>
    tpu.vector_store %arg8[%swap3A_68, %swap3A_69], %add3A_67 {strides = array<i32>} : memref<448x128xf32, #tpu.memory_space<vmem>>, vector<448x32xf32>,
    %get3A_71 = arith.constant 0 : index
    %get3A_72 = arith.constant 0 : index
    %get3A_73 = vector.load %arg6[%get3A_71, %get3A_72] : memref<128x32xf32, #tpu.memory_space<vmem>>, vector<128x32xf32>
    %dot_general3A_74 = arith.constant dense<0.000000e+00> : vector<448x32xf32>
    %dot_general3A_75 = tpu.matmul %squeeze3A_57, %get3A_73, %dot_general3A_74 {dimension_numbers = #tpu.dot_dimension_numbers<[1], [0], [0], [1], [0, 0, 1, 1], [], []>, transpose_lhs_hint = false} : vector<448x128xf32>, vector<128x32xf32>, vector<448x32xf32> -> vector<448x32xf32>
    %swap3A_76 = arith.constant 0 : index
    %swap3A_77 = arith.constant 64 : index
    %swap3A_78 = vector.load %arg9[%swap3A_76, %swap3A_77] : memref<448x128xf32, #tpu.memory_space<vmem>>, vector<448x32xf32>
    tpu.vector_store %arg9[%swap3A_76, %swap3A_77], %dot_general3A_75 {strides = array<i32>} : memref<448x128xf32, #tpu.memory_space<vmem>>, vector<448x32xf32>,
    %slice3A_79 = vector.extract_strided_slice %reshape3A {offsets = [0, 3, 0], sizes = [448, 1, 128], strides = [1, 1, 1]} : vector<448x4x128xf32> to vector<448x1x128xf32>
    %squeeze3A_80 = vector.shape_cast %slice3A_79 : vector<448x1x128xf32> to vector<448x128xf32>
    %get3A_81 = arith.constant 0 : index
    %get3A_82 = arith.constant 0 : index
    %get3A_83 = vector.load %arg4[%get3A_81, %get3A_82] : memref<128x32xf32, #tpu.memory_space<vmem>>, vector<128x32xf32>
    %dot_general3A_84 = arith.constant dense<0.000000e+00> : vector<448x32xf32>
    %dot_general3A_85 = tpu.matmul %squeeze3A_80, %get3A_83, %dot_general3A_84 {dimension_numbers = #tpu.dot_dimension_numbers<[1], [0], [0], [1], [0, 0, 1, 1], [], []>, transpose_lhs_hint = false} : vector<448x128xf32>, vector<128x32xf32>, vector<448x32xf32> -> vector<448x32xf32>
    %get3A_86 = arith.constant 0 : index
    %get3A_87 = arith.constant 0 : index
    %get3A_88 = vector.load %arg5[%get3A_86, %get3A_87] : memref<1x32xf32, #tpu.memory_space<vmem>>, vector<1x32xf32>
    %add3A_89 = vector.broadcast %get3A_88 : vector<1x32xf32> to vector<448x32xf32>
    %add3A_90 = arith.addf %dot_general3A_85, %add3A_89 : vector<448x32xf32>
    %swap3A_91 = arith.constant 0 : index
    %swap3A_92 = arith.constant 96 : index
    %swap3A_93 = vector.load %arg8[%swap3A_91, %swap3A_92] : memref<448x128xf32, #tpu.memory_space<vmem>>, vector<448x32xf32>
    tpu.vector_store %arg8[%swap3A_91, %swap3A_92], %add3A_90 {strides = array<i32>} : memref<448x128xf32, #tpu.memory_space<vmem>>, vector<448x32xf32>,
    %get3A_94 = arith.constant 0 : index
    %get3A_95 = arith.constant 0 : index
    %get3A_96 = vector.load %arg6[%get3A_94, %get3A_95] : memref<128x32xf32, #tpu.memory_space<vmem>>, vector<128x32xf32>
    %dot_general3A_97 = arith.constant dense<0.000000e+00> : vector<448x32xf32>
    %dot_general3A_98 = tpu.matmul %squeeze3A_80, %get3A_96, %dot_general3A_97 {dimension_numbers = #tpu.dot_dimension_numbers<[1], [0], [0], [1], [0, 0, 1, 1], [], []>, transpose_lhs_hint = false} : vector<448x128xf32>, vector<128x32xf32>, vector<448x32xf32> -> vector<448x32xf32>
    %swap3A_99 = arith.constant 0 : index
    %swap3A_100 = arith.constant 96 : index
    %swap3A_101 = vector.load %arg9[%swap3A_99, %swap3A_100] : memref<448x128xf32, #tpu.memory_space<vmem>>, vector<448x32xf32>
    tpu.vector_store %arg9[%swap3A_99, %swap3A_100], %dot_general3A_98 {strides = array<i32>} : memref<448x128xf32, #tpu.memory_space<vmem>>, vector<448x32xf32>,
    return
  }
  func.func @transform_0(%arg0: i32) -> (i32, i32) {
    %c0_i32 = arith.constant 0 : i32
    %c0_i32_0 = arith.constant 0 : i32
    return %arg0, %c0_i32 : i32, i32
  }
  func.func @transform_1(%arg0: i32) -> (i32, i32) {
    %c0_i32 = arith.constant 0 : i32
    %c0_i32_0 = arith.constant 0 : i32
    %c0_i32_1 = arith.constant 0 : i32
    return %c0_i32, %c0_i32_0 : i32, i32
  }
  func.func @transform_2(%arg0: i32) -> (i32, i32) {
    %c0_i32 = arith.constant 0 : i32
    %c0_i32_0 = arith.constant 0 : i32
    %c0_i32_1 = arith.constant 0 : i32
    return %c0_i32, %c0_i32_0 : i32, i32
  }
  func.func @transform_3(%arg0: i32) -> (i32, i32) {
    %c0_i32 = arith.constant 0 : i32
    %c0_i32_0 = arith.constant 0 : i32
    %c0_i32_1 = arith.constant 0 : i32
    return %c0_i32, %c0_i32_0 : i32, i32
  }
  func.func @transform_4(%arg0: i32) -> (i32, i32) {
    %c0_i32 = arith.constant 0 : i32
    %c0_i32_0 = arith.constant 0 : i32
    %c0_i32_1 = arith.constant 0 : i32
    return %c0_i32, %c0_i32_0 : i32, i32
  }
  func.func @transform_5(%arg0: i32) -> (i32, i32) {
    %c0_i32 = arith.constant 0 : i32
    %c0_i32_0 = arith.constant 0 : i32
    %c0_i32_1 = arith.constant 0 : i32
    return %c0_i32, %c0_i32_0 : i32, i32
  }
  func.func @transform_6(%arg0: i32) -> (i32, i32) {
    %c0_i32 = arith.constant 0 : i32
    %c0_i32_0 = arith.constant 0 : i32
    return %arg0, %c0_i32 : i32, i32
  }
  func.func @transform_7(%arg0: i32) -> (i32, i32) {
    %c0_i32 = arith.constant 0 : i32
    %c0_i32_0 = arith.constant 0 : i32
    return %arg0, %c0_i32 : i32, i32
  }
  func.func @transform_8(%arg0: i32) -> (i32, i32) {
    %c0_i32 = arith.constant 0 : i32
    %c0_i32_0 = arith.constant 0 : i32
    return %arg0, %c0_i32 : i32, i32
  }
}

</mosaic_0001>

<sc_bundles>
// kernel: kernel.4.cloned.1.call-start
scs
__scs_entry_jumppad:
0x0: {  	(pc) =	sbr.rel $0x88, $3  }
0x1: {  	(tag) =	ssettag $0x0;
	lr =	simm.s32 $0x1  }
0x2: {  	[smem:$0x3F9C] =	sst lr;
	_ =	strace $0xD0000000  }
0x3: {  	_ = 	snop  }
0x4: {  	_ = 	snop  }
0x5: {  	_ = 	snop  }
0x6: {  	_ = 	snop  }
0x7: {  	_ = 	snop  }
__scs_overlays_trampoline_lowered:
0x8: {  	[smem:$0x3FAB] =	sst s0  }
0x9: {  	[smem:$0x3FAC] =	sst s1  }
0xa: {  	[smem:$0x3FAD] =	sst s2  }
0xb: {  	[smem:$0x3FAE] =	sst s3  }
0xc: {  	[smem:$0x3FAF] =	sst s4  }
0xd: {  	[smem:$0x3FB0] =	sst s5  }
0xe: {  	[smem:$0x3FB1] =	sst s6  }
0xf: {  	[smem:$0x3FB2] =	sst s7  }
0x10: {  	[smem:$0x3FB3] =	sst s8  }
0x11: {  	[smem:$0x3FB4] =	sst s9;
	s0 =	simm.s32 @!p0 $0x0  }
0x12: {  	s1 =	sld [smem:$0x3F9A];
	s0 =	simm.s32 @p0 $0x1  }
0x13: {  	[smem:$0x3FB5] =	sst s0;
	s0 =	simm.s32 @!p1 $0x0  }
0x14: {  	s2 =	sld [smem:$0x3F99];
	s0 =	simm.s32 @p1 $0x1  }
0x15: {  	[smem:$0x3FB6] =	sst s0;
	s0 =	simm.s32 @!p2 $0x0  }
0x16: {  	s3 =	sld [smem:$0x3FDB];
	s0 =	simm.s32 @p2 $0x1  }
0x17: {  	s4 =	simm.s32 $0x1BF5;
	[smem:$0x3FB8] =	sst s0  }
0x18: {  	s0 =	sld [smem:$0x3F9B];
	_ =	swait.ge [sflag:s4], $0x0  }
0x19: {  	s7 =	sld [smem:$0x3F9C]  }
0x1a: {  	s8 =	sadd.s32 $0xFFFFE003, lr  }
0x1b: {  	s9 =	sadd.s32 $0xFFFFFEF7, lr;
	s5 =	simm.s32 $0xFFFFFFFF;
	p2 =	slt.u32 s8, $0xFFFFF086  }
0x1c: {  	p1 =	slt.u32 s9, $0xF7A;
	s5 =	simm.s32 @!p2 $0x0  }
0x1d: {  	s5 =	simm.s32 @p1 $0x1;
	p0 =	seq.s32 s7, s2  }
0x1e: {  	s7 =	smul.u32 @!p0 $0xF7A, s2;
	p2 =	seq.s32 @!p0 s5, $0x0  }
0x1f: {  	s9 =	smul.u32 $0xF7A, s1;
	s8 =	simm.s32 @!p0 $0x1BF5;
	p2 =	por !p2, p0  }
0x20: {  	[sflag:s8] =	ssyncset.s32 @!p0 $0xFFFFF086;
	s6 =	sadd.s32 @!p0 s3, s7;
	s7 =	simm.s32 @!p0 $0x108  }
0x21: {  	s3 =	sadd.s32 s3, s9;
	s6 =	sadd.s32 @!p0 $0x88, s6;
	s7 =	simm.s32 @p2 $0x1082  }
0x22: {  	[simem:s7], [sflag:s8] =	dma.local @!p0 [hbm:s6], $0xF7A  }
0x23: {  	s9 =	sor.u32 $0xD0000000, s2;
	s6 =	simm.s32 $0x108;
	_ =	swait.ge @!p0 [sflag:s8], $0x0  }
0x24: {  	s3 =	sadd.s32 $0x88, s3;
	s6 =	simm.s32 @!p1 $0x1082;
	[sflag:s4] =	ssyncset.s32 $0xFFFFF086  }
0x25: {  	[simem:s6], [sflag:s4] =	dma.local [hbm:s3], $0xF7A  }
0x26: {  	[smem:$0x3F9C] =	sst s1;
	(tag) =	ssettag s2;
	_ =	strace s9  }
0x27: {  	s1 =	sld [smem:$0x3FAC]  }
0x28: {  	s2 =	sld [smem:$0x3FAD]  }
0x29: {  	s4 =	sld [smem:$0x3FAF]  }
0x2a: {  	p0 =	seq.s32 s5, $0x0;
	s5 =	sld [smem:$0x3FB0]  }
0x2b: {  	s6 =	sld [smem:$0x3FB1]  }
0x2c: {  	s7 =	sld [smem:$0x3FB2]  }
0x2d: {  	s3 =	simm.s32 $0x108;
	s8 =	sld [smem:$0x3FB3]  }
0x2e: {  	s3 =	simm.s32 @!p0 $0x1082;
	s9 =	sld [smem:$0x3FB4]  }
0x2f: {  	lr =	sadd.s32 s0, s3;
	s0 =	sld [smem:$0x3FAB]  }
0x30: {  	s3 =	sld [smem:$0x3FAE]  }
0x31: {  	[smem:$0x3FB7] =	sst s10  }
0x32: {  	s10 =	sld [smem:$0x3FB5];
	_ =	sdelay $0x3  }
0x33: {  	p0 =	seq.s32 s10, $0x1;
	s10 =	sld [smem:$0x3FB7];
	_ =	sdelay $0x3  }
0x34: {  	[smem:$0x3FB7] =	sst s10  }
0x35: {  	s10 =	sld [smem:$0x3FB6];
	_ =	sdelay $0x3  }
0x36: {  	p1 =	seq.s32 s10, $0x1;
	s10 =	sld [smem:$0x3FB7];
	_ =	sdelay $0x3  }
0x37: {  	[smem:$0x3FB7] =	sst s10  }
0x38: {  	s10 =	sld [smem:$0x3FB8]  }
0x39: {  	_ = 	snop;
	(pc) =	sbr.ind lr, $3  }
0x3a: {  	_ = 	snop  }
0x3b: {  	_ = 	snop  }
0x3c: {  	p2 =	seq.s32 s10, $0x1;
	s10 =	sld [smem:$0x3FB7]  }
0x3d: {  	_ =	shalt  }
0x3e: {  	_ =	shalt  }
0x3f: {  	_ =	shalt  }
0x40: {  	_ =	shalt  }
0x41: {  	_ =	shalt  }
0x42: {  	_ =	shalt  }
0x43: {  	_ =	shalt  }
0x44: {  	_ =	shalt  }
0x45: {  	_ =	shalt  }
0x46: {  	_ =	shalt  }
0x47: {  	_ =	shalt  }
0x48: {  	_ =	shalt  }
0x49: {  	_ =	shalt  }
0x4a: {  	_ =	shalt  }
0x4b: {  	_ =	shalt  }
0x4c: {  	_ =	shalt  }
0x4d: {  	_ =	shalt  }
0x4e: {  	_ =	shalt  }
0x4f: {  	_ =	shalt  }
0x50: {  	_ =	shalt  }
0x51: {  	_ =	shalt  }
0x52: {  	_ =	shalt  }
0x53: {  	_ =	shalt  }
0x54: {  	_ =	shalt  }
0x55: {  	_ =	shalt  }
0x56: {  	_ =	shalt  }
0x57: {  	_ =	shalt  }
0x58: {  	_ =	shalt  }
0x59: {  	_ =	shalt  }
0x5a: {  	_ =	shalt  }
0x5b: {  	_ =	shalt  }
0x5c: {  	_ =	shalt  }
0x5d: {  	_ =	shalt  }
0x5e: {  	_ =	shalt  }
0x5f: {  	_ =	shalt  }
0x60: {  	_ =	shalt  }
0x61: {  	_ =	shalt  }
0x62: {  	_ =	shalt  }
0x63: {  	_ =	shalt  }
0x64: {  	_ =	shalt  }
0x65: {  	_ =	shalt  }
0x66: {  	_ =	shalt  }
0x67: {  	_ =	shalt  }
0x68: {  	_ =	shalt  }
0x69: {  	_ =	shalt  }
0x6a: {  	_ =	shalt  }
0x6b: {  	_ =	shalt  }
0x6c: {  	_ =	shalt  }
0x6d: {  	_ =	shalt  }
0x6e: {  	_ =	shalt  }
0x6f: {  	_ =	shalt  }
0x70: {  	_ =	shalt  }
0x71: {  	_ =	shalt  }
0x72: {  	_ =	shalt  }
0x73: {  	_ =	shalt  }
0x74: {  	_ =	shalt  }
0x75: {  	_ =	shalt  }
0x76: {  	_ =	shalt  }
0x77: {  	_ =	shalt  }
0x78: {  	_ =	shalt  }
0x79: {  	_ =	shalt  }
0x7a: {  	_ =	shalt  }
0x7b: {  	_ =	shalt  }
0x7c: {  	_ =	shalt  }
0x7d: {  	_ =	shalt  }
0x7e: {  	_ =	shalt  }
0x7f: {  	_ =	shalt  }
0x80: {  	_ =	shalt  }
0x81: {  	_ =	shalt  }
0x82: {  	_ =	shalt  }
0x83: {  	_ =	shalt  }
0x84: {  	_ =	shalt  }
0x85: {  	_ =	shalt  }
0x86: {  	_ =	shalt  }
0x87: {  	_ =	shalt  }
.Lfunc_end0:
.L_simem_size_0:
called_computation_lowered:
.L_overlay_start_0:
0x88: {  	s2 =	sld [smem:$0x3FD9]  }
0x89: {  	s3 =	sld [smem:$0x3FFE];
	_ =	sdelay $0x1  }
0x8a: {  	s1 =	srdreg.scid  }
0x8b: {  	s0 =	sand.u32 $0x1, s1  }
0x8c: {  	s14 =	sshll.u32 s0, $0xA;
	s2 =	sadd.s32 s3, s2  }
0x8d: {  	s2 =	sadd.s32 s2, s14  }
0x8e: {  	[smem:$0x3FC3] =	sst s2  }
0x8f: {  	_ = 	snop  }
0x90: {  	s2 =	sld [smem:$0x3FD0];
	_ =	sdelay $0x2  }
0x91: {  	s15 =	simm.s32 $0xA;
	s4 =	simm.s32 $0x10  }
0x92: {  	[smem:s4], [sflag:s15] =	dma.local [hbm:s2], $0x1  }
0x93: {  	_ =	swait.eq [sflag:s15], $0x1  }
0x94: {  	[sflag:s15] =	ssyncset.done $0x0  }
0x95: {  	[sflag:s15] =	ssyncadd.s32 $0xFFFFFFFF  }
0x96: {  	s16 =	sld [smem:$0x11];
	(tm) =	ssettm $0x1  }
0x97: {  	s17 =	sld [smem:$0x3FFB];
	_ =	sdelay $0x3  }
0x98: {  	_ =	strace s17  }
0x99: {  	s3 =	sld [smem:$0x3FFC];
	_ =	sdelay $0x3  }
0x9a: {  	_ =	strace s3  }
0x9b: {  	s3 =	sld [smem:$0x3FFD];
	_ =	sdelay $0x3  }
0x9c: {  	_ =	strace s3  }
0x9d: {  	_ =	strace $0x8FFFFFFF  }
0x9e: {  	s18 =	sld [smem:$0x3FDB];
	_ =	sdelay $0x1  }
0x9f: {  	s19 =	simm.s32 $_scs_section_size  }
0xa0: {  	s5 =	simm.s32 $_size__tile_overlayer_lowered;
	s6 =	simm.s32 $_tile_overlayer_lowered  }
0xa1: {  	s22 =	simm.s32 $0x1BFF;
	s21 =	sshll.u32 s6, $0x1;
	s3 =	sadd.s32 s19, s18  }
0xa2: {  	s7 =	simm.s32 $0x0;
	s20 =	sshll.u32 s5, $0x1;
	s5 =	sadd.s32 s21, s3  }
0xa3: {  	[timem:s7], [sflag:s22] =	dma.local [hbm:s5], s20  }
0xa4: {  	_ =	swait.ge [sflag:s22], s20  }
0xa5: {  	s4 =	ssub.s32 $0x0, s20;
	[sflag:s22] =	ssyncset.done $0x0  }
0xa6: {  	[sflag:s22] =	ssyncadd.s32 s4;
	_ =	sdelay $0x1  }
0xa7: {  	s23 =	simm.s32 $0x1B8B  }
0xa8: {  	_ =	swait.ge [sflag:s23], $0x1  }
0xa9: {  	[sflag:s23] =	ssyncset.done $0x0  }
0xaa: {  	s25 =	simm.s32 $0x1B8E;
	s24 =	sld [smem:$0x3FFE];
	[sflag:s23] =	ssyncadd.s32 $0xFFFFFFFF  }
0xab: {  	s26 =	simm.s32 $execute0_lowered;
	[smem:$0x3FD2] =	sst s25  }
0xac: {  	s5 =	sshll.u32 s26, $0x1;
	_ =	strace $0x80000046;
	[dreg:$0x1] =	wrdreg $0xFFFFFFFF  }
0xad: {  	s28 =	simm.s32 $_size_execute0_lowered;
	s3 =	sadd.s32 s3, s5;
	[dreg:$0x0] =	wrdreg $0x0  }
0xae: {  	s5 =	sshll.u32 s28, $0x1;
	[dreg:$0x2] =	wrdreg s3  }
0xaf: {  	[dreg:$0x3] =	wrdreg s5  }
0xb0: {  	[dreg:$0x4] =	wrdreg $0xC0  }
0xb1: {  	_ =	task [dreg:s7], $0x5FFFF  }
0xb2: {  	[dreg:$0x1] =	wrdreg $0xFFFFFFFF  }
0xb3: {  	[dreg:$0x0] =	wrdreg $0x60  }
0xb4: {  	[dreg:$0x2] =	wrdreg s16  }
0xb5: {  	[dreg:$0x3] =	wrdreg s24  }
0xb6: {  	[dreg:$0x4] =	wrdreg $0x9  }
0xb7: {  	_ =	task.clear_ibuf [dreg:s7], $0x5FFFF;
	_ =	strace $0x90000046  }
0xb8: {  	s29 =	simm.s32 $0x9;
	_ =	strace $0x80000048  }
0xb9: {  	_ =	swait.ge [sflag:s29], $0x1  }
0xba: {  	[sflag:s29] =	ssyncadd.s32 $0xFFFFFFFF  }
0xbb: {  	_ =	strace $0x90000048  }
0xbc: {  	_ =	sfence  }
0xbd: {  	s30 =	sld [smem:$0x0];
	_ =	sdelay $0x2  }
0xbe: {  	s31 =	sshll.u32 s1, $0xD;
	s1 =	sshrl.u32 s1, $0x2  }
0xbf: {  	s3 =	sand.u32 $0x4000, s31;
	s1 =	sadd.s32 s1, s30  }
0xc0: {  	s0 =	sor.u32 s3, s0;
	s1 =	sshll.u32 s1, $0x11  }
0xc1: {  	s0 =	sor.u32 s1, s0  }
0xc2: {  	s0 =	sadd.s32 $0x8F2B, s0  }
0xc3: {  	[sflag:s0] =	ssyncadd.remote.s32 $0x1  }
0xc4: {  	_ =	sfence.sel $0xFFFF  }
0xc5: {  	[dreg:$0x0] =	wrdreg $0xFFFFFFFF;
	(pc) =	sbr.abs _section_cstart, $3  }
0xc6: {  	[dreg:$0x1] =	wrdreg $0xFFFFFFFF  }
0xc7: {  	_ =	task.clear_ibuf [dreg:s7], $0x2FFFF;
	_ =	strace $0x9FFFFFFF  }
0xc8: {  	(tm) =	ssettm $0x7FFFFFFF  }
0xc9: {  	_ =	shalt  }
tec
execute0_lowered:
.L_overlay_start_1:
0x0: {  	(tag) =	ssettag $0x1  }
0x1: {  	s1 =	rddreg [dreg:$0x0];
	s2 =	srdreg.scid  }
0x2: {  	s17 =	stileid.u32;
	s0 =	rddreg [dreg:$0x1]  }
0x3: {  	s28 =	simm.s32 $0x1;
	s29 =	simm.s32 $0x3;
	s30 =	simm.s32 $0x1C00  }
0x4: {  	s4 =	sand.u32 $0x1, s2;
	s3 =	sshll.u32 s17, $0x1;
	s2 =	simm.s32 $0x0  }
0x5: {  	s9 =	sadd.s32 $0xC5000, s0;
	s12 =	sadd.s32 $0xF6000, s0;
	s21 =	smul.u32 $0x7, s4  }
0x6: {  	s5 =	sor.u32 s4, s3;
	s24 =	ssub.s32 $0x2, s4;
	s4 =	smul.u32 $0x31000, s4  }
0x7: {  	s0 =	sadd.s32 $0x157584, s0;
	[smem:$0x7FF] =	sst s2;
	s6 =	smul.u32 $0x7, s5  }
0x8: {  	s31 =	simm.s32 $0x9400;
	_ =	strace $0x80000047;
	s8 =	smul.u32 $0x1880, s5  }
0x9: {  	s10 =	sshrl.u32 s24, $0x1;
	s26 =	smul.u32 $0x30E4, s5;
	p0 =	seq.s32 s5, $0x1F  }
0xa: {  	[dreg:$0xa] =	wrdreg s0;
	s10 =	ssub.s32 s24, s10;
	s24 =	smul.u32 $0x62000, s17  }
0xb: {  	s7 =	sadd.s32 $0x1, s6;
	s3 =	sadd.s32 s1, s8;
	s13 =	sadd.s32 s9, s8  }
0xc: {  	s15 =	sadd.s32 $0x700, s8;
	s19 =	sadd.s32 $0xA80, s8;
	s8 =	sadd.s32 $0xE00, s8  }
0xd: {  	s6 =	sadd.s32 $0x6, s6;
	s11 =	smul.u32 $0x380, s7;
	[dreg:$0x3] =	wrdreg s13  }
0xe: {  	s14 =	smul.u32 $0x6FC, s7;
	s7 =	sadd.s32 s12, s26;
	s16 =	sadd.s32 s1, s15  }
0xf: {  	s20 =	sadd.s32 s1, s19;
	s13 =	sadd.s32 s1, s8;
	[dreg:$0x6] =	wrdreg s16  }
0x10: {  	s4 =	sadd.s32 s4, s24;
	p1 =	sne.s32 s6, $0xDF;
	[dreg:$0x9] =	wrdreg s20  }
0x11: {  	s16 =	smul.u32 $0xE, s17;
	s17 =	sadd.s32 $0xDF8, s7;
	s20 =	sadd.s32 $0x1BF0, s7  }
0x12: {  	s25 =	sadd.s32 s1, s11;
	s11 =	sadd.s32 s9, s11;
	s18 =	sadd.s32 s12, s14  }
0x13: {  	[dreg:$0x5] =	wrdreg s11;
	s11 =	sadd.s32 s9, s15;
	s15 =	smul.u32 $0x188, s5  }
0x14: {  	s12 =	sadd.s32 s9, s19;
	s14 =	sadd.s32 s9, s8;
	s1 =	sadd.s32 s21, s16  }
0x15: {  	[dreg:$0x4] =	wrdreg s25;
	s1 =	smul.u32 $0x38, s1;
	s22 =	sadd.s32 $0x118, s15  }
0x16: {  	[dreg:$0x7] =	wrdreg s11;
	s23 =	sadd.s32 $0x150, s15;
	s8 =	smin.u32 s22, $0x3088  }
0x17: {  	s11 =	smin.u32 s23, $0x3088;
	s25 =	sadd.s32 $0x118, s1;
	s1 =	sadd.s32 $0x150, s1  }
0x18: {  	s8 =	sshll.u32 s8, $0x4;
	s11 =	sshll.u32 s11, $0x4;
	s1 =	smin.u32 s1, $0x3088  }
0x19: {  	s15 =	sadd.s32 s9, s8;
	s16 =	sadd.s32 s9, s11;
	s9 =	smin.u32 s25, $0x3088  }
0x1a: {  	s24 =	sadd.s32 $0x22EC, s7;
	s1 =	sshll.u32 s1, $0x9;
	s26 =	sshll.u32 s9, $0x9  }
0x1b: {  	s19 =	sadd.s32 $0x1180, s3;
	s1 =	ssub.s32 s4, s1;
	s8 =	ssub.s32 s4, s26  }
0x1c: {  	[dreg:$0x8] =	wrdreg s18;
	s1 =	sadd.s32 $0x31000, s1;
	s9 =	sadd.s32 $0x41000, s8  }
.Ltmp0:
0x1d: {  	s1 =	sshra.s32 s1, $0x2;
	s0 =	sshra.s32 s9, $0x2;
	(pc) =	sbr.rel .LBB2_1-.Ltmp0, $4  }
0x1e: {  	s23 =	smax.u32 s10, $0x1;
	s11 =	sadd.s32 $0x3800, s1;
	s10 =	sadd.s32 $0x3800, s0  }
0x1f: {  	s18 =	sadd.s32 $0x14F4, s7;
	s21 =	sadd.s32 $0x1500, s3;
	s5 =	simm.s32 $0x0;
	v1 =	vmov s11;
	v0 =	vmov s10  }
0x20: {  	s22 =	simm.s32 $0x2;
	s25 =	sadd.s32 $0x29E8, s7;
	s26 =	simm.s32 $0x3800  }
0x21: {  	s4 =	simm.s32 $0x4;
	s1 =	simm.s32 $0xF000;
	s0 =	simm.s32 $0x5  }
.LBB2_18:
0x22: {  	s8 =	sshra.s32 s8, $0x2  }
0x23: {  	[tilespmem:s8+$0x16000] =	vst v2  }
0x24: {  	v2 =	vld [tilespmem:s6+$0x0];
	_ =	sdelay $0x4  }
0x25: {  	s10 =	rddreg [dreg:$0xa];
	s11 =	simm.s32 $0x16000;
	[tilespmem:s8+$0x16010] =	vst v2  }
0x26: {  	[hbm4b:s10+s2] =	stream.linear.scatter [tilespmem:s11], [sflag:$0x5], $0x1BE0, $0x38;
	[tilespmem:$0x17C00] =	vst v63  }
0x27: {  	_ =	swait.ge [sflag:s0], $0x1BE0  }
0x28: {  	[sflag:s0] =	ssyncset.done $0x0  }
0x29: {  	[sflag:s0] =	ssyncadd.s32 $0xFFFFE420  }
.LBB2_19:
0x2a: {  	s5 =	sadd.s32 $0x1, s5  }
0x2b: {  	p2 =	sne.s32 s5, s23  }
.Ltmp1:
0x2c: {  	_ = 	snop;
	(pc) =	sbr.rel @!p2 .LBB2_20-.Ltmp1, $1  }
0x2d: {  	_ =	sdelay $0x3  }
.LBB2_1:
0x2e: {  	[tilespmem:s2], [sflag:$0x1] =	stream.linear.gather [hbm4b:s3+s2], $0x1C00, $0x38;
	[tilespmem:$0x17C00] =	vst v63  }
0x2f: {  	s6 =	rddreg [dreg:$0x3]  }
0x30: {  	[tilespmem:s26], [sflag:$0x3] =	stream.linear.gather [hbm4b:s6+s2], $0x3C00, $0x38;
	[tilespmem:$0x17C00] =	vst v63  }
0x31: {  	_ =	swait.ge [sflag:s28], $0x1C00  }
0x32: {  	[sflag:s28] =	ssyncset.done $0x0  }
0x33: {  	[sflag:s28] =	ssyncadd.s32 $0xFFFFE400  }
0x34: {  	_ =	swait.ge [sflag:s29], $0x3C00  }
0x35: {  	[sflag:s29] =	ssyncset.done $0x0  }
0x36: {  	s10 =	rddreg [dreg:$0x4];
	[sflag:s29] =	ssyncadd.s32 $0xFFFFC400  }
0x37: {  	[tilespmem:s30], [sflag:$0x2] =	stream.linear.gather [hbm4b:s10+s2], $0x1C00, $0x38;
	[tilespmem:$0x17C00] =	vst v63  }
0x38: {  	s8 =	simm.s32 $0x0;
	s11 =	rddreg [dreg:$0x5]  }
0x39: {  	[tilespmem:s31], [sflag:$0x4] =	stream.linear.gather [hbm4b:s11+s2], $0x3C00, $0x38;
	[tilespmem:$0x17C00] =	vst v63  }
0x3a: {  	v2 =	vld [tilespmem:s8+$0x0]  }
0x3b: {  	v3 =	vld [tilespmem:s8+$0x5400];
	_ =	sdelay $0x4  }
0x3c: {  	v3 =	vadd.f32 v3, v2  }
0x3d: {  	s6 =	simm.s32 $0xF080  }
0x3e: {  	[tilespmem:s6+$0xFFFFFF80] =	vst v3  }
0x3f: {  	v3 =	vld [tilespmem:s8+$0x3820];
	_ =	sdelay $0x4  }
0x40: {  	v2 =	vadd.f32 v3, v2;
	_ =	sdelay $0x1  }
0x41: {  	[tilespmem:s6+$0xFFFFFFA0] =	vst v2  }
0x42: {  	v2 =	vld [tilespmem:s8+$0x10]  }
0x43: {  	v3 =	vld [tilespmem:s8+$0x5410];
	_ =	sdelay $0x4  }
0x44: {  	v3 =	vadd.f32 v3, v2;
	_ =	sdelay $0x1  }
0x45: {  	[tilespmem:s6+$0xFFFFFF90] =	vst v3  }
0x46: {  	v3 =	vld [tilespmem:s8+$0x3830];
	_ =	sdelay $0x4  }
0x47: {  	v2 =	vadd.f32 v3, v2;
	_ =	sdelay $0x1  }
0x48: {  	[tilespmem:s6+$0xFFFFFFB0] =	vst v2  }
0x49: {  	v2 =	vld [tilespmem:s8+$0x20]  }
0x4a: {  	v3 =	vld [tilespmem:s8+$0x5420];
	_ =	sdelay $0x4  }
0x4b: {  	v3 =	vadd.f32 v3, v2;
	_ =	sdelay $0x1  }
0x4c: {  	[tilespmem:s6+$0xFFFFFFC0] =	vst v3  }
0x4d: {  	v3 =	vld [tilespmem:s8+$0x3840];
	_ =	sdelay $0x4  }
0x4e: {  	v2 =	vadd.f32 v3, v2;
	_ =	sdelay $0x1  }
0x4f: {  	[tilespmem:s6+$0xFFFFFFE0] =	vst v2  }
0x50: {  	v2 =	vld [tilespmem:s8+$0x30]  }
0x51: {  	v3 =	vld [tilespmem:s8+$0x5430];
	_ =	sdelay $0x4  }
0x52: {  	v3 =	vadd.f32 v3, v2;
	_ =	sdelay $0x1  }
0x53: {  	[tilespmem:s6+$0xFFFFFFD0] =	vst v3  }
0x54: {  	v3 =	vld [tilespmem:s8+$0x3850];
	_ =	sdelay $0x4  }
0x55: {  	v2 =	vadd.f32 v3, v2;
	_ =	sdelay $0x1  }
0x56: {  	[tilespmem:s6+$0xFFFFFFF0] =	vst v2  }
0x57: {  	v2 =	vld [tilespmem:s8+$0x40]  }
0x58: {  	v3 =	vld [tilespmem:s8+$0x5440];
	_ =	sdelay $0x4  }
0x59: {  	v3 =	vadd.f32 v3, v2;
	_ =	sdelay $0x1  }
0x5a: {  	[tilespmem:s6+$0x0] =	vst v3  }
0x5b: {  	v3 =	vld [tilespmem:s8+$0x3860];
	_ =	sdelay $0x4  }
0x5c: {  	v2 =	vadd.f32 v3, v2;
	_ =	sdelay $0x1  }
0x5d: {  	[tilespmem:s6+$0x20] =	vst v2  }
0x5e: {  	v2 =	vld [tilespmem:s8+$0x50]  }
0x5f: {  	v3 =	vld [tilespmem:s8+$0x5450];
	_ =	sdelay $0x4  }
0x60: {  	v3 =	vadd.f32 v3, v2;
	_ =	sdelay $0x1  }
0x61: {  	[tilespmem:s6+$0x10] =	vst v3  }
0x62: {  	v3 =	vld [tilespmem:s8+$0x3870];
	_ =	sdelay $0x4  }
0x63: {  	v2 =	vadd.f32 v3, v2;
	_ =	sdelay $0x1  }
0x64: {  	[tilespmem:s6+$0x30] =	vst v2  }
0x65: {  	v2 =	vld [tilespmem:s8+$0x60]  }
0x66: {  	v3 =	vld [tilespmem:s8+$0x5460];
	_ =	sdelay $0x4  }
0x67: {  	v3 =	vadd.f32 v3, v2;
	_ =	sdelay $0x1  }
0x68: {  	[tilespmem:s6+$0x40] =	vst v3  }
0x69: {  	v3 =	vld [tilespmem:s8+$0x3880];
	_ =	sdelay $0x4  }
0x6a: {  	v2 =	vadd.f32 v3, v2;
	_ =	sdelay $0x1  }
0x6b: {  	[tilespmem:s6+$0x60] =	vst v2  }
0x6c: {  	v2 =	vld [tilespmem:s8+$0x70]  }
0x6d: {  	v3 =	vld [tilespmem:s8+$0x5470];
	_ =	sdelay $0x4  }
0x6e: {  	s9 =	simm.s32 $0x200;
	s10 =	simm.s32 $0xF080;
	v3 =	vadd.f32 v3, v2  }
.LBB2_2:
0x6f: {  	p2 =	sne.s32 s9, $0x6E00  }
0x70: {  	s10 =	sadd.s32 $0x100, s10;
	s11 =	smov.u32 s9;
	s9 =	sadd.s32 $0x200, s9;
	[tilespmem:s6+$0x50] =	vst v3  }
0x71: {  	v3 =	vld [tilespmem:s8+$0x3890];
	_ =	sdelay $0x4  }
0x72: {  	v2 =	vadd.f32 v3, v2;
	_ =	sdelay $0x1  }
0x73: {  	s8 =	sshra.s32 s11, $0x2;
	[tilespmem:s6+$0x70] =	vst v2;
	s6 =	smov.u32 s10  }
0x74: {  	v2 =	vld [tilespmem:s8+$0x0]  }
0x75: {  	v3 =	vld [tilespmem:s8+$0x5400];
	_ =	sdelay $0x4  }
0x76: {  	v3 =	vadd.f32 v3, v2;
	_ =	sdelay $0x1  }
0x77: {  	[tilespmem:s10+$0xFFFFFF80] =	vst v3  }
0x78: {  	v3 =	vld [tilespmem:s8+$0x3820];
	_ =	sdelay $0x4  }
0x79: {  	v2 =	vadd.f32 v3, v2;
	_ =	sdelay $0x1  }
0x7a: {  	[tilespmem:s10+$0xFFFFFFA0] =	vst v2  }
0x7b: {  	v2 =	vld [tilespmem:s8+$0x10]  }
0x7c: {  	v3 =	vld [tilespmem:s8+$0x5410];
	_ =	sdelay $0x4  }
0x7d: {  	v3 =	vadd.f32 v3, v2;
	_ =	sdelay $0x1  }
0x7e: {  	[tilespmem:s10+$0xFFFFFF90] =	vst v3  }
0x7f: {  	v3 =	vld [tilespmem:s8+$0x3830];
	_ =	sdelay $0x4  }
0x80: {  	v2 =	vadd.f32 v3, v2;
	_ =	sdelay $0x1  }
0x81: {  	[tilespmem:s10+$0xFFFFFFB0] =	vst v2  }
0x82: {  	v2 =	vld [tilespmem:s8+$0x20]  }
0x83: {  	v3 =	vld [tilespmem:s8+$0x5420];
	_ =	sdelay $0x4  }
0x84: {  	v3 =	vadd.f32 v3, v2;
	_ =	sdelay $0x1  }
0x85: {  	[tilespmem:s10+$0xFFFFFFC0] =	vst v3  }
0x86: {  	v3 =	vld [tilespmem:s8+$0x3840];
	_ =	sdelay $0x4  }
0x87: {  	v2 =	vadd.f32 v3, v2;
	_ =	sdelay $0x1  }
0x88: {  	[tilespmem:s10+$0xFFFFFFE0] =	vst v2  }
0x89: {  	v2 =	vld [tilespmem:s8+$0x30]  }
0x8a: {  	v3 =	vld [tilespmem:s8+$0x5430];
	_ =	sdelay $0x4  }
0x8b: {  	v3 =	vadd.f32 v3, v2;
	_ =	sdelay $0x1  }
0x8c: {  	[tilespmem:s10+$0xFFFFFFD0] =	vst v3  }
0x8d: {  	v3 =	vld [tilespmem:s8+$0x3850];
	_ =	sdelay $0x4  }
0x8e: {  	v2 =	vadd.f32 v3, v2;
	_ =	sdelay $0x1  }
0x8f: {  	[tilespmem:s10+$0xFFFFFFF0] =	vst v2  }
0x90: {  	v2 =	vld [tilespmem:s8+$0x40]  }
0x91: {  	v3 =	vld [tilespmem:s8+$0x5440];
	_ =	sdelay $0x4  }
0x92: {  	v3 =	vadd.f32 v3, v2;
	_ =	sdelay $0x1  }
0x93: {  	[tilespmem:s10+$0x0] =	vst v3  }
0x94: {  	v3 =	vld [tilespmem:s8+$0x3860];
	_ =	sdelay $0x4  }
0x95: {  	v2 =	vadd.f32 v3, v2;
	_ =	sdelay $0x1  }
0x96: {  	[tilespmem:s10+$0x20] =	vst v2  }
0x97: {  	v2 =	vld [tilespmem:s8+$0x50]  }
0x98: {  	v3 =	vld [tilespmem:s8+$0x5450];
	_ =	sdelay $0x4  }
0x99: {  	v3 =	vadd.f32 v3, v2;
	_ =	sdelay $0x1  }
0x9a: {  	[tilespmem:s10+$0x10] =	vst v3  }
0x9b: {  	v3 =	vld [tilespmem:s8+$0x3870];
	_ =	sdelay $0x4  }
0x9c: {  	v2 =	vadd.f32 v3, v2;
	_ =	sdelay $0x1  }
0x9d: {  	[tilespmem:s10+$0x30] =	vst v2  }
0x9e: {  	v2 =	vld [tilespmem:s8+$0x60]  }
0x9f: {  	v3 =	vld [tilespmem:s8+$0x5460];
	_ =	sdelay $0x4  }
0xa0: {  	v3 =	vadd.f32 v3, v2;
	_ =	sdelay $0x1  }
0xa1: {  	[tilespmem:s10+$0x40] =	vst v3  }
0xa2: {  	v3 =	vld [tilespmem:s8+$0x3880];
	_ =	sdelay $0x4  }
0xa3: {  	v2 =	vadd.f32 v3, v2;
	_ =	sdelay $0x1  }
0xa4: {  	[tilespmem:s10+$0x60] =	vst v2  }
0xa5: {  	v2 =	vld [tilespmem:s8+$0x70]  }
0xa6: {  	v3 =	vld [tilespmem:s8+$0x5470]  }
.Ltmp2:
0xa7: {  	(pc) =	sbr.rel @p2 .LBB2_2-.Ltmp2, $2  }
0xa8: {  	_ =	sdelay $0x2  }
0xa9: {  	v3 =	vadd.f32 v3, v2  }
0xaa: {  	_ = 	snop  }
0xab: {  	[tilespmem:s6+$0x50] =	vst v3  }
0xac: {  	v3 =	vld [tilespmem:s8+$0x3890];
	_ =	sdelay $0x4  }
0xad: {  	v2 =	vadd.f32 v3, v2;
	_ =	sdelay $0x1  }
0xae: {  	s9 =	simm.s32 $0x0;
	[tilespmem:s6+$0x70] =	vst v2  }
0xaf: {  	[hbm4b:s7+s9] =	stream.linear.scatter [tilespmem:s1], [sflag:$0x5], $0x37E0, $0x38;
	[tilespmem:$0x17C00] =	vst v63  }
0xb0: {  	_ =	swait.ge [sflag:s0], $0x37E0  }
0xb1: {  	[sflag:s0] =	ssyncset.done $0x0  }
0xb2: {  	[sflag:s0] =	ssyncadd.s32 $0xFFFFC820  }
0xb3: {  	_ =	swait.ge [sflag:s22], $0x1C00  }
0xb4: {  	[sflag:s22] =	ssyncset.done $0x0  }
0xb5: {  	[sflag:s22] =	ssyncadd.s32 $0xFFFFE400  }
0xb6: {  	_ =	swait.ge [sflag:s4], $0x3C00  }
0xb7: {  	[sflag:s4] =	ssyncset.done $0x0  }
0xb8: {  	s10 =	rddreg [dreg:$0x6];
	[sflag:s4] =	ssyncadd.s32 $0xFFFFC400  }
0xb9: {  	[tilespmem:s9], [sflag:$0x1] =	stream.linear.gather [hbm4b:s10+s9], $0x1C00, $0x38;
	[tilespmem:$0x17C00] =	vst v63  }
0xba: {  	s8 =	simm.s32 $0x0;
	s11 =	rddreg [dreg:$0x7]  }
0xbb: {  	[tilespmem:s26], [sflag:$0x3] =	stream.linear.gather [hbm4b:s11+s9], $0x3C00, $0x38;
	[tilespmem:$0x17C00] =	vst v63  }
0xbc: {  	v2 =	vld [tilespmem:s8+$0x1C00]  }
0xbd: {  	v3 =	vld [tilespmem:s8+$0xB000];
	_ =	sdelay $0x4  }
0xbe: {  	v3 =	vadd.f32 v3, v2  }
0xbf: {  	s6 =	simm.s32 $0xF080  }
0xc0: {  	[tilespmem:s6+$0xFFFFFF80] =	vst v3  }
0xc1: {  	v3 =	vld [tilespmem:s8+$0x9420];
	_ =	sdelay $0x4  }
0xc2: {  	v2 =	vadd.f32 v3, v2;
	_ =	sdelay $0x1  }
0xc3: {  	[tilespmem:s6+$0xFFFFFFA0] =	vst v2  }
0xc4: {  	v2 =	vld [tilespmem:s8+$0x1C10]  }
0xc5: {  	v3 =	vld [tilespmem:s8+$0xB010];
	_ =	sdelay $0x4  }
0xc6: {  	v3 =	vadd.f32 v3, v2;
	_ =	sdelay $0x1  }
0xc7: {  	[tilespmem:s6+$0xFFFFFF90] =	vst v3  }
0xc8: {  	v3 =	vld [tilespmem:s8+$0x9430];
	_ =	sdelay $0x4  }
0xc9: {  	v2 =	vadd.f32 v3, v2;
	_ =	sdelay $0x1  }
0xca: {  	[tilespmem:s6+$0xFFFFFFB0] =	vst v2  }
0xcb: {  	v2 =	vld [tilespmem:s8+$0x1C20]  }
0xcc: {  	v3 =	vld [tilespmem:s8+$0xB020];
	_ =	sdelay $0x4  }
0xcd: {  	v3 =	vadd.f32 v3, v2;
	_ =	sdelay $0x1  }
0xce: {  	[tilespmem:s6+$0xFFFFFFC0] =	vst v3  }
0xcf: {  	v3 =	vld [tilespmem:s8+$0x9440];
	_ =	sdelay $0x4  }
0xd0: {  	v2 =	vadd.f32 v3, v2;
	_ =	sdelay $0x1  }
0xd1: {  	[tilespmem:s6+$0xFFFFFFE0] =	vst v2  }
0xd2: {  	v2 =	vld [tilespmem:s8+$0x1C30]  }
0xd3: {  	v3 =	vld [tilespmem:s8+$0xB030];
	_ =	sdelay $0x4  }
0xd4: {  	v3 =	vadd.f32 v3, v2;
	_ =	sdelay $0x1  }
0xd5: {  	[tilespmem:s6+$0xFFFFFFD0] =	vst v3  }
0xd6: {  	v3 =	vld [tilespmem:s8+$0x9450];
	_ =	sdelay $0x4  }
0xd7: {  	v2 =	vadd.f32 v3, v2;
	_ =	sdelay $0x1  }
0xd8: {  	[tilespmem:s6+$0xFFFFFFF0] =	vst v2  }
0xd9: {  	v2 =	vld [tilespmem:s8+$0x1C40]  }
0xda: {  	v3 =	vld [tilespmem:s8+$0xB040];
	_ =	sdelay $0x4  }
0xdb: {  	v3 =	vadd.f32 v3, v2;
	_ =	sdelay $0x1  }
0xdc: {  	[tilespmem:s6+$0x0] =	vst v3  }
0xdd: {  	v3 =	vld [tilespmem:s8+$0x9460];
	_ =	sdelay $0x4  }
0xde: {  	v2 =	vadd.f32 v3, v2;
	_ =	sdelay $0x1  }
0xdf: {  	[tilespmem:s6+$0x20] =	vst v2  }
0xe0: {  	v2 =	vld [tilespmem:s8+$0x1C50]  }
0xe1: {  	v3 =	vld [tilespmem:s8+$0xB050];
	_ =	sdelay $0x4  }
0xe2: {  	v3 =	vadd.f32 v3, v2;
	_ =	sdelay $0x1  }
0xe3: {  	[tilespmem:s6+$0x10] =	vst v3  }
0xe4: {  	v3 =	vld [tilespmem:s8+$0x9470];
	_ =	sdelay $0x4  }
0xe5: {  	v2 =	vadd.f32 v3, v2;
	_ =	sdelay $0x1  }
0xe6: {  	[tilespmem:s6+$0x30] =	vst v2  }
0xe7: {  	v2 =	vld [tilespmem:s8+$0x1C60]  }
0xe8: {  	v3 =	vld [tilespmem:s8+$0xB060];
	_ =	sdelay $0x4  }
0xe9: {  	v3 =	vadd.f32 v3, v2;
	_ =	sdelay $0x1  }
0xea: {  	[tilespmem:s6+$0x40] =	vst v3  }
0xeb: {  	v3 =	vld [tilespmem:s8+$0x9480];
	_ =	sdelay $0x4  }
0xec: {  	v2 =	vadd.f32 v3, v2;
	_ =	sdelay $0x1  }
0xed: {  	[tilespmem:s6+$0x60] =	vst v2  }
0xee: {  	v2 =	vld [tilespmem:s8+$0x1C70]  }
0xef: {  	v3 =	vld [tilespmem:s8+$0xB070];
	_ =	sdelay $0x4  }
0xf0: {  	s10 =	simm.s32 $0xF080;
	s9 =	simm.s32 $0x200;
	v3 =	vadd.f32 v3, v2  }
.LBB2_4:
0xf1: {  	p2 =	sne.s32 s9, $0x6E00  }
0xf2: {  	s10 =	sadd.s32 $0x100, s10;
	s11 =	smov.u32 s9;
	s9 =	sadd.s32 $0x200, s9;
	[tilespmem:s6+$0x50] =	vst v3  }
0xf3: {  	v3 =	vld [tilespmem:s8+$0x9490];
	_ =	sdelay $0x4  }
0xf4: {  	v2 =	vadd.f32 v3, v2;
	_ =	sdelay $0x1  }
0xf5: {  	s8 =	sshra.s32 s11, $0x2;
	[tilespmem:s6+$0x70] =	vst v2;
	s6 =	smov.u32 s10  }
0xf6: {  	v2 =	vld [tilespmem:s8+$0x1C00]  }
0xf7: {  	v3 =	vld [tilespmem:s8+$0xB000];
	_ =	sdelay $0x4  }
0xf8: {  	v3 =	vadd.f32 v3, v2;
	_ =	sdelay $0x1  }
0xf9: {  	[tilespmem:s10+$0xFFFFFF80] =	vst v3  }
0xfa: {  	v3 =	vld [tilespmem:s8+$0x9420];
	_ =	sdelay $0x4  }
0xfb: {  	v2 =	vadd.f32 v3, v2;
	_ =	sdelay $0x1  }
0xfc: {  	[tilespmem:s10+$0xFFFFFFA0] =	vst v2  }
0xfd: {  	v2 =	vld [tilespmem:s8+$0x1C10]  }
0xfe: {  	v3 =	vld [tilespmem:s8+$0xB010];
	_ =	sdelay $0x4  }
0xff: {  	v3 =	vadd.f32 v3, v2;
	_ =	sdelay $0x1  }
0x100: {  	[tilespmem:s10+$0xFFFFFF90] =	vst v3  }
0x101: {  	v3 =	vld [tilespmem:s8+$0x9430];
	_ =	sdelay $0x4  }
0x102: {  	v2 =	vadd.f32 v3, v2;
	_ =	sdelay $0x1  }
0x103: {  	[tilespmem:s10+$0xFFFFFFB0] =	vst v2  }
0x104: {  	v2 =	vld [tilespmem:s8+$0x1C20]  }
0x105: {  	v3 =	vld [tilespmem:s8+$0xB020];
	_ =	sdelay $0x4  }
0x106: {  	v3 =	vadd.f32 v3, v2;
	_ =	sdelay $0x1  }
0x107: {  	[tilespmem:s10+$0xFFFFFFC0] =	vst v3  }
0x108: {  	v3 =	vld [tilespmem:s8+$0x9440];
	_ =	sdelay $0x4  }
0x109: {  	v2 =	vadd.f32 v3, v2;
	_ =	sdelay $0x1  }
0x10a: {  	[tilespmem:s10+$0xFFFFFFE0] =	vst v2  }
0x10b: {  	v2 =	vld [tilespmem:s8+$0x1C30]  }
0x10c: {  	v3 =	vld [tilespmem:s8+$0xB030];
	_ =	sdelay $0x4  }
0x10d: {  	v3 =	vadd.f32 v3, v2;
	_ =	sdelay $0x1  }
0x10e: {  	[tilespmem:s10+$0xFFFFFFD0] =	vst v3  }
0x10f: {  	v3 =	vld [tilespmem:s8+$0x9450];
	_ =	sdelay $0x4  }
0x110: {  	v2 =	vadd.f32 v3, v2;
	_ =	sdelay $0x1  }
0x111: {  	[tilespmem:s10+$0xFFFFFFF0] =	vst v2  }
0x112: {  	v2 =	vld [tilespmem:s8+$0x1C40]  }
0x113: {  	v3 =	vld [tilespmem:s8+$0xB040];
	_ =	sdelay $0x4  }
0x114: {  	v3 =	vadd.f32 v3, v2;
	_ =	sdelay $0x1  }
0x115: {  	[tilespmem:s10+$0x0] =	vst v3  }
0x116: {  	v3 =	vld [tilespmem:s8+$0x9460];
	_ =	sdelay $0x4  }
0x117: {  	v2 =	vadd.f32 v3, v2;
	_ =	sdelay $0x1  }
0x118: {  	[tilespmem:s10+$0x20] =	vst v2  }
0x119: {  	v2 =	vld [tilespmem:s8+$0x1C50]  }
0x11a: {  	v3 =	vld [tilespmem:s8+$0xB050];
	_ =	sdelay $0x4  }
0x11b: {  	v3 =	vadd.f32 v3, v2;
	_ =	sdelay $0x1  }
0x11c: {  	[tilespmem:s10+$0x10] =	vst v3  }
0x11d: {  	v3 =	vld [tilespmem:s8+$0x9470];
	_ =	sdelay $0x4  }
0x11e: {  	v2 =	vadd.f32 v3, v2;
	_ =	sdelay $0x1  }
0x11f: {  	[tilespmem:s10+$0x30] =	vst v2  }
0x120: {  	v2 =	vld [tilespmem:s8+$0x1C60]  }
0x121: {  	v3 =	vld [tilespmem:s8+$0xB060];
	_ =	sdelay $0x4  }
0x122: {  	v3 =	vadd.f32 v3, v2;
	_ =	sdelay $0x1  }
0x123: {  	[tilespmem:s10+$0x40] =	vst v3  }
0x124: {  	v3 =	vld [tilespmem:s8+$0x9480];
	_ =	sdelay $0x4  }
0x125: {  	v2 =	vadd.f32 v3, v2;
	_ =	sdelay $0x1  }
0x126: {  	[tilespmem:s10+$0x60] =	vst v2  }
0x127: {  	v2 =	vld [tilespmem:s8+$0x1C70]  }
0x128: {  	v3 =	vld [tilespmem:s8+$0xB070]  }
.Ltmp3:
0x129: {  	(pc) =	sbr.rel @p2 .LBB2_4-.Ltmp3, $2  }
0x12a: {  	_ =	sdelay $0x2  }
0x12b: {  	v3 =	vadd.f32 v3, v2  }
0x12c: {  	_ = 	snop  }
0x12d: {  	[tilespmem:s6+$0x50] =	vst v3  }
0x12e: {  	v3 =	vld [tilespmem:s8+$0x9490];
	_ =	sdelay $0x4  }
0x12f: {  	v2 =	vadd.f32 v3, v2;
	_ =	sdelay $0x1  }
0x130: {  	s9 =	simm.s32 $0x0;
	s10 =	rddreg [dreg:$0x8];
	[tilespmem:s6+$0x70] =	vst v2  }
0x131: {  	[hbm4b:s10+s9] =	stream.linear.scatter [tilespmem:s1], [sflag:$0x5], $0x37E0, $0x38;
	[tilespmem:$0x17C00] =	vst v63  }
0x132: {  	_ =	swait.ge [sflag:s0], $0x37E0  }
0x133: {  	[sflag:s0] =	ssyncset.done $0x0  }
0x134: {  	[sflag:s0] =	ssyncadd.s32 $0xFFFFC820  }
0x135: {  	_ =	swait.ge [sflag:s28], $0x1C00  }
0x136: {  	[sflag:s28] =	ssyncset.done $0x0  }
0x137: {  	[sflag:s28] =	ssyncadd.s32 $0xFFFFE400  }
0x138: {  	_ =	swait.ge [sflag:s29], $0x3C00  }
0x139: {  	[sflag:s29] =	ssyncset.done $0x0  }
0x13a: {  	s11 =	rddreg [dreg:$0x9];
	[sflag:s29] =	ssyncadd.s32 $0xFFFFC400  }
0x13b: {  	[tilespmem:s30], [sflag:$0x2] =	stream.linear.gather [hbm4b:s11+s9], $0x1C00, $0x38;
	[tilespmem:$0x17C00] =	vst v63  }
0x13c: {  	s8 =	simm.s32 $0x0  }
0x13d: {  	[tilespmem:s31], [sflag:$0x4] =	stream.linear.gather [hbm4b:s12+s9], $0x3C00, $0x38;
	[tilespmem:$0x17C00] =	vst v63  }
0x13e: {  	v2 =	vld [tilespmem:s8+$0x0]  }
0x13f: {  	v3 =	vld [tilespmem:s8+$0x5400];
	_ =	sdelay $0x4  }
0x140: {  	v3 =	vadd.f32 v3, v2  }
0x141: {  	s6 =	simm.s32 $0xF080  }
0x142: {  	[tilespmem:s6+$0xFFFFFF80] =	vst v3  }
0x143: {  	v3 =	vld [tilespmem:s8+$0x3820];
	_ =	sdelay $0x4  }
0x144: {  	v2 =	vadd.f32 v3, v2;
	_ =	sdelay $0x1  }
0x145: {  	[tilespmem:s6+$0xFFFFFFA0] =	vst v2  }
0x146: {  	v2 =	vld [tilespmem:s8+$0x10]  }
0x147: {  	v3 =	vld [tilespmem:s8+$0x5410];
	_ =	sdelay $0x4  }
0x148: {  	v3 =	vadd.f32 v3, v2;
	_ =	sdelay $0x1  }
0x149: {  	[tilespmem:s6+$0xFFFFFF90] =	vst v3  }
0x14a: {  	v3 =	vld [tilespmem:s8+$0x3830];
	_ =	sdelay $0x4  }
0x14b: {  	v2 =	vadd.f32 v3, v2;
	_ =	sdelay $0x1  }
0x14c: {  	[tilespmem:s6+$0xFFFFFFB0] =	vst v2  }
0x14d: {  	v2 =	vld [tilespmem:s8+$0x20]  }
0x14e: {  	v3 =	vld [tilespmem:s8+$0x5420];
	_ =	sdelay $0x4  }
0x14f: {  	v3 =	vadd.f32 v3, v2;
	_ =	sdelay $0x1  }
0x150: {  	[tilespmem:s6+$0xFFFFFFC0] =	vst v3  }
0x151: {  	v3 =	vld [tilespmem:s8+$0x3840];
	_ =	sdelay $0x4  }
0x152: {  	v2 =	vadd.f32 v3, v2;
	_ =	sdelay $0x1  }
0x153: {  	[tilespmem:s6+$0xFFFFFFE0] =	vst v2  }
0x154: {  	v2 =	vld [tilespmem:s8+$0x30]  }
0x155: {  	v3 =	vld [tilespmem:s8+$0x5430];
	_ =	sdelay $0x4  }
0x156: {  	v3 =	vadd.f32 v3, v2;
	_ =	sdelay $0x1  }
0x157: {  	[tilespmem:s6+$0xFFFFFFD0] =	vst v3  }
0x158: {  	v3 =	vld [tilespmem:s8+$0x3850];
	_ =	sdelay $0x4  }
0x159: {  	v2 =	vadd.f32 v3, v2;
	_ =	sdelay $0x1  }
0x15a: {  	[tilespmem:s6+$0xFFFFFFF0] =	vst v2  }
0x15b: {  	v2 =	vld [tilespmem:s8+$0x40]  }
0x15c: {  	v3 =	vld [tilespmem:s8+$0x5440];
	_ =	sdelay $0x4  }
0x15d: {  	v3 =	vadd.f32 v3, v2;
	_ =	sdelay $0x1  }
0x15e: {  	[tilespmem:s6+$0x0] =	vst v3  }
0x15f: {  	v3 =	vld [tilespmem:s8+$0x3860];
	_ =	sdelay $0x4  }
0x160: {  	v2 =	vadd.f32 v3, v2;
	_ =	sdelay $0x1  }
0x161: {  	[tilespmem:s6+$0x20] =	vst v2  }
0x162: {  	v2 =	vld [tilespmem:s8+$0x50]  }
0x163: {  	v3 =	vld [tilespmem:s8+$0x5450];
	_ =	sdelay $0x4  }
0x164: {  	v3 =	vadd.f32 v3, v2;
	_ =	sdelay $0x1  }
0x165: {  	[tilespmem:s6+$0x10] =	vst v3  }
0x166: {  	v3 =	vld [tilespmem:s8+$0x3870];
	_ =	sdelay $0x4  }
0x167: {  	v2 =	vadd.f32 v3, v2;
	_ =	sdelay $0x1  }
0x168: {  	[tilespmem:s6+$0x30] =	vst v2  }
0x169: {  	v2 =	vld [tilespmem:s8+$0x60]  }
0x16a: {  	v3 =	vld [tilespmem:s8+$0x5460];
	_ =	sdelay $0x4  }
0x16b: {  	v3 =	vadd.f32 v3, v2;
	_ =	sdelay $0x1  }
0x16c: {  	[tilespmem:s6+$0x40] =	vst v3  }
0x16d: {  	v3 =	vld [tilespmem:s8+$0x3880];
	_ =	sdelay $0x4  }
0x16e: {  	v2 =	vadd.f32 v3, v2;
	_ =	sdelay $0x1  }
0x16f: {  	[tilespmem:s6+$0x60] =	vst v2  }
0x170: {  	v2 =	vld [tilespmem:s8+$0x70]  }
0x171: {  	v3 =	vld [tilespmem:s8+$0x5470];
	_ =	sdelay $0x4  }
0x172: {  	s10 =	simm.s32 $0xF080;
	s9 =	simm.s32 $0x200;
	v3 =	vadd.f32 v3, v2  }
.LBB2_6:
0x173: {  	p2 =	sne.s32 s9, $0x6E00  }
0x174: {  	s10 =	sadd.s32 $0x100, s10;
	s11 =	smov.u32 s9;
	s9 =	sadd.s32 $0x200, s9;
	[tilespmem:s6+$0x50] =	vst v3  }
0x175: {  	v3 =	vld [tilespmem:s8+$0x3890];
	_ =	sdelay $0x4  }
0x176: {  	v2 =	vadd.f32 v3, v2;
	_ =	sdelay $0x1  }
0x177: {  	s8 =	sshra.s32 s11, $0x2;
	[tilespmem:s6+$0x70] =	vst v2;
	s6 =	smov.u32 s10  }
0x178: {  	v2 =	vld [tilespmem:s8+$0x0]  }
0x179: {  	v3 =	vld [tilespmem:s8+$0x5400];
	_ =	sdelay $0x4  }
0x17a: {  	v3 =	vadd.f32 v3, v2;
	_ =	sdelay $0x1  }
0x17b: {  	[tilespmem:s10+$0xFFFFFF80] =	vst v3  }
0x17c: {  	v3 =	vld [tilespmem:s8+$0x3820];
	_ =	sdelay $0x4  }
0x17d: {  	v2 =	vadd.f32 v3, v2;
	_ =	sdelay $0x1  }
0x17e: {  	[tilespmem:s10+$0xFFFFFFA0] =	vst v2  }
0x17f: {  	v2 =	vld [tilespmem:s8+$0x10]  }
0x180: {  	v3 =	vld [tilespmem:s8+$0x5410];
	_ =	sdelay $0x4  }
0x181: {  	v3 =	vadd.f32 v3, v2;
	_ =	sdelay $0x1  }
0x182: {  	[tilespmem:s10+$0xFFFFFF90] =	vst v3  }
0x183: {  	v3 =	vld [tilespmem:s8+$0x3830];
	_ =	sdelay $0x4  }
0x184: {  	v2 =	vadd.f32 v3, v2;
	_ =	sdelay $0x1  }
0x185: {  	[tilespmem:s10+$0xFFFFFFB0] =	vst v2  }
0x186: {  	v2 =	vld [tilespmem:s8+$0x20]  }
0x187: {  	v3 =	vld [tilespmem:s8+$0x5420];
	_ =	sdelay $0x4  }
0x188: {  	v3 =	vadd.f32 v3, v2;
	_ =	sdelay $0x1  }
0x189: {  	[tilespmem:s10+$0xFFFFFFC0] =	vst v3  }
0x18a: {  	v3 =	vld [tilespmem:s8+$0x3840];
	_ =	sdelay $0x4  }
0x18b: {  	v2 =	vadd.f32 v3, v2;
	_ =	sdelay $0x1  }
0x18c: {  	[tilespmem:s10+$0xFFFFFFE0] =	vst v2  }
0x18d: {  	v2 =	vld [tilespmem:s8+$0x30]  }
0x18e: {  	v3 =	vld [tilespmem:s8+$0x5430];
	_ =	sdelay $0x4  }
0x18f: {  	v3 =	vadd.f32 v3, v2;
	_ =	sdelay $0x1  }
0x190: {  	[tilespmem:s10+$0xFFFFFFD0] =	vst v3  }
0x191: {  	v3 =	vld [tilespmem:s8+$0x3850];
	_ =	sdelay $0x4  }
0x192: {  	v2 =	vadd.f32 v3, v2;
	_ =	sdelay $0x1  }
0x193: {  	[tilespmem:s10+$0xFFFFFFF0] =	vst v2  }
0x194: {  	v2 =	vld [tilespmem:s8+$0x40]  }
0x195: {  	v3 =	vld [tilespmem:s8+$0x5440];
	_ =	sdelay $0x4  }
0x196: {  	v3 =	vadd.f32 v3, v2;
	_ =	sdelay $0x1  }
0x197: {  	[tilespmem:s10+$0x0] =	vst v3  }
0x198: {  	v3 =	vld [tilespmem:s8+$0x3860];
	_ =	sdelay $0x4  }
0x199: {  	v2 =	vadd.f32 v3, v2;
	_ =	sdelay $0x1  }
0x19a: {  	[tilespmem:s10+$0x20] =	vst v2  }
0x19b: {  	v2 =	vld [tilespmem:s8+$0x50]  }
0x19c: {  	v3 =	vld [tilespmem:s8+$0x5450];
	_ =	sdelay $0x4  }
0x19d: {  	v3 =	vadd.f32 v3, v2;
	_ =	sdelay $0x1  }
0x19e: {  	[tilespmem:s10+$0x10] =	vst v3  }
0x19f: {  	v3 =	vld [tilespmem:s8+$0x3870];
	_ =	sdelay $0x4  }
0x1a0: {  	v2 =	vadd.f32 v3, v2;
	_ =	sdelay $0x1  }
0x1a1: {  	[tilespmem:s10+$0x30] =	vst v2  }
0x1a2: {  	v2 =	vld [tilespmem:s8+$0x60]  }
0x1a3: {  	v3 =	vld [tilespmem:s8+$0x5460];
	_ =	sdelay $0x4  }
0x1a4: {  	v3 =	vadd.f32 v3, v2;
	_ =	sdelay $0x1  }
0x1a5: {  	[tilespmem:s10+$0x40] =	vst v3  }
0x1a6: {  	v3 =	vld [tilespmem:s8+$0x3880];
	_ =	sdelay $0x4  }
0x1a7: {  	v2 =	vadd.f32 v3, v2;
	_ =	sdelay $0x1  }
0x1a8: {  	[tilespmem:s10+$0x60] =	vst v2  }
0x1a9: {  	v2 =	vld [tilespmem:s8+$0x70]  }
0x1aa: {  	v3 =	vld [tilespmem:s8+$0x5470]  }
.Ltmp4:
0x1ab: {  	(pc) =	sbr.rel @p2 .LBB2_6-.Ltmp4, $2  }
0x1ac: {  	_ =	sdelay $0x2  }
0x1ad: {  	v3 =	vadd.f32 v3, v2  }
0x1ae: {  	_ = 	snop  }
0x1af: {  	[tilespmem:s6+$0x50] =	vst v3  }
0x1b0: {  	v3 =	vld [tilespmem:s8+$0x3890];
	_ =	sdelay $0x4  }
0x1b1: {  	v2 =	vadd.f32 v3, v2;
	_ =	sdelay $0x1  }
0x1b2: {  	s11 =	simm.s32 $0x0;
	[tilespmem:s6+$0x70] =	vst v2  }
0x1b3: {  	[hbm4b:s17+s11] =	stream.linear.scatter [tilespmem:s1], [sflag:$0x5], $0x37E0, $0x38;
	[tilespmem:$0x17C00] =	vst v63  }
0x1b4: {  	_ =	swait.ge [sflag:s0], $0x37E0  }
0x1b5: {  	[sflag:s0] =	ssyncset.done $0x0  }
0x1b6: {  	[sflag:s0] =	ssyncadd.s32 $0xFFFFC820  }
0x1b7: {  	_ =	swait.ge [sflag:s22], $0x1C00  }
0x1b8: {  	[sflag:s22] =	ssyncset.done $0x0  }
0x1b9: {  	[sflag:s22] =	ssyncadd.s32 $0xFFFFE400  }
0x1ba: {  	_ =	swait.ge [sflag:s4], $0x3C00  }
0x1bb: {  	[sflag:s4] =	ssyncset.done $0x0  }
0x1bc: {  	[sflag:s4] =	ssyncadd.s32 $0xFFFFC400  }
0x1bd: {  	[tilespmem:s11], [sflag:$0x1] =	stream.linear.gather [hbm4b:s13+s11], $0x1C00, $0x38;
	[tilespmem:$0x17C00] =	vst v63  }
0x1be: {  	s8 =	simm.s32 $0x0  }
0x1bf: {  	[tilespmem:s26], [sflag:$0x3] =	stream.linear.gather [hbm4b:s14+s11], $0x3C00, $0x38;
	[tilespmem:$0x17C00] =	vst v63  }
0x1c0: {  	v2 =	vld [tilespmem:s8+$0x1C00]  }
0x1c1: {  	v3 =	vld [tilespmem:s8+$0xB000];
	_ =	sdelay $0x4  }
0x1c2: {  	v3 =	vadd.f32 v3, v2  }
0x1c3: {  	s6 =	simm.s32 $0xF080  }
0x1c4: {  	[tilespmem:s6+$0xFFFFFF80] =	vst v3  }
0x1c5: {  	v3 =	vld [tilespmem:s8+$0x9420];
	_ =	sdelay $0x4  }
0x1c6: {  	v2 =	vadd.f32 v3, v2;
	_ =	sdelay $0x1  }
0x1c7: {  	[tilespmem:s6+$0xFFFFFFA0] =	vst v2  }
0x1c8: {  	v2 =	vld [tilespmem:s8+$0x1C10]  }
0x1c9: {  	v3 =	vld [tilespmem:s8+$0xB010];
	_ =	sdelay $0x4  }
0x1ca: {  	v3 =	vadd.f32 v3, v2;
	_ =	sdelay $0x1  }
0x1cb: {  	[tilespmem:s6+$0xFFFFFF90] =	vst v3  }
0x1cc: {  	v3 =	vld [tilespmem:s8+$0x9430];
	_ =	sdelay $0x4  }
0x1cd: {  	v2 =	vadd.f32 v3, v2;
	_ =	sdelay $0x1  }
0x1ce: {  	[tilespmem:s6+$0xFFFFFFB0] =	vst v2  }
0x1cf: {  	v2 =	vld [tilespmem:s8+$0x1C20]  }
0x1d0: {  	v3 =	vld [tilespmem:s8+$0xB020];
	_ =	sdelay $0x4  }
0x1d1: {  	v3 =	vadd.f32 v3, v2;
	_ =	sdelay $0x1  }
0x1d2: {  	[tilespmem:s6+$0xFFFFFFC0] =	vst v3  }
0x1d3: {  	v3 =	vld [tilespmem:s8+$0x9440];
	_ =	sdelay $0x4  }
0x1d4: {  	v2 =	vadd.f32 v3, v2;
	_ =	sdelay $0x1  }
0x1d5: {  	[tilespmem:s6+$0xFFFFFFE0] =	vst v2  }
0x1d6: {  	v2 =	vld [tilespmem:s8+$0x1C30]  }
0x1d7: {  	v3 =	vld [tilespmem:s8+$0xB030];
	_ =	sdelay $0x4  }
0x1d8: {  	v3 =	vadd.f32 v3, v2;
	_ =	sdelay $0x1  }
0x1d9: {  	[tilespmem:s6+$0xFFFFFFD0] =	vst v3  }
0x1da: {  	v3 =	vld [tilespmem:s8+$0x9450];
	_ =	sdelay $0x4  }
0x1db: {  	v2 =	vadd.f32 v3, v2;
	_ =	sdelay $0x1  }
0x1dc: {  	[tilespmem:s6+$0xFFFFFFF0] =	vst v2  }
0x1dd: {  	v2 =	vld [tilespmem:s8+$0x1C40]  }
0x1de: {  	v3 =	vld [tilespmem:s8+$0xB040];
	_ =	sdelay $0x4  }
0x1df: {  	v3 =	vadd.f32 v3, v2;
	_ =	sdelay $0x1  }
0x1e0: {  	[tilespmem:s6+$0x0] =	vst v3  }
0x1e1: {  	v3 =	vld [tilespmem:s8+$0x9460];
	_ =	sdelay $0x4  }
0x1e2: {  	v2 =	vadd.f32 v3, v2;
	_ =	sdelay $0x1  }
0x1e3: {  	[tilespmem:s6+$0x20] =	vst v2  }
0x1e4: {  	v2 =	vld [tilespmem:s8+$0x1C50]  }
0x1e5: {  	v3 =	vld [tilespmem:s8+$0xB050];
	_ =	sdelay $0x4  }
0x1e6: {  	v3 =	vadd.f32 v3, v2;
	_ =	sdelay $0x1  }
0x1e7: {  	[tilespmem:s6+$0x10] =	vst v3  }
0x1e8: {  	v3 =	vld [tilespmem:s8+$0x9470];
	_ =	sdelay $0x4  }
0x1e9: {  	v2 =	vadd.f32 v3, v2;
	_ =	sdelay $0x1  }
0x1ea: {  	[tilespmem:s6+$0x30] =	vst v2  }
0x1eb: {  	v2 =	vld [tilespmem:s8+$0x1C60]  }
0x1ec: {  	v3 =	vld [tilespmem:s8+$0xB060];
	_ =	sdelay $0x4  }
0x1ed: {  	v3 =	vadd.f32 v3, v2;
	_ =	sdelay $0x1  }
0x1ee: {  	[tilespmem:s6+$0x40] =	vst v3  }
0x1ef: {  	v3 =	vld [tilespmem:s8+$0x9480];
	_ =	sdelay $0x4  }
0x1f0: {  	v2 =	vadd.f32 v3, v2;
	_ =	sdelay $0x1  }
0x1f1: {  	[tilespmem:s6+$0x60] =	vst v2  }
0x1f2: {  	v2 =	vld [tilespmem:s8+$0x1C70]  }
0x1f3: {  	v3 =	vld [tilespmem:s8+$0xB070];
	_ =	sdelay $0x4  }
0x1f4: {  	s9 =	simm.s32 $0x200;
	s10 =	simm.s32 $0xF080;
	v3 =	vadd.f32 v3, v2  }
.LBB2_8:
0x1f5: {  	p2 =	sne.s32 s9, $0x6E00  }
0x1f6: {  	s10 =	sadd.s32 $0x100, s10;
	s11 =	smov.u32 s9;
	s9 =	sadd.s32 $0x200, s9;
	[tilespmem:s6+$0x50] =	vst v3  }
0x1f7: {  	v3 =	vld [tilespmem:s8+$0x9490];
	_ =	sdelay $0x4  }
0x1f8: {  	v2 =	vadd.f32 v3, v2;
	_ =	sdelay $0x1  }
0x1f9: {  	s8 =	sshra.s32 s11, $0x2;
	[tilespmem:s6+$0x70] =	vst v2;
	s6 =	smov.u32 s10  }
0x1fa: {  	v2 =	vld [tilespmem:s8+$0x1C00]  }
0x1fb: {  	v3 =	vld [tilespmem:s8+$0xB000];
	_ =	sdelay $0x4  }
0x1fc: {  	v3 =	vadd.f32 v3, v2;
	_ =	sdelay $0x1  }
0x1fd: {  	[tilespmem:s10+$0xFFFFFF80] =	vst v3  }
0x1fe: {  	v3 =	vld [tilespmem:s8+$0x9420];
	_ =	sdelay $0x4  }
0x1ff: {  	v2 =	vadd.f32 v3, v2;
	_ =	sdelay $0x1  }
0x200: {  	[tilespmem:s10+$0xFFFFFFA0] =	vst v2  }
0x201: {  	v2 =	vld [tilespmem:s8+$0x1C10]  }
0x202: {  	v3 =	vld [tilespmem:s8+$0xB010];
	_ =	sdelay $0x4  }
0x203: {  	v3 =	vadd.f32 v3, v2;
	_ =	sdelay $0x1  }
0x204: {  	[tilespmem:s10+$0xFFFFFF90] =	vst v3  }
0x205: {  	v3 =	vld [tilespmem:s8+$0x9430];
	_ =	sdelay $0x4  }
0x206: {  	v2 =	vadd.f32 v3, v2;
	_ =	sdelay $0x1  }
0x207: {  	[tilespmem:s10+$0xFFFFFFB0] =	vst v2  }
0x208: {  	v2 =	vld [tilespmem:s8+$0x1C20]  }
0x209: {  	v3 =	vld [tilespmem:s8+$0xB020];
	_ =	sdelay $0x4  }
0x20a: {  	v3 =	vadd.f32 v3, v2;
	_ =	sdelay $0x1  }
0x20b: {  	[tilespmem:s10+$0xFFFFFFC0] =	vst v3  }
0x20c: {  	v3 =	vld [tilespmem:s8+$0x9440];
	_ =	sdelay $0x4  }
0x20d: {  	v2 =	vadd.f32 v3, v2;
	_ =	sdelay $0x1  }
0x20e: {  	[tilespmem:s10+$0xFFFFFFE0] =	vst v2  }
0x20f: {  	v2 =	vld [tilespmem:s8+$0x1C30]  }
0x210: {  	v3 =	vld [tilespmem:s8+$0xB030];
	_ =	sdelay $0x4  }
0x211: {  	v3 =	vadd.f32 v3, v2;
	_ =	sdelay $0x1  }
0x212: {  	[tilespmem:s10+$0xFFFFFFD0] =	vst v3  }
0x213: {  	v3 =	vld [tilespmem:s8+$0x9450];
	_ =	sdelay $0x4  }
0x214: {  	v2 =	vadd.f32 v3, v2;
	_ =	sdelay $0x1  }
0x215: {  	[tilespmem:s10+$0xFFFFFFF0] =	vst v2  }
0x216: {  	v2 =	vld [tilespmem:s8+$0x1C40]  }
0x217: {  	v3 =	vld [tilespmem:s8+$0xB040];
	_ =	sdelay $0x4  }
0x218: {  	v3 =	vadd.f32 v3, v2;
	_ =	sdelay $0x1  }
0x219: {  	[tilespmem:s10+$0x0] =	vst v3  }
0x21a: {  	v3 =	vld [tilespmem:s8+$0x9460];
	_ =	sdelay $0x4  }
0x21b: {  	v2 =	vadd.f32 v3, v2;
	_ =	sdelay $0x1  }
0x21c: {  	[tilespmem:s10+$0x20] =	vst v2  }
0x21d: {  	v2 =	vld [tilespmem:s8+$0x1C50]  }
0x21e: {  	v3 =	vld [tilespmem:s8+$0xB050];
	_ =	sdelay $0x4  }
0x21f: {  	v3 =	vadd.f32 v3, v2;
	_ =	sdelay $0x1  }
0x220: {  	[tilespmem:s10+$0x10] =	vst v3  }
0x221: {  	v3 =	vld [tilespmem:s8+$0x9470];
	_ =	sdelay $0x4  }
0x222: {  	v2 =	vadd.f32 v3, v2;
	_ =	sdelay $0x1  }
0x223: {  	[tilespmem:s10+$0x30] =	vst v2  }
0x224: {  	v2 =	vld [tilespmem:s8+$0x1C60]  }
0x225: {  	v3 =	vld [tilespmem:s8+$0xB060];
	_ =	sdelay $0x4  }
0x226: {  	v3 =	vadd.f32 v3, v2;
	_ =	sdelay $0x1  }
0x227: {  	[tilespmem:s10+$0x40] =	vst v3  }
0x228: {  	v3 =	vld [tilespmem:s8+$0x9480];
	_ =	sdelay $0x4  }
0x229: {  	v2 =	vadd.f32 v3, v2;
	_ =	sdelay $0x1  }
0x22a: {  	[tilespmem:s10+$0x60] =	vst v2  }
0x22b: {  	v2 =	vld [tilespmem:s8+$0x1C70]  }
0x22c: {  	v3 =	vld [tilespmem:s8+$0xB070]  }
.Ltmp5:
0x22d: {  	(pc) =	sbr.rel @p2 .LBB2_8-.Ltmp5, $2  }
0x22e: {  	_ =	sdelay $0x2  }
0x22f: {  	v3 =	vadd.f32 v3, v2  }
0x230: {  	_ = 	snop  }
0x231: {  	[tilespmem:s6+$0x50] =	vst v3  }
0x232: {  	v3 =	vld [tilespmem:s8+$0x9490];
	_ =	sdelay $0x4  }
0x233: {  	v2 =	vadd.f32 v3, v2;
	_ =	sdelay $0x1  }
0x234: {  	s11 =	simm.s32 $0x0;
	[tilespmem:s6+$0x70] =	vst v2  }
0x235: {  	[hbm4b:s18+s11] =	stream.linear.scatter [tilespmem:s1], [sflag:$0x5], $0x37E0, $0x38;
	[tilespmem:$0x17C00] =	vst v63  }
0x236: {  	_ =	swait.ge [sflag:s0], $0x37E0  }
0x237: {  	[sflag:s0] =	ssyncset.done $0x0  }
0x238: {  	[sflag:s0] =	ssyncadd.s32 $0xFFFFC820  }
0x239: {  	_ =	swait.ge [sflag:s28], $0x1C00  }
0x23a: {  	[sflag:s28] =	ssyncset.done $0x0  }
0x23b: {  	[sflag:s28] =	ssyncadd.s32 $0xFFFFE400  }
0x23c: {  	_ =	swait.ge [sflag:s29], $0x3C00  }
0x23d: {  	[sflag:s29] =	ssyncset.done $0x0  }
0x23e: {  	[sflag:s29] =	ssyncadd.s32 $0xFFFFC400  }
0x23f: {  	[tilespmem:s30], [sflag:$0x2] =	stream.linear.gather [hbm4b:s19+s11], $0x1C00, $0x38;
	[tilespmem:$0x17C00] =	vst v63  }
0x240: {  	s8 =	simm.s32 $0x0  }
0x241: {  	[tilespmem:s31], [sflag:$0x4] =	stream.linear.gather [hbm4b:s15+s11], $0x3C00, $0x38;
	[tilespmem:$0x17C00] =	vst v63  }
0x242: {  	v2 =	vld [tilespmem:s8+$0x0]  }
0x243: {  	v3 =	vld [tilespmem:s8+$0x5400];
	_ =	sdelay $0x4  }
0x244: {  	v3 =	vadd.f32 v3, v2  }
0x245: {  	s6 =	simm.s32 $0xF080  }
0x246: {  	[tilespmem:s6+$0xFFFFFF80] =	vst v3  }
0x247: {  	v3 =	vld [tilespmem:s8+$0x3820];
	_ =	sdelay $0x4  }
0x248: {  	v2 =	vadd.f32 v3, v2;
	_ =	sdelay $0x1  }
0x249: {  	[tilespmem:s6+$0xFFFFFFA0] =	vst v2  }
0x24a: {  	v2 =	vld [tilespmem:s8+$0x10]  }
0x24b: {  	v3 =	vld [tilespmem:s8+$0x5410];
	_ =	sdelay $0x4  }
0x24c: {  	v3 =	vadd.f32 v3, v2;
	_ =	sdelay $0x1  }
0x24d: {  	[tilespmem:s6+$0xFFFFFF90] =	vst v3  }
0x24e: {  	v3 =	vld [tilespmem:s8+$0x3830];
	_ =	sdelay $0x4  }
0x24f: {  	v2 =	vadd.f32 v3, v2;
	_ =	sdelay $0x1  }
0x250: {  	[tilespmem:s6+$0xFFFFFFB0] =	vst v2  }
0x251: {  	v2 =	vld [tilespmem:s8+$0x20]  }
0x252: {  	v3 =	vld [tilespmem:s8+$0x5420];
	_ =	sdelay $0x4  }
0x253: {  	v3 =	vadd.f32 v3, v2;
	_ =	sdelay $0x1  }
0x254: {  	[tilespmem:s6+$0xFFFFFFC0] =	vst v3  }
0x255: {  	v3 =	vld [tilespmem:s8+$0x3840];
	_ =	sdelay $0x4  }
0x256: {  	v2 =	vadd.f32 v3, v2;
	_ =	sdelay $0x1  }
0x257: {  	[tilespmem:s6+$0xFFFFFFE0] =	vst v2  }
0x258: {  	v2 =	vld [tilespmem:s8+$0x30]  }
0x259: {  	v3 =	vld [tilespmem:s8+$0x5430];
	_ =	sdelay $0x4  }
0x25a: {  	v3 =	vadd.f32 v3, v2;
	_ =	sdelay $0x1  }
0x25b: {  	[tilespmem:s6+$0xFFFFFFD0] =	vst v3  }
0x25c: {  	v3 =	vld [tilespmem:s8+$0x3850];
	_ =	sdelay $0x4  }
0x25d: {  	v2 =	vadd.f32 v3, v2;
	_ =	sdelay $0x1  }
0x25e: {  	[tilespmem:s6+$0xFFFFFFF0] =	vst v2  }
0x25f: {  	v2 =	vld [tilespmem:s8+$0x40]  }
0x260: {  	v3 =	vld [tilespmem:s8+$0x5440];
	_ =	sdelay $0x4  }
0x261: {  	v3 =	vadd.f32 v3, v2;
	_ =	sdelay $0x1  }
0x262: {  	[tilespmem:s6+$0x0] =	vst v3  }
0x263: {  	v3 =	vld [tilespmem:s8+$0x3860];
	_ =	sdelay $0x4  }
0x264: {  	v2 =	vadd.f32 v3, v2;
	_ =	sdelay $0x1  }
0x265: {  	[tilespmem:s6+$0x20] =	vst v2  }
0x266: {  	v2 =	vld [tilespmem:s8+$0x50]  }
0x267: {  	v3 =	vld [tilespmem:s8+$0x5450];
	_ =	sdelay $0x4  }
0x268: {  	v3 =	vadd.f32 v3, v2;
	_ =	sdelay $0x1  }
0x269: {  	[tilespmem:s6+$0x10] =	vst v3  }
0x26a: {  	v3 =	vld [tilespmem:s8+$0x3870];
	_ =	sdelay $0x4  }
0x26b: {  	v2 =	vadd.f32 v3, v2;
	_ =	sdelay $0x1  }
0x26c: {  	[tilespmem:s6+$0x30] =	vst v2  }
0x26d: {  	v2 =	vld [tilespmem:s8+$0x60]  }
0x26e: {  	v3 =	vld [tilespmem:s8+$0x5460];
	_ =	sdelay $0x4  }
0x26f: {  	v3 =	vadd.f32 v3, v2;
	_ =	sdelay $0x1  }
0x270: {  	[tilespmem:s6+$0x40] =	vst v3  }
0x271: {  	v3 =	vld [tilespmem:s8+$0x3880];
	_ =	sdelay $0x4  }
0x272: {  	v2 =	vadd.f32 v3, v2;
	_ =	sdelay $0x1  }
0x273: {  	[tilespmem:s6+$0x60] =	vst v2  }
0x274: {  	v2 =	vld [tilespmem:s8+$0x70]  }
0x275: {  	v3 =	vld [tilespmem:s8+$0x5470];
	_ =	sdelay $0x4  }
0x276: {  	s9 =	simm.s32 $0x200;
	s10 =	simm.s32 $0xF080;
	v3 =	vadd.f32 v3, v2  }
.LBB2_10:
0x277: {  	p2 =	sne.s32 s9, $0x6E00  }
0x278: {  	s10 =	sadd.s32 $0x100, s10;
	s11 =	smov.u32 s9;
	s9 =	sadd.s32 $0x200, s9;
	[tilespmem:s6+$0x50] =	vst v3  }
0x279: {  	v3 =	vld [tilespmem:s8+$0x3890];
	_ =	sdelay $0x4  }
0x27a: {  	v2 =	vadd.f32 v3, v2;
	_ =	sdelay $0x1  }
0x27b: {  	s8 =	sshra.s32 s11, $0x2;
	[tilespmem:s6+$0x70] =	vst v2;
	s6 =	smov.u32 s10  }
0x27c: {  	v2 =	vld [tilespmem:s8+$0x0]  }
0x27d: {  	v3 =	vld [tilespmem:s8+$0x5400];
	_ =	sdelay $0x4  }
0x27e: {  	v3 =	vadd.f32 v3, v2;
	_ =	sdelay $0x1  }
0x27f: {  	[tilespmem:s10+$0xFFFFFF80] =	vst v3  }
0x280: {  	v3 =	vld [tilespmem:s8+$0x3820];
	_ =	sdelay $0x4  }
0x281: {  	v2 =	vadd.f32 v3, v2;
	_ =	sdelay $0x1  }
0x282: {  	[tilespmem:s10+$0xFFFFFFA0] =	vst v2  }
0x283: {  	v2 =	vld [tilespmem:s8+$0x10]  }
0x284: {  	v3 =	vld [tilespmem:s8+$0x5410];
	_ =	sdelay $0x4  }
0x285: {  	v3 =	vadd.f32 v3, v2;
	_ =	sdelay $0x1  }
0x286: {  	[tilespmem:s10+$0xFFFFFF90] =	vst v3  }
0x287: {  	v3 =	vld [tilespmem:s8+$0x3830];
	_ =	sdelay $0x4  }
0x288: {  	v2 =	vadd.f32 v3, v2;
	_ =	sdelay $0x1  }
0x289: {  	[tilespmem:s10+$0xFFFFFFB0] =	vst v2  }
0x28a: {  	v2 =	vld [tilespmem:s8+$0x20]  }
0x28b: {  	v3 =	vld [tilespmem:s8+$0x5420];
	_ =	sdelay $0x4  }
0x28c: {  	v3 =	vadd.f32 v3, v2;
	_ =	sdelay $0x1  }
0x28d: {  	[tilespmem:s10+$0xFFFFFFC0] =	vst v3  }
0x28e: {  	v3 =	vld [tilespmem:s8+$0x3840];
	_ =	sdelay $0x4  }
0x28f: {  	v2 =	vadd.f32 v3, v2;
	_ =	sdelay $0x1  }
0x290: {  	[tilespmem:s10+$0xFFFFFFE0] =	vst v2  }
0x291: {  	v2 =	vld [tilespmem:s8+$0x30]  }
0x292: {  	v3 =	vld [tilespmem:s8+$0x5430];
	_ =	sdelay $0x4  }
0x293: {  	v3 =	vadd.f32 v3, v2;
	_ =	sdelay $0x1  }
0x294: {  	[tilespmem:s10+$0xFFFFFFD0] =	vst v3  }
0x295: {  	v3 =	vld [tilespmem:s8+$0x3850];
	_ =	sdelay $0x4  }
0x296: {  	v2 =	vadd.f32 v3, v2;
	_ =	sdelay $0x1  }
0x297: {  	[tilespmem:s10+$0xFFFFFFF0] =	vst v2  }
0x298: {  	v2 =	vld [tilespmem:s8+$0x40]  }
0x299: {  	v3 =	vld [tilespmem:s8+$0x5440];
	_ =	sdelay $0x4  }
0x29a: {  	v3 =	vadd.f32 v3, v2;
	_ =	sdelay $0x1  }
0x29b: {  	[tilespmem:s10+$0x0] =	vst v3  }
0x29c: {  	v3 =	vld [tilespmem:s8+$0x3860];
	_ =	sdelay $0x4  }
0x29d: {  	v2 =	vadd.f32 v3, v2;
	_ =	sdelay $0x1  }
0x29e: {  	[tilespmem:s10+$0x20] =	vst v2  }
0x29f: {  	v2 =	vld [tilespmem:s8+$0x50]  }
0x2a0: {  	v3 =	vld [tilespmem:s8+$0x5450];
	_ =	sdelay $0x4  }
0x2a1: {  	v3 =	vadd.f32 v3, v2;
	_ =	sdelay $0x1  }
0x2a2: {  	[tilespmem:s10+$0x10] =	vst v3  }
0x2a3: {  	v3 =	vld [tilespmem:s8+$0x3870];
	_ =	sdelay $0x4  }
0x2a4: {  	v2 =	vadd.f32 v3, v2;
	_ =	sdelay $0x1  }
0x2a5: {  	[tilespmem:s10+$0x30] =	vst v2  }
0x2a6: {  	v2 =	vld [tilespmem:s8+$0x60]  }
0x2a7: {  	v3 =	vld [tilespmem:s8+$0x5460];
	_ =	sdelay $0x4  }
0x2a8: {  	v3 =	vadd.f32 v3, v2;
	_ =	sdelay $0x1  }
0x2a9: {  	[tilespmem:s10+$0x40] =	vst v3  }
0x2aa: {  	v3 =	vld [tilespmem:s8+$0x3880];
	_ =	sdelay $0x4  }
0x2ab: {  	v2 =	vadd.f32 v3, v2;
	_ =	sdelay $0x1  }
0x2ac: {  	[tilespmem:s10+$0x60] =	vst v2  }
0x2ad: {  	v2 =	vld [tilespmem:s8+$0x70]  }
0x2ae: {  	v3 =	vld [tilespmem:s8+$0x5470]  }
.Ltmp6:
0x2af: {  	(pc) =	sbr.rel @p2 .LBB2_10-.Ltmp6, $2  }
0x2b0: {  	_ =	sdelay $0x2  }
0x2b1: {  	v3 =	vadd.f32 v3, v2  }
0x2b2: {  	_ = 	snop  }
0x2b3: {  	[tilespmem:s6+$0x50] =	vst v3  }
0x2b4: {  	v3 =	vld [tilespmem:s8+$0x3890];
	_ =	sdelay $0x4  }
0x2b5: {  	v2 =	vadd.f32 v3, v2;
	_ =	sdelay $0x1  }
0x2b6: {  	s10 =	simm.s32 $0x0;
	[tilespmem:s6+$0x70] =	vst v2  }
0x2b7: {  	[hbm4b:s20+s10] =	stream.linear.scatter [tilespmem:s1], [sflag:$0x5], $0x37E0, $0x38;
	[tilespmem:$0x17C00] =	vst v63  }
0x2b8: {  	_ =	swait.ge [sflag:s0], $0x37E0  }
0x2b9: {  	[sflag:s0] =	ssyncset.done $0x0  }
0x2ba: {  	[sflag:s0] =	ssyncadd.s32 $0xFFFFC820  }
0x2bb: {  	_ =	swait.ge [sflag:s22], $0x1C00  }
0x2bc: {  	[sflag:s22] =	ssyncset.done $0x0  }
0x2bd: {  	[sflag:s22] =	ssyncadd.s32 $0xFFFFE400  }
0x2be: {  	_ =	swait.ge [sflag:s4], $0x3C00  }
0x2bf: {  	[sflag:s4] =	ssyncset.done $0x0  }
0x2c0: {  	[sflag:s4] =	ssyncadd.s32 $0xFFFFC400  }
0x2c1: {  	[tilespmem:s10], [sflag:$0x1] =	stream.linear.gather [hbm4b:s21+s10], $0x1C00, $0x38;
	[tilespmem:$0x17C00] =	vst v63  }
0x2c2: {  	s11 =	simm.s32 $0x0  }
0x2c3: {  	[tilespmem:s26], [sflag:$0x3] =	stream.linear.gather [hbm4b:s16+s10], $0x3C00, $0x38;
	[tilespmem:$0x17C00] =	vst v63  }
0x2c4: {  	v2 =	vld.idx.msk [tilespmem:v0+s11+$0x0 ss:$0x1], $0xffff  }
0x2c5: {  	v3 =	vld [tilespmem:s11+$0x1C00];
	_ =	sdelay $0x4  }
0x2c6: {  	v2 =	vadd.f32 v2, v3  }
0x2c7: {  	s6 =	simm.s32 $0xF080  }
0x2c8: {  	[tilespmem:s6+$0xFFFFFF80] =	vst v2  }
0x2c9: {  	v2 =	vld.idx.msk [tilespmem:v0+s11+$0xFFFFE420 ss:$0x1], $0xffff;
	_ =	sdelay $0x4  }
0x2ca: {  	v2 =	vadd.f32 v2, v3;
	_ =	sdelay $0x1  }
0x2cb: {  	[tilespmem:s6+$0xFFFFFFA0] =	vst v2  }
0x2cc: {  	v2 =	vld.idx.msk [tilespmem:v0+s11+$0x10 ss:$0x1], $0xffff  }
0x2cd: {  	v3 =	vld [tilespmem:s11+$0x1C10];
	_ =	sdelay $0x4  }
0x2ce: {  	v2 =	vadd.f32 v2, v3;
	_ =	sdelay $0x1  }
0x2cf: {  	[tilespmem:s6+$0xFFFFFF90] =	vst v2  }
0x2d0: {  	v2 =	vld.idx.msk [tilespmem:v0+s11+$0xFFFFE430 ss:$0x1], $0xffff;
	_ =	sdelay $0x4  }
0x2d1: {  	v2 =	vadd.f32 v2, v3;
	_ =	sdelay $0x1  }
0x2d2: {  	[tilespmem:s6+$0xFFFFFFB0] =	vst v2  }
0x2d3: {  	v2 =	vld.idx.msk [tilespmem:v0+s11+$0x20 ss:$0x1], $0xffff  }
0x2d4: {  	v3 =	vld [tilespmem:s11+$0x1C20];
	_ =	sdelay $0x4  }
0x2d5: {  	v2 =	vadd.f32 v2, v3;
	_ =	sdelay $0x1  }
0x2d6: {  	[tilespmem:s6+$0xFFFFFFC0] =	vst v2  }
0x2d7: {  	v2 =	vld.idx.msk [tilespmem:v0+s11+$0xFFFFE440 ss:$0x1], $0xffff;
	_ =	sdelay $0x4  }
0x2d8: {  	v2 =	vadd.f32 v2, v3;
	_ =	sdelay $0x1  }
0x2d9: {  	[tilespmem:s6+$0xFFFFFFE0] =	vst v2  }
0x2da: {  	v2 =	vld.idx.msk [tilespmem:v0+s11+$0x30 ss:$0x1], $0xffff  }
0x2db: {  	v3 =	vld [tilespmem:s11+$0x1C30];
	_ =	sdelay $0x4  }
0x2dc: {  	v2 =	vadd.f32 v2, v3;
	_ =	sdelay $0x1  }
0x2dd: {  	[tilespmem:s6+$0xFFFFFFD0] =	vst v2  }
0x2de: {  	v2 =	vld.idx.msk [tilespmem:v0+s11+$0xFFFFE450 ss:$0x1], $0xffff;
	_ =	sdelay $0x4  }
0x2df: {  	v2 =	vadd.f32 v2, v3;
	_ =	sdelay $0x1  }
0x2e0: {  	[tilespmem:s6+$0xFFFFFFF0] =	vst v2  }
0x2e1: {  	v2 =	vld.idx.msk [tilespmem:v0+s11+$0x40 ss:$0x1], $0xffff  }
0x2e2: {  	v3 =	vld [tilespmem:s11+$0x1C40];
	_ =	sdelay $0x4  }
0x2e3: {  	v2 =	vadd.f32 v2, v3;
	_ =	sdelay $0x1  }
0x2e4: {  	[tilespmem:s6+$0x0] =	vst v2  }
0x2e5: {  	v2 =	vld.idx.msk [tilespmem:v0+s11+$0xFFFFE460 ss:$0x1], $0xffff;
	_ =	sdelay $0x4  }
0x2e6: {  	v2 =	vadd.f32 v2, v3;
	_ =	sdelay $0x1  }
0x2e7: {  	[tilespmem:s6+$0x20] =	vst v2  }
0x2e8: {  	v2 =	vld.idx.msk [tilespmem:v0+s11+$0x50 ss:$0x1], $0xffff  }
0x2e9: {  	v3 =	vld [tilespmem:s11+$0x1C50];
	_ =	sdelay $0x4  }
0x2ea: {  	v2 =	vadd.f32 v2, v3;
	_ =	sdelay $0x1  }
0x2eb: {  	[tilespmem:s6+$0x10] =	vst v2  }
0x2ec: {  	v2 =	vld.idx.msk [tilespmem:v0+s11+$0xFFFFE470 ss:$0x1], $0xffff;
	_ =	sdelay $0x4  }
0x2ed: {  	v2 =	vadd.f32 v2, v3;
	_ =	sdelay $0x1  }
0x2ee: {  	[tilespmem:s6+$0x30] =	vst v2  }
0x2ef: {  	v2 =	vld.idx.msk [tilespmem:v0+s11+$0x60 ss:$0x1], $0xffff  }
0x2f0: {  	v3 =	vld [tilespmem:s11+$0x1C60];
	_ =	sdelay $0x4  }
0x2f1: {  	v2 =	vadd.f32 v2, v3;
	_ =	sdelay $0x1  }
0x2f2: {  	[tilespmem:s6+$0x40] =	vst v2  }
0x2f3: {  	v2 =	vld.idx.msk [tilespmem:v0+s11+$0xFFFFE480 ss:$0x1], $0xffff;
	_ =	sdelay $0x4  }
0x2f4: {  	v2 =	vadd.f32 v2, v3;
	_ =	sdelay $0x1  }
0x2f5: {  	[tilespmem:s6+$0x60] =	vst v2  }
0x2f6: {  	v2 =	vld.idx.msk [tilespmem:v0+s11+$0x70 ss:$0x1], $0xffff  }
0x2f7: {  	v3 =	vld [tilespmem:s11+$0x1C70];
	_ =	sdelay $0x4  }
0x2f8: {  	v2 =	vadd.f32 v2, v3;
	_ =	sdelay $0x1  }
0x2f9: {  	[tilespmem:s6+$0x50] =	vst v2  }
0x2fa: {  	v2 =	vld.idx.msk [tilespmem:v0+s11+$0xFFFFE490 ss:$0x1], $0xffff;
	_ =	sdelay $0x4  }
0x2fb: {  	s9 =	simm.s32 $0x400;
	s8 =	simm.s32 $0x200;
	v2 =	vadd.f32 v2, v3  }
.LBB2_12:
0x2fc: {  	s10 =	sshra.s32 s8, $0x2  }
0x2fd: {  	s8 =	smov.u32 s9;
	s11 =	sadd.s32 $0x200, s9;
	[tilespmem:s6+$0x70] =	vst v2;
	s6 =	sadd.s32 $0x100, s6  }
0x2fe: {  	p2 =	sne.s32 s9, $0x6E00;
	v2 =	vld.idx.msk [tilespmem:v0+s10+$0x0 ss:$0x1], $0xffff  }
0x2ff: {  	v3 =	vld [tilespmem:s10+$0x1C00];
	_ =	sdelay $0x4  }
0x300: {  	v2 =	vadd.f32 v2, v3;
	_ =	sdelay $0x1  }
0x301: {  	[tilespmem:s6+$0xFFFFFF80] =	vst v2  }
0x302: {  	v2 =	vld.idx.msk [tilespmem:v0+s10+$0xFFFFE420 ss:$0x1], $0xffff;
	_ =	sdelay $0x5  }
0x303: {  	v2 =	vadd.f32 v2, v3;
	_ =	sdelay $0x1  }
0x304: {  	[tilespmem:s6+$0xFFFFFFA0] =	vst v2  }
0x305: {  	v2 =	vld.idx.msk [tilespmem:v0+s10+$0x10 ss:$0x1], $0xffff  }
0x306: {  	v3 =	vld [tilespmem:s10+$0x1C10];
	_ =	sdelay $0x4  }
0x307: {  	v2 =	vadd.f32 v2, v3;
	_ =	sdelay $0x1  }
0x308: {  	[tilespmem:s6+$0xFFFFFF90] =	vst v2  }
0x309: {  	v2 =	vld.idx.msk [tilespmem:v0+s10+$0xFFFFE430 ss:$0x1], $0xffff;
	_ =	sdelay $0x5  }
0x30a: {  	v2 =	vadd.f32 v2, v3;
	_ =	sdelay $0x1  }
0x30b: {  	[tilespmem:s6+$0xFFFFFFB0] =	vst v2  }
0x30c: {  	v2 =	vld.idx.msk [tilespmem:v0+s10+$0x20 ss:$0x1], $0xffff  }
0x30d: {  	v3 =	vld [tilespmem:s10+$0x1C20];
	_ =	sdelay $0x4  }
0x30e: {  	v2 =	vadd.f32 v2, v3;
	_ =	sdelay $0x1  }
0x30f: {  	[tilespmem:s6+$0xFFFFFFC0] =	vst v2  }
0x310: {  	v2 =	vld.idx.msk [tilespmem:v0+s10+$0xFFFFE440 ss:$0x1], $0xffff;
	_ =	sdelay $0x5  }
0x311: {  	v2 =	vadd.f32 v2, v3;
	_ =	sdelay $0x1  }
0x312: {  	[tilespmem:s6+$0xFFFFFFE0] =	vst v2  }
0x313: {  	v2 =	vld.idx.msk [tilespmem:v0+s10+$0x30 ss:$0x1], $0xffff  }
0x314: {  	v3 =	vld [tilespmem:s10+$0x1C30];
	_ =	sdelay $0x4  }
0x315: {  	v2 =	vadd.f32 v2, v3;
	_ =	sdelay $0x1  }
0x316: {  	[tilespmem:s6+$0xFFFFFFD0] =	vst v2  }
0x317: {  	v2 =	vld.idx.msk [tilespmem:v0+s10+$0xFFFFE450 ss:$0x1], $0xffff;
	_ =	sdelay $0x5  }
0x318: {  	v2 =	vadd.f32 v2, v3;
	_ =	sdelay $0x1  }
0x319: {  	[tilespmem:s6+$0xFFFFFFF0] =	vst v2  }
0x31a: {  	v2 =	vld.idx.msk [tilespmem:v0+s10+$0x40 ss:$0x1], $0xffff  }
0x31b: {  	v3 =	vld [tilespmem:s10+$0x1C40];
	_ =	sdelay $0x4  }
0x31c: {  	v2 =	vadd.f32 v2, v3;
	_ =	sdelay $0x1  }
0x31d: {  	[tilespmem:s6+$0x0] =	vst v2  }
0x31e: {  	v2 =	vld.idx.msk [tilespmem:v0+s10+$0xFFFFE460 ss:$0x1], $0xffff;
	_ =	sdelay $0x5  }
0x31f: {  	v2 =	vadd.f32 v2, v3;
	_ =	sdelay $0x1  }
0x320: {  	[tilespmem:s6+$0x20] =	vst v2  }
0x321: {  	v2 =	vld.idx.msk [tilespmem:v0+s10+$0x50 ss:$0x1], $0xffff  }
0x322: {  	v3 =	vld [tilespmem:s10+$0x1C50];
	_ =	sdelay $0x4  }
0x323: {  	v2 =	vadd.f32 v2, v3;
	_ =	sdelay $0x1  }
0x324: {  	[tilespmem:s6+$0x10] =	vst v2  }
0x325: {  	v2 =	vld.idx.msk [tilespmem:v0+s10+$0xFFFFE470 ss:$0x1], $0xffff;
	_ =	sdelay $0x5  }
0x326: {  	v2 =	vadd.f32 v2, v3;
	_ =	sdelay $0x1  }
0x327: {  	[tilespmem:s6+$0x30] =	vst v2  }
0x328: {  	v2 =	vld.idx.msk [tilespmem:v0+s10+$0x60 ss:$0x1], $0xffff  }
0x329: {  	v3 =	vld [tilespmem:s10+$0x1C60];
	_ =	sdelay $0x4  }
0x32a: {  	v2 =	vadd.f32 v2, v3;
	_ =	sdelay $0x1  }
0x32b: {  	[tilespmem:s6+$0x40] =	vst v2  }
0x32c: {  	v2 =	vld.idx.msk [tilespmem:v0+s10+$0xFFFFE480 ss:$0x1], $0xffff;
	_ =	sdelay $0x5  }
0x32d: {  	v2 =	vadd.f32 v2, v3;
	_ =	sdelay $0x1  }
0x32e: {  	[tilespmem:s6+$0x60] =	vst v2  }
0x32f: {  	v2 =	vld.idx.msk [tilespmem:v0+s10+$0x70 ss:$0x1], $0xffff  }
0x330: {  	v3 =	vld [tilespmem:s10+$0x1C70];
	_ =	sdelay $0x4  }
0x331: {  	v2 =	vadd.f32 v2, v3;
	_ =	sdelay $0x1  }
0x332: {  	[tilespmem:s6+$0x50] =	vst v2  }
0x333: {  	v2 =	vld.idx.msk [tilespmem:v0+s10+$0xFFFFE490 ss:$0x1], $0xffff;
	_ =	sdelay $0x1  }
.Ltmp7:
0x334: {  	(pc) =	sbr.rel @p2 .LBB2_12-.Ltmp7, $2  }
0x335: {  	_ =	sdelay $0x2  }
0x336: {  	s9 =	smov.u32 s11;
	v2 =	vadd.f32 v2, v3  }
0x337: {  	_ =	sdelay $0x2  }
0x338: {  	s8 =	sshra.s32 s8, $0x2;
	[tilespmem:s6+$0x70] =	vst v2  }
0x339: {  	v2 =	vld.idx.msk [tilespmem:v0+s8+$0x0 ss:$0x1], $0xffff  }
0x33a: {  	v3 =	vld [tilespmem:s8+$0x1C00];
	_ =	sdelay $0x4  }
0x33b: {  	v2 =	vadd.f32 v2, v3  }
0x33c: {  	s9 =	sadd.s32 $0x100, s6  }
0x33d: {  	[tilespmem:s9+$0xFFFFFF80] =	vst v2  }
0x33e: {  	v2 =	vld.idx.msk [tilespmem:v0+s8+$0xFFFFE420 ss:$0x1], $0xffff;
	_ =	sdelay $0x4  }
0x33f: {  	v2 =	vadd.f32 v2, v3;
	_ =	sdelay $0x1  }
0x340: {  	[tilespmem:s9+$0xFFFFFFA0] =	vst v2  }
0x341: {  	v2 =	vld.idx.msk [tilespmem:v0+s8+$0x10 ss:$0x1], $0xffff  }
0x342: {  	v3 =	vld [tilespmem:s8+$0x1C10];
	_ =	sdelay $0x4  }
0x343: {  	v2 =	vadd.f32 v2, v3;
	_ =	sdelay $0x1  }
0x344: {  	[tilespmem:s9+$0xFFFFFF90] =	vst v2  }
0x345: {  	v2 =	vld.idx.msk [tilespmem:v0+s8+$0xFFFFE430 ss:$0x1], $0xffff;
	_ =	sdelay $0x4  }
0x346: {  	v2 =	vadd.f32 v2, v3;
	_ =	sdelay $0x1  }
0x347: {  	[tilespmem:s9+$0xFFFFFFB0] =	vst v2  }
0x348: {  	v2 =	vld.idx.msk [tilespmem:v0+s8+$0x20 ss:$0x1], $0xffff  }
0x349: {  	v3 =	vld [tilespmem:s8+$0x1C20];
	_ =	sdelay $0x4  }
0x34a: {  	v2 =	vadd.f32 v2, v3;
	_ =	sdelay $0x1  }
0x34b: {  	[tilespmem:s9+$0xFFFFFFC0] =	vst v2  }
0x34c: {  	v2 =	vld.idx.msk [tilespmem:v0+s8+$0xFFFFE440 ss:$0x1], $0xffff;
	_ =	sdelay $0x4  }
0x34d: {  	v2 =	vadd.f32 v2, v3;
	_ =	sdelay $0x1  }
0x34e: {  	[tilespmem:s9+$0xFFFFFFE0] =	vst v2  }
0x34f: {  	v2 =	vld.idx.msk [tilespmem:v0+s8+$0x30 ss:$0x1], $0xffff  }
0x350: {  	v3 =	vld [tilespmem:s8+$0x1C30];
	_ =	sdelay $0x4  }
0x351: {  	v2 =	vadd.f32 v2, v3;
	_ =	sdelay $0x1  }
0x352: {  	[tilespmem:s9+$0xFFFFFFD0] =	vst v2  }
0x353: {  	v2 =	vld.idx.msk [tilespmem:v0+s8+$0xFFFFE450 ss:$0x1], $0xffff;
	_ =	sdelay $0x4  }
0x354: {  	v2 =	vadd.f32 v2, v3;
	_ =	sdelay $0x1  }
0x355: {  	[tilespmem:s9+$0xFFFFFFF0] =	vst v2  }
0x356: {  	v2 =	vld.idx.msk [tilespmem:v0+s8+$0x40 ss:$0x1], $0xffff  }
0x357: {  	v3 =	vld [tilespmem:s8+$0x1C40];
	_ =	sdelay $0x4  }
0x358: {  	v2 =	vadd.f32 v2, v3;
	_ =	sdelay $0x1  }
0x359: {  	[tilespmem:s9+$0x0] =	vst v2  }
0x35a: {  	v2 =	vld.idx.msk [tilespmem:v0+s8+$0xFFFFE460 ss:$0x1], $0xffff;
	_ =	sdelay $0x4  }
0x35b: {  	v2 =	vadd.f32 v2, v3;
	_ =	sdelay $0x1  }
0x35c: {  	[tilespmem:s9+$0x20] =	vst v2  }
0x35d: {  	v2 =	vld.idx.msk [tilespmem:v0+s8+$0x50 ss:$0x1], $0xffff  }
0x35e: {  	v3 =	vld [tilespmem:s8+$0x1C50];
	_ =	sdelay $0x4  }
0x35f: {  	v2 =	vadd.f32 v2, v3;
	_ =	sdelay $0x1  }
0x360: {  	[tilespmem:s9+$0x10] =	vst v2  }
0x361: {  	v2 =	vld.idx.msk [tilespmem:v0+s8+$0xFFFFE470 ss:$0x1], $0xffff;
	_ =	sdelay $0x4  }
0x362: {  	v2 =	vadd.f32 v2, v3;
	_ =	sdelay $0x1  }
0x363: {  	[tilespmem:s9+$0x30] =	vst v2  }
0x364: {  	v2 =	vld.idx.msk [tilespmem:v0+s8+$0x60 ss:$0x1], $0xffff  }
0x365: {  	v3 =	vld [tilespmem:s8+$0x1C60];
	_ =	sdelay $0x4  }
0x366: {  	v2 =	vadd.f32 v2, v3;
	_ =	sdelay $0x1  }
0x367: {  	[tilespmem:s9+$0x40] =	vst v2  }
0x368: {  	v2 =	vld.idx.msk [tilespmem:v0+s8+$0xFFFFE480 ss:$0x1], $0xffff;
	_ =	sdelay $0x4  }
0x369: {  	v2 =	vadd.f32 v2, v3;
	_ =	sdelay $0x1  }
0x36a: {  	[tilespmem:s9+$0x60] =	vst v2  }
0x36b: {  	v2 =	vld.idx.msk [tilespmem:v0+s8+$0x70 ss:$0x1], $0xffff  }
0x36c: {  	v3 =	vld [tilespmem:s8+$0x1C70];
	_ =	sdelay $0x4  }
0x36d: {  	v2 =	vadd.f32 v2, v3;
	_ =	sdelay $0x1  }
0x36e: {  	[tilespmem:s9+$0x50] =	vst v2  }
0x36f: {  	v2 =	vld.idx.msk [tilespmem:v0+s8+$0xFFFFE490 ss:$0x1], $0xffff;
	_ =	sdelay $0x4  }
0x370: {  	v2 =	vadd.f32 v2, v3;
	_ =	sdelay $0x1  }
0x371: {  	s10 =	simm.s32 $0x0;
	[tilespmem:s9+$0x70] =	vst v2  }
0x372: {  	[hbm4b:s24+s10] =	stream.linear.scatter [tilespmem:s1], [sflag:$0x5], $0x37E0, $0x38;
	[tilespmem:$0x17C00] =	vst v63  }
0x373: {  	_ =	swait.ge [sflag:s0], $0x37E0  }
0x374: {  	[sflag:s0] =	ssyncset.done $0x0  }
0x375: {  	[sflag:s0] =	ssyncadd.s32 $0xFFFFC820  }
0x376: {  	_ =	swait.ge [sflag:s28], $0x1C00  }
0x377: {  	[sflag:s28] =	ssyncset.done $0x0  }
0x378: {  	[sflag:s28] =	ssyncadd.s32 $0xFFFFE400  }
0x379: {  	_ =	swait.ge [sflag:s29], $0x3C00  }
0x37a: {  	[sflag:s29] =	ssyncset.done $0x0  }
0x37b: {  	s11 =	simm.s32 $0x0;
	[sflag:s29] =	ssyncadd.s32 $0xFFFFC400  }
0x37c: {  	v2 =	vld.idx.msk [tilespmem:v1+s11+$0x0 ss:$0x1], $0xffff  }
0x37d: {  	v3 =	vld [tilespmem:s11+$0x0];
	_ =	sdelay $0x4  }
0x37e: {  	v2 =	vadd.f32 v2, v3  }
0x37f: {  	s6 =	simm.s32 $0xF080  }
0x380: {  	[tilespmem:s6+$0xFFFFFF80] =	vst v2  }
0x381: {  	v2 =	vld.idx.msk [tilespmem:v1+s11+$0xFFFFE420 ss:$0x1], $0xffff;
	_ =	sdelay $0x4  }
0x382: {  	v2 =	vadd.f32 v2, v3;
	_ =	sdelay $0x1  }
0x383: {  	[tilespmem:s6+$0xFFFFFFA0] =	vst v2  }
0x384: {  	v2 =	vld.idx.msk [tilespmem:v1+s11+$0x10 ss:$0x1], $0xffff  }
0x385: {  	v3 =	vld [tilespmem:s11+$0x10];
	_ =	sdelay $0x4  }
0x386: {  	v2 =	vadd.f32 v2, v3;
	_ =	sdelay $0x1  }
0x387: {  	[tilespmem:s6+$0xFFFFFF90] =	vst v2  }
0x388: {  	v2 =	vld.idx.msk [tilespmem:v1+s11+$0xFFFFE430 ss:$0x1], $0xffff;
	_ =	sdelay $0x4  }
0x389: {  	v2 =	vadd.f32 v2, v3;
	_ =	sdelay $0x1  }
0x38a: {  	[tilespmem:s6+$0xFFFFFFB0] =	vst v2  }
0x38b: {  	v2 =	vld.idx.msk [tilespmem:v1+s11+$0x20 ss:$0x1], $0xffff  }
0x38c: {  	v3 =	vld [tilespmem:s11+$0x20];
	_ =	sdelay $0x4  }
0x38d: {  	v2 =	vadd.f32 v2, v3;
	_ =	sdelay $0x1  }
0x38e: {  	[tilespmem:s6+$0xFFFFFFC0] =	vst v2  }
0x38f: {  	v2 =	vld.idx.msk [tilespmem:v1+s11+$0xFFFFE440 ss:$0x1], $0xffff;
	_ =	sdelay $0x4  }
0x390: {  	v2 =	vadd.f32 v2, v3;
	_ =	sdelay $0x1  }
0x391: {  	[tilespmem:s6+$0xFFFFFFE0] =	vst v2  }
0x392: {  	v2 =	vld.idx.msk [tilespmem:v1+s11+$0x30 ss:$0x1], $0xffff  }
0x393: {  	v3 =	vld [tilespmem:s11+$0x30];
	_ =	sdelay $0x4  }
0x394: {  	v2 =	vadd.f32 v2, v3;
	_ =	sdelay $0x1  }
0x395: {  	[tilespmem:s6+$0xFFFFFFD0] =	vst v2  }
0x396: {  	v2 =	vld.idx.msk [tilespmem:v1+s11+$0xFFFFE450 ss:$0x1], $0xffff;
	_ =	sdelay $0x4  }
0x397: {  	v2 =	vadd.f32 v2, v3;
	_ =	sdelay $0x1  }
0x398: {  	[tilespmem:s6+$0xFFFFFFF0] =	vst v2  }
0x399: {  	v2 =	vld.idx.msk [tilespmem:v1+s11+$0x40 ss:$0x1], $0xffff  }
0x39a: {  	v3 =	vld [tilespmem:s11+$0x40];
	_ =	sdelay $0x4  }
0x39b: {  	v2 =	vadd.f32 v2, v3;
	_ =	sdelay $0x1  }
0x39c: {  	[tilespmem:s6+$0x0] =	vst v2  }
0x39d: {  	v2 =	vld.idx.msk [tilespmem:v1+s11+$0xFFFFE460 ss:$0x1], $0xffff;
	_ =	sdelay $0x4  }
0x39e: {  	v2 =	vadd.f32 v2, v3;
	_ =	sdelay $0x1  }
0x39f: {  	[tilespmem:s6+$0x20] =	vst v2  }
0x3a0: {  	v2 =	vld.idx.msk [tilespmem:v1+s11+$0x50 ss:$0x1], $0xffff  }
0x3a1: {  	v3 =	vld [tilespmem:s11+$0x50];
	_ =	sdelay $0x4  }
0x3a2: {  	v2 =	vadd.f32 v2, v3;
	_ =	sdelay $0x1  }
0x3a3: {  	[tilespmem:s6+$0x10] =	vst v2  }
0x3a4: {  	v2 =	vld.idx.msk [tilespmem:v1+s11+$0xFFFFE470 ss:$0x1], $0xffff;
	_ =	sdelay $0x4  }
0x3a5: {  	v2 =	vadd.f32 v2, v3;
	_ =	sdelay $0x1  }
0x3a6: {  	[tilespmem:s6+$0x30] =	vst v2  }
0x3a7: {  	v2 =	vld.idx.msk [tilespmem:v1+s11+$0x60 ss:$0x1], $0xffff  }
0x3a8: {  	v3 =	vld [tilespmem:s11+$0x60];
	_ =	sdelay $0x4  }
0x3a9: {  	v2 =	vadd.f32 v2, v3;
	_ =	sdelay $0x1  }
0x3aa: {  	[tilespmem:s6+$0x40] =	vst v2  }
0x3ab: {  	v2 =	vld.idx.msk [tilespmem:v1+s11+$0xFFFFE480 ss:$0x1], $0xffff;
	_ =	sdelay $0x4  }
0x3ac: {  	v2 =	vadd.f32 v2, v3;
	_ =	sdelay $0x1  }
0x3ad: {  	[tilespmem:s6+$0x60] =	vst v2  }
0x3ae: {  	v2 =	vld.idx.msk [tilespmem:v1+s11+$0x70 ss:$0x1], $0xffff  }
0x3af: {  	v3 =	vld [tilespmem:s11+$0x70];
	_ =	sdelay $0x4  }
0x3b0: {  	v2 =	vadd.f32 v2, v3;
	_ =	sdelay $0x1  }
0x3b1: {  	[tilespmem:s6+$0x50] =	vst v2  }
0x3b2: {  	v2 =	vld.idx.msk [tilespmem:v1+s11+$0xFFFFE490 ss:$0x1], $0xffff;
	_ =	sdelay $0x4  }
0x3b3: {  	s8 =	simm.s32 $0x200;
	s11 =	simm.s32 $0x400;
	v2 =	vadd.f32 v2, v3  }
.LBB2_14:
0x3b4: {  	s10 =	sshra.s32 s8, $0x2  }
0x3b5: {  	s8 =	smov.u32 s11;
	s9 =	sadd.s32 $0x200, s11;
	[tilespmem:s6+$0x70] =	vst v2;
	s6 =	sadd.s32 $0x100, s6  }
0x3b6: {  	p2 =	sne.s32 s11, $0x6E00;
	v2 =	vld.idx.msk [tilespmem:v1+s10+$0x0 ss:$0x1], $0xffff  }
0x3b7: {  	v3 =	vld [tilespmem:s10+$0x0];
	_ =	sdelay $0x4  }
0x3b8: {  	v2 =	vadd.f32 v2, v3;
	_ =	sdelay $0x1  }
0x3b9: {  	[tilespmem:s6+$0xFFFFFF80] =	vst v2  }
0x3ba: {  	v2 =	vld.idx.msk [tilespmem:v1+s10+$0xFFFFE420 ss:$0x1], $0xffff;
	_ =	sdelay $0x5  }
0x3bb: {  	v2 =	vadd.f32 v2, v3;
	_ =	sdelay $0x1  }
0x3bc: {  	[tilespmem:s6+$0xFFFFFFA0] =	vst v2  }
0x3bd: {  	v2 =	vld.idx.msk [tilespmem:v1+s10+$0x10 ss:$0x1], $0xffff  }
0x3be: {  	v3 =	vld [tilespmem:s10+$0x10];
	_ =	sdelay $0x4  }
0x3bf: {  	v2 =	vadd.f32 v2, v3;
	_ =	sdelay $0x1  }
0x3c0: {  	[tilespmem:s6+$0xFFFFFF90] =	vst v2  }
0x3c1: {  	v2 =	vld.idx.msk [tilespmem:v1+s10+$0xFFFFE430 ss:$0x1], $0xffff;
	_ =	sdelay $0x5  }
0x3c2: {  	v2 =	vadd.f32 v2, v3;
	_ =	sdelay $0x1  }
0x3c3: {  	[tilespmem:s6+$0xFFFFFFB0] =	vst v2  }
0x3c4: {  	v2 =	vld.idx.msk [tilespmem:v1+s10+$0x20 ss:$0x1], $0xffff  }
0x3c5: {  	v3 =	vld [tilespmem:s10+$0x20];
	_ =	sdelay $0x4  }
0x3c6: {  	v2 =	vadd.f32 v2, v3;
	_ =	sdelay $0x1  }
0x3c7: {  	[tilespmem:s6+$0xFFFFFFC0] =	vst v2  }
0x3c8: {  	v2 =	vld.idx.msk [tilespmem:v1+s10+$0xFFFFE440 ss:$0x1], $0xffff;
	_ =	sdelay $0x5  }
0x3c9: {  	v2 =	vadd.f32 v2, v3;
	_ =	sdelay $0x1  }
0x3ca: {  	[tilespmem:s6+$0xFFFFFFE0] =	vst v2  }
0x3cb: {  	v2 =	vld.idx.msk [tilespmem:v1+s10+$0x30 ss:$0x1], $0xffff  }
0x3cc: {  	v3 =	vld [tilespmem:s10+$0x30];
	_ =	sdelay $0x4  }
0x3cd: {  	v2 =	vadd.f32 v2, v3;
	_ =	sdelay $0x1  }
0x3ce: {  	[tilespmem:s6+$0xFFFFFFD0] =	vst v2  }
0x3cf: {  	v2 =	vld.idx.msk [tilespmem:v1+s10+$0xFFFFE450 ss:$0x1], $0xffff;
	_ =	sdelay $0x5  }
0x3d0: {  	v2 =	vadd.f32 v2, v3;
	_ =	sdelay $0x1  }
0x3d1: {  	[tilespmem:s6+$0xFFFFFFF0] =	vst v2  }
0x3d2: {  	v2 =	vld.idx.msk [tilespmem:v1+s10+$0x40 ss:$0x1], $0xffff  }
0x3d3: {  	v3 =	vld [tilespmem:s10+$0x40];
	_ =	sdelay $0x4  }
0x3d4: {  	v2 =	vadd.f32 v2, v3;
	_ =	sdelay $0x1  }
0x3d5: {  	[tilespmem:s6+$0x0] =	vst v2  }
0x3d6: {  	v2 =	vld.idx.msk [tilespmem:v1+s10+$0xFFFFE460 ss:$0x1], $0xffff;
	_ =	sdelay $0x5  }
0x3d7: {  	v2 =	vadd.f32 v2, v3;
	_ =	sdelay $0x1  }
0x3d8: {  	[tilespmem:s6+$0x20] =	vst v2  }
0x3d9: {  	v2 =	vld.idx.msk [tilespmem:v1+s10+$0x50 ss:$0x1], $0xffff  }
0x3da: {  	v3 =	vld [tilespmem:s10+$0x50];
	_ =	sdelay $0x4  }
0x3db: {  	v2 =	vadd.f32 v2, v3;
	_ =	sdelay $0x1  }
0x3dc: {  	[tilespmem:s6+$0x10] =	vst v2  }
0x3dd: {  	v2 =	vld.idx.msk [tilespmem:v1+s10+$0xFFFFE470 ss:$0x1], $0xffff;
	_ =	sdelay $0x5  }
0x3de: {  	v2 =	vadd.f32 v2, v3;
	_ =	sdelay $0x1  }
0x3df: {  	[tilespmem:s6+$0x30] =	vst v2  }
0x3e0: {  	v2 =	vld.idx.msk [tilespmem:v1+s10+$0x60 ss:$0x1], $0xffff  }
0x3e1: {  	v3 =	vld [tilespmem:s10+$0x60];
	_ =	sdelay $0x4  }
0x3e2: {  	v2 =	vadd.f32 v2, v3;
	_ =	sdelay $0x1  }
0x3e3: {  	[tilespmem:s6+$0x40] =	vst v2  }
0x3e4: {  	v2 =	vld.idx.msk [tilespmem:v1+s10+$0xFFFFE480 ss:$0x1], $0xffff;
	_ =	sdelay $0x5  }
0x3e5: {  	v2 =	vadd.f32 v2, v3;
	_ =	sdelay $0x1  }
0x3e6: {  	[tilespmem:s6+$0x60] =	vst v2  }
0x3e7: {  	v2 =	vld.idx.msk [tilespmem:v1+s10+$0x70 ss:$0x1], $0xffff  }
0x3e8: {  	v3 =	vld [tilespmem:s10+$0x70];
	_ =	sdelay $0x4  }
0x3e9: {  	v2 =	vadd.f32 v2, v3;
	_ =	sdelay $0x1  }
0x3ea: {  	[tilespmem:s6+$0x50] =	vst v2  }
0x3eb: {  	v2 =	vld.idx.msk [tilespmem:v1+s10+$0xFFFFE490 ss:$0x1], $0xffff;
	_ =	sdelay $0x1  }
.Ltmp8:
0x3ec: {  	(pc) =	sbr.rel @p2 .LBB2_14-.Ltmp8, $2  }
0x3ed: {  	_ =	sdelay $0x2  }
0x3ee: {  	s11 =	smov.u32 s9;
	v2 =	vadd.f32 v2, v3  }
0x3ef: {  	_ =	sdelay $0x2  }
0x3f0: {  	s8 =	sshra.s32 s8, $0x2;
	[tilespmem:s6+$0x70] =	vst v2  }
0x3f1: {  	v2 =	vld.idx.msk [tilespmem:v1+s8+$0x0 ss:$0x1], $0xffff  }
0x3f2: {  	v3 =	vld [tilespmem:s8+$0x0];
	_ =	sdelay $0x4  }
0x3f3: {  	v2 =	vadd.f32 v2, v3  }
0x3f4: {  	s11 =	sadd.s32 $0x100, s6  }
0x3f5: {  	[tilespmem:s11+$0xFFFFFF80] =	vst v2  }
0x3f6: {  	v2 =	vld.idx.msk [tilespmem:v1+s8+$0xFFFFE420 ss:$0x1], $0xffff;
	_ =	sdelay $0x4  }
0x3f7: {  	v2 =	vadd.f32 v2, v3;
	_ =	sdelay $0x1  }
0x3f8: {  	[tilespmem:s11+$0xFFFFFFA0] =	vst v2  }
0x3f9: {  	v2 =	vld.idx.msk [tilespmem:v1+s8+$0x10 ss:$0x1], $0xffff  }
0x3fa: {  	v3 =	vld [tilespmem:s8+$0x10];
	_ =	sdelay $0x4  }
0x3fb: {  	v2 =	vadd.f32 v2, v3;
	_ =	sdelay $0x1  }
0x3fc: {  	[tilespmem:s11+$0xFFFFFF90] =	vst v2  }
0x3fd: {  	v2 =	vld.idx.msk [tilespmem:v1+s8+$0xFFFFE430 ss:$0x1], $0xffff;
	_ =	sdelay $0x4  }
0x3fe: {  	v2 =	vadd.f32 v2, v3;
	_ =	sdelay $0x1  }
0x3ff: {  	[tilespmem:s11+$0xFFFFFFB0] =	vst v2  }
0x400: {  	v2 =	vld.idx.msk [tilespmem:v1+s8+$0x20 ss:$0x1], $0xffff  }
0x401: {  	v3 =	vld [tilespmem:s8+$0x20];
	_ =	sdelay $0x4  }
0x402: {  	v2 =	vadd.f32 v2, v3;
	_ =	sdelay $0x1  }
0x403: {  	[tilespmem:s11+$0xFFFFFFC0] =	vst v2  }
0x404: {  	v2 =	vld.idx.msk [tilespmem:v1+s8+$0xFFFFE440 ss:$0x1], $0xffff;
	_ =	sdelay $0x4  }
0x405: {  	v2 =	vadd.f32 v2, v3;
	_ =	sdelay $0x1  }
0x406: {  	[tilespmem:s11+$0xFFFFFFE0] =	vst v2  }
0x407: {  	v2 =	vld.idx.msk [tilespmem:v1+s8+$0x30 ss:$0x1], $0xffff  }
0x408: {  	v3 =	vld [tilespmem:s8+$0x30];
	_ =	sdelay $0x4  }
0x409: {  	v2 =	vadd.f32 v2, v3;
	_ =	sdelay $0x1  }
0x40a: {  	[tilespmem:s11+$0xFFFFFFD0] =	vst v2  }
0x40b: {  	v2 =	vld.idx.msk [tilespmem:v1+s8+$0xFFFFE450 ss:$0x1], $0xffff;
	_ =	sdelay $0x4  }
0x40c: {  	v2 =	vadd.f32 v2, v3;
	_ =	sdelay $0x1  }
0x40d: {  	[tilespmem:s11+$0xFFFFFFF0] =	vst v2  }
0x40e: {  	v2 =	vld.idx.msk [tilespmem:v1+s8+$0x40 ss:$0x1], $0xffff  }
0x40f: {  	v3 =	vld [tilespmem:s8+$0x40];
	_ =	sdelay $0x4  }
0x410: {  	v2 =	vadd.f32 v2, v3;
	_ =	sdelay $0x1  }
0x411: {  	[tilespmem:s11+$0x0] =	vst v2  }
0x412: {  	v2 =	vld.idx.msk [tilespmem:v1+s8+$0xFFFFE460 ss:$0x1], $0xffff;
	_ =	sdelay $0x4  }
0x413: {  	v2 =	vadd.f32 v2, v3;
	_ =	sdelay $0x1  }
0x414: {  	[tilespmem:s11+$0x20] =	vst v2  }
0x415: {  	v2 =	vld.idx.msk [tilespmem:v1+s8+$0x50 ss:$0x1], $0xffff  }
0x416: {  	v3 =	vld [tilespmem:s8+$0x50];
	_ =	sdelay $0x4  }
0x417: {  	v2 =	vadd.f32 v2, v3;
	_ =	sdelay $0x1  }
0x418: {  	[tilespmem:s11+$0x10] =	vst v2  }
0x419: {  	v2 =	vld.idx.msk [tilespmem:v1+s8+$0xFFFFE470 ss:$0x1], $0xffff;
	_ =	sdelay $0x4  }
0x41a: {  	v2 =	vadd.f32 v2, v3;
	_ =	sdelay $0x1  }
0x41b: {  	[tilespmem:s11+$0x30] =	vst v2  }
0x41c: {  	v2 =	vld.idx.msk [tilespmem:v1+s8+$0x60 ss:$0x1], $0xffff  }
0x41d: {  	v3 =	vld [tilespmem:s8+$0x60];
	_ =	sdelay $0x4  }
0x41e: {  	v2 =	vadd.f32 v2, v3;
	_ =	sdelay $0x1  }
0x41f: {  	[tilespmem:s11+$0x40] =	vst v2  }
0x420: {  	v2 =	vld.idx.msk [tilespmem:v1+s8+$0xFFFFE480 ss:$0x1], $0xffff;
	_ =	sdelay $0x4  }
0x421: {  	v2 =	vadd.f32 v2, v3;
	_ =	sdelay $0x1  }
0x422: {  	[tilespmem:s11+$0x60] =	vst v2  }
0x423: {  	v2 =	vld.idx.msk [tilespmem:v1+s8+$0x70 ss:$0x1], $0xffff  }
0x424: {  	v3 =	vld [tilespmem:s8+$0x70];
	_ =	sdelay $0x4  }
0x425: {  	v2 =	vadd.f32 v2, v3;
	_ =	sdelay $0x1  }
0x426: {  	[tilespmem:s11+$0x50] =	vst v2  }
0x427: {  	v2 =	vld.idx.msk [tilespmem:v1+s8+$0xFFFFE490 ss:$0x1], $0xffff;
	_ =	sdelay $0x4  }
0x428: {  	v2 =	vadd.f32 v2, v3;
	_ =	sdelay $0x1  }
0x429: {  	s6 =	simm.s32 @!p0 $0x0;
	s8 =	simm.s32 @!p0 $0xF000;
	[tilespmem:s11+$0x70] =	vst v2  }
0x42a: {  	[hbm4b:s25+s6] =	stream.linear.scatter @!p0 [tilespmem:s8], [sflag:$0x5], $0x37E0, $0x38;
	[tilespmem:$0x17C00] =	vst v63  }
.Ltmp9:
0x42b: {  	_ = 	snop;
	(pc) =	sbr.rel @p1 .LBB2_19-.Ltmp9, $4  }
0x42c: {  	s6 =	simm.s32 @!p0 $0x5  }
0x42d: {  	_ =	swait.ge @!p0 [sflag:s6], $0x37E0  }
0x42e: {  	[sflag:s6] =	ssyncset.done @!p0 $0x0  }
0x42f: {  	[sflag:s6] =	ssyncadd.s32 @!p0 $0xFFFFC820  }
0x430: {  	s6 =	simm.s32 $0xF030  }
0x431: {  	s8 =	simm.s32 $0x0;
	s9 =	simm.s32 $0x80;
	v2 =	vld [tilespmem:s6+$0xFFFFFFF0]  }
.LBB2_17:
0x432: {  	p2 =	sne.s32 s9, $0x6F00;
	_ =	sdelay $0x2  }
0x433: {  	s10 =	sshra.s32 s8, $0x2;
	s8 =	smov.u32 s9  }
0x434: {  	[tilespmem:s10+$0x16000] =	vst v2  }
0x435: {  	v2 =	vld [tilespmem:s6+$0x0];
	_ =	sdelay $0x1  }
.Ltmp10:
0x436: {  	(pc) =	sbr.rel @p2 .LBB2_17-.Ltmp10, $3  }
0x437: {  	_ =	sdelay $0x1  }
0x438: {  	s6 =	sadd.s32 $0x40, s6;
	[tilespmem:s10+$0x16010] =	vst v2  }
0x439: {  	s9 =	sadd.s32 $0x80, s9;
	v2 =	vld [tilespmem:s6+$0xFFFFFFF0]  }
.Ltmp11:
0x43a: {  	_ = 	snop;
	(pc) =	sbr.rel .LBB2_18-.Ltmp11, $1  }
0x43b: {  	_ =	sdelay $0x3  }
.LBB2_20:
0x43c: {  	_ =	sfence.sel $0x180000  }
0x43d: {  	[bflag:$0x0] =	sbarrier.arrive $0xFFFF  }
0x43e: {  	_ =	strace $0x90000047  }
0x43f: {  	s0 =	stileid.u32;
	[bflag:$0x2] =	sbarrier.arrive $0xFFFF  }
0x440: {  	p0 =	sne.s32 s0, $0x0;
	s0 =	rddreg [dreg:$0x2]  }
0x441: {  	s0 =	sadd.s32 @!p0 $0x100000, s0  }
0x442: {  	[sflag:s0] =	ssyncadd.tile.s32 @!p0 $0x1;
	_ =	shalt  }
.Lfunc_end2:
_tile_overlayer_lowered:
.L_overlay_start_2:
0x443: {  	(tag) =	ssettag $0x2  }
0x444: {  	s0 =	rddreg [dreg:$0x0];
	s2 =	stileid.u32  }
0x445: {  	s1 =	rddreg [dreg:$0x1];
	p0 =	sne.s32 s2, $0x0  }
0x446: {  	s3 =	rddreg [dreg:$0x2];
	[bflag:$0x3] =	sbarrier.arrive $0xFFFF;
	s2 =	simm.s32 @!p0 $0x1C05  }
0x447: {  	[timem:s3], [sflag:s2] =	dma.local @!p0 [hbm:s0], s1  }
0x448: {  	s0 =	simm.s32 @!p0 $0x5  }
0x449: {  	_ =	swait.ge @!p0 [sflag:s0], s1  }
0x44a: {  	s1 =	ssub.s32 @!p0 $0x0, s1;
	[sflag:s0] =	ssyncset.done @!p0 $0x0  }
0x44b: {  	[sflag:s0] =	ssyncadd.s32 @!p0 s1  }
0x44c: {  	[bflag:$0x3] =	sbarrier.arrive $0xFFFF  }
0x44d: {  	_ =	shalt  }

</sc_bundles>
